<compile_context>
chip_gen: v7x
topology: tpu7x:2x2x1
jax: 0.10.2.dev20260603
libtpu: 0.0.44.dev20260713+nightly
codegen_flags: <defaults>
</compile_context>

<pallas_src>
import functools

import jax
import jax.numpy as jnp
from jax import lax
from jax.experimental import pallas as pl
from jax.experimental.pallas import tpu as pltpu
from jax.experimental.pallas import tpu_sc as plsc

_B = 1024
_S = 50
_D = 1000
_DPAD = 1024
_H = 8
_W = _DPAD // _H
_NU = _S * (_DPAD // 128)


@functools.lru_cache(maxsize=None)
def _make_tgather():
    info = plsc.get_sparse_core_info()
    nw = info.num_cores * info.num_subcores
    mesh = plsc.VectorSubcoreMesh(core_axis_name="c", subcore_axis_name="s")

    @functools.partial(
        pl.kernel,
        mesh=mesh,
        out_type=jax.ShapeDtypeStruct((_S, _D, _B), jnp.float32),
        compiler_params=pltpu.CompilerParams(needs_layout_passes=False),
        scratch_types=(
            [pltpu.VMEM((_H * 128,), jnp.int32)]
            + [pltpu.VMEM((128, _W), jnp.float32)] * 2
            + [pltpu.VMEM((_W, 128), jnp.float32)] * 2
            + [pltpu.SemaphoreType.DMA] * 4
        ),
    )
    def tgather_kernel(idx_hbm, table_hbm, out_hbm,
                       idx_u, g0, g1, t0, t1, gs0, gs1, os0, os1):
        wid = lax.axis_index("s") * info.num_cores + lax.axis_index("c")
        gbufs, tbufs = (g0, g1), (t0, t1)
        gsems, osems = (gs0, gs1), (os0, os1)
        n_units = jnp.where(wid < _NU % nw, _NU // nw + 1, _NU // nw)

        lanes = lax.iota(jnp.int32, 16)

        idx_bs = [lanes + bg * 16 for bg in range(8)]

        def transpose_block(gb, tb_buf):
            @plsc.parallel_loop(0, 128, unroll=2)
            def _(i):
                k16 = lax.broadcast_in_dim(i, (16,), ())
                v0 = lax.broadcast_in_dim(jnp.bitwise_and(i, -16), (16,), ())
                idx_col = jnp.bitwise_and(lanes + k16, 15) + v0
                for bg in range(8):
                    vals = plsc.load_gather(gb, [idx_bs[bg], idx_col])
                    plsc.store_scatter(tb_buf, [idx_col, idx_bs[bg]], vals)

        def unit_body(k, _):
            u = wid + k * nw
            s = u // 8
            tb = u % 8
            pltpu.sync_copy(
                idx_hbm.at[pl.ds(pl.multiple_of(u * (_H * 128), 128),
                                 _H * 128)],
                idx_u)

            gh = [None] * _H
            oh = [None] * _H

            def start_gather(h):
                return pltpu.async_copy(
                    table_hbm.at[idx_u.at[pl.ds(h * 128, 128)]],
                    gbufs[h % 2], gsems[h % 2])

            gh[0] = start_gather(0)
            for h in range(_H):
                if h + 1 < _H:
                    gh[h + 1] = start_gather(h + 1)
                gh[h].wait()
                if h >= 2:
                    oh[h - 2].wait()
                width = min(_W, _D - h * _W)
                transpose_block(gbufs[h % 2], tbufs[h % 2])
                oh[h] = pltpu.async_copy(
                    tbufs[h % 2].at[pl.ds(0, width), :],
                    out_hbm.at[s, pl.ds(h * _W, width),
                               pl.ds(pl.multiple_of(tb * 128, 128), 128)],
                    osems[h % 2])
            oh[_H - 2].wait()
            oh[_H - 1].wait()
            return _

        lax.fori_loop(0, n_units, unit_body, 0, unroll=False)

    return tgather_kernel


def kernel(idx, table):
    b, s = idx.shape
    idx_t = idx.T.reshape(_S, _H, 128).astype(jnp.int32)
    idx4 = (idx_t[:, :, None, :]
            + (jnp.arange(_H, dtype=jnp.int32) * _D)[None, None, :, None]
            ).reshape(-1)
    table_h = (jnp.pad(table, ((0, 0), (0, _DPAD - _D)))
               .reshape(_D, _H, _W).transpose(1, 0, 2).reshape(_H * _D, _W))
    out = _make_tgather()(idx4, table_h)
    return out.transpose(2, 0, 1)

# --- scband reference (transcript-rebuilt; emitter-appended) ---
"""Pipeline reference for scband-bigram-language-model-9053791060087 (READ-ONLY COPY).

The authoritative reference and input builder live on the scoring server;
editing this copy changes nothing except your own understanding.
"""

import jax, jax.numpy as jnp
import numpy as np

VOCAB = 1000
BATCH = 1024
SEQ = 50

def setup_inputs(seed: int = 0) -> dict:
    key = jax.random.key(seed)
    k_idx, k_tab = jax.random.split(key)
    idx = jax.random.randint(k_idx, (BATCH, SEQ), 0, VOCAB, dtype=jnp.int64 if jax.config.jax_enable_x64 else jnp.int32)
    table = jax.random.normal(k_tab, (VOCAB, VOCAB), dtype=jnp.float32)
    return {"idx": idx, "table": table}

def reference(idx, table):
    # nn.Embedding lookup: logits = token_embedding_table(idx)
    logits = jnp.take(table, idx, axis=0)
    return logits

if __name__ == "__main__":
    import jax
    _d = setup_inputs()
    print(jax.jit(kernel)(*tuple(_d.values())))

</pallas_src>

<mosaic_0001>
#map = affine_map<(d0, d1) -> (0)>
#map1 = affine_map<(d0, d1) -> (0, 0)>
#map2 = affine_map<(d0, d1) -> (0, 0, 0)>
module attributes {stable_mosaic.version = 14 : i64} {
  func.func @tgather_kernel(%arg0: i32, %arg1: i32, %arg2: memref<409600xi32, #tpu.memory_space<hbm>>, %arg3: memref<8000x128xf32, #tpu.memory_space<hbm>>, %arg4: memref<50x1000x1024xf32, #tpu.memory_space<hbm>>, %arg5: memref<1024xi32, #tpu.memory_space<vmem>>, %arg6: memref<128x128xf32, #tpu.memory_space<vmem>>, %arg7: memref<128x128xf32, #tpu.memory_space<vmem>>, %arg8: memref<128x128xf32, #tpu.memory_space<vmem>>, %arg9: memref<128x128xf32, #tpu.memory_space<vmem>>, %arg10: memref<!tpu.dma_semaphore, #tpu.memory_space<semaphore_mem>>, %arg11: memref<!tpu.dma_semaphore, #tpu.memory_space<semaphore_mem>>, %arg12: memref<!tpu.dma_semaphore, #tpu.memory_space<semaphore_mem>>, %arg13: memref<!tpu.dma_semaphore, #tpu.memory_space<semaphore_mem>>) attributes {dimension_semantics = [#tpu.dimension_semantics<core_parallel>, #tpu.dimension_semantics<subcore_parallel>], iteration_bounds = array<i64: 2, 16>, scalar_prefetch = 0 : i64, scratch_operands = 9 : i64, tpu.core_type = #tpu.core_type<sc_vector_subcore>, window_params = [{transform_indices = #map}, {transform_indices = #map1}, {transform_indices = #map2}]} {
    %mul3A = arith.constant 2 : i32
    %mul3A_0 = arith.muli %arg1, %mul3A : i32
    %add3A = arith.addi %mul3A_0, %arg0 : i32
    %lt3A = arith.constant 16 : i32
    %lt3A_1 = arith.cmpi slt, %add3A, %lt3A : i32
    %jit3A = arith.constant 13 : i32
    %jit3A_2 = arith.constant 12 : i32
    %select_n3A = arith.select %lt3A_1, %jit3A, %jit3A_2 : i32
    %iota3A = tpu.iota {dimensions = array<i32: 0>} : vector<16xi32>
    %add3A_3 = arith.constant 0 : i32
    %add3A_4 = vector.broadcast %add3A_3 : i32 to vector<16xi32>
    %add3A_5 = arith.addi %iota3A, %add3A_4 : vector<16xi32>
    %add3A_6 = arith.constant 16 : i32
    %add3A_7 = vector.broadcast %add3A_6 : i32 to vector<16xi32>
    %add3A_8 = arith.addi %iota3A, %add3A_7 : vector<16xi32>
    %add3A_9 = arith.constant 32 : i32
    %add3A_10 = vector.broadcast %add3A_9 : i32 to vector<16xi32>
    %add3A_11 = arith.addi %iota3A, %add3A_10 : vector<16xi32>
    %add3A_12 = arith.constant 48 : i32
    %add3A_13 = vector.broadcast %add3A_12 : i32 to vector<16xi32>
    %add3A_14 = arith.addi %iota3A, %add3A_13 : vector<16xi32>
    %add3A_15 = arith.constant 64 : i32
    %add3A_16 = vector.broadcast %add3A_15 : i32 to vector<16xi32>
    %add3A_17 = arith.addi %iota3A, %add3A_16 : vector<16xi32>
    %add3A_18 = arith.constant 80 : i32
    %add3A_19 = vector.broadcast %add3A_18 : i32 to vector<16xi32>
    %add3A_20 = arith.addi %iota3A, %add3A_19 : vector<16xi32>
    %add3A_21 = arith.constant 96 : i32
    %add3A_22 = vector.broadcast %add3A_21 : i32 to vector<16xi32>
    %add3A_23 = arith.addi %iota3A, %add3A_22 : vector<16xi32>
    %add3A_24 = arith.constant 112 : i32
    %add3A_25 = vector.broadcast %add3A_24 : i32 to vector<16xi32>
    %add3A_26 = arith.addi %iota3A, %add3A_25 : vector<16xi32>
    %while3A = arith.constant 0 : i32
    %while3A_27 = arith.constant 0 : i32
    %while3A_28 = arith.subi %select_n3A, %while3A_27 : i32
    %while3A_29 = arith.addi %while3A_27, %while3A_28 : i32
    %while3A_30 = arith.constant 1 : i32
    %while3A_31 = arith.divsi %while3A_28, %while3A_30 : i32
    %while3A_32 = arith.muli %while3A_31, %while3A_30 : i32
    %while3A_33 = arith.addi %while3A_27, %while3A_32 : i32
    %while3A_34 = arith.constant 1 : i32
    scf.for %while3A_36 = %while3A_27 to %while3A_33 step %while3A_34  : i32 {
      %mul3A_37 = arith.constant 32 : i32
      %mul3A_38 = arith.muli %while3A_36, %mul3A_37 : i32
      %add3A_39 = arith.addi %add3A, %mul3A_38 : i32
      %jit3A_40 = arith.constant 8 : i32
      %div3A = arith.divsi %add3A_39, %jit3A_40 : i32
      %sign3A = arith.constant 0 : i32
      %sign3A_41 = arith.cmpi sgt, %add3A_39, %sign3A : i32
      %sign3A_42 = arith.extui %sign3A_41 : i1 to i32
      %sign3A_43 = arith.constant 0 : i32
      %sign3A_44 = arith.cmpi slt, %add3A_39, %sign3A_43 : i32
      %sign3A_45 = arith.extui %sign3A_44 : i1 to i32
      %sign3A_46 = arith.subi %sign3A_42, %sign3A_45 : i32
      %sign3A_47 = arith.constant 0 : i32
      %sign3A_48 = arith.cmpi sgt, %jit3A_40, %sign3A_47 : i32
      %sign3A_49 = arith.extui %sign3A_48 : i1 to i32
      %sign3A_50 = arith.constant 0 : i32
      %sign3A_51 = arith.cmpi slt, %jit3A_40, %sign3A_50 : i32
      %sign3A_52 = arith.extui %sign3A_51 : i1 to i32
      %sign3A_53 = arith.subi %sign3A_49, %sign3A_52 : i32
      %ne3A = arith.cmpi ne, %sign3A_46, %sign3A_53 : i32
      %rem3A = arith.remsi %add3A_39, %jit3A_40 : i32
      %ne3A_54 = arith.constant 0 : i32
      %ne3A_55 = arith.cmpi ne, %rem3A, %ne3A_54 : i32
      %and3A = arith.andi %ne3A, %ne3A_55 : i1
      %sub3A = arith.constant 1 : i32
      %sub3A_56 = arith.subi %div3A, %sub3A : i32
      %select_n3A_57 = arith.select %and3A, %sub3A_56, %div3A : i32
      %jit3A_58 = arith.constant 8 : i32
      %eq3A = arith.constant 0 : i32
      %eq3A_59 = arith.cmpi eq, %jit3A_58, %eq3A : i32
      %jit3A_60 = arith.constant 1 : i32
      %select_n3A_61 = arith.select %eq3A_59, %jit3A_60, %jit3A_58 : i32
      %rem3A_62 = arith.remsi %add3A_39, %select_n3A_61 : i32
      %ne3A_63 = arith.constant 0 : i32
      %ne3A_64 = arith.cmpi ne, %rem3A_62, %ne3A_63 : i32
      %lt3A_65 = arith.constant 0 : i32
      %lt3A_66 = arith.cmpi slt, %rem3A_62, %lt3A_65 : i32
      %lt3A_67 = arith.constant 0 : i32
      %lt3A_68 = arith.cmpi slt, %select_n3A_61, %lt3A_67 : i32
      %ne3A_69 = arith.xori %lt3A_66, %lt3A_68 : i1
      %and3A_70 = arith.andi %ne3A_69, %ne3A_64 : i1
      %add3A_71 = arith.addi %rem3A_62, %select_n3A_61 : i32
      %select_n3A_72 = arith.select %and3A_70, %add3A_71, %rem3A_62 : i32
      %mul3A_73 = arith.constant 1024 : i32
      %mul3A_74 = arith.muli %add3A_39, %mul3A_73 : i32
      %multiple_of3A = tpu.assume_multiple %mul3A_74, 128 : i32
      "tpu.region"() ({
        %run_scoped3A = tpu.sem_alloc : memref<!tpu.dma_semaphore, #tpu.memory_space<semaphore_mem>>
        %dma_start3A_392 = tpu.memref_slice %arg2[%multiple_of3A] : memref<409600xi32, #tpu.memory_space<hbm>> -> memref<1024xi32, #tpu.memory_space<hbm>>
        %dma_start3A_393 = tpu.memref_slice %arg2[%multiple_of3A] : memref<409600xi32, #tpu.memory_space<hbm>> -> memref<1024xi32, #tpu.memory_space<hbm>>
        tpu.enqueue_dma source(%dma_start3A_393 : memref<1024xi32, #tpu.memory_space<hbm>>) target(%arg5 : memref<1024xi32, #tpu.memory_space<vmem>>) target_semaphore(%run_scoped3A : memref<!tpu.dma_semaphore, #tpu.memory_space<semaphore_mem>>)
        %dma_wait3A_394 = tpu.memref_slice %arg2[%multiple_of3A] : memref<409600xi32, #tpu.memory_space<hbm>> -> memref<1024xi32, #tpu.memory_space<hbm>>
        %dma_wait3A_395 = tpu.memref_slice %arg2[%multiple_of3A] : memref<409600xi32, #tpu.memory_space<hbm>> -> memref<1024xi32, #tpu.memory_space<hbm>>
        tpu.wait_dma2 semaphore(%run_scoped3A : memref<!tpu.dma_semaphore, #tpu.memory_space<semaphore_mem>>) src(%dma_wait3A_395 : memref<1024xi32, #tpu.memory_space<hbm>>) dst(%arg5 : memref<1024xi32, #tpu.memory_space<vmem>>)
        tpu.yield
      }) : () -> ()
      %dma_start3A = arith.constant 0 : i32
      %dma_start3A_75 = tpu.memref_slice %arg5[%dma_start3A] : memref<1024xi32, #tpu.memory_space<vmem>> -> memref<128xi32, #tpu.memory_space<vmem>>
      %dma_start3A_76 = arith.constant 0 : i32
      %dma_start3A_77 = arith.constant 0 : i32
      %dma_start3A_78 = tpu.memref_slice %arg3[%dma_start3A_76, %dma_start3A_77] : memref<8000x128xf32, #tpu.memory_space<hbm>> -> memref<8000x128xf32, #tpu.memory_space<hbm>>
      tpu.enqueue_indirect_dma source(%dma_start3A_78 : memref<8000x128xf32, #tpu.memory_space<hbm>>) target(%arg6 : memref<128x128xf32, #tpu.memory_space<vmem>>) offsets(%dma_start3A_75 : memref<128xi32, #tpu.memory_space<vmem>>) semaphore(%arg10 : memref<!tpu.dma_semaphore, #tpu.memory_space<semaphore_mem>>)
      %dma_start3A_79 = arith.constant 128 : i32
      %dma_start3A_80 = tpu.memref_slice %arg5[%dma_start3A_79] : memref<1024xi32, #tpu.memory_space<vmem>> -> memref<128xi32, #tpu.memory_space<vmem>>
      %dma_start3A_81 = arith.constant 0 : i32
      %dma_start3A_82 = arith.constant 0 : i32
      %dma_start3A_83 = tpu.memref_slice %arg3[%dma_start3A_81, %dma_start3A_82] : memref<8000x128xf32, #tpu.memory_space<hbm>> -> memref<8000x128xf32, #tpu.memory_space<hbm>>
      tpu.enqueue_indirect_dma source(%dma_start3A_83 : memref<8000x128xf32, #tpu.memory_space<hbm>>) target(%arg7 : memref<128x128xf32, #tpu.memory_space<vmem>>) offsets(%dma_start3A_80 : memref<128xi32, #tpu.memory_space<vmem>>) semaphore(%arg11 : memref<!tpu.dma_semaphore, #tpu.memory_space<semaphore_mem>>)
      %dma_wait3A = arith.constant 0 : i32
      %dma_wait3A_84 = tpu.memref_slice %arg5[%dma_wait3A] : memref<1024xi32, #tpu.memory_space<vmem>> -> memref<128xi32, #tpu.memory_space<vmem>>
      %dma_wait3A_85 = arith.constant 0 : i32
      %dma_wait3A_86 = arith.constant 0 : i32
      %dma_wait3A_87 = tpu.memref_slice %arg3[%dma_wait3A_85, %dma_wait3A_86] : memref<8000x128xf32, #tpu.memory_space<hbm>> -> memref<8000x128xf32, #tpu.memory_space<hbm>>
      tpu.wait_indirect_dma semaphore(%arg10 : memref<!tpu.dma_semaphore, #tpu.memory_space<semaphore_mem>>) src(%dma_wait3A_87 : memref<8000x128xf32, #tpu.memory_space<hbm>>) dst(%arg6 : memref<128x128xf32, #tpu.memory_space<vmem>>)
      %parallel_loop3A = arith.constant 0 : i32
      %parallel_loop3A_88 = arith.constant 128 : i32
      %parallel_loop3A_89 = arith.constant 1 : i32
      scf.for %parallel_loop3A_392 = %parallel_loop3A to %parallel_loop3A_88 step %parallel_loop3A_89  : i32 {
        %parallel_loop3A_393 = vector.broadcast %parallel_loop3A_392 : i32 to vector<16xi32>
        %parallel_loop3A_394 = arith.constant -16 : i32
        %parallel_loop3A_395 = arith.andi %parallel_loop3A_392, %parallel_loop3A_394 : i32
        %parallel_loop3A_396 = vector.broadcast %parallel_loop3A_395 : i32 to vector<16xi32>
        %parallel_loop3A_397 = arith.addi %iota3A, %parallel_loop3A_393 : vector<16xi32>
        %parallel_loop3A_398 = arith.constant 15 : i32
        %parallel_loop3A_399 = vector.broadcast %parallel_loop3A_398 : i32 to vector<16xi32>
        %parallel_loop3A_400 = arith.andi %parallel_loop3A_397, %parallel_loop3A_399 : vector<16xi32>
        %parallel_loop3A_401 = arith.addi %parallel_loop3A_400, %parallel_loop3A_396 : vector<16xi32>
        %parallel_loop3A_402 = tpu.vector_load_idx %arg6[%add3A_5, %parallel_loop3A_401] : memref<128x128xf32, #tpu.memory_space<vmem>>[vector<16xi32>, vector<16xi32>], vector<16xf32>,
        tpu.vector_store_idx %arg8[%parallel_loop3A_401, %add3A_5], %parallel_loop3A_402 : memref<128x128xf32, #tpu.memory_space<vmem>>[vector<16xi32>, vector<16xi32>], vector<16xf32>,
        %parallel_loop3A_403 = tpu.vector_load_idx %arg6[%add3A_8, %parallel_loop3A_401] : memref<128x128xf32, #tpu.memory_space<vmem>>[vector<16xi32>, vector<16xi32>], vector<16xf32>,
        tpu.vector_store_idx %arg8[%parallel_loop3A_401, %add3A_8], %parallel_loop3A_403 : memref<128x128xf32, #tpu.memory_space<vmem>>[vector<16xi32>, vector<16xi32>], vector<16xf32>,
        %parallel_loop3A_404 = tpu.vector_load_idx %arg6[%add3A_11, %parallel_loop3A_401] : memref<128x128xf32, #tpu.memory_space<vmem>>[vector<16xi32>, vector<16xi32>], vector<16xf32>,
        tpu.vector_store_idx %arg8[%parallel_loop3A_401, %add3A_11], %parallel_loop3A_404 : memref<128x128xf32, #tpu.memory_space<vmem>>[vector<16xi32>, vector<16xi32>], vector<16xf32>,
        %parallel_loop3A_405 = tpu.vector_load_idx %arg6[%add3A_14, %parallel_loop3A_401] : memref<128x128xf32, #tpu.memory_space<vmem>>[vector<16xi32>, vector<16xi32>], vector<16xf32>,
        tpu.vector_store_idx %arg8[%parallel_loop3A_401, %add3A_14], %parallel_loop3A_405 : memref<128x128xf32, #tpu.memory_space<vmem>>[vector<16xi32>, vector<16xi32>], vector<16xf32>,
        %parallel_loop3A_406 = tpu.vector_load_idx %arg6[%add3A_17, %parallel_loop3A_401] : memref<128x128xf32, #tpu.memory_space<vmem>>[vector<16xi32>, vector<16xi32>], vector<16xf32>,
        tpu.vector_store_idx %arg8[%parallel_loop3A_401, %add3A_17], %parallel_loop3A_406 : memref<128x128xf32, #tpu.memory_space<vmem>>[vector<16xi32>, vector<16xi32>], vector<16xf32>,
        %parallel_loop3A_407 = tpu.vector_load_idx %arg6[%add3A_20, %parallel_loop3A_401] : memref<128x128xf32, #tpu.memory_space<vmem>>[vector<16xi32>, vector<16xi32>], vector<16xf32>,
        tpu.vector_store_idx %arg8[%parallel_loop3A_401, %add3A_20], %parallel_loop3A_407 : memref<128x128xf32, #tpu.memory_space<vmem>>[vector<16xi32>, vector<16xi32>], vector<16xf32>,
        %parallel_loop3A_408 = tpu.vector_load_idx %arg6[%add3A_23, %parallel_loop3A_401] : memref<128x128xf32, #tpu.memory_space<vmem>>[vector<16xi32>, vector<16xi32>], vector<16xf32>,
        tpu.vector_store_idx %arg8[%parallel_loop3A_401, %add3A_23], %parallel_loop3A_408 : memref<128x128xf32, #tpu.memory_space<vmem>>[vector<16xi32>, vector<16xi32>], vector<16xf32>,
        %parallel_loop3A_409 = tpu.vector_load_idx %arg6[%add3A_26, %parallel_loop3A_401] : memref<128x128xf32, #tpu.memory_space<vmem>>[vector<16xi32>, vector<16xi32>], vector<16xf32>,
        tpu.vector_store_idx %arg8[%parallel_loop3A_401, %add3A_26], %parallel_loop3A_409 : memref<128x128xf32, #tpu.memory_space<vmem>>[vector<16xi32>, vector<16xi32>], vector<16xf32>,
      } {sc.loop_unroll_factor = 2 : i64, sc.parallel_access}
      %mul3A_90 = arith.constant 128 : i32
      %mul3A_91 = arith.muli %select_n3A_72, %mul3A_90 : i32
      %multiple_of3A_92 = tpu.assume_multiple %mul3A_91, 128 : i32
      %dma_start3A_93 = arith.constant 0 : i32
      %dma_start3A_94 = arith.constant 0 : i32
      %dma_start3A_95 = tpu.memref_slice %arg8[%dma_start3A_93, %dma_start3A_94] : memref<128x128xf32, #tpu.memory_space<vmem>> -> memref<128x128xf32, #tpu.memory_space<vmem>>
      %dma_start3A_96 = arith.constant 0 : i32
      %dma_start3A_97 = tpu.memref_slice %arg4[%select_n3A_57, %dma_start3A_96, %multiple_of3A_92] : memref<50x1000x1024xf32, #tpu.memory_space<hbm>> -> memref<1x128x128xf32, #tpu.memory_space<hbm>>
      %dma_start3A_98 = tpu.memref_squeeze %dma_start3A_97 : memref<1x128x128xf32, #tpu.memory_space<hbm>> -> memref<128x128xf32, #tpu.memory_space<hbm>>
      %dma_start3A_99 = arith.constant 0 : i32
      %dma_start3A_100 = tpu.memref_slice %arg4[%select_n3A_57, %dma_start3A_99, %multiple_of3A_92] : memref<50x1000x1024xf32, #tpu.memory_space<hbm>> -> memref<1x128x128xf32, #tpu.memory_space<hbm>>
      %dma_start3A_101 = tpu.memref_squeeze %dma_start3A_100 : memref<1x128x128xf32, #tpu.memory_space<hbm>> -> memref<128x128xf32, #tpu.memory_space<hbm>>
      %dma_start3A_102 = arith.constant 0 : i32
      %dma_start3A_103 = arith.constant 0 : i32
      %dma_start3A_104 = tpu.memref_slice %arg8[%dma_start3A_102, %dma_start3A_103] : memref<128x128xf32, #tpu.memory_space<vmem>> -> memref<128x128xf32, #tpu.memory_space<vmem>>
      tpu.enqueue_dma source(%dma_start3A_104 : memref<128x128xf32, #tpu.memory_space<vmem>>) target(%dma_start3A_101 : memref<128x128xf32, #tpu.memory_space<hbm>>) target_semaphore(%arg12 : memref<!tpu.dma_semaphore, #tpu.memory_space<semaphore_mem>>)
      %dma_start3A_105 = arith.constant 256 : i32
      %dma_start3A_106 = tpu.memref_slice %arg5[%dma_start3A_105] : memref<1024xi32, #tpu.memory_space<vmem>> -> memref<128xi32, #tpu.memory_space<vmem>>
      %dma_start3A_107 = arith.constant 0 : i32
      %dma_start3A_108 = arith.constant 0 : i32
      %dma_start3A_109 = tpu.memref_slice %arg3[%dma_start3A_107, %dma_start3A_108] : memref<8000x128xf32, #tpu.memory_space<hbm>> -> memref<8000x128xf32, #tpu.memory_space<hbm>>
      tpu.enqueue_indirect_dma source(%dma_start3A_109 : memref<8000x128xf32, #tpu.memory_space<hbm>>) target(%arg6 : memref<128x128xf32, #tpu.memory_space<vmem>>) offsets(%dma_start3A_106 : memref<128xi32, #tpu.memory_space<vmem>>) semaphore(%arg10 : memref<!tpu.dma_semaphore, #tpu.memory_space<semaphore_mem>>)
      %dma_wait3A_110 = arith.constant 128 : i32
      %dma_wait3A_111 = tpu.memref_slice %arg5[%dma_wait3A_110] : memref<1024xi32, #tpu.memory_space<vmem>> -> memref<128xi32, #tpu.memory_space<vmem>>
      %dma_wait3A_112 = arith.constant 0 : i32
      %dma_wait3A_113 = arith.constant 0 : i32
      %dma_wait3A_114 = tpu.memref_slice %arg3[%dma_wait3A_112, %dma_wait3A_113] : memref<8000x128xf32, #tpu.memory_space<hbm>> -> memref<8000x128xf32, #tpu.memory_space<hbm>>
      tpu.wait_indirect_dma semaphore(%arg11 : memref<!tpu.dma_semaphore, #tpu.memory_space<semaphore_mem>>) src(%dma_wait3A_114 : memref<8000x128xf32, #tpu.memory_space<hbm>>) dst(%arg7 : memref<128x128xf32, #tpu.memory_space<vmem>>)
      %parallel_loop3A_115 = arith.constant 0 : i32
      %parallel_loop3A_116 = arith.constant 128 : i32
      %parallel_loop3A_117 = arith.constant 1 : i32
      scf.for %parallel_loop3A_392 = %parallel_loop3A_115 to %parallel_loop3A_116 step %parallel_loop3A_117  : i32 {
        %parallel_loop3A_393 = vector.broadcast %parallel_loop3A_392 : i32 to vector<16xi32>
        %parallel_loop3A_394 = arith.constant -16 : i32
        %parallel_loop3A_395 = arith.andi %parallel_loop3A_392, %parallel_loop3A_394 : i32
        %parallel_loop3A_396 = vector.broadcast %parallel_loop3A_395 : i32 to vector<16xi32>
        %parallel_loop3A_397 = arith.addi %iota3A, %parallel_loop3A_393 : vector<16xi32>
        %parallel_loop3A_398 = arith.constant 15 : i32
        %parallel_loop3A_399 = vector.broadcast %parallel_loop3A_398 : i32 to vector<16xi32>
        %parallel_loop3A_400 = arith.andi %parallel_loop3A_397, %parallel_loop3A_399 : vector<16xi32>
        %parallel_loop3A_401 = arith.addi %parallel_loop3A_400, %parallel_loop3A_396 : vector<16xi32>
        %parallel_loop3A_402 = tpu.vector_load_idx %arg7[%add3A_5, %parallel_loop3A_401] : memref<128x128xf32, #tpu.memory_space<vmem>>[vector<16xi32>, vector<16xi32>], vector<16xf32>,
        tpu.vector_store_idx %arg9[%parallel_loop3A_401, %add3A_5], %parallel_loop3A_402 : memref<128x128xf32, #tpu.memory_space<vmem>>[vector<16xi32>, vector<16xi32>], vector<16xf32>,
        %parallel_loop3A_403 = tpu.vector_load_idx %arg7[%add3A_8, %parallel_loop3A_401] : memref<128x128xf32, #tpu.memory_space<vmem>>[vector<16xi32>, vector<16xi32>], vector<16xf32>,
        tpu.vector_store_idx %arg9[%parallel_loop3A_401, %add3A_8], %parallel_loop3A_403 : memref<128x128xf32, #tpu.memory_space<vmem>>[vector<16xi32>, vector<16xi32>], vector<16xf32>,
        %parallel_loop3A_404 = tpu.vector_load_idx %arg7[%add3A_11, %parallel_loop3A_401] : memref<128x128xf32, #tpu.memory_space<vmem>>[vector<16xi32>, vector<16xi32>], vector<16xf32>,
        tpu.vector_store_idx %arg9[%parallel_loop3A_401, %add3A_11], %parallel_loop3A_404 : memref<128x128xf32, #tpu.memory_space<vmem>>[vector<16xi32>, vector<16xi32>], vector<16xf32>,
        %parallel_loop3A_405 = tpu.vector_load_idx %arg7[%add3A_14, %parallel_loop3A_401] : memref<128x128xf32, #tpu.memory_space<vmem>>[vector<16xi32>, vector<16xi32>], vector<16xf32>,
        tpu.vector_store_idx %arg9[%parallel_loop3A_401, %add3A_14], %parallel_loop3A_405 : memref<128x128xf32, #tpu.memory_space<vmem>>[vector<16xi32>, vector<16xi32>], vector<16xf32>,
        %parallel_loop3A_406 = tpu.vector_load_idx %arg7[%add3A_17, %parallel_loop3A_401] : memref<128x128xf32, #tpu.memory_space<vmem>>[vector<16xi32>, vector<16xi32>], vector<16xf32>,
        tpu.vector_store_idx %arg9[%parallel_loop3A_401, %add3A_17], %parallel_loop3A_406 : memref<128x128xf32, #tpu.memory_space<vmem>>[vector<16xi32>, vector<16xi32>], vector<16xf32>,
        %parallel_loop3A_407 = tpu.vector_load_idx %arg7[%add3A_20, %parallel_loop3A_401] : memref<128x128xf32, #tpu.memory_space<vmem>>[vector<16xi32>, vector<16xi32>], vector<16xf32>,
        tpu.vector_store_idx %arg9[%parallel_loop3A_401, %add3A_20], %parallel_loop3A_407 : memref<128x128xf32, #tpu.memory_space<vmem>>[vector<16xi32>, vector<16xi32>], vector<16xf32>,
        %parallel_loop3A_408 = tpu.vector_load_idx %arg7[%add3A_23, %parallel_loop3A_401] : memref<128x128xf32, #tpu.memory_space<vmem>>[vector<16xi32>, vector<16xi32>], vector<16xf32>,
        tpu.vector_store_idx %arg9[%parallel_loop3A_401, %add3A_23], %parallel_loop3A_408 : memref<128x128xf32, #tpu.memory_space<vmem>>[vector<16xi32>, vector<16xi32>], vector<16xf32>,
        %parallel_loop3A_409 = tpu.vector_load_idx %arg7[%add3A_26, %parallel_loop3A_401] : memref<128x128xf32, #tpu.memory_space<vmem>>[vector<16xi32>, vector<16xi32>], vector<16xf32>,
        tpu.vector_store_idx %arg9[%parallel_loop3A_401, %add3A_26], %parallel_loop3A_409 : memref<128x128xf32, #tpu.memory_space<vmem>>[vector<16xi32>, vector<16xi32>], vector<16xf32>,
      } {sc.loop_unroll_factor = 2 : i64, sc.parallel_access}
      %mul3A_118 = arith.constant 128 : i32
      %mul3A_119 = arith.muli %select_n3A_72, %mul3A_118 : i32
      %multiple_of3A_120 = tpu.assume_multiple %mul3A_119, 128 : i32
      %dma_start3A_121 = arith.constant 0 : i32
      %dma_start3A_122 = arith.constant 0 : i32
      %dma_start3A_123 = tpu.memref_slice %arg9[%dma_start3A_121, %dma_start3A_122] : memref<128x128xf32, #tpu.memory_space<vmem>> -> memref<128x128xf32, #tpu.memory_space<vmem>>
      %dma_start3A_124 = arith.constant 128 : i32
      %dma_start3A_125 = tpu.memref_slice %arg4[%select_n3A_57, %dma_start3A_124, %multiple_of3A_120] : memref<50x1000x1024xf32, #tpu.memory_space<hbm>> -> memref<1x128x128xf32, #tpu.memory_space<hbm>>
      %dma_start3A_126 = tpu.memref_squeeze %dma_start3A_125 : memref<1x128x128xf32, #tpu.memory_space<hbm>> -> memref<128x128xf32, #tpu.memory_space<hbm>>
      %dma_start3A_127 = arith.constant 128 : i32
      %dma_start3A_128 = tpu.memref_slice %arg4[%select_n3A_57, %dma_start3A_127, %multiple_of3A_120] : memref<50x1000x1024xf32, #tpu.memory_space<hbm>> -> memref<1x128x128xf32, #tpu.memory_space<hbm>>
      %dma_start3A_129 = tpu.memref_squeeze %dma_start3A_128 : memref<1x128x128xf32, #tpu.memory_space<hbm>> -> memref<128x128xf32, #tpu.memory_space<hbm>>
      %dma_start3A_130 = arith.constant 0 : i32
      %dma_start3A_131 = arith.constant 0 : i32
      %dma_start3A_132 = tpu.memref_slice %arg9[%dma_start3A_130, %dma_start3A_131] : memref<128x128xf32, #tpu.memory_space<vmem>> -> memref<128x128xf32, #tpu.memory_space<vmem>>
      tpu.enqueue_dma source(%dma_start3A_132 : memref<128x128xf32, #tpu.memory_space<vmem>>) target(%dma_start3A_129 : memref<128x128xf32, #tpu.memory_space<hbm>>) target_semaphore(%arg13 : memref<!tpu.dma_semaphore, #tpu.memory_space<semaphore_mem>>)
      %dma_start3A_133 = arith.constant 384 : i32
      %dma_start3A_134 = tpu.memref_slice %arg5[%dma_start3A_133] : memref<1024xi32, #tpu.memory_space<vmem>> -> memref<128xi32, #tpu.memory_space<vmem>>
      %dma_start3A_135 = arith.constant 0 : i32
      %dma_start3A_136 = arith.constant 0 : i32
      %dma_start3A_137 = tpu.memref_slice %arg3[%dma_start3A_135, %dma_start3A_136] : memref<8000x128xf32, #tpu.memory_space<hbm>> -> memref<8000x128xf32, #tpu.memory_space<hbm>>
      tpu.enqueue_indirect_dma source(%dma_start3A_137 : memref<8000x128xf32, #tpu.memory_space<hbm>>) target(%arg7 : memref<128x128xf32, #tpu.memory_space<vmem>>) offsets(%dma_start3A_134 : memref<128xi32, #tpu.memory_space<vmem>>) semaphore(%arg11 : memref<!tpu.dma_semaphore, #tpu.memory_space<semaphore_mem>>)
      %dma_wait3A_138 = arith.constant 256 : i32
      %dma_wait3A_139 = tpu.memref_slice %arg5[%dma_wait3A_138] : memref<1024xi32, #tpu.memory_space<vmem>> -> memref<128xi32, #tpu.memory_space<vmem>>
      %dma_wait3A_140 = arith.constant 0 : i32
      %dma_wait3A_141 = arith.constant 0 : i32
      %dma_wait3A_142 = tpu.memref_slice %arg3[%dma_wait3A_140, %dma_wait3A_141] : memref<8000x128xf32, #tpu.memory_space<hbm>> -> memref<8000x128xf32, #tpu.memory_space<hbm>>
      tpu.wait_indirect_dma semaphore(%arg10 : memref<!tpu.dma_semaphore, #tpu.memory_space<semaphore_mem>>) src(%dma_wait3A_142 : memref<8000x128xf32, #tpu.memory_space<hbm>>) dst(%arg6 : memref<128x128xf32, #tpu.memory_space<vmem>>)
      %dma_wait3A_143 = arith.constant 0 : i32
      %dma_wait3A_144 = arith.constant 0 : i32
      %dma_wait3A_145 = tpu.memref_slice %arg8[%dma_wait3A_143, %dma_wait3A_144] : memref<128x128xf32, #tpu.memory_space<vmem>> -> memref<128x128xf32, #tpu.memory_space<vmem>>
      %dma_wait3A_146 = arith.constant 0 : i32
      %dma_wait3A_147 = tpu.memref_slice %arg4[%select_n3A_57, %dma_wait3A_146, %multiple_of3A_92] : memref<50x1000x1024xf32, #tpu.memory_space<hbm>> -> memref<1x128x128xf32, #tpu.memory_space<hbm>>
      %dma_wait3A_148 = tpu.memref_squeeze %dma_wait3A_147 : memref<1x128x128xf32, #tpu.memory_space<hbm>> -> memref<128x128xf32, #tpu.memory_space<hbm>>
      %dma_wait3A_149 = arith.constant 0 : i32
      %dma_wait3A_150 = tpu.memref_slice %arg4[%select_n3A_57, %dma_wait3A_149, %multiple_of3A_92] : memref<50x1000x1024xf32, #tpu.memory_space<hbm>> -> memref<1x128x128xf32, #tpu.memory_space<hbm>>
      %dma_wait3A_151 = tpu.memref_squeeze %dma_wait3A_150 : memref<1x128x128xf32, #tpu.memory_space<hbm>> -> memref<128x128xf32, #tpu.memory_space<hbm>>
      %dma_wait3A_152 = arith.constant 0 : i32
      %dma_wait3A_153 = arith.constant 0 : i32
      %dma_wait3A_154 = tpu.memref_slice %arg8[%dma_wait3A_152, %dma_wait3A_153] : memref<128x128xf32, #tpu.memory_space<vmem>> -> memref<128x128xf32, #tpu.memory_space<vmem>>
      tpu.wait_dma2 semaphore(%arg12 : memref<!tpu.dma_semaphore, #tpu.memory_space<semaphore_mem>>) src(%dma_wait3A_154 : memref<128x128xf32, #tpu.memory_space<vmem>>) dst(%dma_wait3A_151 : memref<128x128xf32, #tpu.memory_space<hbm>>)
      %parallel_loop3A_155 = arith.constant 0 : i32
      %parallel_loop3A_156 = arith.constant 128 : i32
      %parallel_loop3A_157 = arith.constant 1 : i32
      scf.for %parallel_loop3A_392 = %parallel_loop3A_155 to %parallel_loop3A_156 step %parallel_loop3A_157  : i32 {
        %parallel_loop3A_393 = vector.broadcast %parallel_loop3A_392 : i32 to vector<16xi32>
        %parallel_loop3A_394 = arith.constant -16 : i32
        %parallel_loop3A_395 = arith.andi %parallel_loop3A_392, %parallel_loop3A_394 : i32
        %parallel_loop3A_396 = vector.broadcast %parallel_loop3A_395 : i32 to vector<16xi32>
        %parallel_loop3A_397 = arith.addi %iota3A, %parallel_loop3A_393 : vector<16xi32>
        %parallel_loop3A_398 = arith.constant 15 : i32
        %parallel_loop3A_399 = vector.broadcast %parallel_loop3A_398 : i32 to vector<16xi32>
        %parallel_loop3A_400 = arith.andi %parallel_loop3A_397, %parallel_loop3A_399 : vector<16xi32>
        %parallel_loop3A_401 = arith.addi %parallel_loop3A_400, %parallel_loop3A_396 : vector<16xi32>
        %parallel_loop3A_402 = tpu.vector_load_idx %arg6[%add3A_5, %parallel_loop3A_401] : memref<128x128xf32, #tpu.memory_space<vmem>>[vector<16xi32>, vector<16xi32>], vector<16xf32>,
        tpu.vector_store_idx %arg8[%parallel_loop3A_401, %add3A_5], %parallel_loop3A_402 : memref<128x128xf32, #tpu.memory_space<vmem>>[vector<16xi32>, vector<16xi32>], vector<16xf32>,
        %parallel_loop3A_403 = tpu.vector_load_idx %arg6[%add3A_8, %parallel_loop3A_401] : memref<128x128xf32, #tpu.memory_space<vmem>>[vector<16xi32>, vector<16xi32>], vector<16xf32>,
        tpu.vector_store_idx %arg8[%parallel_loop3A_401, %add3A_8], %parallel_loop3A_403 : memref<128x128xf32, #tpu.memory_space<vmem>>[vector<16xi32>, vector<16xi32>], vector<16xf32>,
        %parallel_loop3A_404 = tpu.vector_load_idx %arg6[%add3A_11, %parallel_loop3A_401] : memref<128x128xf32, #tpu.memory_space<vmem>>[vector<16xi32>, vector<16xi32>], vector<16xf32>,
        tpu.vector_store_idx %arg8[%parallel_loop3A_401, %add3A_11], %parallel_loop3A_404 : memref<128x128xf32, #tpu.memory_space<vmem>>[vector<16xi32>, vector<16xi32>], vector<16xf32>,
        %parallel_loop3A_405 = tpu.vector_load_idx %arg6[%add3A_14, %parallel_loop3A_401] : memref<128x128xf32, #tpu.memory_space<vmem>>[vector<16xi32>, vector<16xi32>], vector<16xf32>,
        tpu.vector_store_idx %arg8[%parallel_loop3A_401, %add3A_14], %parallel_loop3A_405 : memref<128x128xf32, #tpu.memory_space<vmem>>[vector<16xi32>, vector<16xi32>], vector<16xf32>,
        %parallel_loop3A_406 = tpu.vector_load_idx %arg6[%add3A_17, %parallel_loop3A_401] : memref<128x128xf32, #tpu.memory_space<vmem>>[vector<16xi32>, vector<16xi32>], vector<16xf32>,
        tpu.vector_store_idx %arg8[%parallel_loop3A_401, %add3A_17], %parallel_loop3A_406 : memref<128x128xf32, #tpu.memory_space<vmem>>[vector<16xi32>, vector<16xi32>], vector<16xf32>,
        %parallel_loop3A_407 = tpu.vector_load_idx %arg6[%add3A_20, %parallel_loop3A_401] : memref<128x128xf32, #tpu.memory_space<vmem>>[vector<16xi32>, vector<16xi32>], vector<16xf32>,
        tpu.vector_store_idx %arg8[%parallel_loop3A_401, %add3A_20], %parallel_loop3A_407 : memref<128x128xf32, #tpu.memory_space<vmem>>[vector<16xi32>, vector<16xi32>], vector<16xf32>,
        %parallel_loop3A_408 = tpu.vector_load_idx %arg6[%add3A_23, %parallel_loop3A_401] : memref<128x128xf32, #tpu.memory_space<vmem>>[vector<16xi32>, vector<16xi32>], vector<16xf32>,
        tpu.vector_store_idx %arg8[%parallel_loop3A_401, %add3A_23], %parallel_loop3A_408 : memref<128x128xf32, #tpu.memory_space<vmem>>[vector<16xi32>, vector<16xi32>], vector<16xf32>,
        %parallel_loop3A_409 = tpu.vector_load_idx %arg6[%add3A_26, %parallel_loop3A_401] : memref<128x128xf32, #tpu.memory_space<vmem>>[vector<16xi32>, vector<16xi32>], vector<16xf32>,
        tpu.vector_store_idx %arg8[%parallel_loop3A_401, %add3A_26], %parallel_loop3A_409 : memref<128x128xf32, #tpu.memory_space<vmem>>[vector<16xi32>, vector<16xi32>], vector<16xf32>,
      } {sc.loop_unroll_factor = 2 : i64, sc.parallel_access}
      %mul3A_158 = arith.constant 128 : i32
      %mul3A_159 = arith.muli %select_n3A_72, %mul3A_158 : i32
      %multiple_of3A_160 = tpu.assume_multiple %mul3A_159, 128 : i32
      %dma_start3A_161 = arith.constant 0 : i32
      %dma_start3A_162 = arith.constant 0 : i32
      %dma_start3A_163 = tpu.memref_slice %arg8[%dma_start3A_161, %dma_start3A_162] : memref<128x128xf32, #tpu.memory_space<vmem>> -> memref<128x128xf32, #tpu.memory_space<vmem>>
      %dma_start3A_164 = arith.constant 256 : i32
      %dma_start3A_165 = tpu.memref_slice %arg4[%select_n3A_57, %dma_start3A_164, %multiple_of3A_160] : memref<50x1000x1024xf32, #tpu.memory_space<hbm>> -> memref<1x128x128xf32, #tpu.memory_space<hbm>>
      %dma_start3A_166 = tpu.memref_squeeze %dma_start3A_165 : memref<1x128x128xf32, #tpu.memory_space<hbm>> -> memref<128x128xf32, #tpu.memory_space<hbm>>
      %dma_start3A_167 = arith.constant 256 : i32
      %dma_start3A_168 = tpu.memref_slice %arg4[%select_n3A_57, %dma_start3A_167, %multiple_of3A_160] : memref<50x1000x1024xf32, #tpu.memory_space<hbm>> -> memref<1x128x128xf32, #tpu.memory_space<hbm>>
      %dma_start3A_169 = tpu.memref_squeeze %dma_start3A_168 : memref<1x128x128xf32, #tpu.memory_space<hbm>> -> memref<128x128xf32, #tpu.memory_space<hbm>>
      %dma_start3A_170 = arith.constant 0 : i32
      %dma_start3A_171 = arith.constant 0 : i32
      %dma_start3A_172 = tpu.memref_slice %arg8[%dma_start3A_170, %dma_start3A_171] : memref<128x128xf32, #tpu.memory_space<vmem>> -> memref<128x128xf32, #tpu.memory_space<vmem>>
      tpu.enqueue_dma source(%dma_start3A_172 : memref<128x128xf32, #tpu.memory_space<vmem>>) target(%dma_start3A_169 : memref<128x128xf32, #tpu.memory_space<hbm>>) target_semaphore(%arg12 : memref<!tpu.dma_semaphore, #tpu.memory_space<semaphore_mem>>)
      %dma_start3A_173 = arith.constant 512 : i32
      %dma_start3A_174 = tpu.memref_slice %arg5[%dma_start3A_173] : memref<1024xi32, #tpu.memory_space<vmem>> -> memref<128xi32, #tpu.memory_space<vmem>>
      %dma_start3A_175 = arith.constant 0 : i32
      %dma_start3A_176 = arith.constant 0 : i32
      %dma_start3A_177 = tpu.memref_slice %arg3[%dma_start3A_175, %dma_start3A_176] : memref<8000x128xf32, #tpu.memory_space<hbm>> -> memref<8000x128xf32, #tpu.memory_space<hbm>>
      tpu.enqueue_indirect_dma source(%dma_start3A_177 : memref<8000x128xf32, #tpu.memory_space<hbm>>) target(%arg6 : memref<128x128xf32, #tpu.memory_space<vmem>>) offsets(%dma_start3A_174 : memref<128xi32, #tpu.memory_space<vmem>>) semaphore(%arg10 : memref<!tpu.dma_semaphore, #tpu.memory_space<semaphore_mem>>)
      %dma_wait3A_178 = arith.constant 384 : i32
      %dma_wait3A_179 = tpu.memref_slice %arg5[%dma_wait3A_178] : memref<1024xi32, #tpu.memory_space<vmem>> -> memref<128xi32, #tpu.memory_space<vmem>>
      %dma_wait3A_180 = arith.constant 0 : i32
      %dma_wait3A_181 = arith.constant 0 : i32
      %dma_wait3A_182 = tpu.memref_slice %arg3[%dma_wait3A_180, %dma_wait3A_181] : memref<8000x128xf32, #tpu.memory_space<hbm>> -> memref<8000x128xf32, #tpu.memory_space<hbm>>
      tpu.wait_indirect_dma semaphore(%arg11 : memref<!tpu.dma_semaphore, #tpu.memory_space<semaphore_mem>>) src(%dma_wait3A_182 : memref<8000x128xf32, #tpu.memory_space<hbm>>) dst(%arg7 : memref<128x128xf32, #tpu.memory_space<vmem>>)
      %dma_wait3A_183 = arith.constant 0 : i32
      %dma_wait3A_184 = arith.constant 0 : i32
      %dma_wait3A_185 = tpu.memref_slice %arg9[%dma_wait3A_183, %dma_wait3A_184] : memref<128x128xf32, #tpu.memory_space<vmem>> -> memref<128x128xf32, #tpu.memory_space<vmem>>
      %dma_wait3A_186 = arith.constant 128 : i32
      %dma_wait3A_187 = tpu.memref_slice %arg4[%select_n3A_57, %dma_wait3A_186, %multiple_of3A_120] : memref<50x1000x1024xf32, #tpu.memory_space<hbm>> -> memref<1x128x128xf32, #tpu.memory_space<hbm>>
      %dma_wait3A_188 = tpu.memref_squeeze %dma_wait3A_187 : memref<1x128x128xf32, #tpu.memory_space<hbm>> -> memref<128x128xf32, #tpu.memory_space<hbm>>
      %dma_wait3A_189 = arith.constant 128 : i32
      %dma_wait3A_190 = tpu.memref_slice %arg4[%select_n3A_57, %dma_wait3A_189, %multiple_of3A_120] : memref<50x1000x1024xf32, #tpu.memory_space<hbm>> -> memref<1x128x128xf32, #tpu.memory_space<hbm>>
      %dma_wait3A_191 = tpu.memref_squeeze %dma_wait3A_190 : memref<1x128x128xf32, #tpu.memory_space<hbm>> -> memref<128x128xf32, #tpu.memory_space<hbm>>
      %dma_wait3A_192 = arith.constant 0 : i32
      %dma_wait3A_193 = arith.constant 0 : i32
      %dma_wait3A_194 = tpu.memref_slice %arg9[%dma_wait3A_192, %dma_wait3A_193] : memref<128x128xf32, #tpu.memory_space<vmem>> -> memref<128x128xf32, #tpu.memory_space<vmem>>
      tpu.wait_dma2 semaphore(%arg13 : memref<!tpu.dma_semaphore, #tpu.memory_space<semaphore_mem>>) src(%dma_wait3A_194 : memref<128x128xf32, #tpu.memory_space<vmem>>) dst(%dma_wait3A_191 : memref<128x128xf32, #tpu.memory_space<hbm>>)
      %parallel_loop3A_195 = arith.constant 0 : i32
      %parallel_loop3A_196 = arith.constant 128 : i32
      %parallel_loop3A_197 = arith.constant 1 : i32
      scf.for %parallel_loop3A_392 = %parallel_loop3A_195 to %parallel_loop3A_196 step %parallel_loop3A_197  : i32 {
        %parallel_loop3A_393 = vector.broadcast %parallel_loop3A_392 : i32 to vector<16xi32>
        %parallel_loop3A_394 = arith.constant -16 : i32
        %parallel_loop3A_395 = arith.andi %parallel_loop3A_392, %parallel_loop3A_394 : i32
        %parallel_loop3A_396 = vector.broadcast %parallel_loop3A_395 : i32 to vector<16xi32>
        %parallel_loop3A_397 = arith.addi %iota3A, %parallel_loop3A_393 : vector<16xi32>
        %parallel_loop3A_398 = arith.constant 15 : i32
        %parallel_loop3A_399 = vector.broadcast %parallel_loop3A_398 : i32 to vector<16xi32>
        %parallel_loop3A_400 = arith.andi %parallel_loop3A_397, %parallel_loop3A_399 : vector<16xi32>
        %parallel_loop3A_401 = arith.addi %parallel_loop3A_400, %parallel_loop3A_396 : vector<16xi32>
        %parallel_loop3A_402 = tpu.vector_load_idx %arg7[%add3A_5, %parallel_loop3A_401] : memref<128x128xf32, #tpu.memory_space<vmem>>[vector<16xi32>, vector<16xi32>], vector<16xf32>,
        tpu.vector_store_idx %arg9[%parallel_loop3A_401, %add3A_5], %parallel_loop3A_402 : memref<128x128xf32, #tpu.memory_space<vmem>>[vector<16xi32>, vector<16xi32>], vector<16xf32>,
        %parallel_loop3A_403 = tpu.vector_load_idx %arg7[%add3A_8, %parallel_loop3A_401] : memref<128x128xf32, #tpu.memory_space<vmem>>[vector<16xi32>, vector<16xi32>], vector<16xf32>,
        tpu.vector_store_idx %arg9[%parallel_loop3A_401, %add3A_8], %parallel_loop3A_403 : memref<128x128xf32, #tpu.memory_space<vmem>>[vector<16xi32>, vector<16xi32>], vector<16xf32>,
        %parallel_loop3A_404 = tpu.vector_load_idx %arg7[%add3A_11, %parallel_loop3A_401] : memref<128x128xf32, #tpu.memory_space<vmem>>[vector<16xi32>, vector<16xi32>], vector<16xf32>,
        tpu.vector_store_idx %arg9[%parallel_loop3A_401, %add3A_11], %parallel_loop3A_404 : memref<128x128xf32, #tpu.memory_space<vmem>>[vector<16xi32>, vector<16xi32>], vector<16xf32>,
        %parallel_loop3A_405 = tpu.vector_load_idx %arg7[%add3A_14, %parallel_loop3A_401] : memref<128x128xf32, #tpu.memory_space<vmem>>[vector<16xi32>, vector<16xi32>], vector<16xf32>,
        tpu.vector_store_idx %arg9[%parallel_loop3A_401, %add3A_14], %parallel_loop3A_405 : memref<128x128xf32, #tpu.memory_space<vmem>>[vector<16xi32>, vector<16xi32>], vector<16xf32>,
        %parallel_loop3A_406 = tpu.vector_load_idx %arg7[%add3A_17, %parallel_loop3A_401] : memref<128x128xf32, #tpu.memory_space<vmem>>[vector<16xi32>, vector<16xi32>], vector<16xf32>,
        tpu.vector_store_idx %arg9[%parallel_loop3A_401, %add3A_17], %parallel_loop3A_406 : memref<128x128xf32, #tpu.memory_space<vmem>>[vector<16xi32>, vector<16xi32>], vector<16xf32>,
        %parallel_loop3A_407 = tpu.vector_load_idx %arg7[%add3A_20, %parallel_loop3A_401] : memref<128x128xf32, #tpu.memory_space<vmem>>[vector<16xi32>, vector<16xi32>], vector<16xf32>,
        tpu.vector_store_idx %arg9[%parallel_loop3A_401, %add3A_20], %parallel_loop3A_407 : memref<128x128xf32, #tpu.memory_space<vmem>>[vector<16xi32>, vector<16xi32>], vector<16xf32>,
        %parallel_loop3A_408 = tpu.vector_load_idx %arg7[%add3A_23, %parallel_loop3A_401] : memref<128x128xf32, #tpu.memory_space<vmem>>[vector<16xi32>, vector<16xi32>], vector<16xf32>,
        tpu.vector_store_idx %arg9[%parallel_loop3A_401, %add3A_23], %parallel_loop3A_408 : memref<128x128xf32, #tpu.memory_space<vmem>>[vector<16xi32>, vector<16xi32>], vector<16xf32>,
        %parallel_loop3A_409 = tpu.vector_load_idx %arg7[%add3A_26, %parallel_loop3A_401] : memref<128x128xf32, #tpu.memory_space<vmem>>[vector<16xi32>, vector<16xi32>], vector<16xf32>,
        tpu.vector_store_idx %arg9[%parallel_loop3A_401, %add3A_26], %parallel_loop3A_409 : memref<128x128xf32, #tpu.memory_space<vmem>>[vector<16xi32>, vector<16xi32>], vector<16xf32>,
      } {sc.loop_unroll_factor = 2 : i64, sc.parallel_access}
      %mul3A_198 = arith.constant 128 : i32
      %mul3A_199 = arith.muli %select_n3A_72, %mul3A_198 : i32
      %multiple_of3A_200 = tpu.assume_multiple %mul3A_199, 128 : i32
      %dma_start3A_201 = arith.constant 0 : i32
      %dma_start3A_202 = arith.constant 0 : i32
      %dma_start3A_203 = tpu.memref_slice %arg9[%dma_start3A_201, %dma_start3A_202] : memref<128x128xf32, #tpu.memory_space<vmem>> -> memref<128x128xf32, #tpu.memory_space<vmem>>
      %dma_start3A_204 = arith.constant 384 : i32
      %dma_start3A_205 = tpu.memref_slice %arg4[%select_n3A_57, %dma_start3A_204, %multiple_of3A_200] : memref<50x1000x1024xf32, #tpu.memory_space<hbm>> -> memref<1x128x128xf32, #tpu.memory_space<hbm>>
      %dma_start3A_206 = tpu.memref_squeeze %dma_start3A_205 : memref<1x128x128xf32, #tpu.memory_space<hbm>> -> memref<128x128xf32, #tpu.memory_space<hbm>>
      %dma_start3A_207 = arith.constant 384 : i32
      %dma_start3A_208 = tpu.memref_slice %arg4[%select_n3A_57, %dma_start3A_207, %multiple_of3A_200] : memref<50x1000x1024xf32, #tpu.memory_space<hbm>> -> memref<1x128x128xf32, #tpu.memory_space<hbm>>
      %dma_start3A_209 = tpu.memref_squeeze %dma_start3A_208 : memref<1x128x128xf32, #tpu.memory_space<hbm>> -> memref<128x128xf32, #tpu.memory_space<hbm>>
      %dma_start3A_210 = arith.constant 0 : i32
      %dma_start3A_211 = arith.constant 0 : i32
      %dma_start3A_212 = tpu.memref_slice %arg9[%dma_start3A_210, %dma_start3A_211] : memref<128x128xf32, #tpu.memory_space<vmem>> -> memref<128x128xf32, #tpu.memory_space<vmem>>
      tpu.enqueue_dma source(%dma_start3A_212 : memref<128x128xf32, #tpu.memory_space<vmem>>) target(%dma_start3A_209 : memref<128x128xf32, #tpu.memory_space<hbm>>) target_semaphore(%arg13 : memref<!tpu.dma_semaphore, #tpu.memory_space<semaphore_mem>>)
      %dma_start3A_213 = arith.constant 640 : i32
      %dma_start3A_214 = tpu.memref_slice %arg5[%dma_start3A_213] : memref<1024xi32, #tpu.memory_space<vmem>> -> memref<128xi32, #tpu.memory_space<vmem>>
      %dma_start3A_215 = arith.constant 0 : i32
      %dma_start3A_216 = arith.constant 0 : i32
      %dma_start3A_217 = tpu.memref_slice %arg3[%dma_start3A_215, %dma_start3A_216] : memref<8000x128xf32, #tpu.memory_space<hbm>> -> memref<8000x128xf32, #tpu.memory_space<hbm>>
      tpu.enqueue_indirect_dma source(%dma_start3A_217 : memref<8000x128xf32, #tpu.memory_space<hbm>>) target(%arg7 : memref<128x128xf32, #tpu.memory_space<vmem>>) offsets(%dma_start3A_214 : memref<128xi32, #tpu.memory_space<vmem>>) semaphore(%arg11 : memref<!tpu.dma_semaphore, #tpu.memory_space<semaphore_mem>>)
      %dma_wait3A_218 = arith.constant 512 : i32
      %dma_wait3A_219 = tpu.memref_slice %arg5[%dma_wait3A_218] : memref<1024xi32, #tpu.memory_space<vmem>> -> memref<128xi32, #tpu.memory_space<vmem>>
      %dma_wait3A_220 = arith.constant 0 : i32
      %dma_wait3A_221 = arith.constant 0 : i32
      %dma_wait3A_222 = tpu.memref_slice %arg3[%dma_wait3A_220, %dma_wait3A_221] : memref<8000x128xf32, #tpu.memory_space<hbm>> -> memref<8000x128xf32, #tpu.memory_space<hbm>>
      tpu.wait_indirect_dma semaphore(%arg10 : memref<!tpu.dma_semaphore, #tpu.memory_space<semaphore_mem>>) src(%dma_wait3A_222 : memref<8000x128xf32, #tpu.memory_space<hbm>>) dst(%arg6 : memref<128x128xf32, #tpu.memory_space<vmem>>)
      %dma_wait3A_223 = arith.constant 0 : i32
      %dma_wait3A_224 = arith.constant 0 : i32
      %dma_wait3A_225 = tpu.memref_slice %arg8[%dma_wait3A_223, %dma_wait3A_224] : memref<128x128xf32, #tpu.memory_space<vmem>> -> memref<128x128xf32, #tpu.memory_space<vmem>>
      %dma_wait3A_226 = arith.constant 256 : i32
      %dma_wait3A_227 = tpu.memref_slice %arg4[%select_n3A_57, %dma_wait3A_226, %multiple_of3A_160] : memref<50x1000x1024xf32, #tpu.memory_space<hbm>> -> memref<1x128x128xf32, #tpu.memory_space<hbm>>
      %dma_wait3A_228 = tpu.memref_squeeze %dma_wait3A_227 : memref<1x128x128xf32, #tpu.memory_space<hbm>> -> memref<128x128xf32, #tpu.memory_space<hbm>>
      %dma_wait3A_229 = arith.constant 256 : i32
      %dma_wait3A_230 = tpu.memref_slice %arg4[%select_n3A_57, %dma_wait3A_229, %multiple_of3A_160] : memref<50x1000x1024xf32, #tpu.memory_space<hbm>> -> memref<1x128x128xf32, #tpu.memory_space<hbm>>
      %dma_wait3A_231 = tpu.memref_squeeze %dma_wait3A_230 : memref<1x128x128xf32, #tpu.memory_space<hbm>> -> memref<128x128xf32, #tpu.memory_space<hbm>>
      %dma_wait3A_232 = arith.constant 0 : i32
      %dma_wait3A_233 = arith.constant 0 : i32
      %dma_wait3A_234 = tpu.memref_slice %arg8[%dma_wait3A_232, %dma_wait3A_233] : memref<128x128xf32, #tpu.memory_space<vmem>> -> memref<128x128xf32, #tpu.memory_space<vmem>>
      tpu.wait_dma2 semaphore(%arg12 : memref<!tpu.dma_semaphore, #tpu.memory_space<semaphore_mem>>) src(%dma_wait3A_234 : memref<128x128xf32, #tpu.memory_space<vmem>>) dst(%dma_wait3A_231 : memref<128x128xf32, #tpu.memory_space<hbm>>)
      %parallel_loop3A_235 = arith.constant 0 : i32
      %parallel_loop3A_236 = arith.constant 128 : i32
      %parallel_loop3A_237 = arith.constant 1 : i32
      scf.for %parallel_loop3A_392 = %parallel_loop3A_235 to %parallel_loop3A_236 step %parallel_loop3A_237  : i32 {
        %parallel_loop3A_393 = vector.broadcast %parallel_loop3A_392 : i32 to vector<16xi32>
        %parallel_loop3A_394 = arith.constant -16 : i32
        %parallel_loop3A_395 = arith.andi %parallel_loop3A_392, %parallel_loop3A_394 : i32
        %parallel_loop3A_396 = vector.broadcast %parallel_loop3A_395 : i32 to vector<16xi32>
        %parallel_loop3A_397 = arith.addi %iota3A, %parallel_loop3A_393 : vector<16xi32>
        %parallel_loop3A_398 = arith.constant 15 : i32
        %parallel_loop3A_399 = vector.broadcast %parallel_loop3A_398 : i32 to vector<16xi32>
        %parallel_loop3A_400 = arith.andi %parallel_loop3A_397, %parallel_loop3A_399 : vector<16xi32>
        %parallel_loop3A_401 = arith.addi %parallel_loop3A_400, %parallel_loop3A_396 : vector<16xi32>
        %parallel_loop3A_402 = tpu.vector_load_idx %arg6[%add3A_5, %parallel_loop3A_401] : memref<128x128xf32, #tpu.memory_space<vmem>>[vector<16xi32>, vector<16xi32>], vector<16xf32>,
        tpu.vector_store_idx %arg8[%parallel_loop3A_401, %add3A_5], %parallel_loop3A_402 : memref<128x128xf32, #tpu.memory_space<vmem>>[vector<16xi32>, vector<16xi32>], vector<16xf32>,
        %parallel_loop3A_403 = tpu.vector_load_idx %arg6[%add3A_8, %parallel_loop3A_401] : memref<128x128xf32, #tpu.memory_space<vmem>>[vector<16xi32>, vector<16xi32>], vector<16xf32>,
        tpu.vector_store_idx %arg8[%parallel_loop3A_401, %add3A_8], %parallel_loop3A_403 : memref<128x128xf32, #tpu.memory_space<vmem>>[vector<16xi32>, vector<16xi32>], vector<16xf32>,
        %parallel_loop3A_404 = tpu.vector_load_idx %arg6[%add3A_11, %parallel_loop3A_401] : memref<128x128xf32, #tpu.memory_space<vmem>>[vector<16xi32>, vector<16xi32>], vector<16xf32>,
        tpu.vector_store_idx %arg8[%parallel_loop3A_401, %add3A_11], %parallel_loop3A_404 : memref<128x128xf32, #tpu.memory_space<vmem>>[vector<16xi32>, vector<16xi32>], vector<16xf32>,
        %parallel_loop3A_405 = tpu.vector_load_idx %arg6[%add3A_14, %parallel_loop3A_401] : memref<128x128xf32, #tpu.memory_space<vmem>>[vector<16xi32>, vector<16xi32>], vector<16xf32>,
        tpu.vector_store_idx %arg8[%parallel_loop3A_401, %add3A_14], %parallel_loop3A_405 : memref<128x128xf32, #tpu.memory_space<vmem>>[vector<16xi32>, vector<16xi32>], vector<16xf32>,
        %parallel_loop3A_406 = tpu.vector_load_idx %arg6[%add3A_17, %parallel_loop3A_401] : memref<128x128xf32, #tpu.memory_space<vmem>>[vector<16xi32>, vector<16xi32>], vector<16xf32>,
        tpu.vector_store_idx %arg8[%parallel_loop3A_401, %add3A_17], %parallel_loop3A_406 : memref<128x128xf32, #tpu.memory_space<vmem>>[vector<16xi32>, vector<16xi32>], vector<16xf32>,
        %parallel_loop3A_407 = tpu.vector_load_idx %arg6[%add3A_20, %parallel_loop3A_401] : memref<128x128xf32, #tpu.memory_space<vmem>>[vector<16xi32>, vector<16xi32>], vector<16xf32>,
        tpu.vector_store_idx %arg8[%parallel_loop3A_401, %add3A_20], %parallel_loop3A_407 : memref<128x128xf32, #tpu.memory_space<vmem>>[vector<16xi32>, vector<16xi32>], vector<16xf32>,
        %parallel_loop3A_408 = tpu.vector_load_idx %arg6[%add3A_23, %parallel_loop3A_401] : memref<128x128xf32, #tpu.memory_space<vmem>>[vector<16xi32>, vector<16xi32>], vector<16xf32>,
        tpu.vector_store_idx %arg8[%parallel_loop3A_401, %add3A_23], %parallel_loop3A_408 : memref<128x128xf32, #tpu.memory_space<vmem>>[vector<16xi32>, vector<16xi32>], vector<16xf32>,
        %parallel_loop3A_409 = tpu.vector_load_idx %arg6[%add3A_26, %parallel_loop3A_401] : memref<128x128xf32, #tpu.memory_space<vmem>>[vector<16xi32>, vector<16xi32>], vector<16xf32>,
        tpu.vector_store_idx %arg8[%parallel_loop3A_401, %add3A_26], %parallel_loop3A_409 : memref<128x128xf32, #tpu.memory_space<vmem>>[vector<16xi32>, vector<16xi32>], vector<16xf32>,
      } {sc.loop_unroll_factor = 2 : i64, sc.parallel_access}
      %mul3A_238 = arith.constant 128 : i32
      %mul3A_239 = arith.muli %select_n3A_72, %mul3A_238 : i32
      %multiple_of3A_240 = tpu.assume_multiple %mul3A_239, 128 : i32
      %dma_start3A_241 = arith.constant 0 : i32
      %dma_start3A_242 = arith.constant 0 : i32
      %dma_start3A_243 = tpu.memref_slice %arg8[%dma_start3A_241, %dma_start3A_242] : memref<128x128xf32, #tpu.memory_space<vmem>> -> memref<128x128xf32, #tpu.memory_space<vmem>>
      %dma_start3A_244 = arith.constant 512 : i32
      %dma_start3A_245 = tpu.memref_slice %arg4[%select_n3A_57, %dma_start3A_244, %multiple_of3A_240] : memref<50x1000x1024xf32, #tpu.memory_space<hbm>> -> memref<1x128x128xf32, #tpu.memory_space<hbm>>
      %dma_start3A_246 = tpu.memref_squeeze %dma_start3A_245 : memref<1x128x128xf32, #tpu.memory_space<hbm>> -> memref<128x128xf32, #tpu.memory_space<hbm>>
      %dma_start3A_247 = arith.constant 512 : i32
      %dma_start3A_248 = tpu.memref_slice %arg4[%select_n3A_57, %dma_start3A_247, %multiple_of3A_240] : memref<50x1000x1024xf32, #tpu.memory_space<hbm>> -> memref<1x128x128xf32, #tpu.memory_space<hbm>>
      %dma_start3A_249 = tpu.memref_squeeze %dma_start3A_248 : memref<1x128x128xf32, #tpu.memory_space<hbm>> -> memref<128x128xf32, #tpu.memory_space<hbm>>
      %dma_start3A_250 = arith.constant 0 : i32
      %dma_start3A_251 = arith.constant 0 : i32
      %dma_start3A_252 = tpu.memref_slice %arg8[%dma_start3A_250, %dma_start3A_251] : memref<128x128xf32, #tpu.memory_space<vmem>> -> memref<128x128xf32, #tpu.memory_space<vmem>>
      tpu.enqueue_dma source(%dma_start3A_252 : memref<128x128xf32, #tpu.memory_space<vmem>>) target(%dma_start3A_249 : memref<128x128xf32, #tpu.memory_space<hbm>>) target_semaphore(%arg12 : memref<!tpu.dma_semaphore, #tpu.memory_space<semaphore_mem>>)
      %dma_start3A_253 = arith.constant 768 : i32
      %dma_start3A_254 = tpu.memref_slice %arg5[%dma_start3A_253] : memref<1024xi32, #tpu.memory_space<vmem>> -> memref<128xi32, #tpu.memory_space<vmem>>
      %dma_start3A_255 = arith.constant 0 : i32
      %dma_start3A_256 = arith.constant 0 : i32
      %dma_start3A_257 = tpu.memref_slice %arg3[%dma_start3A_255, %dma_start3A_256] : memref<8000x128xf32, #tpu.memory_space<hbm>> -> memref<8000x128xf32, #tpu.memory_space<hbm>>
      tpu.enqueue_indirect_dma source(%dma_start3A_257 : memref<8000x128xf32, #tpu.memory_space<hbm>>) target(%arg6 : memref<128x128xf32, #tpu.memory_space<vmem>>) offsets(%dma_start3A_254 : memref<128xi32, #tpu.memory_space<vmem>>) semaphore(%arg10 : memref<!tpu.dma_semaphore, #tpu.memory_space<semaphore_mem>>)
      %dma_wait3A_258 = arith.constant 640 : i32
      %dma_wait3A_259 = tpu.memref_slice %arg5[%dma_wait3A_258] : memref<1024xi32, #tpu.memory_space<vmem>> -> memref<128xi32, #tpu.memory_space<vmem>>
      %dma_wait3A_260 = arith.constant 0 : i32
      %dma_wait3A_261 = arith.constant 0 : i32
      %dma_wait3A_262 = tpu.memref_slice %arg3[%dma_wait3A_260, %dma_wait3A_261] : memref<8000x128xf32, #tpu.memory_space<hbm>> -> memref<8000x128xf32, #tpu.memory_space<hbm>>
      tpu.wait_indirect_dma semaphore(%arg11 : memref<!tpu.dma_semaphore, #tpu.memory_space<semaphore_mem>>) src(%dma_wait3A_262 : memref<8000x128xf32, #tpu.memory_space<hbm>>) dst(%arg7 : memref<128x128xf32, #tpu.memory_space<vmem>>)
      %dma_wait3A_263 = arith.constant 0 : i32
      %dma_wait3A_264 = arith.constant 0 : i32
      %dma_wait3A_265 = tpu.memref_slice %arg9[%dma_wait3A_263, %dma_wait3A_264] : memref<128x128xf32, #tpu.memory_space<vmem>> -> memref<128x128xf32, #tpu.memory_space<vmem>>
      %dma_wait3A_266 = arith.constant 384 : i32
      %dma_wait3A_267 = tpu.memref_slice %arg4[%select_n3A_57, %dma_wait3A_266, %multiple_of3A_200] : memref<50x1000x1024xf32, #tpu.memory_space<hbm>> -> memref<1x128x128xf32, #tpu.memory_space<hbm>>
      %dma_wait3A_268 = tpu.memref_squeeze %dma_wait3A_267 : memref<1x128x128xf32, #tpu.memory_space<hbm>> -> memref<128x128xf32, #tpu.memory_space<hbm>>
      %dma_wait3A_269 = arith.constant 384 : i32
      %dma_wait3A_270 = tpu.memref_slice %arg4[%select_n3A_57, %dma_wait3A_269, %multiple_of3A_200] : memref<50x1000x1024xf32, #tpu.memory_space<hbm>> -> memref<1x128x128xf32, #tpu.memory_space<hbm>>
      %dma_wait3A_271 = tpu.memref_squeeze %dma_wait3A_270 : memref<1x128x128xf32, #tpu.memory_space<hbm>> -> memref<128x128xf32, #tpu.memory_space<hbm>>
      %dma_wait3A_272 = arith.constant 0 : i32
      %dma_wait3A_273 = arith.constant 0 : i32
      %dma_wait3A_274 = tpu.memref_slice %arg9[%dma_wait3A_272, %dma_wait3A_273] : memref<128x128xf32, #tpu.memory_space<vmem>> -> memref<128x128xf32, #tpu.memory_space<vmem>>
      tpu.wait_dma2 semaphore(%arg13 : memref<!tpu.dma_semaphore, #tpu.memory_space<semaphore_mem>>) src(%dma_wait3A_274 : memref<128x128xf32, #tpu.memory_space<vmem>>) dst(%dma_wait3A_271 : memref<128x128xf32, #tpu.memory_space<hbm>>)
      %parallel_loop3A_275 = arith.constant 0 : i32
      %parallel_loop3A_276 = arith.constant 128 : i32
      %parallel_loop3A_277 = arith.constant 1 : i32
      scf.for %parallel_loop3A_392 = %parallel_loop3A_275 to %parallel_loop3A_276 step %parallel_loop3A_277  : i32 {
        %parallel_loop3A_393 = vector.broadcast %parallel_loop3A_392 : i32 to vector<16xi32>
        %parallel_loop3A_394 = arith.constant -16 : i32
        %parallel_loop3A_395 = arith.andi %parallel_loop3A_392, %parallel_loop3A_394 : i32
        %parallel_loop3A_396 = vector.broadcast %parallel_loop3A_395 : i32 to vector<16xi32>
        %parallel_loop3A_397 = arith.addi %iota3A, %parallel_loop3A_393 : vector<16xi32>
        %parallel_loop3A_398 = arith.constant 15 : i32
        %parallel_loop3A_399 = vector.broadcast %parallel_loop3A_398 : i32 to vector<16xi32>
        %parallel_loop3A_400 = arith.andi %parallel_loop3A_397, %parallel_loop3A_399 : vector<16xi32>
        %parallel_loop3A_401 = arith.addi %parallel_loop3A_400, %parallel_loop3A_396 : vector<16xi32>
        %parallel_loop3A_402 = tpu.vector_load_idx %arg7[%add3A_5, %parallel_loop3A_401] : memref<128x128xf32, #tpu.memory_space<vmem>>[vector<16xi32>, vector<16xi32>], vector<16xf32>,
        tpu.vector_store_idx %arg9[%parallel_loop3A_401, %add3A_5], %parallel_loop3A_402 : memref<128x128xf32, #tpu.memory_space<vmem>>[vector<16xi32>, vector<16xi32>], vector<16xf32>,
        %parallel_loop3A_403 = tpu.vector_load_idx %arg7[%add3A_8, %parallel_loop3A_401] : memref<128x128xf32, #tpu.memory_space<vmem>>[vector<16xi32>, vector<16xi32>], vector<16xf32>,
        tpu.vector_store_idx %arg9[%parallel_loop3A_401, %add3A_8], %parallel_loop3A_403 : memref<128x128xf32, #tpu.memory_space<vmem>>[vector<16xi32>, vector<16xi32>], vector<16xf32>,
        %parallel_loop3A_404 = tpu.vector_load_idx %arg7[%add3A_11, %parallel_loop3A_401] : memref<128x128xf32, #tpu.memory_space<vmem>>[vector<16xi32>, vector<16xi32>], vector<16xf32>,
        tpu.vector_store_idx %arg9[%parallel_loop3A_401, %add3A_11], %parallel_loop3A_404 : memref<128x128xf32, #tpu.memory_space<vmem>>[vector<16xi32>, vector<16xi32>], vector<16xf32>,
        %parallel_loop3A_405 = tpu.vector_load_idx %arg7[%add3A_14, %parallel_loop3A_401] : memref<128x128xf32, #tpu.memory_space<vmem>>[vector<16xi32>, vector<16xi32>], vector<16xf32>,
        tpu.vector_store_idx %arg9[%parallel_loop3A_401, %add3A_14], %parallel_loop3A_405 : memref<128x128xf32, #tpu.memory_space<vmem>>[vector<16xi32>, vector<16xi32>], vector<16xf32>,
        %parallel_loop3A_406 = tpu.vector_load_idx %arg7[%add3A_17, %parallel_loop3A_401] : memref<128x128xf32, #tpu.memory_space<vmem>>[vector<16xi32>, vector<16xi32>], vector<16xf32>,
        tpu.vector_store_idx %arg9[%parallel_loop3A_401, %add3A_17], %parallel_loop3A_406 : memref<128x128xf32, #tpu.memory_space<vmem>>[vector<16xi32>, vector<16xi32>], vector<16xf32>,
        %parallel_loop3A_407 = tpu.vector_load_idx %arg7[%add3A_20, %parallel_loop3A_401] : memref<128x128xf32, #tpu.memory_space<vmem>>[vector<16xi32>, vector<16xi32>], vector<16xf32>,
        tpu.vector_store_idx %arg9[%parallel_loop3A_401, %add3A_20], %parallel_loop3A_407 : memref<128x128xf32, #tpu.memory_space<vmem>>[vector<16xi32>, vector<16xi32>], vector<16xf32>,
        %parallel_loop3A_408 = tpu.vector_load_idx %arg7[%add3A_23, %parallel_loop3A_401] : memref<128x128xf32, #tpu.memory_space<vmem>>[vector<16xi32>, vector<16xi32>], vector<16xf32>,
        tpu.vector_store_idx %arg9[%parallel_loop3A_401, %add3A_23], %parallel_loop3A_408 : memref<128x128xf32, #tpu.memory_space<vmem>>[vector<16xi32>, vector<16xi32>], vector<16xf32>,
        %parallel_loop3A_409 = tpu.vector_load_idx %arg7[%add3A_26, %parallel_loop3A_401] : memref<128x128xf32, #tpu.memory_space<vmem>>[vector<16xi32>, vector<16xi32>], vector<16xf32>,
        tpu.vector_store_idx %arg9[%parallel_loop3A_401, %add3A_26], %parallel_loop3A_409 : memref<128x128xf32, #tpu.memory_space<vmem>>[vector<16xi32>, vector<16xi32>], vector<16xf32>,
      } {sc.loop_unroll_factor = 2 : i64, sc.parallel_access}
      %mul3A_278 = arith.constant 128 : i32
      %mul3A_279 = arith.muli %select_n3A_72, %mul3A_278 : i32
      %multiple_of3A_280 = tpu.assume_multiple %mul3A_279, 128 : i32
      %dma_start3A_281 = arith.constant 0 : i32
      %dma_start3A_282 = arith.constant 0 : i32
      %dma_start3A_283 = tpu.memref_slice %arg9[%dma_start3A_281, %dma_start3A_282] : memref<128x128xf32, #tpu.memory_space<vmem>> -> memref<128x128xf32, #tpu.memory_space<vmem>>
      %dma_start3A_284 = arith.constant 640 : i32
      %dma_start3A_285 = tpu.memref_slice %arg4[%select_n3A_57, %dma_start3A_284, %multiple_of3A_280] : memref<50x1000x1024xf32, #tpu.memory_space<hbm>> -> memref<1x128x128xf32, #tpu.memory_space<hbm>>
      %dma_start3A_286 = tpu.memref_squeeze %dma_start3A_285 : memref<1x128x128xf32, #tpu.memory_space<hbm>> -> memref<128x128xf32, #tpu.memory_space<hbm>>
      %dma_start3A_287 = arith.constant 640 : i32
      %dma_start3A_288 = tpu.memref_slice %arg4[%select_n3A_57, %dma_start3A_287, %multiple_of3A_280] : memref<50x1000x1024xf32, #tpu.memory_space<hbm>> -> memref<1x128x128xf32, #tpu.memory_space<hbm>>
      %dma_start3A_289 = tpu.memref_squeeze %dma_start3A_288 : memref<1x128x128xf32, #tpu.memory_space<hbm>> -> memref<128x128xf32, #tpu.memory_space<hbm>>
      %dma_start3A_290 = arith.constant 0 : i32
      %dma_start3A_291 = arith.constant 0 : i32
      %dma_start3A_292 = tpu.memref_slice %arg9[%dma_start3A_290, %dma_start3A_291] : memref<128x128xf32, #tpu.memory_space<vmem>> -> memref<128x128xf32, #tpu.memory_space<vmem>>
      tpu.enqueue_dma source(%dma_start3A_292 : memref<128x128xf32, #tpu.memory_space<vmem>>) target(%dma_start3A_289 : memref<128x128xf32, #tpu.memory_space<hbm>>) target_semaphore(%arg13 : memref<!tpu.dma_semaphore, #tpu.memory_space<semaphore_mem>>)
      %dma_start3A_293 = arith.constant 896 : i32
      %dma_start3A_294 = tpu.memref_slice %arg5[%dma_start3A_293] : memref<1024xi32, #tpu.memory_space<vmem>> -> memref<128xi32, #tpu.memory_space<vmem>>
      %dma_start3A_295 = arith.constant 0 : i32
      %dma_start3A_296 = arith.constant 0 : i32
      %dma_start3A_297 = tpu.memref_slice %arg3[%dma_start3A_295, %dma_start3A_296] : memref<8000x128xf32, #tpu.memory_space<hbm>> -> memref<8000x128xf32, #tpu.memory_space<hbm>>
      tpu.enqueue_indirect_dma source(%dma_start3A_297 : memref<8000x128xf32, #tpu.memory_space<hbm>>) target(%arg7 : memref<128x128xf32, #tpu.memory_space<vmem>>) offsets(%dma_start3A_294 : memref<128xi32, #tpu.memory_space<vmem>>) semaphore(%arg11 : memref<!tpu.dma_semaphore, #tpu.memory_space<semaphore_mem>>)
      %dma_wait3A_298 = arith.constant 768 : i32
      %dma_wait3A_299 = tpu.memref_slice %arg5[%dma_wait3A_298] : memref<1024xi32, #tpu.memory_space<vmem>> -> memref<128xi32, #tpu.memory_space<vmem>>
      %dma_wait3A_300 = arith.constant 0 : i32
      %dma_wait3A_301 = arith.constant 0 : i32
      %dma_wait3A_302 = tpu.memref_slice %arg3[%dma_wait3A_300, %dma_wait3A_301] : memref<8000x128xf32, #tpu.memory_space<hbm>> -> memref<8000x128xf32, #tpu.memory_space<hbm>>
      tpu.wait_indirect_dma semaphore(%arg10 : memref<!tpu.dma_semaphore, #tpu.memory_space<semaphore_mem>>) src(%dma_wait3A_302 : memref<8000x128xf32, #tpu.memory_space<hbm>>) dst(%arg6 : memref<128x128xf32, #tpu.memory_space<vmem>>)
      %dma_wait3A_303 = arith.constant 0 : i32
      %dma_wait3A_304 = arith.constant 0 : i32
      %dma_wait3A_305 = tpu.memref_slice %arg8[%dma_wait3A_303, %dma_wait3A_304] : memref<128x128xf32, #tpu.memory_space<vmem>> -> memref<128x128xf32, #tpu.memory_space<vmem>>
      %dma_wait3A_306 = arith.constant 512 : i32
      %dma_wait3A_307 = tpu.memref_slice %arg4[%select_n3A_57, %dma_wait3A_306, %multiple_of3A_240] : memref<50x1000x1024xf32, #tpu.memory_space<hbm>> -> memref<1x128x128xf32, #tpu.memory_space<hbm>>
      %dma_wait3A_308 = tpu.memref_squeeze %dma_wait3A_307 : memref<1x128x128xf32, #tpu.memory_space<hbm>> -> memref<128x128xf32, #tpu.memory_space<hbm>>
      %dma_wait3A_309 = arith.constant 512 : i32
      %dma_wait3A_310 = tpu.memref_slice %arg4[%select_n3A_57, %dma_wait3A_309, %multiple_of3A_240] : memref<50x1000x1024xf32, #tpu.memory_space<hbm>> -> memref<1x128x128xf32, #tpu.memory_space<hbm>>
      %dma_wait3A_311 = tpu.memref_squeeze %dma_wait3A_310 : memref<1x128x128xf32, #tpu.memory_space<hbm>> -> memref<128x128xf32, #tpu.memory_space<hbm>>
      %dma_wait3A_312 = arith.constant 0 : i32
      %dma_wait3A_313 = arith.constant 0 : i32
      %dma_wait3A_314 = tpu.memref_slice %arg8[%dma_wait3A_312, %dma_wait3A_313] : memref<128x128xf32, #tpu.memory_space<vmem>> -> memref<128x128xf32, #tpu.memory_space<vmem>>
      tpu.wait_dma2 semaphore(%arg12 : memref<!tpu.dma_semaphore, #tpu.memory_space<semaphore_mem>>) src(%dma_wait3A_314 : memref<128x128xf32, #tpu.memory_space<vmem>>) dst(%dma_wait3A_311 : memref<128x128xf32, #tpu.memory_space<hbm>>)
      %parallel_loop3A_315 = arith.constant 0 : i32
      %parallel_loop3A_316 = arith.constant 128 : i32
      %parallel_loop3A_317 = arith.constant 1 : i32
      scf.for %parallel_loop3A_392 = %parallel_loop3A_315 to %parallel_loop3A_316 step %parallel_loop3A_317  : i32 {
        %parallel_loop3A_393 = vector.broadcast %parallel_loop3A_392 : i32 to vector<16xi32>
        %parallel_loop3A_394 = arith.constant -16 : i32
        %parallel_loop3A_395 = arith.andi %parallel_loop3A_392, %parallel_loop3A_394 : i32
        %parallel_loop3A_396 = vector.broadcast %parallel_loop3A_395 : i32 to vector<16xi32>
        %parallel_loop3A_397 = arith.addi %iota3A, %parallel_loop3A_393 : vector<16xi32>
        %parallel_loop3A_398 = arith.constant 15 : i32
        %parallel_loop3A_399 = vector.broadcast %parallel_loop3A_398 : i32 to vector<16xi32>
        %parallel_loop3A_400 = arith.andi %parallel_loop3A_397, %parallel_loop3A_399 : vector<16xi32>
        %parallel_loop3A_401 = arith.addi %parallel_loop3A_400, %parallel_loop3A_396 : vector<16xi32>
        %parallel_loop3A_402 = tpu.vector_load_idx %arg6[%add3A_5, %parallel_loop3A_401] : memref<128x128xf32, #tpu.memory_space<vmem>>[vector<16xi32>, vector<16xi32>], vector<16xf32>,
        tpu.vector_store_idx %arg8[%parallel_loop3A_401, %add3A_5], %parallel_loop3A_402 : memref<128x128xf32, #tpu.memory_space<vmem>>[vector<16xi32>, vector<16xi32>], vector<16xf32>,
        %parallel_loop3A_403 = tpu.vector_load_idx %arg6[%add3A_8, %parallel_loop3A_401] : memref<128x128xf32, #tpu.memory_space<vmem>>[vector<16xi32>, vector<16xi32>], vector<16xf32>,
        tpu.vector_store_idx %arg8[%parallel_loop3A_401, %add3A_8], %parallel_loop3A_403 : memref<128x128xf32, #tpu.memory_space<vmem>>[vector<16xi32>, vector<16xi32>], vector<16xf32>,
        %parallel_loop3A_404 = tpu.vector_load_idx %arg6[%add3A_11, %parallel_loop3A_401] : memref<128x128xf32, #tpu.memory_space<vmem>>[vector<16xi32>, vector<16xi32>], vector<16xf32>,
        tpu.vector_store_idx %arg8[%parallel_loop3A_401, %add3A_11], %parallel_loop3A_404 : memref<128x128xf32, #tpu.memory_space<vmem>>[vector<16xi32>, vector<16xi32>], vector<16xf32>,
        %parallel_loop3A_405 = tpu.vector_load_idx %arg6[%add3A_14, %parallel_loop3A_401] : memref<128x128xf32, #tpu.memory_space<vmem>>[vector<16xi32>, vector<16xi32>], vector<16xf32>,
        tpu.vector_store_idx %arg8[%parallel_loop3A_401, %add3A_14], %parallel_loop3A_405 : memref<128x128xf32, #tpu.memory_space<vmem>>[vector<16xi32>, vector<16xi32>], vector<16xf32>,
        %parallel_loop3A_406 = tpu.vector_load_idx %arg6[%add3A_17, %parallel_loop3A_401] : memref<128x128xf32, #tpu.memory_space<vmem>>[vector<16xi32>, vector<16xi32>], vector<16xf32>,
        tpu.vector_store_idx %arg8[%parallel_loop3A_401, %add3A_17], %parallel_loop3A_406 : memref<128x128xf32, #tpu.memory_space<vmem>>[vector<16xi32>, vector<16xi32>], vector<16xf32>,
        %parallel_loop3A_407 = tpu.vector_load_idx %arg6[%add3A_20, %parallel_loop3A_401] : memref<128x128xf32, #tpu.memory_space<vmem>>[vector<16xi32>, vector<16xi32>], vector<16xf32>,
        tpu.vector_store_idx %arg8[%parallel_loop3A_401, %add3A_20], %parallel_loop3A_407 : memref<128x128xf32, #tpu.memory_space<vmem>>[vector<16xi32>, vector<16xi32>], vector<16xf32>,
        %parallel_loop3A_408 = tpu.vector_load_idx %arg6[%add3A_23, %parallel_loop3A_401] : memref<128x128xf32, #tpu.memory_space<vmem>>[vector<16xi32>, vector<16xi32>], vector<16xf32>,
        tpu.vector_store_idx %arg8[%parallel_loop3A_401, %add3A_23], %parallel_loop3A_408 : memref<128x128xf32, #tpu.memory_space<vmem>>[vector<16xi32>, vector<16xi32>], vector<16xf32>,
        %parallel_loop3A_409 = tpu.vector_load_idx %arg6[%add3A_26, %parallel_loop3A_401] : memref<128x128xf32, #tpu.memory_space<vmem>>[vector<16xi32>, vector<16xi32>], vector<16xf32>,
        tpu.vector_store_idx %arg8[%parallel_loop3A_401, %add3A_26], %parallel_loop3A_409 : memref<128x128xf32, #tpu.memory_space<vmem>>[vector<16xi32>, vector<16xi32>], vector<16xf32>,
      } {sc.loop_unroll_factor = 2 : i64, sc.parallel_access}
      %mul3A_318 = arith.constant 128 : i32
      %mul3A_319 = arith.muli %select_n3A_72, %mul3A_318 : i32
      %multiple_of3A_320 = tpu.assume_multiple %mul3A_319, 128 : i32
      %dma_start3A_321 = arith.constant 0 : i32
      %dma_start3A_322 = arith.constant 0 : i32
      %dma_start3A_323 = tpu.memref_slice %arg8[%dma_start3A_321, %dma_start3A_322] : memref<128x128xf32, #tpu.memory_space<vmem>> -> memref<128x128xf32, #tpu.memory_space<vmem>>
      %dma_start3A_324 = arith.constant 768 : i32
      %dma_start3A_325 = tpu.memref_slice %arg4[%select_n3A_57, %dma_start3A_324, %multiple_of3A_320] : memref<50x1000x1024xf32, #tpu.memory_space<hbm>> -> memref<1x128x128xf32, #tpu.memory_space<hbm>>
      %dma_start3A_326 = tpu.memref_squeeze %dma_start3A_325 : memref<1x128x128xf32, #tpu.memory_space<hbm>> -> memref<128x128xf32, #tpu.memory_space<hbm>>
      %dma_start3A_327 = arith.constant 768 : i32
      %dma_start3A_328 = tpu.memref_slice %arg4[%select_n3A_57, %dma_start3A_327, %multiple_of3A_320] : memref<50x1000x1024xf32, #tpu.memory_space<hbm>> -> memref<1x128x128xf32, #tpu.memory_space<hbm>>
      %dma_start3A_329 = tpu.memref_squeeze %dma_start3A_328 : memref<1x128x128xf32, #tpu.memory_space<hbm>> -> memref<128x128xf32, #tpu.memory_space<hbm>>
      %dma_start3A_330 = arith.constant 0 : i32
      %dma_start3A_331 = arith.constant 0 : i32
      %dma_start3A_332 = tpu.memref_slice %arg8[%dma_start3A_330, %dma_start3A_331] : memref<128x128xf32, #tpu.memory_space<vmem>> -> memref<128x128xf32, #tpu.memory_space<vmem>>
      tpu.enqueue_dma source(%dma_start3A_332 : memref<128x128xf32, #tpu.memory_space<vmem>>) target(%dma_start3A_329 : memref<128x128xf32, #tpu.memory_space<hbm>>) target_semaphore(%arg12 : memref<!tpu.dma_semaphore, #tpu.memory_space<semaphore_mem>>)
      %dma_wait3A_333 = arith.constant 896 : i32
      %dma_wait3A_334 = tpu.memref_slice %arg5[%dma_wait3A_333] : memref<1024xi32, #tpu.memory_space<vmem>> -> memref<128xi32, #tpu.memory_space<vmem>>
      %dma_wait3A_335 = arith.constant 0 : i32
      %dma_wait3A_336 = arith.constant 0 : i32
      %dma_wait3A_337 = tpu.memref_slice %arg3[%dma_wait3A_335, %dma_wait3A_336] : memref<8000x128xf32, #tpu.memory_space<hbm>> -> memref<8000x128xf32, #tpu.memory_space<hbm>>
      tpu.wait_indirect_dma semaphore(%arg11 : memref<!tpu.dma_semaphore, #tpu.memory_space<semaphore_mem>>) src(%dma_wait3A_337 : memref<8000x128xf32, #tpu.memory_space<hbm>>) dst(%arg7 : memref<128x128xf32, #tpu.memory_space<vmem>>)
      %dma_wait3A_338 = arith.constant 0 : i32
      %dma_wait3A_339 = arith.constant 0 : i32
      %dma_wait3A_340 = tpu.memref_slice %arg9[%dma_wait3A_338, %dma_wait3A_339] : memref<128x128xf32, #tpu.memory_space<vmem>> -> memref<128x128xf32, #tpu.memory_space<vmem>>
      %dma_wait3A_341 = arith.constant 640 : i32
      %dma_wait3A_342 = tpu.memref_slice %arg4[%select_n3A_57, %dma_wait3A_341, %multiple_of3A_280] : memref<50x1000x1024xf32, #tpu.memory_space<hbm>> -> memref<1x128x128xf32, #tpu.memory_space<hbm>>
      %dma_wait3A_343 = tpu.memref_squeeze %dma_wait3A_342 : memref<1x128x128xf32, #tpu.memory_space<hbm>> -> memref<128x128xf32, #tpu.memory_space<hbm>>
      %dma_wait3A_344 = arith.constant 640 : i32
      %dma_wait3A_345 = tpu.memref_slice %arg4[%select_n3A_57, %dma_wait3A_344, %multiple_of3A_280] : memref<50x1000x1024xf32, #tpu.memory_space<hbm>> -> memref<1x128x128xf32, #tpu.memory_space<hbm>>
      %dma_wait3A_346 = tpu.memref_squeeze %dma_wait3A_345 : memref<1x128x128xf32, #tpu.memory_space<hbm>> -> memref<128x128xf32, #tpu.memory_space<hbm>>
      %dma_wait3A_347 = arith.constant 0 : i32
      %dma_wait3A_348 = arith.constant 0 : i32
      %dma_wait3A_349 = tpu.memref_slice %arg9[%dma_wait3A_347, %dma_wait3A_348] : memref<128x128xf32, #tpu.memory_space<vmem>> -> memref<128x128xf32, #tpu.memory_space<vmem>>
      tpu.wait_dma2 semaphore(%arg13 : memref<!tpu.dma_semaphore, #tpu.memory_space<semaphore_mem>>) src(%dma_wait3A_349 : memref<128x128xf32, #tpu.memory_space<vmem>>) dst(%dma_wait3A_346 : memref<128x128xf32, #tpu.memory_space<hbm>>)
      %parallel_loop3A_350 = arith.constant 0 : i32
      %parallel_loop3A_351 = arith.constant 128 : i32
      %parallel_loop3A_352 = arith.constant 1 : i32
      scf.for %parallel_loop3A_392 = %parallel_loop3A_350 to %parallel_loop3A_351 step %parallel_loop3A_352  : i32 {
        %parallel_loop3A_393 = vector.broadcast %parallel_loop3A_392 : i32 to vector<16xi32>
        %parallel_loop3A_394 = arith.constant -16 : i32
        %parallel_loop3A_395 = arith.andi %parallel_loop3A_392, %parallel_loop3A_394 : i32
        %parallel_loop3A_396 = vector.broadcast %parallel_loop3A_395 : i32 to vector<16xi32>
        %parallel_loop3A_397 = arith.addi %iota3A, %parallel_loop3A_393 : vector<16xi32>
        %parallel_loop3A_398 = arith.constant 15 : i32
        %parallel_loop3A_399 = vector.broadcast %parallel_loop3A_398 : i32 to vector<16xi32>
        %parallel_loop3A_400 = arith.andi %parallel_loop3A_397, %parallel_loop3A_399 : vector<16xi32>
        %parallel_loop3A_401 = arith.addi %parallel_loop3A_400, %parallel_loop3A_396 : vector<16xi32>
        %parallel_loop3A_402 = tpu.vector_load_idx %arg7[%add3A_5, %parallel_loop3A_401] : memref<128x128xf32, #tpu.memory_space<vmem>>[vector<16xi32>, vector<16xi32>], vector<16xf32>,
        tpu.vector_store_idx %arg9[%parallel_loop3A_401, %add3A_5], %parallel_loop3A_402 : memref<128x128xf32, #tpu.memory_space<vmem>>[vector<16xi32>, vector<16xi32>], vector<16xf32>,
        %parallel_loop3A_403 = tpu.vector_load_idx %arg7[%add3A_8, %parallel_loop3A_401] : memref<128x128xf32, #tpu.memory_space<vmem>>[vector<16xi32>, vector<16xi32>], vector<16xf32>,
        tpu.vector_store_idx %arg9[%parallel_loop3A_401, %add3A_8], %parallel_loop3A_403 : memref<128x128xf32, #tpu.memory_space<vmem>>[vector<16xi32>, vector<16xi32>], vector<16xf32>,
        %parallel_loop3A_404 = tpu.vector_load_idx %arg7[%add3A_11, %parallel_loop3A_401] : memref<128x128xf32, #tpu.memory_space<vmem>>[vector<16xi32>, vector<16xi32>], vector<16xf32>,
        tpu.vector_store_idx %arg9[%parallel_loop3A_401, %add3A_11], %parallel_loop3A_404 : memref<128x128xf32, #tpu.memory_space<vmem>>[vector<16xi32>, vector<16xi32>], vector<16xf32>,
        %parallel_loop3A_405 = tpu.vector_load_idx %arg7[%add3A_14, %parallel_loop3A_401] : memref<128x128xf32, #tpu.memory_space<vmem>>[vector<16xi32>, vector<16xi32>], vector<16xf32>,
        tpu.vector_store_idx %arg9[%parallel_loop3A_401, %add3A_14], %parallel_loop3A_405 : memref<128x128xf32, #tpu.memory_space<vmem>>[vector<16xi32>, vector<16xi32>], vector<16xf32>,
        %parallel_loop3A_406 = tpu.vector_load_idx %arg7[%add3A_17, %parallel_loop3A_401] : memref<128x128xf32, #tpu.memory_space<vmem>>[vector<16xi32>, vector<16xi32>], vector<16xf32>,
        tpu.vector_store_idx %arg9[%parallel_loop3A_401, %add3A_17], %parallel_loop3A_406 : memref<128x128xf32, #tpu.memory_space<vmem>>[vector<16xi32>, vector<16xi32>], vector<16xf32>,
        %parallel_loop3A_407 = tpu.vector_load_idx %arg7[%add3A_20, %parallel_loop3A_401] : memref<128x128xf32, #tpu.memory_space<vmem>>[vector<16xi32>, vector<16xi32>], vector<16xf32>,
        tpu.vector_store_idx %arg9[%parallel_loop3A_401, %add3A_20], %parallel_loop3A_407 : memref<128x128xf32, #tpu.memory_space<vmem>>[vector<16xi32>, vector<16xi32>], vector<16xf32>,
        %parallel_loop3A_408 = tpu.vector_load_idx %arg7[%add3A_23, %parallel_loop3A_401] : memref<128x128xf32, #tpu.memory_space<vmem>>[vector<16xi32>, vector<16xi32>], vector<16xf32>,
        tpu.vector_store_idx %arg9[%parallel_loop3A_401, %add3A_23], %parallel_loop3A_408 : memref<128x128xf32, #tpu.memory_space<vmem>>[vector<16xi32>, vector<16xi32>], vector<16xf32>,
        %parallel_loop3A_409 = tpu.vector_load_idx %arg7[%add3A_26, %parallel_loop3A_401] : memref<128x128xf32, #tpu.memory_space<vmem>>[vector<16xi32>, vector<16xi32>], vector<16xf32>,
        tpu.vector_store_idx %arg9[%parallel_loop3A_401, %add3A_26], %parallel_loop3A_409 : memref<128x128xf32, #tpu.memory_space<vmem>>[vector<16xi32>, vector<16xi32>], vector<16xf32>,
      } {sc.loop_unroll_factor = 2 : i64, sc.parallel_access}
      %mul3A_353 = arith.constant 128 : i32
      %mul3A_354 = arith.muli %select_n3A_72, %mul3A_353 : i32
      %multiple_of3A_355 = tpu.assume_multiple %mul3A_354, 128 : i32
      %dma_start3A_356 = arith.constant 0 : i32
      %dma_start3A_357 = arith.constant 0 : i32
      %dma_start3A_358 = tpu.memref_slice %arg9[%dma_start3A_356, %dma_start3A_357] : memref<128x128xf32, #tpu.memory_space<vmem>> -> memref<104x128xf32, #tpu.memory_space<vmem>>
      %dma_start3A_359 = arith.constant 896 : i32
      %dma_start3A_360 = tpu.memref_slice %arg4[%select_n3A_57, %dma_start3A_359, %multiple_of3A_355] : memref<50x1000x1024xf32, #tpu.memory_space<hbm>> -> memref<1x104x128xf32, #tpu.memory_space<hbm>>
      %dma_start3A_361 = tpu.memref_squeeze %dma_start3A_360 : memref<1x104x128xf32, #tpu.memory_space<hbm>> -> memref<104x128xf32, #tpu.memory_space<hbm>>
      %dma_start3A_362 = arith.constant 896 : i32
      %dma_start3A_363 = tpu.memref_slice %arg4[%select_n3A_57, %dma_start3A_362, %multiple_of3A_355] : memref<50x1000x1024xf32, #tpu.memory_space<hbm>> -> memref<1x104x128xf32, #tpu.memory_space<hbm>>
      %dma_start3A_364 = tpu.memref_squeeze %dma_start3A_363 : memref<1x104x128xf32, #tpu.memory_space<hbm>> -> memref<104x128xf32, #tpu.memory_space<hbm>>
      %dma_start3A_365 = arith.constant 0 : i32
      %dma_start3A_366 = arith.constant 0 : i32
      %dma_start3A_367 = tpu.memref_slice %arg9[%dma_start3A_365, %dma_start3A_366] : memref<128x128xf32, #tpu.memory_space<vmem>> -> memref<104x128xf32, #tpu.memory_space<vmem>>
      tpu.enqueue_dma source(%dma_start3A_367 : memref<104x128xf32, #tpu.memory_space<vmem>>) target(%dma_start3A_364 : memref<104x128xf32, #tpu.memory_space<hbm>>) target_semaphore(%arg13 : memref<!tpu.dma_semaphore, #tpu.memory_space<semaphore_mem>>)
      %dma_wait3A_368 = arith.constant 0 : i32
      %dma_wait3A_369 = arith.constant 0 : i32
      %dma_wait3A_370 = tpu.memref_slice %arg8[%dma_wait3A_368, %dma_wait3A_369] : memref<128x128xf32, #tpu.memory_space<vmem>> -> memref<128x128xf32, #tpu.memory_space<vmem>>
      %dma_wait3A_371 = arith.constant 768 : i32
      %dma_wait3A_372 = tpu.memref_slice %arg4[%select_n3A_57, %dma_wait3A_371, %multiple_of3A_320] : memref<50x1000x1024xf32, #tpu.memory_space<hbm>> -> memref<1x128x128xf32, #tpu.memory_space<hbm>>
      %dma_wait3A_373 = tpu.memref_squeeze %dma_wait3A_372 : memref<1x128x128xf32, #tpu.memory_space<hbm>> -> memref<128x128xf32, #tpu.memory_space<hbm>>
      %dma_wait3A_374 = arith.constant 768 : i32
      %dma_wait3A_375 = tpu.memref_slice %arg4[%select_n3A_57, %dma_wait3A_374, %multiple_of3A_320] : memref<50x1000x1024xf32, #tpu.memory_space<hbm>> -> memref<1x128x128xf32, #tpu.memory_space<hbm>>
      %dma_wait3A_376 = tpu.memref_squeeze %dma_wait3A_375 : memref<1x128x128xf32, #tpu.memory_space<hbm>> -> memref<128x128xf32, #tpu.memory_space<hbm>>
      %dma_wait3A_377 = arith.constant 0 : i32
      %dma_wait3A_378 = arith.constant 0 : i32
      %dma_wait3A_379 = tpu.memref_slice %arg8[%dma_wait3A_377, %dma_wait3A_378] : memref<128x128xf32, #tpu.memory_space<vmem>> -> memref<128x128xf32, #tpu.memory_space<vmem>>
      tpu.wait_dma2 semaphore(%arg12 : memref<!tpu.dma_semaphore, #tpu.memory_space<semaphore_mem>>) src(%dma_wait3A_379 : memref<128x128xf32, #tpu.memory_space<vmem>>) dst(%dma_wait3A_376 : memref<128x128xf32, #tpu.memory_space<hbm>>)
      %dma_wait3A_380 = arith.constant 0 : i32
      %dma_wait3A_381 = arith.constant 0 : i32
      %dma_wait3A_382 = tpu.memref_slice %arg9[%dma_wait3A_380, %dma_wait3A_381] : memref<128x128xf32, #tpu.memory_space<vmem>> -> memref<104x128xf32, #tpu.memory_space<vmem>>
      %dma_wait3A_383 = arith.constant 896 : i32
      %dma_wait3A_384 = tpu.memref_slice %arg4[%select_n3A_57, %dma_wait3A_383, %multiple_of3A_355] : memref<50x1000x1024xf32, #tpu.memory_space<hbm>> -> memref<1x104x128xf32, #tpu.memory_space<hbm>>
      %dma_wait3A_385 = tpu.memref_squeeze %dma_wait3A_384 : memref<1x104x128xf32, #tpu.memory_space<hbm>> -> memref<104x128xf32, #tpu.memory_space<hbm>>
      %dma_wait3A_386 = arith.constant 896 : i32
      %dma_wait3A_387 = tpu.memref_slice %arg4[%select_n3A_57, %dma_wait3A_386, %multiple_of3A_355] : memref<50x1000x1024xf32, #tpu.memory_space<hbm>> -> memref<1x104x128xf32, #tpu.memory_space<hbm>>
      %dma_wait3A_388 = tpu.memref_squeeze %dma_wait3A_387 : memref<1x104x128xf32, #tpu.memory_space<hbm>> -> memref<104x128xf32, #tpu.memory_space<hbm>>
      %dma_wait3A_389 = arith.constant 0 : i32
      %dma_wait3A_390 = arith.constant 0 : i32
      %dma_wait3A_391 = tpu.memref_slice %arg9[%dma_wait3A_389, %dma_wait3A_390] : memref<128x128xf32, #tpu.memory_space<vmem>> -> memref<104x128xf32, #tpu.memory_space<vmem>>
      tpu.wait_dma2 semaphore(%arg13 : memref<!tpu.dma_semaphore, #tpu.memory_space<semaphore_mem>>) src(%dma_wait3A_391 : memref<104x128xf32, #tpu.memory_space<vmem>>) dst(%dma_wait3A_388 : memref<104x128xf32, #tpu.memory_space<hbm>>)
    }
    %while3A_35 = arith.constant 1 : i32
    scf.for %while3A_36 = %while3A_33 to %while3A_29 step %while3A_35  : i32 {
      %mul3A_37 = arith.constant 32 : i32
      %mul3A_38 = arith.muli %while3A_36, %mul3A_37 : i32
      %add3A_39 = arith.addi %add3A, %mul3A_38 : i32
      %jit3A_40 = arith.constant 8 : i32
      %div3A = arith.divsi %add3A_39, %jit3A_40 : i32
      %sign3A = arith.constant 0 : i32
      %sign3A_41 = arith.cmpi sgt, %add3A_39, %sign3A : i32
      %sign3A_42 = arith.extui %sign3A_41 : i1 to i32
      %sign3A_43 = arith.constant 0 : i32
      %sign3A_44 = arith.cmpi slt, %add3A_39, %sign3A_43 : i32
      %sign3A_45 = arith.extui %sign3A_44 : i1 to i32
      %sign3A_46 = arith.subi %sign3A_42, %sign3A_45 : i32
      %sign3A_47 = arith.constant 0 : i32
      %sign3A_48 = arith.cmpi sgt, %jit3A_40, %sign3A_47 : i32
      %sign3A_49 = arith.extui %sign3A_48 : i1 to i32
      %sign3A_50 = arith.constant 0 : i32
      %sign3A_51 = arith.cmpi slt, %jit3A_40, %sign3A_50 : i32
      %sign3A_52 = arith.extui %sign3A_51 : i1 to i32
      %sign3A_53 = arith.subi %sign3A_49, %sign3A_52 : i32
      %ne3A = arith.cmpi ne, %sign3A_46, %sign3A_53 : i32
      %rem3A = arith.remsi %add3A_39, %jit3A_40 : i32
      %ne3A_54 = arith.constant 0 : i32
      %ne3A_55 = arith.cmpi ne, %rem3A, %ne3A_54 : i32
      %and3A = arith.andi %ne3A, %ne3A_55 : i1
      %sub3A = arith.constant 1 : i32
      %sub3A_56 = arith.subi %div3A, %sub3A : i32
      %select_n3A_57 = arith.select %and3A, %sub3A_56, %div3A : i32
      %jit3A_58 = arith.constant 8 : i32
      %eq3A = arith.constant 0 : i32
      %eq3A_59 = arith.cmpi eq, %jit3A_58, %eq3A : i32
      %jit3A_60 = arith.constant 1 : i32
      %select_n3A_61 = arith.select %eq3A_59, %jit3A_60, %jit3A_58 : i32
      %rem3A_62 = arith.remsi %add3A_39, %select_n3A_61 : i32
      %ne3A_63 = arith.constant 0 : i32
      %ne3A_64 = arith.cmpi ne, %rem3A_62, %ne3A_63 : i32
      %lt3A_65 = arith.constant 0 : i32
      %lt3A_66 = arith.cmpi slt, %rem3A_62, %lt3A_65 : i32
      %lt3A_67 = arith.constant 0 : i32
      %lt3A_68 = arith.cmpi slt, %select_n3A_61, %lt3A_67 : i32
      %ne3A_69 = arith.xori %lt3A_66, %lt3A_68 : i1
      %and3A_70 = arith.andi %ne3A_69, %ne3A_64 : i1
      %add3A_71 = arith.addi %rem3A_62, %select_n3A_61 : i32
      %select_n3A_72 = arith.select %and3A_70, %add3A_71, %rem3A_62 : i32
      %mul3A_73 = arith.constant 1024 : i32
      %mul3A_74 = arith.muli %add3A_39, %mul3A_73 : i32
      %multiple_of3A = tpu.assume_multiple %mul3A_74, 128 : i32
      "tpu.region"() ({
        %run_scoped3A = tpu.sem_alloc : memref<!tpu.dma_semaphore, #tpu.memory_space<semaphore_mem>>
        %dma_start3A_392 = tpu.memref_slice %arg2[%multiple_of3A] : memref<409600xi32, #tpu.memory_space<hbm>> -> memref<1024xi32, #tpu.memory_space<hbm>>
        %dma_start3A_393 = tpu.memref_slice %arg2[%multiple_of3A] : memref<409600xi32, #tpu.memory_space<hbm>> -> memref<1024xi32, #tpu.memory_space<hbm>>
        tpu.enqueue_dma source(%dma_start3A_393 : memref<1024xi32, #tpu.memory_space<hbm>>) target(%arg5 : memref<1024xi32, #tpu.memory_space<vmem>>) target_semaphore(%run_scoped3A : memref<!tpu.dma_semaphore, #tpu.memory_space<semaphore_mem>>)
        %dma_wait3A_394 = tpu.memref_slice %arg2[%multiple_of3A] : memref<409600xi32, #tpu.memory_space<hbm>> -> memref<1024xi32, #tpu.memory_space<hbm>>
        %dma_wait3A_395 = tpu.memref_slice %arg2[%multiple_of3A] : memref<409600xi32, #tpu.memory_space<hbm>> -> memref<1024xi32, #tpu.memory_space<hbm>>
        tpu.wait_dma2 semaphore(%run_scoped3A : memref<!tpu.dma_semaphore, #tpu.memory_space<semaphore_mem>>) src(%dma_wait3A_395 : memref<1024xi32, #tpu.memory_space<hbm>>) dst(%arg5 : memref<1024xi32, #tpu.memory_space<vmem>>)
        tpu.yield
      }) : () -> ()
      %dma_start3A = arith.constant 0 : i32
      %dma_start3A_75 = tpu.memref_slice %arg5[%dma_start3A] : memref<1024xi32, #tpu.memory_space<vmem>> -> memref<128xi32, #tpu.memory_space<vmem>>
      %dma_start3A_76 = arith.constant 0 : i32
      %dma_start3A_77 = arith.constant 0 : i32
      %dma_start3A_78 = tpu.memref_slice %arg3[%dma_start3A_76, %dma_start3A_77] : memref<8000x128xf32, #tpu.memory_space<hbm>> -> memref<8000x128xf32, #tpu.memory_space<hbm>>
      tpu.enqueue_indirect_dma source(%dma_start3A_78 : memref<8000x128xf32, #tpu.memory_space<hbm>>) target(%arg6 : memref<128x128xf32, #tpu.memory_space<vmem>>) offsets(%dma_start3A_75 : memref<128xi32, #tpu.memory_space<vmem>>) semaphore(%arg10 : memref<!tpu.dma_semaphore, #tpu.memory_space<semaphore_mem>>)
      %dma_start3A_79 = arith.constant 128 : i32
      %dma_start3A_80 = tpu.memref_slice %arg5[%dma_start3A_79] : memref<1024xi32, #tpu.memory_space<vmem>> -> memref<128xi32, #tpu.memory_space<vmem>>
      %dma_start3A_81 = arith.constant 0 : i32
      %dma_start3A_82 = arith.constant 0 : i32
      %dma_start3A_83 = tpu.memref_slice %arg3[%dma_start3A_81, %dma_start3A_82] : memref<8000x128xf32, #tpu.memory_space<hbm>> -> memref<8000x128xf32, #tpu.memory_space<hbm>>
      tpu.enqueue_indirect_dma source(%dma_start3A_83 : memref<8000x128xf32, #tpu.memory_space<hbm>>) target(%arg7 : memref<128x128xf32, #tpu.memory_space<vmem>>) offsets(%dma_start3A_80 : memref<128xi32, #tpu.memory_space<vmem>>) semaphore(%arg11 : memref<!tpu.dma_semaphore, #tpu.memory_space<semaphore_mem>>)
      %dma_wait3A = arith.constant 0 : i32
      %dma_wait3A_84 = tpu.memref_slice %arg5[%dma_wait3A] : memref<1024xi32, #tpu.memory_space<vmem>> -> memref<128xi32, #tpu.memory_space<vmem>>
      %dma_wait3A_85 = arith.constant 0 : i32
      %dma_wait3A_86 = arith.constant 0 : i32
      %dma_wait3A_87 = tpu.memref_slice %arg3[%dma_wait3A_85, %dma_wait3A_86] : memref<8000x128xf32, #tpu.memory_space<hbm>> -> memref<8000x128xf32, #tpu.memory_space<hbm>>
      tpu.wait_indirect_dma semaphore(%arg10 : memref<!tpu.dma_semaphore, #tpu.memory_space<semaphore_mem>>) src(%dma_wait3A_87 : memref<8000x128xf32, #tpu.memory_space<hbm>>) dst(%arg6 : memref<128x128xf32, #tpu.memory_space<vmem>>)
      %parallel_loop3A = arith.constant 0 : i32
      %parallel_loop3A_88 = arith.constant 128 : i32
      %parallel_loop3A_89 = arith.constant 1 : i32
      scf.for %parallel_loop3A_392 = %parallel_loop3A to %parallel_loop3A_88 step %parallel_loop3A_89  : i32 {
        %parallel_loop3A_393 = vector.broadcast %parallel_loop3A_392 : i32 to vector<16xi32>
        %parallel_loop3A_394 = arith.constant -16 : i32
        %parallel_loop3A_395 = arith.andi %parallel_loop3A_392, %parallel_loop3A_394 : i32
        %parallel_loop3A_396 = vector.broadcast %parallel_loop3A_395 : i32 to vector<16xi32>
        %parallel_loop3A_397 = arith.addi %iota3A, %parallel_loop3A_393 : vector<16xi32>
        %parallel_loop3A_398 = arith.constant 15 : i32
        %parallel_loop3A_399 = vector.broadcast %parallel_loop3A_398 : i32 to vector<16xi32>
        %parallel_loop3A_400 = arith.andi %parallel_loop3A_397, %parallel_loop3A_399 : vector<16xi32>
        %parallel_loop3A_401 = arith.addi %parallel_loop3A_400, %parallel_loop3A_396 : vector<16xi32>
        %parallel_loop3A_402 = tpu.vector_load_idx %arg6[%add3A_5, %parallel_loop3A_401] : memref<128x128xf32, #tpu.memory_space<vmem>>[vector<16xi32>, vector<16xi32>], vector<16xf32>,
        tpu.vector_store_idx %arg8[%parallel_loop3A_401, %add3A_5], %parallel_loop3A_402 : memref<128x128xf32, #tpu.memory_space<vmem>>[vector<16xi32>, vector<16xi32>], vector<16xf32>,
        %parallel_loop3A_403 = tpu.vector_load_idx %arg6[%add3A_8, %parallel_loop3A_401] : memref<128x128xf32, #tpu.memory_space<vmem>>[vector<16xi32>, vector<16xi32>], vector<16xf32>,
        tpu.vector_store_idx %arg8[%parallel_loop3A_401, %add3A_8], %parallel_loop3A_403 : memref<128x128xf32, #tpu.memory_space<vmem>>[vector<16xi32>, vector<16xi32>], vector<16xf32>,
        %parallel_loop3A_404 = tpu.vector_load_idx %arg6[%add3A_11, %parallel_loop3A_401] : memref<128x128xf32, #tpu.memory_space<vmem>>[vector<16xi32>, vector<16xi32>], vector<16xf32>,
        tpu.vector_store_idx %arg8[%parallel_loop3A_401, %add3A_11], %parallel_loop3A_404 : memref<128x128xf32, #tpu.memory_space<vmem>>[vector<16xi32>, vector<16xi32>], vector<16xf32>,
        %parallel_loop3A_405 = tpu.vector_load_idx %arg6[%add3A_14, %parallel_loop3A_401] : memref<128x128xf32, #tpu.memory_space<vmem>>[vector<16xi32>, vector<16xi32>], vector<16xf32>,
        tpu.vector_store_idx %arg8[%parallel_loop3A_401, %add3A_14], %parallel_loop3A_405 : memref<128x128xf32, #tpu.memory_space<vmem>>[vector<16xi32>, vector<16xi32>], vector<16xf32>,
        %parallel_loop3A_406 = tpu.vector_load_idx %arg6[%add3A_17, %parallel_loop3A_401] : memref<128x128xf32, #tpu.memory_space<vmem>>[vector<16xi32>, vector<16xi32>], vector<16xf32>,
        tpu.vector_store_idx %arg8[%parallel_loop3A_401, %add3A_17], %parallel_loop3A_406 : memref<128x128xf32, #tpu.memory_space<vmem>>[vector<16xi32>, vector<16xi32>], vector<16xf32>,
        %parallel_loop3A_407 = tpu.vector_load_idx %arg6[%add3A_20, %parallel_loop3A_401] : memref<128x128xf32, #tpu.memory_space<vmem>>[vector<16xi32>, vector<16xi32>], vector<16xf32>,
        tpu.vector_store_idx %arg8[%parallel_loop3A_401, %add3A_20], %parallel_loop3A_407 : memref<128x128xf32, #tpu.memory_space<vmem>>[vector<16xi32>, vector<16xi32>], vector<16xf32>,
        %parallel_loop3A_408 = tpu.vector_load_idx %arg6[%add3A_23, %parallel_loop3A_401] : memref<128x128xf32, #tpu.memory_space<vmem>>[vector<16xi32>, vector<16xi32>], vector<16xf32>,
        tpu.vector_store_idx %arg8[%parallel_loop3A_401, %add3A_23], %parallel_loop3A_408 : memref<128x128xf32, #tpu.memory_space<vmem>>[vector<16xi32>, vector<16xi32>], vector<16xf32>,
        %parallel_loop3A_409 = tpu.vector_load_idx %arg6[%add3A_26, %parallel_loop3A_401] : memref<128x128xf32, #tpu.memory_space<vmem>>[vector<16xi32>, vector<16xi32>], vector<16xf32>,
        tpu.vector_store_idx %arg8[%parallel_loop3A_401, %add3A_26], %parallel_loop3A_409 : memref<128x128xf32, #tpu.memory_space<vmem>>[vector<16xi32>, vector<16xi32>], vector<16xf32>,
      } {sc.loop_unroll_factor = 2 : i64, sc.parallel_access}
      %mul3A_90 = arith.constant 128 : i32
      %mul3A_91 = arith.muli %select_n3A_72, %mul3A_90 : i32
      %multiple_of3A_92 = tpu.assume_multiple %mul3A_91, 128 : i32
      %dma_start3A_93 = arith.constant 0 : i32
      %dma_start3A_94 = arith.constant 0 : i32
      %dma_start3A_95 = tpu.memref_slice %arg8[%dma_start3A_93, %dma_start3A_94] : memref<128x128xf32, #tpu.memory_space<vmem>> -> memref<128x128xf32, #tpu.memory_space<vmem>>
      %dma_start3A_96 = arith.constant 0 : i32
      %dma_start3A_97 = tpu.memref_slice %arg4[%select_n3A_57, %dma_start3A_96, %multiple_of3A_92] : memref<50x1000x1024xf32, #tpu.memory_space<hbm>> -> memref<1x128x128xf32, #tpu.memory_space<hbm>>
      %dma_start3A_98 = tpu.memref_squeeze %dma_start3A_97 : memref<1x128x128xf32, #tpu.memory_space<hbm>> -> memref<128x128xf32, #tpu.memory_space<hbm>>
      %dma_start3A_99 = arith.constant 0 : i32
      %dma_start3A_100 = tpu.memref_slice %arg4[%select_n3A_57, %dma_start3A_99, %multiple_of3A_92] : memref<50x1000x1024xf32, #tpu.memory_space<hbm>> -> memref<1x128x128xf32, #tpu.memory_space<hbm>>
      %dma_start3A_101 = tpu.memref_squeeze %dma_start3A_100 : memref<1x128x128xf32, #tpu.memory_space<hbm>> -> memref<128x128xf32, #tpu.memory_space<hbm>>
      %dma_start3A_102 = arith.constant 0 : i32
      %dma_start3A_103 = arith.constant 0 : i32
      %dma_start3A_104 = tpu.memref_slice %arg8[%dma_start3A_102, %dma_start3A_103] : memref<128x128xf32, #tpu.memory_space<vmem>> -> memref<128x128xf32, #tpu.memory_space<vmem>>
      tpu.enqueue_dma source(%dma_start3A_104 : memref<128x128xf32, #tpu.memory_space<vmem>>) target(%dma_start3A_101 : memref<128x128xf32, #tpu.memory_space<hbm>>) target_semaphore(%arg12 : memref<!tpu.dma_semaphore, #tpu.memory_space<semaphore_mem>>)
      %dma_start3A_105 = arith.constant 256 : i32
      %dma_start3A_106 = tpu.memref_slice %arg5[%dma_start3A_105] : memref<1024xi32, #tpu.memory_space<vmem>> -> memref<128xi32, #tpu.memory_space<vmem>>
      %dma_start3A_107 = arith.constant 0 : i32
      %dma_start3A_108 = arith.constant 0 : i32
      %dma_start3A_109 = tpu.memref_slice %arg3[%dma_start3A_107, %dma_start3A_108] : memref<8000x128xf32, #tpu.memory_space<hbm>> -> memref<8000x128xf32, #tpu.memory_space<hbm>>
      tpu.enqueue_indirect_dma source(%dma_start3A_109 : memref<8000x128xf32, #tpu.memory_space<hbm>>) target(%arg6 : memref<128x128xf32, #tpu.memory_space<vmem>>) offsets(%dma_start3A_106 : memref<128xi32, #tpu.memory_space<vmem>>) semaphore(%arg10 : memref<!tpu.dma_semaphore, #tpu.memory_space<semaphore_mem>>)
      %dma_wait3A_110 = arith.constant 128 : i32
      %dma_wait3A_111 = tpu.memref_slice %arg5[%dma_wait3A_110] : memref<1024xi32, #tpu.memory_space<vmem>> -> memref<128xi32, #tpu.memory_space<vmem>>
      %dma_wait3A_112 = arith.constant 0 : i32
      %dma_wait3A_113 = arith.constant 0 : i32
      %dma_wait3A_114 = tpu.memref_slice %arg3[%dma_wait3A_112, %dma_wait3A_113] : memref<8000x128xf32, #tpu.memory_space<hbm>> -> memref<8000x128xf32, #tpu.memory_space<hbm>>
      tpu.wait_indirect_dma semaphore(%arg11 : memref<!tpu.dma_semaphore, #tpu.memory_space<semaphore_mem>>) src(%dma_wait3A_114 : memref<8000x128xf32, #tpu.memory_space<hbm>>) dst(%arg7 : memref<128x128xf32, #tpu.memory_space<vmem>>)
      %parallel_loop3A_115 = arith.constant 0 : i32
      %parallel_loop3A_116 = arith.constant 128 : i32
      %parallel_loop3A_117 = arith.constant 1 : i32
      scf.for %parallel_loop3A_392 = %parallel_loop3A_115 to %parallel_loop3A_116 step %parallel_loop3A_117  : i32 {
        %parallel_loop3A_393 = vector.broadcast %parallel_loop3A_392 : i32 to vector<16xi32>
        %parallel_loop3A_394 = arith.constant -16 : i32
        %parallel_loop3A_395 = arith.andi %parallel_loop3A_392, %parallel_loop3A_394 : i32
        %parallel_loop3A_396 = vector.broadcast %parallel_loop3A_395 : i32 to vector<16xi32>
        %parallel_loop3A_397 = arith.addi %iota3A, %parallel_loop3A_393 : vector<16xi32>
        %parallel_loop3A_398 = arith.constant 15 : i32
        %parallel_loop3A_399 = vector.broadcast %parallel_loop3A_398 : i32 to vector<16xi32>
        %parallel_loop3A_400 = arith.andi %parallel_loop3A_397, %parallel_loop3A_399 : vector<16xi32>
        %parallel_loop3A_401 = arith.addi %parallel_loop3A_400, %parallel_loop3A_396 : vector<16xi32>
        %parallel_loop3A_402 = tpu.vector_load_idx %arg7[%add3A_5, %parallel_loop3A_401] : memref<128x128xf32, #tpu.memory_space<vmem>>[vector<16xi32>, vector<16xi32>], vector<16xf32>,
        tpu.vector_store_idx %arg9[%parallel_loop3A_401, %add3A_5], %parallel_loop3A_402 : memref<128x128xf32, #tpu.memory_space<vmem>>[vector<16xi32>, vector<16xi32>], vector<16xf32>,
        %parallel_loop3A_403 = tpu.vector_load_idx %arg7[%add3A_8, %parallel_loop3A_401] : memref<128x128xf32, #tpu.memory_space<vmem>>[vector<16xi32>, vector<16xi32>], vector<16xf32>,
        tpu.vector_store_idx %arg9[%parallel_loop3A_401, %add3A_8], %parallel_loop3A_403 : memref<128x128xf32, #tpu.memory_space<vmem>>[vector<16xi32>, vector<16xi32>], vector<16xf32>,
        %parallel_loop3A_404 = tpu.vector_load_idx %arg7[%add3A_11, %parallel_loop3A_401] : memref<128x128xf32, #tpu.memory_space<vmem>>[vector<16xi32>, vector<16xi32>], vector<16xf32>,
        tpu.vector_store_idx %arg9[%parallel_loop3A_401, %add3A_11], %parallel_loop3A_404 : memref<128x128xf32, #tpu.memory_space<vmem>>[vector<16xi32>, vector<16xi32>], vector<16xf32>,
        %parallel_loop3A_405 = tpu.vector_load_idx %arg7[%add3A_14, %parallel_loop3A_401] : memref<128x128xf32, #tpu.memory_space<vmem>>[vector<16xi32>, vector<16xi32>], vector<16xf32>,
        tpu.vector_store_idx %arg9[%parallel_loop3A_401, %add3A_14], %parallel_loop3A_405 : memref<128x128xf32, #tpu.memory_space<vmem>>[vector<16xi32>, vector<16xi32>], vector<16xf32>,
        %parallel_loop3A_406 = tpu.vector_load_idx %arg7[%add3A_17, %parallel_loop3A_401] : memref<128x128xf32, #tpu.memory_space<vmem>>[vector<16xi32>, vector<16xi32>], vector<16xf32>,
        tpu.vector_store_idx %arg9[%parallel_loop3A_401, %add3A_17], %parallel_loop3A_406 : memref<128x128xf32, #tpu.memory_space<vmem>>[vector<16xi32>, vector<16xi32>], vector<16xf32>,
        %parallel_loop3A_407 = tpu.vector_load_idx %arg7[%add3A_20, %parallel_loop3A_401] : memref<128x128xf32, #tpu.memory_space<vmem>>[vector<16xi32>, vector<16xi32>], vector<16xf32>,
        tpu.vector_store_idx %arg9[%parallel_loop3A_401, %add3A_20], %parallel_loop3A_407 : memref<128x128xf32, #tpu.memory_space<vmem>>[vector<16xi32>, vector<16xi32>], vector<16xf32>,
        %parallel_loop3A_408 = tpu.vector_load_idx %arg7[%add3A_23, %parallel_loop3A_401] : memref<128x128xf32, #tpu.memory_space<vmem>>[vector<16xi32>, vector<16xi32>], vector<16xf32>,
        tpu.vector_store_idx %arg9[%parallel_loop3A_401, %add3A_23], %parallel_loop3A_408 : memref<128x128xf32, #tpu.memory_space<vmem>>[vector<16xi32>, vector<16xi32>], vector<16xf32>,
        %parallel_loop3A_409 = tpu.vector_load_idx %arg7[%add3A_26, %parallel_loop3A_401] : memref<128x128xf32, #tpu.memory_space<vmem>>[vector<16xi32>, vector<16xi32>], vector<16xf32>,
        tpu.vector_store_idx %arg9[%parallel_loop3A_401, %add3A_26], %parallel_loop3A_409 : memref<128x128xf32, #tpu.memory_space<vmem>>[vector<16xi32>, vector<16xi32>], vector<16xf32>,
      } {sc.loop_unroll_factor = 2 : i64, sc.parallel_access}
      %mul3A_118 = arith.constant 128 : i32
      %mul3A_119 = arith.muli %select_n3A_72, %mul3A_118 : i32
      %multiple_of3A_120 = tpu.assume_multiple %mul3A_119, 128 : i32
      %dma_start3A_121 = arith.constant 0 : i32
      %dma_start3A_122 = arith.constant 0 : i32
      %dma_start3A_123 = tpu.memref_slice %arg9[%dma_start3A_121, %dma_start3A_122] : memref<128x128xf32, #tpu.memory_space<vmem>> -> memref<128x128xf32, #tpu.memory_space<vmem>>
      %dma_start3A_124 = arith.constant 128 : i32
      %dma_start3A_125 = tpu.memref_slice %arg4[%select_n3A_57, %dma_start3A_124, %multiple_of3A_120] : memref<50x1000x1024xf32, #tpu.memory_space<hbm>> -> memref<1x128x128xf32, #tpu.memory_space<hbm>>
      %dma_start3A_126 = tpu.memref_squeeze %dma_start3A_125 : memref<1x128x128xf32, #tpu.memory_space<hbm>> -> memref<128x128xf32, #tpu.memory_space<hbm>>
      %dma_start3A_127 = arith.constant 128 : i32
      %dma_start3A_128 = tpu.memref_slice %arg4[%select_n3A_57, %dma_start3A_127, %multiple_of3A_120] : memref<50x1000x1024xf32, #tpu.memory_space<hbm>> -> memref<1x128x128xf32, #tpu.memory_space<hbm>>
      %dma_start3A_129 = tpu.memref_squeeze %dma_start3A_128 : memref<1x128x128xf32, #tpu.memory_space<hbm>> -> memref<128x128xf32, #tpu.memory_space<hbm>>
      %dma_start3A_130 = arith.constant 0 : i32
      %dma_start3A_131 = arith.constant 0 : i32
      %dma_start3A_132 = tpu.memref_slice %arg9[%dma_start3A_130, %dma_start3A_131] : memref<128x128xf32, #tpu.memory_space<vmem>> -> memref<128x128xf32, #tpu.memory_space<vmem>>
      tpu.enqueue_dma source(%dma_start3A_132 : memref<128x128xf32, #tpu.memory_space<vmem>>) target(%dma_start3A_129 : memref<128x128xf32, #tpu.memory_space<hbm>>) target_semaphore(%arg13 : memref<!tpu.dma_semaphore, #tpu.memory_space<semaphore_mem>>)
      %dma_start3A_133 = arith.constant 384 : i32
      %dma_start3A_134 = tpu.memref_slice %arg5[%dma_start3A_133] : memref<1024xi32, #tpu.memory_space<vmem>> -> memref<128xi32, #tpu.memory_space<vmem>>
      %dma_start3A_135 = arith.constant 0 : i32
      %dma_start3A_136 = arith.constant 0 : i32
      %dma_start3A_137 = tpu.memref_slice %arg3[%dma_start3A_135, %dma_start3A_136] : memref<8000x128xf32, #tpu.memory_space<hbm>> -> memref<8000x128xf32, #tpu.memory_space<hbm>>
      tpu.enqueue_indirect_dma source(%dma_start3A_137 : memref<8000x128xf32, #tpu.memory_space<hbm>>) target(%arg7 : memref<128x128xf32, #tpu.memory_space<vmem>>) offsets(%dma_start3A_134 : memref<128xi32, #tpu.memory_space<vmem>>) semaphore(%arg11 : memref<!tpu.dma_semaphore, #tpu.memory_space<semaphore_mem>>)
      %dma_wait3A_138 = arith.constant 256 : i32
      %dma_wait3A_139 = tpu.memref_slice %arg5[%dma_wait3A_138] : memref<1024xi32, #tpu.memory_space<vmem>> -> memref<128xi32, #tpu.memory_space<vmem>>
      %dma_wait3A_140 = arith.constant 0 : i32
      %dma_wait3A_141 = arith.constant 0 : i32
      %dma_wait3A_142 = tpu.memref_slice %arg3[%dma_wait3A_140, %dma_wait3A_141] : memref<8000x128xf32, #tpu.memory_space<hbm>> -> memref<8000x128xf32, #tpu.memory_space<hbm>>
      tpu.wait_indirect_dma semaphore(%arg10 : memref<!tpu.dma_semaphore, #tpu.memory_space<semaphore_mem>>) src(%dma_wait3A_142 : memref<8000x128xf32, #tpu.memory_space<hbm>>) dst(%arg6 : memref<128x128xf32, #tpu.memory_space<vmem>>)
      %dma_wait3A_143 = arith.constant 0 : i32
      %dma_wait3A_144 = arith.constant 0 : i32
      %dma_wait3A_145 = tpu.memref_slice %arg8[%dma_wait3A_143, %dma_wait3A_144] : memref<128x128xf32, #tpu.memory_space<vmem>> -> memref<128x128xf32, #tpu.memory_space<vmem>>
      %dma_wait3A_146 = arith.constant 0 : i32
      %dma_wait3A_147 = tpu.memref_slice %arg4[%select_n3A_57, %dma_wait3A_146, %multiple_of3A_92] : memref<50x1000x1024xf32, #tpu.memory_space<hbm>> -> memref<1x128x128xf32, #tpu.memory_space<hbm>>
      %dma_wait3A_148 = tpu.memref_squeeze %dma_wait3A_147 : memref<1x128x128xf32, #tpu.memory_space<hbm>> -> memref<128x128xf32, #tpu.memory_space<hbm>>
      %dma_wait3A_149 = arith.constant 0 : i32
      %dma_wait3A_150 = tpu.memref_slice %arg4[%select_n3A_57, %dma_wait3A_149, %multiple_of3A_92] : memref<50x1000x1024xf32, #tpu.memory_space<hbm>> -> memref<1x128x128xf32, #tpu.memory_space<hbm>>
      %dma_wait3A_151 = tpu.memref_squeeze %dma_wait3A_150 : memref<1x128x128xf32, #tpu.memory_space<hbm>> -> memref<128x128xf32, #tpu.memory_space<hbm>>
      %dma_wait3A_152 = arith.constant 0 : i32
      %dma_wait3A_153 = arith.constant 0 : i32
      %dma_wait3A_154 = tpu.memref_slice %arg8[%dma_wait3A_152, %dma_wait3A_153] : memref<128x128xf32, #tpu.memory_space<vmem>> -> memref<128x128xf32, #tpu.memory_space<vmem>>
      tpu.wait_dma2 semaphore(%arg12 : memref<!tpu.dma_semaphore, #tpu.memory_space<semaphore_mem>>) src(%dma_wait3A_154 : memref<128x128xf32, #tpu.memory_space<vmem>>) dst(%dma_wait3A_151 : memref<128x128xf32, #tpu.memory_space<hbm>>)
      %parallel_loop3A_155 = arith.constant 0 : i32
      %parallel_loop3A_156 = arith.constant 128 : i32
      %parallel_loop3A_157 = arith.constant 1 : i32
      scf.for %parallel_loop3A_392 = %parallel_loop3A_155 to %parallel_loop3A_156 step %parallel_loop3A_157  : i32 {
        %parallel_loop3A_393 = vector.broadcast %parallel_loop3A_392 : i32 to vector<16xi32>
        %parallel_loop3A_394 = arith.constant -16 : i32
        %parallel_loop3A_395 = arith.andi %parallel_loop3A_392, %parallel_loop3A_394 : i32
        %parallel_loop3A_396 = vector.broadcast %parallel_loop3A_395 : i32 to vector<16xi32>
        %parallel_loop3A_397 = arith.addi %iota3A, %parallel_loop3A_393 : vector<16xi32>
        %parallel_loop3A_398 = arith.constant 15 : i32
        %parallel_loop3A_399 = vector.broadcast %parallel_loop3A_398 : i32 to vector<16xi32>
        %parallel_loop3A_400 = arith.andi %parallel_loop3A_397, %parallel_loop3A_399 : vector<16xi32>
        %parallel_loop3A_401 = arith.addi %parallel_loop3A_400, %parallel_loop3A_396 : vector<16xi32>
        %parallel_loop3A_402 = tpu.vector_load_idx %arg6[%add3A_5, %parallel_loop3A_401] : memref<128x128xf32, #tpu.memory_space<vmem>>[vector<16xi32>, vector<16xi32>], vector<16xf32>,
        tpu.vector_store_idx %arg8[%parallel_loop3A_401, %add3A_5], %parallel_loop3A_402 : memref<128x128xf32, #tpu.memory_space<vmem>>[vector<16xi32>, vector<16xi32>], vector<16xf32>,
        %parallel_loop3A_403 = tpu.vector_load_idx %arg6[%add3A_8, %parallel_loop3A_401] : memref<128x128xf32, #tpu.memory_space<vmem>>[vector<16xi32>, vector<16xi32>], vector<16xf32>,
        tpu.vector_store_idx %arg8[%parallel_loop3A_401, %add3A_8], %parallel_loop3A_403 : memref<128x128xf32, #tpu.memory_space<vmem>>[vector<16xi32>, vector<16xi32>], vector<16xf32>,
        %parallel_loop3A_404 = tpu.vector_load_idx %arg6[%add3A_11, %parallel_loop3A_401] : memref<128x128xf32, #tpu.memory_space<vmem>>[vector<16xi32>, vector<16xi32>], vector<16xf32>,
        tpu.vector_store_idx %arg8[%parallel_loop3A_401, %add3A_11], %parallel_loop3A_404 : memref<128x128xf32, #tpu.memory_space<vmem>>[vector<16xi32>, vector<16xi32>], vector<16xf32>,
        %parallel_loop3A_405 = tpu.vector_load_idx %arg6[%add3A_14, %parallel_loop3A_401] : memref<128x128xf32, #tpu.memory_space<vmem>>[vector<16xi32>, vector<16xi32>], vector<16xf32>,
        tpu.vector_store_idx %arg8[%parallel_loop3A_401, %add3A_14], %parallel_loop3A_405 : memref<128x128xf32, #tpu.memory_space<vmem>>[vector<16xi32>, vector<16xi32>], vector<16xf32>,
        %parallel_loop3A_406 = tpu.vector_load_idx %arg6[%add3A_17, %parallel_loop3A_401] : memref<128x128xf32, #tpu.memory_space<vmem>>[vector<16xi32>, vector<16xi32>], vector<16xf32>,
        tpu.vector_store_idx %arg8[%parallel_loop3A_401, %add3A_17], %parallel_loop3A_406 : memref<128x128xf32, #tpu.memory_space<vmem>>[vector<16xi32>, vector<16xi32>], vector<16xf32>,
        %parallel_loop3A_407 = tpu.vector_load_idx %arg6[%add3A_20, %parallel_loop3A_401] : memref<128x128xf32, #tpu.memory_space<vmem>>[vector<16xi32>, vector<16xi32>], vector<16xf32>,
        tpu.vector_store_idx %arg8[%parallel_loop3A_401, %add3A_20], %parallel_loop3A_407 : memref<128x128xf32, #tpu.memory_space<vmem>>[vector<16xi32>, vector<16xi32>], vector<16xf32>,
        %parallel_loop3A_408 = tpu.vector_load_idx %arg6[%add3A_23, %parallel_loop3A_401] : memref<128x128xf32, #tpu.memory_space<vmem>>[vector<16xi32>, vector<16xi32>], vector<16xf32>,
        tpu.vector_store_idx %arg8[%parallel_loop3A_401, %add3A_23], %parallel_loop3A_408 : memref<128x128xf32, #tpu.memory_space<vmem>>[vector<16xi32>, vector<16xi32>], vector<16xf32>,
        %parallel_loop3A_409 = tpu.vector_load_idx %arg6[%add3A_26, %parallel_loop3A_401] : memref<128x128xf32, #tpu.memory_space<vmem>>[vector<16xi32>, vector<16xi32>], vector<16xf32>,
        tpu.vector_store_idx %arg8[%parallel_loop3A_401, %add3A_26], %parallel_loop3A_409 : memref<128x128xf32, #tpu.memory_space<vmem>>[vector<16xi32>, vector<16xi32>], vector<16xf32>,
      } {sc.loop_unroll_factor = 2 : i64, sc.parallel_access}
      %mul3A_158 = arith.constant 128 : i32
      %mul3A_159 = arith.muli %select_n3A_72, %mul3A_158 : i32
      %multiple_of3A_160 = tpu.assume_multiple %mul3A_159, 128 : i32
      %dma_start3A_161 = arith.constant 0 : i32
      %dma_start3A_162 = arith.constant 0 : i32
      %dma_start3A_163 = tpu.memref_slice %arg8[%dma_start3A_161, %dma_start3A_162] : memref<128x128xf32, #tpu.memory_space<vmem>> -> memref<128x128xf32, #tpu.memory_space<vmem>>
      %dma_start3A_164 = arith.constant 256 : i32
      %dma_start3A_165 = tpu.memref_slice %arg4[%select_n3A_57, %dma_start3A_164, %multiple_of3A_160] : memref<50x1000x1024xf32, #tpu.memory_space<hbm>> -> memref<1x128x128xf32, #tpu.memory_space<hbm>>
      %dma_start3A_166 = tpu.memref_squeeze %dma_start3A_165 : memref<1x128x128xf32, #tpu.memory_space<hbm>> -> memref<128x128xf32, #tpu.memory_space<hbm>>
      %dma_start3A_167 = arith.constant 256 : i32
      %dma_start3A_168 = tpu.memref_slice %arg4[%select_n3A_57, %dma_start3A_167, %multiple_of3A_160] : memref<50x1000x1024xf32, #tpu.memory_space<hbm>> -> memref<1x128x128xf32, #tpu.memory_space<hbm>>
      %dma_start3A_169 = tpu.memref_squeeze %dma_start3A_168 : memref<1x128x128xf32, #tpu.memory_space<hbm>> -> memref<128x128xf32, #tpu.memory_space<hbm>>
      %dma_start3A_170 = arith.constant 0 : i32
      %dma_start3A_171 = arith.constant 0 : i32
      %dma_start3A_172 = tpu.memref_slice %arg8[%dma_start3A_170, %dma_start3A_171] : memref<128x128xf32, #tpu.memory_space<vmem>> -> memref<128x128xf32, #tpu.memory_space<vmem>>
      tpu.enqueue_dma source(%dma_start3A_172 : memref<128x128xf32, #tpu.memory_space<vmem>>) target(%dma_start3A_169 : memref<128x128xf32, #tpu.memory_space<hbm>>) target_semaphore(%arg12 : memref<!tpu.dma_semaphore, #tpu.memory_space<semaphore_mem>>)
      %dma_start3A_173 = arith.constant 512 : i32
      %dma_start3A_174 = tpu.memref_slice %arg5[%dma_start3A_173] : memref<1024xi32, #tpu.memory_space<vmem>> -> memref<128xi32, #tpu.memory_space<vmem>>
      %dma_start3A_175 = arith.constant 0 : i32
      %dma_start3A_176 = arith.constant 0 : i32
      %dma_start3A_177 = tpu.memref_slice %arg3[%dma_start3A_175, %dma_start3A_176] : memref<8000x128xf32, #tpu.memory_space<hbm>> -> memref<8000x128xf32, #tpu.memory_space<hbm>>
      tpu.enqueue_indirect_dma source(%dma_start3A_177 : memref<8000x128xf32, #tpu.memory_space<hbm>>) target(%arg6 : memref<128x128xf32, #tpu.memory_space<vmem>>) offsets(%dma_start3A_174 : memref<128xi32, #tpu.memory_space<vmem>>) semaphore(%arg10 : memref<!tpu.dma_semaphore, #tpu.memory_space<semaphore_mem>>)
      %dma_wait3A_178 = arith.constant 384 : i32
      %dma_wait3A_179 = tpu.memref_slice %arg5[%dma_wait3A_178] : memref<1024xi32, #tpu.memory_space<vmem>> -> memref<128xi32, #tpu.memory_space<vmem>>
      %dma_wait3A_180 = arith.constant 0 : i32
      %dma_wait3A_181 = arith.constant 0 : i32
      %dma_wait3A_182 = tpu.memref_slice %arg3[%dma_wait3A_180, %dma_wait3A_181] : memref<8000x128xf32, #tpu.memory_space<hbm>> -> memref<8000x128xf32, #tpu.memory_space<hbm>>
      tpu.wait_indirect_dma semaphore(%arg11 : memref<!tpu.dma_semaphore, #tpu.memory_space<semaphore_mem>>) src(%dma_wait3A_182 : memref<8000x128xf32, #tpu.memory_space<hbm>>) dst(%arg7 : memref<128x128xf32, #tpu.memory_space<vmem>>)
      %dma_wait3A_183 = arith.constant 0 : i32
      %dma_wait3A_184 = arith.constant 0 : i32
      %dma_wait3A_185 = tpu.memref_slice %arg9[%dma_wait3A_183, %dma_wait3A_184] : memref<128x128xf32, #tpu.memory_space<vmem>> -> memref<128x128xf32, #tpu.memory_space<vmem>>
      %dma_wait3A_186 = arith.constant 128 : i32
      %dma_wait3A_187 = tpu.memref_slice %arg4[%select_n3A_57, %dma_wait3A_186, %multiple_of3A_120] : memref<50x1000x1024xf32, #tpu.memory_space<hbm>> -> memref<1x128x128xf32, #tpu.memory_space<hbm>>
      %dma_wait3A_188 = tpu.memref_squeeze %dma_wait3A_187 : memref<1x128x128xf32, #tpu.memory_space<hbm>> -> memref<128x128xf32, #tpu.memory_space<hbm>>
      %dma_wait3A_189 = arith.constant 128 : i32
      %dma_wait3A_190 = tpu.memref_slice %arg4[%select_n3A_57, %dma_wait3A_189, %multiple_of3A_120] : memref<50x1000x1024xf32, #tpu.memory_space<hbm>> -> memref<1x128x128xf32, #tpu.memory_space<hbm>>
      %dma_wait3A_191 = tpu.memref_squeeze %dma_wait3A_190 : memref<1x128x128xf32, #tpu.memory_space<hbm>> -> memref<128x128xf32, #tpu.memory_space<hbm>>
      %dma_wait3A_192 = arith.constant 0 : i32
      %dma_wait3A_193 = arith.constant 0 : i32
      %dma_wait3A_194 = tpu.memref_slice %arg9[%dma_wait3A_192, %dma_wait3A_193] : memref<128x128xf32, #tpu.memory_space<vmem>> -> memref<128x128xf32, #tpu.memory_space<vmem>>
      tpu.wait_dma2 semaphore(%arg13 : memref<!tpu.dma_semaphore, #tpu.memory_space<semaphore_mem>>) src(%dma_wait3A_194 : memref<128x128xf32, #tpu.memory_space<vmem>>) dst(%dma_wait3A_191 : memref<128x128xf32, #tpu.memory_space<hbm>>)
      %parallel_loop3A_195 = arith.constant 0 : i32
      %parallel_loop3A_196 = arith.constant 128 : i32
      %parallel_loop3A_197 = arith.constant 1 : i32
      scf.for %parallel_loop3A_392 = %parallel_loop3A_195 to %parallel_loop3A_196 step %parallel_loop3A_197  : i32 {
        %parallel_loop3A_393 = vector.broadcast %parallel_loop3A_392 : i32 to vector<16xi32>
        %parallel_loop3A_394 = arith.constant -16 : i32
        %parallel_loop3A_395 = arith.andi %parallel_loop3A_392, %parallel_loop3A_394 : i32
        %parallel_loop3A_396 = vector.broadcast %parallel_loop3A_395 : i32 to vector<16xi32>
        %parallel_loop3A_397 = arith.addi %iota3A, %parallel_loop3A_393 : vector<16xi32>
        %parallel_loop3A_398 = arith.constant 15 : i32
        %parallel_loop3A_399 = vector.broadcast %parallel_loop3A_398 : i32 to vector<16xi32>
        %parallel_loop3A_400 = arith.andi %parallel_loop3A_397, %parallel_loop3A_399 : vector<16xi32>
        %parallel_loop3A_401 = arith.addi %parallel_loop3A_400, %parallel_loop3A_396 : vector<16xi32>
        %parallel_loop3A_402 = tpu.vector_load_idx %arg7[%add3A_5, %parallel_loop3A_401] : memref<128x128xf32, #tpu.memory_space<vmem>>[vector<16xi32>, vector<16xi32>], vector<16xf32>,
        tpu.vector_store_idx %arg9[%parallel_loop3A_401, %add3A_5], %parallel_loop3A_402 : memref<128x128xf32, #tpu.memory_space<vmem>>[vector<16xi32>, vector<16xi32>], vector<16xf32>,
        %parallel_loop3A_403 = tpu.vector_load_idx %arg7[%add3A_8, %parallel_loop3A_401] : memref<128x128xf32, #tpu.memory_space<vmem>>[vector<16xi32>, vector<16xi32>], vector<16xf32>,
        tpu.vector_store_idx %arg9[%parallel_loop3A_401, %add3A_8], %parallel_loop3A_403 : memref<128x128xf32, #tpu.memory_space<vmem>>[vector<16xi32>, vector<16xi32>], vector<16xf32>,
        %parallel_loop3A_404 = tpu.vector_load_idx %arg7[%add3A_11, %parallel_loop3A_401] : memref<128x128xf32, #tpu.memory_space<vmem>>[vector<16xi32>, vector<16xi32>], vector<16xf32>,
        tpu.vector_store_idx %arg9[%parallel_loop3A_401, %add3A_11], %parallel_loop3A_404 : memref<128x128xf32, #tpu.memory_space<vmem>>[vector<16xi32>, vector<16xi32>], vector<16xf32>,
        %parallel_loop3A_405 = tpu.vector_load_idx %arg7[%add3A_14, %parallel_loop3A_401] : memref<128x128xf32, #tpu.memory_space<vmem>>[vector<16xi32>, vector<16xi32>], vector<16xf32>,
        tpu.vector_store_idx %arg9[%parallel_loop3A_401, %add3A_14], %parallel_loop3A_405 : memref<128x128xf32, #tpu.memory_space<vmem>>[vector<16xi32>, vector<16xi32>], vector<16xf32>,
        %parallel_loop3A_406 = tpu.vector_load_idx %arg7[%add3A_17, %parallel_loop3A_401] : memref<128x128xf32, #tpu.memory_space<vmem>>[vector<16xi32>, vector<16xi32>], vector<16xf32>,
        tpu.vector_store_idx %arg9[%parallel_loop3A_401, %add3A_17], %parallel_loop3A_406 : memref<128x128xf32, #tpu.memory_space<vmem>>[vector<16xi32>, vector<16xi32>], vector<16xf32>,
        %parallel_loop3A_407 = tpu.vector_load_idx %arg7[%add3A_20, %parallel_loop3A_401] : memref<128x128xf32, #tpu.memory_space<vmem>>[vector<16xi32>, vector<16xi32>], vector<16xf32>,
        tpu.vector_store_idx %arg9[%parallel_loop3A_401, %add3A_20], %parallel_loop3A_407 : memref<128x128xf32, #tpu.memory_space<vmem>>[vector<16xi32>, vector<16xi32>], vector<16xf32>,
        %parallel_loop3A_408 = tpu.vector_load_idx %arg7[%add3A_23, %parallel_loop3A_401] : memref<128x128xf32, #tpu.memory_space<vmem>>[vector<16xi32>, vector<16xi32>], vector<16xf32>,
        tpu.vector_store_idx %arg9[%parallel_loop3A_401, %add3A_23], %parallel_loop3A_408 : memref<128x128xf32, #tpu.memory_space<vmem>>[vector<16xi32>, vector<16xi32>], vector<16xf32>,
        %parallel_loop3A_409 = tpu.vector_load_idx %arg7[%add3A_26, %parallel_loop3A_401] : memref<128x128xf32, #tpu.memory_space<vmem>>[vector<16xi32>, vector<16xi32>], vector<16xf32>,
        tpu.vector_store_idx %arg9[%parallel_loop3A_401, %add3A_26], %parallel_loop3A_409 : memref<128x128xf32, #tpu.memory_space<vmem>>[vector<16xi32>, vector<16xi32>], vector<16xf32>,
      } {sc.loop_unroll_factor = 2 : i64, sc.parallel_access}
      %mul3A_198 = arith.constant 128 : i32
      %mul3A_199 = arith.muli %select_n3A_72, %mul3A_198 : i32
      %multiple_of3A_200 = tpu.assume_multiple %mul3A_199, 128 : i32
      %dma_start3A_201 = arith.constant 0 : i32
      %dma_start3A_202 = arith.constant 0 : i32
      %dma_start3A_203 = tpu.memref_slice %arg9[%dma_start3A_201, %dma_start3A_202] : memref<128x128xf32, #tpu.memory_space<vmem>> -> memref<128x128xf32, #tpu.memory_space<vmem>>
      %dma_start3A_204 = arith.constant 384 : i32
      %dma_start3A_205 = tpu.memref_slice %arg4[%select_n3A_57, %dma_start3A_204, %multiple_of3A_200] : memref<50x1000x1024xf32, #tpu.memory_space<hbm>> -> memref<1x128x128xf32, #tpu.memory_space<hbm>>
      %dma_start3A_206 = tpu.memref_squeeze %dma_start3A_205 : memref<1x128x128xf32, #tpu.memory_space<hbm>> -> memref<128x128xf32, #tpu.memory_space<hbm>>
      %dma_start3A_207 = arith.constant 384 : i32
      %dma_start3A_208 = tpu.memref_slice %arg4[%select_n3A_57, %dma_start3A_207, %multiple_of3A_200] : memref<50x1000x1024xf32, #tpu.memory_space<hbm>> -> memref<1x128x128xf32, #tpu.memory_space<hbm>>
      %dma_start3A_209 = tpu.memref_squeeze %dma_start3A_208 : memref<1x128x128xf32, #tpu.memory_space<hbm>> -> memref<128x128xf32, #tpu.memory_space<hbm>>
      %dma_start3A_210 = arith.constant 0 : i32
      %dma_start3A_211 = arith.constant 0 : i32
      %dma_start3A_212 = tpu.memref_slice %arg9[%dma_start3A_210, %dma_start3A_211] : memref<128x128xf32, #tpu.memory_space<vmem>> -> memref<128x128xf32, #tpu.memory_space<vmem>>
      tpu.enqueue_dma source(%dma_start3A_212 : memref<128x128xf32, #tpu.memory_space<vmem>>) target(%dma_start3A_209 : memref<128x128xf32, #tpu.memory_space<hbm>>) target_semaphore(%arg13 : memref<!tpu.dma_semaphore, #tpu.memory_space<semaphore_mem>>)
      %dma_start3A_213 = arith.constant 640 : i32
      %dma_start3A_214 = tpu.memref_slice %arg5[%dma_start3A_213] : memref<1024xi32, #tpu.memory_space<vmem>> -> memref<128xi32, #tpu.memory_space<vmem>>
      %dma_start3A_215 = arith.constant 0 : i32
      %dma_start3A_216 = arith.constant 0 : i32
      %dma_start3A_217 = tpu.memref_slice %arg3[%dma_start3A_215, %dma_start3A_216] : memref<8000x128xf32, #tpu.memory_space<hbm>> -> memref<8000x128xf32, #tpu.memory_space<hbm>>
      tpu.enqueue_indirect_dma source(%dma_start3A_217 : memref<8000x128xf32, #tpu.memory_space<hbm>>) target(%arg7 : memref<128x128xf32, #tpu.memory_space<vmem>>) offsets(%dma_start3A_214 : memref<128xi32, #tpu.memory_space<vmem>>) semaphore(%arg11 : memref<!tpu.dma_semaphore, #tpu.memory_space<semaphore_mem>>)
      %dma_wait3A_218 = arith.constant 512 : i32
      %dma_wait3A_219 = tpu.memref_slice %arg5[%dma_wait3A_218] : memref<1024xi32, #tpu.memory_space<vmem>> -> memref<128xi32, #tpu.memory_space<vmem>>
      %dma_wait3A_220 = arith.constant 0 : i32
      %dma_wait3A_221 = arith.constant 0 : i32
      %dma_wait3A_222 = tpu.memref_slice %arg3[%dma_wait3A_220, %dma_wait3A_221] : memref<8000x128xf32, #tpu.memory_space<hbm>> -> memref<8000x128xf32, #tpu.memory_space<hbm>>
      tpu.wait_indirect_dma semaphore(%arg10 : memref<!tpu.dma_semaphore, #tpu.memory_space<semaphore_mem>>) src(%dma_wait3A_222 : memref<8000x128xf32, #tpu.memory_space<hbm>>) dst(%arg6 : memref<128x128xf32, #tpu.memory_space<vmem>>)
      %dma_wait3A_223 = arith.constant 0 : i32
      %dma_wait3A_224 = arith.constant 0 : i32
      %dma_wait3A_225 = tpu.memref_slice %arg8[%dma_wait3A_223, %dma_wait3A_224] : memref<128x128xf32, #tpu.memory_space<vmem>> -> memref<128x128xf32, #tpu.memory_space<vmem>>
      %dma_wait3A_226 = arith.constant 256 : i32
      %dma_wait3A_227 = tpu.memref_slice %arg4[%select_n3A_57, %dma_wait3A_226, %multiple_of3A_160] : memref<50x1000x1024xf32, #tpu.memory_space<hbm>> -> memref<1x128x128xf32, #tpu.memory_space<hbm>>
      %dma_wait3A_228 = tpu.memref_squeeze %dma_wait3A_227 : memref<1x128x128xf32, #tpu.memory_space<hbm>> -> memref<128x128xf32, #tpu.memory_space<hbm>>
      %dma_wait3A_229 = arith.constant 256 : i32
      %dma_wait3A_230 = tpu.memref_slice %arg4[%select_n3A_57, %dma_wait3A_229, %multiple_of3A_160] : memref<50x1000x1024xf32, #tpu.memory_space<hbm>> -> memref<1x128x128xf32, #tpu.memory_space<hbm>>
      %dma_wait3A_231 = tpu.memref_squeeze %dma_wait3A_230 : memref<1x128x128xf32, #tpu.memory_space<hbm>> -> memref<128x128xf32, #tpu.memory_space<hbm>>
      %dma_wait3A_232 = arith.constant 0 : i32
      %dma_wait3A_233 = arith.constant 0 : i32
      %dma_wait3A_234 = tpu.memref_slice %arg8[%dma_wait3A_232, %dma_wait3A_233] : memref<128x128xf32, #tpu.memory_space<vmem>> -> memref<128x128xf32, #tpu.memory_space<vmem>>
      tpu.wait_dma2 semaphore(%arg12 : memref<!tpu.dma_semaphore, #tpu.memory_space<semaphore_mem>>) src(%dma_wait3A_234 : memref<128x128xf32, #tpu.memory_space<vmem>>) dst(%dma_wait3A_231 : memref<128x128xf32, #tpu.memory_space<hbm>>)
      %parallel_loop3A_235 = arith.constant 0 : i32
      %parallel_loop3A_236 = arith.constant 128 : i32
      %parallel_loop3A_237 = arith.constant 1 : i32
      scf.for %parallel_loop3A_392 = %parallel_loop3A_235 to %parallel_loop3A_236 step %parallel_loop3A_237  : i32 {
        %parallel_loop3A_393 = vector.broadcast %parallel_loop3A_392 : i32 to vector<16xi32>
        %parallel_loop3A_394 = arith.constant -16 : i32
        %parallel_loop3A_395 = arith.andi %parallel_loop3A_392, %parallel_loop3A_394 : i32
        %parallel_loop3A_396 = vector.broadcast %parallel_loop3A_395 : i32 to vector<16xi32>
        %parallel_loop3A_397 = arith.addi %iota3A, %parallel_loop3A_393 : vector<16xi32>
        %parallel_loop3A_398 = arith.constant 15 : i32
        %parallel_loop3A_399 = vector.broadcast %parallel_loop3A_398 : i32 to vector<16xi32>
        %parallel_loop3A_400 = arith.andi %parallel_loop3A_397, %parallel_loop3A_399 : vector<16xi32>
        %parallel_loop3A_401 = arith.addi %parallel_loop3A_400, %parallel_loop3A_396 : vector<16xi32>
        %parallel_loop3A_402 = tpu.vector_load_idx %arg6[%add3A_5, %parallel_loop3A_401] : memref<128x128xf32, #tpu.memory_space<vmem>>[vector<16xi32>, vector<16xi32>], vector<16xf32>,
        tpu.vector_store_idx %arg8[%parallel_loop3A_401, %add3A_5], %parallel_loop3A_402 : memref<128x128xf32, #tpu.memory_space<vmem>>[vector<16xi32>, vector<16xi32>], vector<16xf32>,
        %parallel_loop3A_403 = tpu.vector_load_idx %arg6[%add3A_8, %parallel_loop3A_401] : memref<128x128xf32, #tpu.memory_space<vmem>>[vector<16xi32>, vector<16xi32>], vector<16xf32>,
        tpu.vector_store_idx %arg8[%parallel_loop3A_401, %add3A_8], %parallel_loop3A_403 : memref<128x128xf32, #tpu.memory_space<vmem>>[vector<16xi32>, vector<16xi32>], vector<16xf32>,
        %parallel_loop3A_404 = tpu.vector_load_idx %arg6[%add3A_11, %parallel_loop3A_401] : memref<128x128xf32, #tpu.memory_space<vmem>>[vector<16xi32>, vector<16xi32>], vector<16xf32>,
        tpu.vector_store_idx %arg8[%parallel_loop3A_401, %add3A_11], %parallel_loop3A_404 : memref<128x128xf32, #tpu.memory_space<vmem>>[vector<16xi32>, vector<16xi32>], vector<16xf32>,
        %parallel_loop3A_405 = tpu.vector_load_idx %arg6[%add3A_14, %parallel_loop3A_401] : memref<128x128xf32, #tpu.memory_space<vmem>>[vector<16xi32>, vector<16xi32>], vector<16xf32>,
        tpu.vector_store_idx %arg8[%parallel_loop3A_401, %add3A_14], %parallel_loop3A_405 : memref<128x128xf32, #tpu.memory_space<vmem>>[vector<16xi32>, vector<16xi32>], vector<16xf32>,
        %parallel_loop3A_406 = tpu.vector_load_idx %arg6[%add3A_17, %parallel_loop3A_401] : memref<128x128xf32, #tpu.memory_space<vmem>>[vector<16xi32>, vector<16xi32>], vector<16xf32>,
        tpu.vector_store_idx %arg8[%parallel_loop3A_401, %add3A_17], %parallel_loop3A_406 : memref<128x128xf32, #tpu.memory_space<vmem>>[vector<16xi32>, vector<16xi32>], vector<16xf32>,
        %parallel_loop3A_407 = tpu.vector_load_idx %arg6[%add3A_20, %parallel_loop3A_401] : memref<128x128xf32, #tpu.memory_space<vmem>>[vector<16xi32>, vector<16xi32>], vector<16xf32>,
        tpu.vector_store_idx %arg8[%parallel_loop3A_401, %add3A_20], %parallel_loop3A_407 : memref<128x128xf32, #tpu.memory_space<vmem>>[vector<16xi32>, vector<16xi32>], vector<16xf32>,
        %parallel_loop3A_408 = tpu.vector_load_idx %arg6[%add3A_23, %parallel_loop3A_401] : memref<128x128xf32, #tpu.memory_space<vmem>>[vector<16xi32>, vector<16xi32>], vector<16xf32>,
        tpu.vector_store_idx %arg8[%parallel_loop3A_401, %add3A_23], %parallel_loop3A_408 : memref<128x128xf32, #tpu.memory_space<vmem>>[vector<16xi32>, vector<16xi32>], vector<16xf32>,
        %parallel_loop3A_409 = tpu.vector_load_idx %arg6[%add3A_26, %parallel_loop3A_401] : memref<128x128xf32, #tpu.memory_space<vmem>>[vector<16xi32>, vector<16xi32>], vector<16xf32>,
        tpu.vector_store_idx %arg8[%parallel_loop3A_401, %add3A_26], %parallel_loop3A_409 : memref<128x128xf32, #tpu.memory_space<vmem>>[vector<16xi32>, vector<16xi32>], vector<16xf32>,
      } {sc.loop_unroll_factor = 2 : i64, sc.parallel_access}
      %mul3A_238 = arith.constant 128 : i32
      %mul3A_239 = arith.muli %select_n3A_72, %mul3A_238 : i32
      %multiple_of3A_240 = tpu.assume_multiple %mul3A_239, 128 : i32
      %dma_start3A_241 = arith.constant 0 : i32
      %dma_start3A_242 = arith.constant 0 : i32
      %dma_start3A_243 = tpu.memref_slice %arg8[%dma_start3A_241, %dma_start3A_242] : memref<128x128xf32, #tpu.memory_space<vmem>> -> memref<128x128xf32, #tpu.memory_space<vmem>>
      %dma_start3A_244 = arith.constant 512 : i32
      %dma_start3A_245 = tpu.memref_slice %arg4[%select_n3A_57, %dma_start3A_244, %multiple_of3A_240] : memref<50x1000x1024xf32, #tpu.memory_space<hbm>> -> memref<1x128x128xf32, #tpu.memory_space<hbm>>
      %dma_start3A_246 = tpu.memref_squeeze %dma_start3A_245 : memref<1x128x128xf32, #tpu.memory_space<hbm>> -> memref<128x128xf32, #tpu.memory_space<hbm>>
      %dma_start3A_247 = arith.constant 512 : i32
      %dma_start3A_248 = tpu.memref_slice %arg4[%select_n3A_57, %dma_start3A_247, %multiple_of3A_240] : memref<50x1000x1024xf32, #tpu.memory_space<hbm>> -> memref<1x128x128xf32, #tpu.memory_space<hbm>>
      %dma_start3A_249 = tpu.memref_squeeze %dma_start3A_248 : memref<1x128x128xf32, #tpu.memory_space<hbm>> -> memref<128x128xf32, #tpu.memory_space<hbm>>
      %dma_start3A_250 = arith.constant 0 : i32
      %dma_start3A_251 = arith.constant 0 : i32
      %dma_start3A_252 = tpu.memref_slice %arg8[%dma_start3A_250, %dma_start3A_251] : memref<128x128xf32, #tpu.memory_space<vmem>> -> memref<128x128xf32, #tpu.memory_space<vmem>>
      tpu.enqueue_dma source(%dma_start3A_252 : memref<128x128xf32, #tpu.memory_space<vmem>>) target(%dma_start3A_249 : memref<128x128xf32, #tpu.memory_space<hbm>>) target_semaphore(%arg12 : memref<!tpu.dma_semaphore, #tpu.memory_space<semaphore_mem>>)
      %dma_start3A_253 = arith.constant 768 : i32
      %dma_start3A_254 = tpu.memref_slice %arg5[%dma_start3A_253] : memref<1024xi32, #tpu.memory_space<vmem>> -> memref<128xi32, #tpu.memory_space<vmem>>
      %dma_start3A_255 = arith.constant 0 : i32
      %dma_start3A_256 = arith.constant 0 : i32
      %dma_start3A_257 = tpu.memref_slice %arg3[%dma_start3A_255, %dma_start3A_256] : memref<8000x128xf32, #tpu.memory_space<hbm>> -> memref<8000x128xf32, #tpu.memory_space<hbm>>
      tpu.enqueue_indirect_dma source(%dma_start3A_257 : memref<8000x128xf32, #tpu.memory_space<hbm>>) target(%arg6 : memref<128x128xf32, #tpu.memory_space<vmem>>) offsets(%dma_start3A_254 : memref<128xi32, #tpu.memory_space<vmem>>) semaphore(%arg10 : memref<!tpu.dma_semaphore, #tpu.memory_space<semaphore_mem>>)
      %dma_wait3A_258 = arith.constant 640 : i32
      %dma_wait3A_259 = tpu.memref_slice %arg5[%dma_wait3A_258] : memref<1024xi32, #tpu.memory_space<vmem>> -> memref<128xi32, #tpu.memory_space<vmem>>
      %dma_wait3A_260 = arith.constant 0 : i32
      %dma_wait3A_261 = arith.constant 0 : i32
      %dma_wait3A_262 = tpu.memref_slice %arg3[%dma_wait3A_260, %dma_wait3A_261] : memref<8000x128xf32, #tpu.memory_space<hbm>> -> memref<8000x128xf32, #tpu.memory_space<hbm>>
      tpu.wait_indirect_dma semaphore(%arg11 : memref<!tpu.dma_semaphore, #tpu.memory_space<semaphore_mem>>) src(%dma_wait3A_262 : memref<8000x128xf32, #tpu.memory_space<hbm>>) dst(%arg7 : memref<128x128xf32, #tpu.memory_space<vmem>>)
      %dma_wait3A_263 = arith.constant 0 : i32
      %dma_wait3A_264 = arith.constant 0 : i32
      %dma_wait3A_265 = tpu.memref_slice %arg9[%dma_wait3A_263, %dma_wait3A_264] : memref<128x128xf32, #tpu.memory_space<vmem>> -> memref<128x128xf32, #tpu.memory_space<vmem>>
      %dma_wait3A_266 = arith.constant 384 : i32
      %dma_wait3A_267 = tpu.memref_slice %arg4[%select_n3A_57, %dma_wait3A_266, %multiple_of3A_200] : memref<50x1000x1024xf32, #tpu.memory_space<hbm>> -> memref<1x128x128xf32, #tpu.memory_space<hbm>>
      %dma_wait3A_268 = tpu.memref_squeeze %dma_wait3A_267 : memref<1x128x128xf32, #tpu.memory_space<hbm>> -> memref<128x128xf32, #tpu.memory_space<hbm>>
      %dma_wait3A_269 = arith.constant 384 : i32
      %dma_wait3A_270 = tpu.memref_slice %arg4[%select_n3A_57, %dma_wait3A_269, %multiple_of3A_200] : memref<50x1000x1024xf32, #tpu.memory_space<hbm>> -> memref<1x128x128xf32, #tpu.memory_space<hbm>>
      %dma_wait3A_271 = tpu.memref_squeeze %dma_wait3A_270 : memref<1x128x128xf32, #tpu.memory_space<hbm>> -> memref<128x128xf32, #tpu.memory_space<hbm>>
      %dma_wait3A_272 = arith.constant 0 : i32
      %dma_wait3A_273 = arith.constant 0 : i32
      %dma_wait3A_274 = tpu.memref_slice %arg9[%dma_wait3A_272, %dma_wait3A_273] : memref<128x128xf32, #tpu.memory_space<vmem>> -> memref<128x128xf32, #tpu.memory_space<vmem>>
      tpu.wait_dma2 semaphore(%arg13 : memref<!tpu.dma_semaphore, #tpu.memory_space<semaphore_mem>>) src(%dma_wait3A_274 : memref<128x128xf32, #tpu.memory_space<vmem>>) dst(%dma_wait3A_271 : memref<128x128xf32, #tpu.memory_space<hbm>>)
      %parallel_loop3A_275 = arith.constant 0 : i32
      %parallel_loop3A_276 = arith.constant 128 : i32
      %parallel_loop3A_277 = arith.constant 1 : i32
      scf.for %parallel_loop3A_392 = %parallel_loop3A_275 to %parallel_loop3A_276 step %parallel_loop3A_277  : i32 {
        %parallel_loop3A_393 = vector.broadcast %parallel_loop3A_392 : i32 to vector<16xi32>
        %parallel_loop3A_394 = arith.constant -16 : i32
        %parallel_loop3A_395 = arith.andi %parallel_loop3A_392, %parallel_loop3A_394 : i32
        %parallel_loop3A_396 = vector.broadcast %parallel_loop3A_395 : i32 to vector<16xi32>
        %parallel_loop3A_397 = arith.addi %iota3A, %parallel_loop3A_393 : vector<16xi32>
        %parallel_loop3A_398 = arith.constant 15 : i32
        %parallel_loop3A_399 = vector.broadcast %parallel_loop3A_398 : i32 to vector<16xi32>
        %parallel_loop3A_400 = arith.andi %parallel_loop3A_397, %parallel_loop3A_399 : vector<16xi32>
        %parallel_loop3A_401 = arith.addi %parallel_loop3A_400, %parallel_loop3A_396 : vector<16xi32>
        %parallel_loop3A_402 = tpu.vector_load_idx %arg7[%add3A_5, %parallel_loop3A_401] : memref<128x128xf32, #tpu.memory_space<vmem>>[vector<16xi32>, vector<16xi32>], vector<16xf32>,
        tpu.vector_store_idx %arg9[%parallel_loop3A_401, %add3A_5], %parallel_loop3A_402 : memref<128x128xf32, #tpu.memory_space<vmem>>[vector<16xi32>, vector<16xi32>], vector<16xf32>,
        %parallel_loop3A_403 = tpu.vector_load_idx %arg7[%add3A_8, %parallel_loop3A_401] : memref<128x128xf32, #tpu.memory_space<vmem>>[vector<16xi32>, vector<16xi32>], vector<16xf32>,
        tpu.vector_store_idx %arg9[%parallel_loop3A_401, %add3A_8], %parallel_loop3A_403 : memref<128x128xf32, #tpu.memory_space<vmem>>[vector<16xi32>, vector<16xi32>], vector<16xf32>,
        %parallel_loop3A_404 = tpu.vector_load_idx %arg7[%add3A_11, %parallel_loop3A_401] : memref<128x128xf32, #tpu.memory_space<vmem>>[vector<16xi32>, vector<16xi32>], vector<16xf32>,
        tpu.vector_store_idx %arg9[%parallel_loop3A_401, %add3A_11], %parallel_loop3A_404 : memref<128x128xf32, #tpu.memory_space<vmem>>[vector<16xi32>, vector<16xi32>], vector<16xf32>,
        %parallel_loop3A_405 = tpu.vector_load_idx %arg7[%add3A_14, %parallel_loop3A_401] : memref<128x128xf32, #tpu.memory_space<vmem>>[vector<16xi32>, vector<16xi32>], vector<16xf32>,
        tpu.vector_store_idx %arg9[%parallel_loop3A_401, %add3A_14], %parallel_loop3A_405 : memref<128x128xf32, #tpu.memory_space<vmem>>[vector<16xi32>, vector<16xi32>], vector<16xf32>,
        %parallel_loop3A_406 = tpu.vector_load_idx %arg7[%add3A_17, %parallel_loop3A_401] : memref<128x128xf32, #tpu.memory_space<vmem>>[vector<16xi32>, vector<16xi32>], vector<16xf32>,
        tpu.vector_store_idx %arg9[%parallel_loop3A_401, %add3A_17], %parallel_loop3A_406 : memref<128x128xf32, #tpu.memory_space<vmem>>[vector<16xi32>, vector<16xi32>], vector<16xf32>,
        %parallel_loop3A_407 = tpu.vector_load_idx %arg7[%add3A_20, %parallel_loop3A_401] : memref<128x128xf32, #tpu.memory_space<vmem>>[vector<16xi32>, vector<16xi32>], vector<16xf32>,
        tpu.vector_store_idx %arg9[%parallel_loop3A_401, %add3A_20], %parallel_loop3A_407 : memref<128x128xf32, #tpu.memory_space<vmem>>[vector<16xi32>, vector<16xi32>], vector<16xf32>,
        %parallel_loop3A_408 = tpu.vector_load_idx %arg7[%add3A_23, %parallel_loop3A_401] : memref<128x128xf32, #tpu.memory_space<vmem>>[vector<16xi32>, vector<16xi32>], vector<16xf32>,
        tpu.vector_store_idx %arg9[%parallel_loop3A_401, %add3A_23], %parallel_loop3A_408 : memref<128x128xf32, #tpu.memory_space<vmem>>[vector<16xi32>, vector<16xi32>], vector<16xf32>,
        %parallel_loop3A_409 = tpu.vector_load_idx %arg7[%add3A_26, %parallel_loop3A_401] : memref<128x128xf32, #tpu.memory_space<vmem>>[vector<16xi32>, vector<16xi32>], vector<16xf32>,
        tpu.vector_store_idx %arg9[%parallel_loop3A_401, %add3A_26], %parallel_loop3A_409 : memref<128x128xf32, #tpu.memory_space<vmem>>[vector<16xi32>, vector<16xi32>], vector<16xf32>,
      } {sc.loop_unroll_factor = 2 : i64, sc.parallel_access}
      %mul3A_278 = arith.constant 128 : i32
      %mul3A_279 = arith.muli %select_n3A_72, %mul3A_278 : i32
      %multiple_of3A_280 = tpu.assume_multiple %mul3A_279, 128 : i32
      %dma_start3A_281 = arith.constant 0 : i32
      %dma_start3A_282 = arith.constant 0 : i32
      %dma_start3A_283 = tpu.memref_slice %arg9[%dma_start3A_281, %dma_start3A_282] : memref<128x128xf32, #tpu.memory_space<vmem>> -> memref<128x128xf32, #tpu.memory_space<vmem>>
      %dma_start3A_284 = arith.constant 640 : i32
      %dma_start3A_285 = tpu.memref_slice %arg4[%select_n3A_57, %dma_start3A_284, %multiple_of3A_280] : memref<50x1000x1024xf32, #tpu.memory_space<hbm>> -> memref<1x128x128xf32, #tpu.memory_space<hbm>>
      %dma_start3A_286 = tpu.memref_squeeze %dma_start3A_285 : memref<1x128x128xf32, #tpu.memory_space<hbm>> -> memref<128x128xf32, #tpu.memory_space<hbm>>
      %dma_start3A_287 = arith.constant 640 : i32
      %dma_start3A_288 = tpu.memref_slice %arg4[%select_n3A_57, %dma_start3A_287, %multiple_of3A_280] : memref<50x1000x1024xf32, #tpu.memory_space<hbm>> -> memref<1x128x128xf32, #tpu.memory_space<hbm>>
      %dma_start3A_289 = tpu.memref_squeeze %dma_start3A_288 : memref<1x128x128xf32, #tpu.memory_space<hbm>> -> memref<128x128xf32, #tpu.memory_space<hbm>>
      %dma_start3A_290 = arith.constant 0 : i32
      %dma_start3A_291 = arith.constant 0 : i32
      %dma_start3A_292 = tpu.memref_slice %arg9[%dma_start3A_290, %dma_start3A_291] : memref<128x128xf32, #tpu.memory_space<vmem>> -> memref<128x128xf32, #tpu.memory_space<vmem>>
      tpu.enqueue_dma source(%dma_start3A_292 : memref<128x128xf32, #tpu.memory_space<vmem>>) target(%dma_start3A_289 : memref<128x128xf32, #tpu.memory_space<hbm>>) target_semaphore(%arg13 : memref<!tpu.dma_semaphore, #tpu.memory_space<semaphore_mem>>)
      %dma_start3A_293 = arith.constant 896 : i32
      %dma_start3A_294 = tpu.memref_slice %arg5[%dma_start3A_293] : memref<1024xi32, #tpu.memory_space<vmem>> -> memref<128xi32, #tpu.memory_space<vmem>>
      %dma_start3A_295 = arith.constant 0 : i32
      %dma_start3A_296 = arith.constant 0 : i32
      %dma_start3A_297 = tpu.memref_slice %arg3[%dma_start3A_295, %dma_start3A_296] : memref<8000x128xf32, #tpu.memory_space<hbm>> -> memref<8000x128xf32, #tpu.memory_space<hbm>>
      tpu.enqueue_indirect_dma source(%dma_start3A_297 : memref<8000x128xf32, #tpu.memory_space<hbm>>) target(%arg7 : memref<128x128xf32, #tpu.memory_space<vmem>>) offsets(%dma_start3A_294 : memref<128xi32, #tpu.memory_space<vmem>>) semaphore(%arg11 : memref<!tpu.dma_semaphore, #tpu.memory_space<semaphore_mem>>)
      %dma_wait3A_298 = arith.constant 768 : i32
      %dma_wait3A_299 = tpu.memref_slice %arg5[%dma_wait3A_298] : memref<1024xi32, #tpu.memory_space<vmem>> -> memref<128xi32, #tpu.memory_space<vmem>>
      %dma_wait3A_300 = arith.constant 0 : i32
      %dma_wait3A_301 = arith.constant 0 : i32
      %dma_wait3A_302 = tpu.memref_slice %arg3[%dma_wait3A_300, %dma_wait3A_301] : memref<8000x128xf32, #tpu.memory_space<hbm>> -> memref<8000x128xf32, #tpu.memory_space<hbm>>
      tpu.wait_indirect_dma semaphore(%arg10 : memref<!tpu.dma_semaphore, #tpu.memory_space<semaphore_mem>>) src(%dma_wait3A_302 : memref<8000x128xf32, #tpu.memory_space<hbm>>) dst(%arg6 : memref<128x128xf32, #tpu.memory_space<vmem>>)
      %dma_wait3A_303 = arith.constant 0 : i32
      %dma_wait3A_304 = arith.constant 0 : i32
      %dma_wait3A_305 = tpu.memref_slice %arg8[%dma_wait3A_303, %dma_wait3A_304] : memref<128x128xf32, #tpu.memory_space<vmem>> -> memref<128x128xf32, #tpu.memory_space<vmem>>
      %dma_wait3A_306 = arith.constant 512 : i32
      %dma_wait3A_307 = tpu.memref_slice %arg4[%select_n3A_57, %dma_wait3A_306, %multiple_of3A_240] : memref<50x1000x1024xf32, #tpu.memory_space<hbm>> -> memref<1x128x128xf32, #tpu.memory_space<hbm>>
      %dma_wait3A_308 = tpu.memref_squeeze %dma_wait3A_307 : memref<1x128x128xf32, #tpu.memory_space<hbm>> -> memref<128x128xf32, #tpu.memory_space<hbm>>
      %dma_wait3A_309 = arith.constant 512 : i32
      %dma_wait3A_310 = tpu.memref_slice %arg4[%select_n3A_57, %dma_wait3A_309, %multiple_of3A_240] : memref<50x1000x1024xf32, #tpu.memory_space<hbm>> -> memref<1x128x128xf32, #tpu.memory_space<hbm>>
      %dma_wait3A_311 = tpu.memref_squeeze %dma_wait3A_310 : memref<1x128x128xf32, #tpu.memory_space<hbm>> -> memref<128x128xf32, #tpu.memory_space<hbm>>
      %dma_wait3A_312 = arith.constant 0 : i32
      %dma_wait3A_313 = arith.constant 0 : i32
      %dma_wait3A_314 = tpu.memref_slice %arg8[%dma_wait3A_312, %dma_wait3A_313] : memref<128x128xf32, #tpu.memory_space<vmem>> -> memref<128x128xf32, #tpu.memory_space<vmem>>
      tpu.wait_dma2 semaphore(%arg12 : memref<!tpu.dma_semaphore, #tpu.memory_space<semaphore_mem>>) src(%dma_wait3A_314 : memref<128x128xf32, #tpu.memory_space<vmem>>) dst(%dma_wait3A_311 : memref<128x128xf32, #tpu.memory_space<hbm>>)
      %parallel_loop3A_315 = arith.constant 0 : i32
      %parallel_loop3A_316 = arith.constant 128 : i32
      %parallel_loop3A_317 = arith.constant 1 : i32
      scf.for %parallel_loop3A_392 = %parallel_loop3A_315 to %parallel_loop3A_316 step %parallel_loop3A_317  : i32 {
        %parallel_loop3A_393 = vector.broadcast %parallel_loop3A_392 : i32 to vector<16xi32>
        %parallel_loop3A_394 = arith.constant -16 : i32
        %parallel_loop3A_395 = arith.andi %parallel_loop3A_392, %parallel_loop3A_394 : i32
        %parallel_loop3A_396 = vector.broadcast %parallel_loop3A_395 : i32 to vector<16xi32>
        %parallel_loop3A_397 = arith.addi %iota3A, %parallel_loop3A_393 : vector<16xi32>
        %parallel_loop3A_398 = arith.constant 15 : i32
        %parallel_loop3A_399 = vector.broadcast %parallel_loop3A_398 : i32 to vector<16xi32>
        %parallel_loop3A_400 = arith.andi %parallel_loop3A_397, %parallel_loop3A_399 : vector<16xi32>
        %parallel_loop3A_401 = arith.addi %parallel_loop3A_400, %parallel_loop3A_396 : vector<16xi32>
        %parallel_loop3A_402 = tpu.vector_load_idx %arg6[%add3A_5, %parallel_loop3A_401] : memref<128x128xf32, #tpu.memory_space<vmem>>[vector<16xi32>, vector<16xi32>], vector<16xf32>,
        tpu.vector_store_idx %arg8[%parallel_loop3A_401, %add3A_5], %parallel_loop3A_402 : memref<128x128xf32, #tpu.memory_space<vmem>>[vector<16xi32>, vector<16xi32>], vector<16xf32>,
        %parallel_loop3A_403 = tpu.vector_load_idx %arg6[%add3A_8, %parallel_loop3A_401] : memref<128x128xf32, #tpu.memory_space<vmem>>[vector<16xi32>, vector<16xi32>], vector<16xf32>,
        tpu.vector_store_idx %arg8[%parallel_loop3A_401, %add3A_8], %parallel_loop3A_403 : memref<128x128xf32, #tpu.memory_space<vmem>>[vector<16xi32>, vector<16xi32>], vector<16xf32>,
        %parallel_loop3A_404 = tpu.vector_load_idx %arg6[%add3A_11, %parallel_loop3A_401] : memref<128x128xf32, #tpu.memory_space<vmem>>[vector<16xi32>, vector<16xi32>], vector<16xf32>,
        tpu.vector_store_idx %arg8[%parallel_loop3A_401, %add3A_11], %parallel_loop3A_404 : memref<128x128xf32, #tpu.memory_space<vmem>>[vector<16xi32>, vector<16xi32>], vector<16xf32>,
        %parallel_loop3A_405 = tpu.vector_load_idx %arg6[%add3A_14, %parallel_loop3A_401] : memref<128x128xf32, #tpu.memory_space<vmem>>[vector<16xi32>, vector<16xi32>], vector<16xf32>,
        tpu.vector_store_idx %arg8[%parallel_loop3A_401, %add3A_14], %parallel_loop3A_405 : memref<128x128xf32, #tpu.memory_space<vmem>>[vector<16xi32>, vector<16xi32>], vector<16xf32>,
        %parallel_loop3A_406 = tpu.vector_load_idx %arg6[%add3A_17, %parallel_loop3A_401] : memref<128x128xf32, #tpu.memory_space<vmem>>[vector<16xi32>, vector<16xi32>], vector<16xf32>,
        tpu.vector_store_idx %arg8[%parallel_loop3A_401, %add3A_17], %parallel_loop3A_406 : memref<128x128xf32, #tpu.memory_space<vmem>>[vector<16xi32>, vector<16xi32>], vector<16xf32>,
        %parallel_loop3A_407 = tpu.vector_load_idx %arg6[%add3A_20, %parallel_loop3A_401] : memref<128x128xf32, #tpu.memory_space<vmem>>[vector<16xi32>, vector<16xi32>], vector<16xf32>,
        tpu.vector_store_idx %arg8[%parallel_loop3A_401, %add3A_20], %parallel_loop3A_407 : memref<128x128xf32, #tpu.memory_space<vmem>>[vector<16xi32>, vector<16xi32>], vector<16xf32>,
        %parallel_loop3A_408 = tpu.vector_load_idx %arg6[%add3A_23, %parallel_loop3A_401] : memref<128x128xf32, #tpu.memory_space<vmem>>[vector<16xi32>, vector<16xi32>], vector<16xf32>,
        tpu.vector_store_idx %arg8[%parallel_loop3A_401, %add3A_23], %parallel_loop3A_408 : memref<128x128xf32, #tpu.memory_space<vmem>>[vector<16xi32>, vector<16xi32>], vector<16xf32>,
        %parallel_loop3A_409 = tpu.vector_load_idx %arg6[%add3A_26, %parallel_loop3A_401] : memref<128x128xf32, #tpu.memory_space<vmem>>[vector<16xi32>, vector<16xi32>], vector<16xf32>,
        tpu.vector_store_idx %arg8[%parallel_loop3A_401, %add3A_26], %parallel_loop3A_409 : memref<128x128xf32, #tpu.memory_space<vmem>>[vector<16xi32>, vector<16xi32>], vector<16xf32>,
      } {sc.loop_unroll_factor = 2 : i64, sc.parallel_access}
      %mul3A_318 = arith.constant 128 : i32
      %mul3A_319 = arith.muli %select_n3A_72, %mul3A_318 : i32
      %multiple_of3A_320 = tpu.assume_multiple %mul3A_319, 128 : i32
      %dma_start3A_321 = arith.constant 0 : i32
      %dma_start3A_322 = arith.constant 0 : i32
      %dma_start3A_323 = tpu.memref_slice %arg8[%dma_start3A_321, %dma_start3A_322] : memref<128x128xf32, #tpu.memory_space<vmem>> -> memref<128x128xf32, #tpu.memory_space<vmem>>
      %dma_start3A_324 = arith.constant 768 : i32
      %dma_start3A_325 = tpu.memref_slice %arg4[%select_n3A_57, %dma_start3A_324, %multiple_of3A_320] : memref<50x1000x1024xf32, #tpu.memory_space<hbm>> -> memref<1x128x128xf32, #tpu.memory_space<hbm>>
      %dma_start3A_326 = tpu.memref_squeeze %dma_start3A_325 : memref<1x128x128xf32, #tpu.memory_space<hbm>> -> memref<128x128xf32, #tpu.memory_space<hbm>>
      %dma_start3A_327 = arith.constant 768 : i32
      %dma_start3A_328 = tpu.memref_slice %arg4[%select_n3A_57, %dma_start3A_327, %multiple_of3A_320] : memref<50x1000x1024xf32, #tpu.memory_space<hbm>> -> memref<1x128x128xf32, #tpu.memory_space<hbm>>
      %dma_start3A_329 = tpu.memref_squeeze %dma_start3A_328 : memref<1x128x128xf32, #tpu.memory_space<hbm>> -> memref<128x128xf32, #tpu.memory_space<hbm>>
      %dma_start3A_330 = arith.constant 0 : i32
      %dma_start3A_331 = arith.constant 0 : i32
      %dma_start3A_332 = tpu.memref_slice %arg8[%dma_start3A_330, %dma_start3A_331] : memref<128x128xf32, #tpu.memory_space<vmem>> -> memref<128x128xf32, #tpu.memory_space<vmem>>
      tpu.enqueue_dma source(%dma_start3A_332 : memref<128x128xf32, #tpu.memory_space<vmem>>) target(%dma_start3A_329 : memref<128x128xf32, #tpu.memory_space<hbm>>) target_semaphore(%arg12 : memref<!tpu.dma_semaphore, #tpu.memory_space<semaphore_mem>>)
      %dma_wait3A_333 = arith.constant 896 : i32
      %dma_wait3A_334 = tpu.memref_slice %arg5[%dma_wait3A_333] : memref<1024xi32, #tpu.memory_space<vmem>> -> memref<128xi32, #tpu.memory_space<vmem>>
      %dma_wait3A_335 = arith.constant 0 : i32
      %dma_wait3A_336 = arith.constant 0 : i32
      %dma_wait3A_337 = tpu.memref_slice %arg3[%dma_wait3A_335, %dma_wait3A_336] : memref<8000x128xf32, #tpu.memory_space<hbm>> -> memref<8000x128xf32, #tpu.memory_space<hbm>>
      tpu.wait_indirect_dma semaphore(%arg11 : memref<!tpu.dma_semaphore, #tpu.memory_space<semaphore_mem>>) src(%dma_wait3A_337 : memref<8000x128xf32, #tpu.memory_space<hbm>>) dst(%arg7 : memref<128x128xf32, #tpu.memory_space<vmem>>)
      %dma_wait3A_338 = arith.constant 0 : i32
      %dma_wait3A_339 = arith.constant 0 : i32
      %dma_wait3A_340 = tpu.memref_slice %arg9[%dma_wait3A_338, %dma_wait3A_339] : memref<128x128xf32, #tpu.memory_space<vmem>> -> memref<128x128xf32, #tpu.memory_space<vmem>>
      %dma_wait3A_341 = arith.constant 640 : i32
      %dma_wait3A_342 = tpu.memref_slice %arg4[%select_n3A_57, %dma_wait3A_341, %multiple_of3A_280] : memref<50x1000x1024xf32, #tpu.memory_space<hbm>> -> memref<1x128x128xf32, #tpu.memory_space<hbm>>
      %dma_wait3A_343 = tpu.memref_squeeze %dma_wait3A_342 : memref<1x128x128xf32, #tpu.memory_space<hbm>> -> memref<128x128xf32, #tpu.memory_space<hbm>>
      %dma_wait3A_344 = arith.constant 640 : i32
      %dma_wait3A_345 = tpu.memref_slice %arg4[%select_n3A_57, %dma_wait3A_344, %multiple_of3A_280] : memref<50x1000x1024xf32, #tpu.memory_space<hbm>> -> memref<1x128x128xf32, #tpu.memory_space<hbm>>
      %dma_wait3A_346 = tpu.memref_squeeze %dma_wait3A_345 : memref<1x128x128xf32, #tpu.memory_space<hbm>> -> memref<128x128xf32, #tpu.memory_space<hbm>>
      %dma_wait3A_347 = arith.constant 0 : i32
      %dma_wait3A_348 = arith.constant 0 : i32
      %dma_wait3A_349 = tpu.memref_slice %arg9[%dma_wait3A_347, %dma_wait3A_348] : memref<128x128xf32, #tpu.memory_space<vmem>> -> memref<128x128xf32, #tpu.memory_space<vmem>>
      tpu.wait_dma2 semaphore(%arg13 : memref<!tpu.dma_semaphore, #tpu.memory_space<semaphore_mem>>) src(%dma_wait3A_349 : memref<128x128xf32, #tpu.memory_space<vmem>>) dst(%dma_wait3A_346 : memref<128x128xf32, #tpu.memory_space<hbm>>)
      %parallel_loop3A_350 = arith.constant 0 : i32
      %parallel_loop3A_351 = arith.constant 128 : i32
      %parallel_loop3A_352 = arith.constant 1 : i32
      scf.for %parallel_loop3A_392 = %parallel_loop3A_350 to %parallel_loop3A_351 step %parallel_loop3A_352  : i32 {
        %parallel_loop3A_393 = vector.broadcast %parallel_loop3A_392 : i32 to vector<16xi32>
        %parallel_loop3A_394 = arith.constant -16 : i32
        %parallel_loop3A_395 = arith.andi %parallel_loop3A_392, %parallel_loop3A_394 : i32
        %parallel_loop3A_396 = vector.broadcast %parallel_loop3A_395 : i32 to vector<16xi32>
        %parallel_loop3A_397 = arith.addi %iota3A, %parallel_loop3A_393 : vector<16xi32>
        %parallel_loop3A_398 = arith.constant 15 : i32
        %parallel_loop3A_399 = vector.broadcast %parallel_loop3A_398 : i32 to vector<16xi32>
        %parallel_loop3A_400 = arith.andi %parallel_loop3A_397, %parallel_loop3A_399 : vector<16xi32>
        %parallel_loop3A_401 = arith.addi %parallel_loop3A_400, %parallel_loop3A_396 : vector<16xi32>
        %parallel_loop3A_402 = tpu.vector_load_idx %arg7[%add3A_5, %parallel_loop3A_401] : memref<128x128xf32, #tpu.memory_space<vmem>>[vector<16xi32>, vector<16xi32>], vector<16xf32>,
        tpu.vector_store_idx %arg9[%parallel_loop3A_401, %add3A_5], %parallel_loop3A_402 : memref<128x128xf32, #tpu.memory_space<vmem>>[vector<16xi32>, vector<16xi32>], vector<16xf32>,
        %parallel_loop3A_403 = tpu.vector_load_idx %arg7[%add3A_8, %parallel_loop3A_401] : memref<128x128xf32, #tpu.memory_space<vmem>>[vector<16xi32>, vector<16xi32>], vector<16xf32>,
        tpu.vector_store_idx %arg9[%parallel_loop3A_401, %add3A_8], %parallel_loop3A_403 : memref<128x128xf32, #tpu.memory_space<vmem>>[vector<16xi32>, vector<16xi32>], vector<16xf32>,
        %parallel_loop3A_404 = tpu.vector_load_idx %arg7[%add3A_11, %parallel_loop3A_401] : memref<128x128xf32, #tpu.memory_space<vmem>>[vector<16xi32>, vector<16xi32>], vector<16xf32>,
        tpu.vector_store_idx %arg9[%parallel_loop3A_401, %add3A_11], %parallel_loop3A_404 : memref<128x128xf32, #tpu.memory_space<vmem>>[vector<16xi32>, vector<16xi32>], vector<16xf32>,
        %parallel_loop3A_405 = tpu.vector_load_idx %arg7[%add3A_14, %parallel_loop3A_401] : memref<128x128xf32, #tpu.memory_space<vmem>>[vector<16xi32>, vector<16xi32>], vector<16xf32>,
        tpu.vector_store_idx %arg9[%parallel_loop3A_401, %add3A_14], %parallel_loop3A_405 : memref<128x128xf32, #tpu.memory_space<vmem>>[vector<16xi32>, vector<16xi32>], vector<16xf32>,
        %parallel_loop3A_406 = tpu.vector_load_idx %arg7[%add3A_17, %parallel_loop3A_401] : memref<128x128xf32, #tpu.memory_space<vmem>>[vector<16xi32>, vector<16xi32>], vector<16xf32>,
        tpu.vector_store_idx %arg9[%parallel_loop3A_401, %add3A_17], %parallel_loop3A_406 : memref<128x128xf32, #tpu.memory_space<vmem>>[vector<16xi32>, vector<16xi32>], vector<16xf32>,
        %parallel_loop3A_407 = tpu.vector_load_idx %arg7[%add3A_20, %parallel_loop3A_401] : memref<128x128xf32, #tpu.memory_space<vmem>>[vector<16xi32>, vector<16xi32>], vector<16xf32>,
        tpu.vector_store_idx %arg9[%parallel_loop3A_401, %add3A_20], %parallel_loop3A_407 : memref<128x128xf32, #tpu.memory_space<vmem>>[vector<16xi32>, vector<16xi32>], vector<16xf32>,
        %parallel_loop3A_408 = tpu.vector_load_idx %arg7[%add3A_23, %parallel_loop3A_401] : memref<128x128xf32, #tpu.memory_space<vmem>>[vector<16xi32>, vector<16xi32>], vector<16xf32>,
        tpu.vector_store_idx %arg9[%parallel_loop3A_401, %add3A_23], %parallel_loop3A_408 : memref<128x128xf32, #tpu.memory_space<vmem>>[vector<16xi32>, vector<16xi32>], vector<16xf32>,
        %parallel_loop3A_409 = tpu.vector_load_idx %arg7[%add3A_26, %parallel_loop3A_401] : memref<128x128xf32, #tpu.memory_space<vmem>>[vector<16xi32>, vector<16xi32>], vector<16xf32>,
        tpu.vector_store_idx %arg9[%parallel_loop3A_401, %add3A_26], %parallel_loop3A_409 : memref<128x128xf32, #tpu.memory_space<vmem>>[vector<16xi32>, vector<16xi32>], vector<16xf32>,
      } {sc.loop_unroll_factor = 2 : i64, sc.parallel_access}
      %mul3A_353 = arith.constant 128 : i32
      %mul3A_354 = arith.muli %select_n3A_72, %mul3A_353 : i32
      %multiple_of3A_355 = tpu.assume_multiple %mul3A_354, 128 : i32
      %dma_start3A_356 = arith.constant 0 : i32
      %dma_start3A_357 = arith.constant 0 : i32
      %dma_start3A_358 = tpu.memref_slice %arg9[%dma_start3A_356, %dma_start3A_357] : memref<128x128xf32, #tpu.memory_space<vmem>> -> memref<104x128xf32, #tpu.memory_space<vmem>>
      %dma_start3A_359 = arith.constant 896 : i32
      %dma_start3A_360 = tpu.memref_slice %arg4[%select_n3A_57, %dma_start3A_359, %multiple_of3A_355] : memref<50x1000x1024xf32, #tpu.memory_space<hbm>> -> memref<1x104x128xf32, #tpu.memory_space<hbm>>
      %dma_start3A_361 = tpu.memref_squeeze %dma_start3A_360 : memref<1x104x128xf32, #tpu.memory_space<hbm>> -> memref<104x128xf32, #tpu.memory_space<hbm>>
      %dma_start3A_362 = arith.constant 896 : i32
      %dma_start3A_363 = tpu.memref_slice %arg4[%select_n3A_57, %dma_start3A_362, %multiple_of3A_355] : memref<50x1000x1024xf32, #tpu.memory_space<hbm>> -> memref<1x104x128xf32, #tpu.memory_space<hbm>>
      %dma_start3A_364 = tpu.memref_squeeze %dma_start3A_363 : memref<1x104x128xf32, #tpu.memory_space<hbm>> -> memref<104x128xf32, #tpu.memory_space<hbm>>
      %dma_start3A_365 = arith.constant 0 : i32
      %dma_start3A_366 = arith.constant 0 : i32
      %dma_start3A_367 = tpu.memref_slice %arg9[%dma_start3A_365, %dma_start3A_366] : memref<128x128xf32, #tpu.memory_space<vmem>> -> memref<104x128xf32, #tpu.memory_space<vmem>>
      tpu.enqueue_dma source(%dma_start3A_367 : memref<104x128xf32, #tpu.memory_space<vmem>>) target(%dma_start3A_364 : memref<104x128xf32, #tpu.memory_space<hbm>>) target_semaphore(%arg13 : memref<!tpu.dma_semaphore, #tpu.memory_space<semaphore_mem>>)
      %dma_wait3A_368 = arith.constant 0 : i32
      %dma_wait3A_369 = arith.constant 0 : i32
      %dma_wait3A_370 = tpu.memref_slice %arg8[%dma_wait3A_368, %dma_wait3A_369] : memref<128x128xf32, #tpu.memory_space<vmem>> -> memref<128x128xf32, #tpu.memory_space<vmem>>
      %dma_wait3A_371 = arith.constant 768 : i32
      %dma_wait3A_372 = tpu.memref_slice %arg4[%select_n3A_57, %dma_wait3A_371, %multiple_of3A_320] : memref<50x1000x1024xf32, #tpu.memory_space<hbm>> -> memref<1x128x128xf32, #tpu.memory_space<hbm>>
      %dma_wait3A_373 = tpu.memref_squeeze %dma_wait3A_372 : memref<1x128x128xf32, #tpu.memory_space<hbm>> -> memref<128x128xf32, #tpu.memory_space<hbm>>
      %dma_wait3A_374 = arith.constant 768 : i32
      %dma_wait3A_375 = tpu.memref_slice %arg4[%select_n3A_57, %dma_wait3A_374, %multiple_of3A_320] : memref<50x1000x1024xf32, #tpu.memory_space<hbm>> -> memref<1x128x128xf32, #tpu.memory_space<hbm>>
      %dma_wait3A_376 = tpu.memref_squeeze %dma_wait3A_375 : memref<1x128x128xf32, #tpu.memory_space<hbm>> -> memref<128x128xf32, #tpu.memory_space<hbm>>
      %dma_wait3A_377 = arith.constant 0 : i32
      %dma_wait3A_378 = arith.constant 0 : i32
      %dma_wait3A_379 = tpu.memref_slice %arg8[%dma_wait3A_377, %dma_wait3A_378] : memref<128x128xf32, #tpu.memory_space<vmem>> -> memref<128x128xf32, #tpu.memory_space<vmem>>
      tpu.wait_dma2 semaphore(%arg12 : memref<!tpu.dma_semaphore, #tpu.memory_space<semaphore_mem>>) src(%dma_wait3A_379 : memref<128x128xf32, #tpu.memory_space<vmem>>) dst(%dma_wait3A_376 : memref<128x128xf32, #tpu.memory_space<hbm>>)
      %dma_wait3A_380 = arith.constant 0 : i32
      %dma_wait3A_381 = arith.constant 0 : i32
      %dma_wait3A_382 = tpu.memref_slice %arg9[%dma_wait3A_380, %dma_wait3A_381] : memref<128x128xf32, #tpu.memory_space<vmem>> -> memref<104x128xf32, #tpu.memory_space<vmem>>
      %dma_wait3A_383 = arith.constant 896 : i32
      %dma_wait3A_384 = tpu.memref_slice %arg4[%select_n3A_57, %dma_wait3A_383, %multiple_of3A_355] : memref<50x1000x1024xf32, #tpu.memory_space<hbm>> -> memref<1x104x128xf32, #tpu.memory_space<hbm>>
      %dma_wait3A_385 = tpu.memref_squeeze %dma_wait3A_384 : memref<1x104x128xf32, #tpu.memory_space<hbm>> -> memref<104x128xf32, #tpu.memory_space<hbm>>
      %dma_wait3A_386 = arith.constant 896 : i32
      %dma_wait3A_387 = tpu.memref_slice %arg4[%select_n3A_57, %dma_wait3A_386, %multiple_of3A_355] : memref<50x1000x1024xf32, #tpu.memory_space<hbm>> -> memref<1x104x128xf32, #tpu.memory_space<hbm>>
      %dma_wait3A_388 = tpu.memref_squeeze %dma_wait3A_387 : memref<1x104x128xf32, #tpu.memory_space<hbm>> -> memref<104x128xf32, #tpu.memory_space<hbm>>
      %dma_wait3A_389 = arith.constant 0 : i32
      %dma_wait3A_390 = arith.constant 0 : i32
      %dma_wait3A_391 = tpu.memref_slice %arg9[%dma_wait3A_389, %dma_wait3A_390] : memref<128x128xf32, #tpu.memory_space<vmem>> -> memref<104x128xf32, #tpu.memory_space<vmem>>
      tpu.wait_dma2 semaphore(%arg13 : memref<!tpu.dma_semaphore, #tpu.memory_space<semaphore_mem>>) src(%dma_wait3A_391 : memref<104x128xf32, #tpu.memory_space<vmem>>) dst(%dma_wait3A_388 : memref<104x128xf32, #tpu.memory_space<hbm>>)
    }
    return
  }
}

</mosaic_0001>

<sc_bundles>
// kernel: kernel.3.cloned.1.call-start
scs
__scs_entry_jumppad:
0x0: {  	(pc) =	sbr.rel $0x88, $3  }
0x1: {  	(tag) =	ssettag $0x0;
	lr =	simm.s32 $0x1  }
0x2: {  	[smem:$0x3F9F] =	sst lr;
	_ =	strace $0xD0000000  }
0x3: {  	_ = 	snop  }
0x4: {  	_ = 	snop  }
0x5: {  	_ = 	snop  }
0x6: {  	_ = 	snop  }
0x7: {  	_ = 	snop  }
__scs_overlays_trampoline_lowered:
0x8: {  	[smem:$0x3FAE] =	sst s0  }
0x9: {  	[smem:$0x3FAF] =	sst s1  }
0xa: {  	[smem:$0x3FB0] =	sst s2  }
0xb: {  	[smem:$0x3FB1] =	sst s3  }
0xc: {  	[smem:$0x3FB2] =	sst s4  }
0xd: {  	[smem:$0x3FB3] =	sst s5  }
0xe: {  	[smem:$0x3FB4] =	sst s6  }
0xf: {  	[smem:$0x3FB5] =	sst s7  }
0x10: {  	[smem:$0x3FB6] =	sst s8  }
0x11: {  	[smem:$0x3FB7] =	sst s9;
	s0 =	simm.s32 @!p0 $0x0  }
0x12: {  	s1 =	sld [smem:$0x3F9D];
	s0 =	simm.s32 @p0 $0x1  }
0x13: {  	[smem:$0x3FB8] =	sst s0;
	s0 =	simm.s32 @!p1 $0x0  }
0x14: {  	s2 =	sld [smem:$0x3F9C];
	s0 =	simm.s32 @p1 $0x1  }
0x15: {  	[smem:$0x3FB9] =	sst s0;
	s0 =	simm.s32 @!p2 $0x0  }
0x16: {  	s3 =	sld [smem:$0x3FDB];
	s0 =	simm.s32 @p2 $0x1  }
0x17: {  	s4 =	simm.s32 $0x1BF5;
	[smem:$0x3FBB] =	sst s0  }
0x18: {  	s0 =	sld [smem:$0x3F9E];
	_ =	swait.ge [sflag:s4], $0x0  }
0x19: {  	s7 =	sld [smem:$0x3F9F]  }
0x1a: {  	s8 =	sadd.s32 $0xFFFFE003, lr  }
0x1b: {  	s9 =	sadd.s32 $0xFFFFFEF7, lr;
	s5 =	simm.s32 $0xFFFFFFFF;
	p2 =	slt.u32 s8, $0xFFFFF086  }
0x1c: {  	p1 =	slt.u32 s9, $0xF7A;
	s5 =	simm.s32 @!p2 $0x0  }
0x1d: {  	s5 =	simm.s32 @p1 $0x1;
	p0 =	seq.s32 s7, s2  }
0x1e: {  	s7 =	smul.u32 @!p0 $0xF7A, s2;
	p2 =	seq.s32 @!p0 s5, $0x0  }
0x1f: {  	s9 =	smul.u32 $0xF7A, s1;
	s8 =	simm.s32 @!p0 $0x1BF5;
	p2 =	por !p2, p0  }
0x20: {  	[sflag:s8] =	ssyncset.s32 @!p0 $0xFFFFF086;
	s6 =	sadd.s32 @!p0 s3, s7;
	s7 =	simm.s32 @!p0 $0x108  }
0x21: {  	s3 =	sadd.s32 s3, s9;
	s6 =	sadd.s32 @!p0 $0x88, s6;
	s7 =	simm.s32 @p2 $0x1082  }
0x22: {  	[simem:s7], [sflag:s8] =	dma.local @!p0 [hbm:s6], $0xF7A  }
0x23: {  	s9 =	sor.u32 $0xD0000000, s2;
	s6 =	simm.s32 $0x108;
	_ =	swait.ge @!p0 [sflag:s8], $0x0  }
0x24: {  	s3 =	sadd.s32 $0x88, s3;
	s6 =	simm.s32 @!p1 $0x1082;
	[sflag:s4] =	ssyncset.s32 $0xFFFFF086  }
0x25: {  	[simem:s6], [sflag:s4] =	dma.local [hbm:s3], $0xF7A  }
0x26: {  	[smem:$0x3F9F] =	sst s1;
	(tag) =	ssettag s2;
	_ =	strace s9  }
0x27: {  	s1 =	sld [smem:$0x3FAF]  }
0x28: {  	s2 =	sld [smem:$0x3FB0]  }
0x29: {  	s4 =	sld [smem:$0x3FB2]  }
0x2a: {  	p0 =	seq.s32 s5, $0x0;
	s5 =	sld [smem:$0x3FB3]  }
0x2b: {  	s6 =	sld [smem:$0x3FB4]  }
0x2c: {  	s7 =	sld [smem:$0x3FB5]  }
0x2d: {  	s3 =	simm.s32 $0x108;
	s8 =	sld [smem:$0x3FB6]  }
0x2e: {  	s3 =	simm.s32 @!p0 $0x1082;
	s9 =	sld [smem:$0x3FB7]  }
0x2f: {  	lr =	sadd.s32 s0, s3;
	s0 =	sld [smem:$0x3FAE]  }
0x30: {  	s3 =	sld [smem:$0x3FB1]  }
0x31: {  	[smem:$0x3FBA] =	sst s10  }
0x32: {  	s10 =	sld [smem:$0x3FB8];
	_ =	sdelay $0x3  }
0x33: {  	p0 =	seq.s32 s10, $0x1;
	s10 =	sld [smem:$0x3FBA];
	_ =	sdelay $0x3  }
0x34: {  	[smem:$0x3FBA] =	sst s10  }
0x35: {  	s10 =	sld [smem:$0x3FB9];
	_ =	sdelay $0x3  }
0x36: {  	p1 =	seq.s32 s10, $0x1;
	s10 =	sld [smem:$0x3FBA];
	_ =	sdelay $0x3  }
0x37: {  	[smem:$0x3FBA] =	sst s10  }
0x38: {  	s10 =	sld [smem:$0x3FBB]  }
0x39: {  	_ = 	snop;
	(pc) =	sbr.ind lr, $3  }
0x3a: {  	_ = 	snop  }
0x3b: {  	_ = 	snop  }
0x3c: {  	p2 =	seq.s32 s10, $0x1;
	s10 =	sld [smem:$0x3FBA]  }
0x3d: {  	_ =	shalt  }
0x3e: {  	_ =	shalt  }
0x3f: {  	_ =	shalt  }
0x40: {  	_ =	shalt  }
0x41: {  	_ =	shalt  }
0x42: {  	_ =	shalt  }
0x43: {  	_ =	shalt  }
0x44: {  	_ =	shalt  }
0x45: {  	_ =	shalt  }
0x46: {  	_ =	shalt  }
0x47: {  	_ =	shalt  }
0x48: {  	_ =	shalt  }
0x49: {  	_ =	shalt  }
0x4a: {  	_ =	shalt  }
0x4b: {  	_ =	shalt  }
0x4c: {  	_ =	shalt  }
0x4d: {  	_ =	shalt  }
0x4e: {  	_ =	shalt  }
0x4f: {  	_ =	shalt  }
0x50: {  	_ =	shalt  }
0x51: {  	_ =	shalt  }
0x52: {  	_ =	shalt  }
0x53: {  	_ =	shalt  }
0x54: {  	_ =	shalt  }
0x55: {  	_ =	shalt  }
0x56: {  	_ =	shalt  }
0x57: {  	_ =	shalt  }
0x58: {  	_ =	shalt  }
0x59: {  	_ =	shalt  }
0x5a: {  	_ =	shalt  }
0x5b: {  	_ =	shalt  }
0x5c: {  	_ =	shalt  }
0x5d: {  	_ =	shalt  }
0x5e: {  	_ =	shalt  }
0x5f: {  	_ =	shalt  }
0x60: {  	_ =	shalt  }
0x61: {  	_ =	shalt  }
0x62: {  	_ =	shalt  }
0x63: {  	_ =	shalt  }
0x64: {  	_ =	shalt  }
0x65: {  	_ =	shalt  }
0x66: {  	_ =	shalt  }
0x67: {  	_ =	shalt  }
0x68: {  	_ =	shalt  }
0x69: {  	_ =	shalt  }
0x6a: {  	_ =	shalt  }
0x6b: {  	_ =	shalt  }
0x6c: {  	_ =	shalt  }
0x6d: {  	_ =	shalt  }
0x6e: {  	_ =	shalt  }
0x6f: {  	_ =	shalt  }
0x70: {  	_ =	shalt  }
0x71: {  	_ =	shalt  }
0x72: {  	_ =	shalt  }
0x73: {  	_ =	shalt  }
0x74: {  	_ =	shalt  }
0x75: {  	_ =	shalt  }
0x76: {  	_ =	shalt  }
0x77: {  	_ =	shalt  }
0x78: {  	_ =	shalt  }
0x79: {  	_ =	shalt  }
0x7a: {  	_ =	shalt  }
0x7b: {  	_ =	shalt  }
0x7c: {  	_ =	shalt  }
0x7d: {  	_ =	shalt  }
0x7e: {  	_ =	shalt  }
0x7f: {  	_ =	shalt  }
0x80: {  	_ =	shalt  }
0x81: {  	_ =	shalt  }
0x82: {  	_ =	shalt  }
0x83: {  	_ =	shalt  }
0x84: {  	_ =	shalt  }
0x85: {  	_ =	shalt  }
0x86: {  	_ =	shalt  }
0x87: {  	_ =	shalt  }
.Lfunc_end0:
.L_simem_size_0:
called_computation_lowered:
.L_overlay_start_0:
0x88: {  	s2 =	sld [smem:$0x3FD9]  }
0x89: {  	s3 =	sld [smem:$0x3FFE];
	_ =	sdelay $0x1  }
0x8a: {  	s1 =	srdreg.scid  }
0x8b: {  	s0 =	sand.u32 $0x1, s1  }
0x8c: {  	s17 =	sshll.u32 s0, $0xA;
	s2 =	sadd.s32 s3, s2  }
0x8d: {  	s2 =	sadd.s32 s2, s17  }
0x8e: {  	[smem:$0x3FC6] =	sst s2  }
0x8f: {  	_ = 	snop  }
0x90: {  	s2 =	sld [smem:$0x3FD0];
	(tm) =	ssettm $0x1  }
0x91: {  	s18 =	sld [smem:$0x3FFB];
	_ =	sdelay $0x3  }
0x92: {  	_ =	strace s18  }
0x93: {  	s3 =	sld [smem:$0x3FFC];
	_ =	sdelay $0x3  }
0x94: {  	_ =	strace s3  }
0x95: {  	s3 =	sld [smem:$0x3FFD];
	_ =	sdelay $0x3  }
0x96: {  	_ =	strace s3  }
0x97: {  	_ =	strace $0x8FFFFFFF  }
0x98: {  	s19 =	sld [smem:$0x3FDB];
	_ =	sdelay $0x1  }
0x99: {  	s4 =	simm.s32 $_scs_section_size  }
0x9a: {  	s5 =	simm.s32 $_size__tile_overlayer_lowered;
	s6 =	simm.s32 $_tile_overlayer_lowered  }
0x9b: {  	s22 =	simm.s32 $0x1BFF;
	s21 =	sshll.u32 s6, $0x1;
	s3 =	sadd.s32 s4, s19  }
0x9c: {  	s7 =	simm.s32 $0x0;
	s20 =	sshll.u32 s5, $0x1;
	s5 =	sadd.s32 s21, s3  }
0x9d: {  	[timem:s7], [sflag:s22] =	dma.local [hbm:s5], s20  }
0x9e: {  	_ =	swait.ge [sflag:s22], s20  }
0x9f: {  	s4 =	ssub.s32 $0x0, s20;
	[sflag:s22] =	ssyncset.done $0x0  }
0xa0: {  	[sflag:s22] =	ssyncadd.s32 s4;
	_ =	sdelay $0x1  }
0xa1: {  	s23 =	simm.s32 $0x1B8B  }
0xa2: {  	_ =	swait.ge [sflag:s23], $0x1  }
0xa3: {  	[sflag:s23] =	ssyncset.done $0x0  }
0xa4: {  	s25 =	simm.s32 $0x1B8E;
	s24 =	sld [smem:$0x3FFE];
	[sflag:s23] =	ssyncadd.s32 $0xFFFFFFFF  }
0xa5: {  	s26 =	simm.s32 $execute0_lowered;
	[smem:$0x3FD2] =	sst s25  }
0xa6: {  	s5 =	sshll.u32 s26, $0x1;
	_ =	strace $0x80000046;
	[dreg:$0x1] =	wrdreg $0xFFFFFFFF  }
0xa7: {  	s28 =	simm.s32 $_size_execute0_lowered;
	s3 =	sadd.s32 s3, s5;
	[dreg:$0x0] =	wrdreg $0x0  }
0xa8: {  	s5 =	sshll.u32 s28, $0x1;
	[dreg:$0x2] =	wrdreg s3  }
0xa9: {  	[dreg:$0x3] =	wrdreg s5  }
0xaa: {  	[dreg:$0x4] =	wrdreg $0xC0  }
0xab: {  	_ =	task [dreg:s7], $0x5FFFF  }
0xac: {  	[dreg:$0x1] =	wrdreg $0xFFFFFFFF  }
0xad: {  	[dreg:$0x0] =	wrdreg $0x60  }
0xae: {  	[dreg:$0x2] =	wrdreg s24  }
0xaf: {  	[dreg:$0x3] =	wrdreg s2  }
0xb0: {  	[dreg:$0x4] =	wrdreg $0x9  }
0xb1: {  	_ =	task.clear_ibuf [dreg:s7], $0x5FFFF;
	_ =	strace $0x90000046  }
0xb2: {  	s29 =	simm.s32 $0x9;
	_ =	strace $0x80000048  }
0xb3: {  	_ =	swait.ge [sflag:s29], $0x1  }
0xb4: {  	[sflag:s29] =	ssyncadd.s32 $0xFFFFFFFF  }
0xb5: {  	_ =	strace $0x90000048  }
0xb6: {  	_ =	sfence  }
0xb7: {  	s30 =	sld [smem:$0x0];
	_ =	sdelay $0x2  }
0xb8: {  	s31 =	sshll.u32 s1, $0xD;
	s1 =	sshrl.u32 s1, $0x2  }
0xb9: {  	s3 =	sand.u32 $0x4000, s31;
	s1 =	sadd.s32 s1, s30  }
0xba: {  	s0 =	sor.u32 s3, s0;
	s1 =	sshll.u32 s1, $0x11  }
0xbb: {  	s0 =	sor.u32 s1, s0  }
0xbc: {  	s0 =	sadd.s32 $0x8F2B, s0  }
0xbd: {  	[sflag:s0] =	ssyncadd.remote.s32 $0x1  }
0xbe: {  	_ =	sfence.sel $0xFFFF  }
0xbf: {  	[dreg:$0x0] =	wrdreg $0xFFFFFFFF;
	(pc) =	sbr.abs _section_cstart, $3  }
0xc0: {  	[dreg:$0x1] =	wrdreg $0xFFFFFFFF  }
0xc1: {  	_ =	task.clear_ibuf [dreg:s7], $0x2FFFF;
	_ =	strace $0x9FFFFFFF  }
0xc2: {  	(tm) =	ssettm $0x7FFFFFFF  }
0xc3: {  	_ =	shalt  }
tec
execute0_lowered:
.L_overlay_start_1:
0x0: {  	(tag) =	ssettag $0x1  }
0x1: {  	s0 =	rddreg [dreg:$0x0]  }
0x2: {  	s1 =	rddreg [dreg:$0x1]  }
0x3: {  	s2 =	simm.s32 $0x0;
	s3 =	srdreg.scid;
	s30 =	stileid.u32  }
0x4: {  	s7 =	simm.s32 $0xD;
	s10 =	simm.s32 $0x5;
	s11 =	simm.s32 $0x80  }
0x5: {  	s12 =	simm.s32 $0x400;
	s13 =	simm.s32 $0x4400;
	s14 =	simm.s32 $0x1  }
0x6: {  	s15 =	simm.s32 $0x8400;
	s16 =	simm.s32 $0x2000;
	s17 =	simm.s32 $0x100  }
0x7: {  	s18 =	simm.s32 $0x2;
	s19 =	simm.s32 $0xC400;
	s20 =	simm.s32 $0x180  }
0x8: {  	v0 =	vlaneseq.u32;
	s21 =	simm.s32 $0x3;
	s22 =	simm.s32 $0x200;
	s23 =	simm.s32 $0x4  }
0x9: {  	s24 =	simm.s32 $0x280;
	s25 =	simm.s32 $0x300;
	s5 =	sand.u32 $0x1, s3;
	v1 =	vmul.u32 $0x80, v0;
	v3 =	vor.u32 $0x10, v0;
	v5 =	vor.u32 $0x20, v0  }
0xa: {  	s26 =	simm.s32 $0x380;
	[smem:$0x7FF] =	sst s2;
	v7 =	vor.u32 $0x30, v0;
	v9 =	vor.u32 $0x40, v0;
	v11 =	vor.u32 $0x50, v0;
	s31 =	ssub.s32 $0x2, s5  }
0xb: {  	s4 =	sadd.s32 $0x1F800, s0;
	s6 =	sadd.s32 $0x400, s0;
	v13 =	vor.u32 $0x60, v0;
	v15 =	vor.u32 $0x70, v0;
	s8 =	sshrl.u32 s31, $0x1;
	v2 =	vor.u32 $0x800, v1  }
0xc: {  	p0 =	slt.u32 s30, $0x8;
	_ =	strace $0x80000047;
	v4 =	vor.u32 $0x1000, v1;
	v6 =	vor.u32 $0x1800, v1;
	v8 =	vor.u32 $0x2000, v1;
	s0 =	ssub.s32 s31, s8  }
0xd: {  	s7 =	simm.s32 @!p0 $0xC;
	v10 =	vor.u32 $0x2800, v1;
	v12 =	vor.u32 $0x3000, v1;
	v14 =	vor.u32 $0x3800, v1;
	s8 =	sshll.u32 s30, $0x1;
	s9 =	smax.u32 s0, $0x1  }
.LBB2_1:
0xe: {  	s28 =	simm.s32 $0x0  }
.LBB2_2:
0xf: {  	s0 =	sshll.u32 s28, $0x5  }
0x10: {  	s30 =	sor.u32 s0, s8  }
0x11: {  	s29 =	sor.u32 s5, s30  }
0x12: {  	s3 =	sshll.u32 s29, $0x7  }
0x13: {  	s31 =	simm.s32 $0x0;
	s0 =	sadd.s32 s4, s3  }
0x14: {  	[tilespmem:s31], [sflag:$0x5] =	stream.linear.gather [hbm4b:s0+s31], $0x400, $0x38;
	[tilespmem:$0x10400] =	vst v63  }
0x15: {  	s3 =	simm.s32 $0x1;
	_ =	swait.ge [sflag:s10], $0x400  }
0x16: {  	v16 =	vadd.s32 s3, v0;
	[sflag:s10] =	ssyncset.done $0x0  }
0x17: {  	s3 =	sand.u32 $0x70, s31;
	v16 =	vand.u32 $0xF, v16;
	[sflag:s10] =	ssyncadd.s32 $0xFFFFFC00  }
0x18: {  	v17 =	vadd.s32 s31, v0;
	v25 =	vor.u32 s3, v16;
	[tilespmem:s12], [sflag:$0x1] =	stream.indirect.gather [hbm4b:s6+s11], $0x80, s31, s11, $0xb8;
	[tilespmem:$0x10400] =	vst v63  }
0x19: {  	v16 =	vand.u32 $0xF, v17;
	v17 =	vor.u32 v1, v25  }
0x1a: {  	v29 =	vor.u32 s3, v16;
	[tilespmem:s13], [sflag:$0x2] =	stream.indirect.gather [hbm4b:s6+s11], $0x80, s11, s11, $0xb8;
	[tilespmem:$0x10400] =	vst v63  }
0x1b: {  	v16 =	vor.u32 v1, v29;
	_ =	swait.ge [sflag:s14], $0x4000  }
0x1c: {  	[sflag:s14] =	ssyncset.done $0x0  }
0x1d: {  	v30 =	vshll.u32 v25, $0x7;
	[sflag:s14] =	ssyncadd.s32 $0xFFFFC000  }
0x1e: {  	v18 =	vor.u32 v0, v30;
	v17 =	vld.idx.msk [tilespmem:v17+s12+$0x0], $0xffff  }
0x1f: {  	v19 =	vor.u32 v2, v25;
	v32 =	vshll.u32 v29, $0x7  }
0x20: {  	v20 =	vor.u32 v0, v32;
	v16 =	vld.idx.msk [tilespmem:v16+s12+$0x0], $0xffff  }
0x21: {  	v21 =	vor.u32 v2, v29;
	_ =	sdelay $0x1  }
0x22: {  	[tilespmem:v18+s15+$0x0] =	vst.idx.msk $0xffff, v17  }
0x23: {  	v22 =	vor.u32 v3, v30;
	v17 =	vld.idx.msk [tilespmem:v19+s12+$0x0], $0xffff  }
0x24: {  	s31 =	simm.s32 $0x3;
	[tilespmem:v20+s15+$0x0] =	vst.idx.msk $0xffff, v16;
	v16 =	vor.u32 v4, v25  }
0x25: {  	s3 =	simm.s32 $0x2;
	v20 =	vld.idx.msk [tilespmem:v21+s12+$0x0], $0xffff;
	v21 =	vor.u32 v3, v32;
	v19 =	vadd.s32 s31, v0  }
0x26: {  	s0 =	sand.u32 $0x70, s3;
	v23 =	vor.u32 v4, v29;
	v18 =	vadd.s32 s3, v0;
	v19 =	vand.u32 $0xF, v19  }
0x27: {  	v18 =	vand.u32 $0xF, v18;
	v19 =	vor.u32 s0, v19  }
0x28: {  	v18 =	vor.u32 s0, v18;
	v26 =	vor.u32 v1, v19;
	[tilespmem:v22+s15+$0x0] =	vst.idx.msk $0xffff, v17  }
0x29: {  	v27 =	vor.u32 v5, v30;
	v24 =	vor.u32 v1, v18;
	v22 =	vld.idx.msk [tilespmem:v16+s12+$0x0], $0xffff  }
0x2a: {  	v28 =	vor.u32 v6, v25;
	[tilespmem:v21+s15+$0x0] =	vst.idx.msk $0xffff, v20  }
0x2b: {  	v20 =	vor.u32 v5, v32;
	v21 =	vld.idx.msk [tilespmem:v23+s12+$0x0], $0xffff  }
0x2c: {  	v17 =	vshll.u32 v19, $0x7;
	v23 =	vor.u32 v6, v29  }
0x2d: {  	v38 =	vor.u32 v10, v25;
	v16 =	vshll.u32 v18, $0x7;
	v33 =	vor.u32 v0, v17;
	v26 =	vld.idx.msk [tilespmem:v26+s12+$0x0], $0xffff  }
0x2e: {  	v24 =	vld.idx.msk [tilespmem:v24+s12+$0x0], $0xffff;
	v31 =	vor.u32 v0, v16;
	[tilespmem:v27+s15+$0x0] =	vst.idx.msk $0xffff, v22;
	v22 =	vor.u32 v2, v19  }
0x2f: {  	v45 =	vor.u32 v12, v25;
	v34 =	vor.u32 v2, v18;
	v27 =	vld.idx.msk [tilespmem:v28+s12+$0x0], $0xffff;
	v28 =	vor.u32 v7, v30  }
0x30: {  	v54 =	vor.u32 v10, v29;
	[tilespmem:v20+s15+$0x0] =	vst.idx.msk $0xffff, v21;
	v20 =	vor.u32 v8, v25  }
0x31: {  	v44 =	vor.u32 v11, v30;
	v42 =	vor.u32 v9, v32;
	v21 =	vld.idx.msk [tilespmem:v23+s12+$0x0], $0xffff;
	v23 =	vor.u32 v7, v32  }
0x32: {  	v60 =	vor.u32 v11, v32;
	[tilespmem:v33+s15+$0x0] =	vst.idx.msk $0xffff, v26;
	v26 =	vor.u32 v8, v29  }
0x33: {  	s3 =	simm.s32 $0x4;
	v35 =	vor.u32 v3, v17;
	v52 =	vor.u32 v3, v16;
	[tilespmem:v31+s15+$0x0] =	vst.idx.msk $0xffff, v24;
	v53 =	vld.idx.msk [tilespmem:v22+s12+$0x0], $0xffff  }
0x34: {  	v24 =	vld.idx.msk [tilespmem:v34+s12+$0x0], $0xffff;
	v22 =	vadd.s32 s3, v0;
	[tilespmem:v28+s15+$0x0] =	vst.idx.msk $0xffff, v27;
	v27 =	vor.u32 v4, v19  }
0x35: {  	s31 =	simm.s32 $0x5;
	v37 =	vor.u32 v4, v18;
	s0 =	sand.u32 $0x70, s3;
	v28 =	vor.u32 v9, v30;
	v22 =	vand.u32 $0xF, v22;
	v36 =	vld.idx.msk [tilespmem:v20+s12+$0x0], $0xffff  }
0x36: {  	v57 =	vor.u32 v6, v18;
	[tilespmem:v23+s15+$0x0] =	vst.idx.msk $0xffff, v21;
	v20 =	vadd.s32 s31, v0;
	v22 =	vor.u32 s0, v22  }
0x37: {  	v56 =	vor.u32 v5, v17;
	v41 =	vld.idx.msk [tilespmem:v26+s12+$0x0], $0xffff;
	v20 =	vand.u32 $0xF, v20;
	v40 =	vor.u32 v1, v22  }
0x38: {  	v62 =	vor.u32 v7, v17;
	v49 =	vor.u32 v9, v17;
	v23 =	vor.u32 s0, v20;
	[tilespmem:v35+s15+$0x0] =	vst.idx.msk $0xffff, v53  }
0x39: {  	v39 =	vor.u32 v5, v16;
	[tilespmem:v52+s15+$0x0] =	vst.idx.msk $0xffff, v24;
	v43 =	vor.u32 v1, v23;
	v55 =	vld.idx.msk [tilespmem:v27+s12+$0x0], $0xffff  }
0x3a: {  	v48 =	vor.u32 v7, v16;
	v31 =	vor.u32 v6, v19;
	v37 =	vld.idx.msk [tilespmem:v37+s12+$0x0], $0xffff;
	[tilespmem:v28+s15+$0x0] =	vst.idx.msk $0xffff, v36  }
0x3b: {  	v24 =	vor.u32 v15, v32;
	v52 =	vor.u32 v12, v29;
	v20 =	vshll.u32 v22, $0x7;
	v38 =	vld.idx.msk [tilespmem:v38+s12+$0x0], $0xffff  }
0x3c: {  	v58 =	vor.u32 v2, v22;
	v46 =	vor.u32 v0, v20;
	[tilespmem:v42+s15+$0x0] =	vst.idx.msk $0xffff, v41;
	v40 =	vld.idx.msk [tilespmem:v40+s12+$0x0], $0xffff  }
0x3d: {  	v50 =	vor.u32 v4, v22;
	v21 =	vshll.u32 v23, $0x7;
	v26 =	vor.u32 v6, v23;
	v59 =	vld.idx.msk [tilespmem:v54+s12+$0x0], $0xffff  }
0x3e: {  	v61 =	vor.u32 v2, v23;
	v47 =	vor.u32 v0, v21;
	v43 =	vld.idx.msk [tilespmem:v43+s12+$0x0], $0xffff;
	[tilespmem:v56+s15+$0x0] =	vst.idx.msk $0xffff, v55  }
0x3f: {  	v53 =	vor.u32 v8, v19;
	v35 =	vor.u32 v9, v16;
	[tilespmem:v39+s15+$0x0] =	vst.idx.msk $0xffff, v37;
	v63 =	vld.idx.msk [tilespmem:v31+s12+$0x0], $0xffff  }
0x40: {  	v27 =	vor.u32 v5, v20;
	v28 =	vor.u32 v15, v30;
	v36 =	vld.idx.msk [tilespmem:v57+s12+$0x0], $0xffff;
	[tilespmem:v44+s15+$0x0] =	vst.idx.msk $0xffff, v38  }
0x41: {  	v30 =	vor.u32 v13, v30;
	v42 =	vor.u32 v5, v21;
	[tilespmem:v46+s15+$0x0] =	vst.idx.msk $0xffff, v40;
	v44 =	vld.idx.msk [tilespmem:v45+s12+$0x0], $0xffff  }
0x42: {  	v54 =	vor.u32 v8, v18;
	v56 =	vor.u32 v3, v20;
	[tilespmem:v60+s15+$0x0] =	vst.idx.msk $0xffff, v59;
	v41 =	vld.idx.msk [tilespmem:v58+s12+$0x0], $0xffff  }
0x43: {  	v55 =	vor.u32 v13, v32;
	v58 =	vor.u32 v14, v25;
	v60 =	vld.idx.msk [tilespmem:v52+s12+$0x0], $0xffff;
	[tilespmem:v47+s15+$0x0] =	vst.idx.msk $0xffff, v43  }
0x44: {  	s3 =	simm.s32 $0x6;
	v31 =	vor.u32 v14, v29;
	v59 =	vor.u32 v3, v21;
	v57 =	vld.idx.msk [tilespmem:v61+s12+$0x0], $0xffff;
	[tilespmem:v62+s15+$0x0] =	vst.idx.msk $0xffff, v63  }
0x45: {  	s31 =	simm.s32 $0x7;
	[tilespmem:v48+s15+$0x0] =	vst.idx.msk $0xffff, v36;
	v25 =	vadd.s32 s3, v0;
	v61 =	vor.u32 v4, v23;
	v62 =	vld.idx.msk [tilespmem:v53+s12+$0x0], $0xffff  }
0x46: {  	s0 =	sand.u32 $0x70, s3;
	v29 =	vor.u32 v10, v18;
	v25 =	vand.u32 $0xF, v25;
	v63 =	vadd.s32 s31, v0;
	[tilespmem:v30+s15+$0x0] =	vst.idx.msk $0xffff, v44  }
0x47: {  	v36 =	vor.u32 v10, v19;
	v34 =	vld.idx.msk [tilespmem:v54+s12+$0x0], $0xffff;
	v25 =	vor.u32 s0, v25;
	v33 =	vand.u32 $0xF, v63;
	[tilespmem:v56+s15+$0x0] =	vst.idx.msk $0xffff, v41  }
0x48: {  	v33 =	vor.u32 s0, v33;
	v44 =	vor.u32 v1, v25;
	[tilespmem:v55+s15+$0x0] =	vst.idx.msk $0xffff, v60;
	v37 =	vld.idx.msk [tilespmem:v58+s12+$0x0], $0xffff  }
0x49: {  	v30 =	vshll.u32 v25, $0x7;
	v43 =	vor.u32 v1, v33;
	v32 =	vshll.u32 v33, $0x7;
	v39 =	vld.idx.msk [tilespmem:v50+s12+$0x0], $0xffff;
	[tilespmem:v59+s15+$0x0] =	vst.idx.msk $0xffff, v57  }
0x4a: {  	s31 =	simm.s32 $0x8;
	v40 =	vor.u32 v6, v33;
	v41 =	vor.u32 v5, v30;
	v38 =	vld.idx.msk [tilespmem:v61+s12+$0x0], $0xffff;
	[tilespmem:v49+s15+$0x0] =	vst.idx.msk $0xffff, v62  }
.LBB2_3:
0x4b: {  	v45 =	vmovc v33;
	v33 =	vmovc v17;
	v17 =	vmov v21;
	v21 =	vmov v32;
	v32 =	vmov v16  }
0x4c: {  	p0 =	slt.u32 s31, $0x7E;
	v31 =	vld.idx.msk [tilespmem:v31+s12+$0x0], $0xffff;
	v16 =	vmovc v20;
	v20 =	vmovc v30;
	v30 =	vmov v26;
	v26 =	vmov v40;
	v40 =	vmov v27;
	s0 =	smov.u32 s31;
	s31 =	sadd.s32 $0x2, s31  }
0x4d: {  	v46 =	vor.u32 v6, v22;
	v27 =	vmov v41;
	v47 =	vor.u32 v15, v32;
	v36 =	vld.idx.msk [tilespmem:v36+s12+$0x0], $0xffff  }
0x4e: {  	v48 =	vor.u32 v12, v19;
	v41 =	vld.idx.msk [tilespmem:v44+s12+$0x0], $0xffff;
	v44 =	vor.u32 v11, v33;
	[tilespmem:v28+s15+$0x0] =	vst.idx.msk $0xffff, v37  }
0x4f: {  	v49 =	vor.u32 v0, v21;
	v37 =	vor.u32 v0, v20;
	v43 =	vld.idx.msk [tilespmem:v43+s12+$0x0], $0xffff;
	[tilespmem:v35+s15+$0x0] =	vst.idx.msk $0xffff, v34  }
0x50: {  	v28 =	vor.u32 v15, v33;
	v34 =	vor.u32 v2, v25;
	[tilespmem:v42+s15+$0x0] =	vst.idx.msk $0xffff, v38;
	v29 =	vld.idx.msk [tilespmem:v29+s12+$0x0], $0xffff  }
0x51: {  	v35 =	vor.u32 v2, v45;
	v38 =	vor.u32 v11, v32;
	[tilespmem:v40+s15+$0x0] =	vst.idx.msk $0xffff, v39;
	v30 =	vld.idx.msk [tilespmem:v30+s12+$0x0], $0xffff  }
0x52: {  	v42 =	vor.u32 v12, v18;
	v40 =	vor.u32 v7, v17;
	v39 =	vld.idx.msk [tilespmem:v46+s12+$0x0], $0xffff;
	[tilespmem:v24+s15+$0x0] =	vst.idx.msk $0xffff, v31  }
0x53: {  	v50 =	vor.u32 v8, v23;
	v46 =	vor.u32 v7, v16;
	v24 =	vmov v47;
	[tilespmem:v44+s15+$0x0] =	vst.idx.msk $0xffff, v36  }
0x54: {  	v31 =	vor.u32 v14, v18;
	v36 =	vor.u32 v8, v22;
	[tilespmem:v37+s15+$0x0] =	vst.idx.msk $0xffff, v41;
	v37 =	vld.idx.msk [tilespmem:v48+s12+$0x0], $0xffff  }
0x55: {  	v47 =	vor.u32 v13, v32;
	v32 =	vor.u32 v13, v33;
	v41 =	vld.idx.msk [tilespmem:v34+s12+$0x0], $0xffff;
	[tilespmem:v49+s15+$0x0] =	vst.idx.msk $0xffff, v43  }
0x56: {  	v43 =	vor.u32 v3, v20;
	v48 =	vld.idx.msk [tilespmem:v35+s12+$0x0], $0xffff;
	[tilespmem:v38+s15+$0x0] =	vst.idx.msk $0xffff, v29;
	v38 =	vor.u32 v14, v19  }
0x57: {  	v49 =	vor.u32 v3, v21;
	v29 =	vor.u32 v10, v22;
	[tilespmem:v40+s15+$0x0] =	vst.idx.msk $0xffff, v30;
	v42 =	vld.idx.msk [tilespmem:v42+s12+$0x0], $0xffff  }
0x58: {  	s3 =	sadd.s32 $0x1, s0;
	v51 =	vor.u32 v4, v45;
	[tilespmem:v46+s15+$0x0] =	vst.idx.msk $0xffff, v39;
	v46 =	vld.idx.msk [tilespmem:v50+s12+$0x0], $0xffff;
	v50 =	vor.u32 v9, v17  }
0x59: {  	v33 =	vadd.s32 s0, v0;
	v18 =	vmovc v22;
	v22 =	vmovc v25;
	v30 =	vadd.s32 s3, v0;
	v39 =	vor.u32 v4, v25;
	v34 =	vld.idx.msk [tilespmem:v36+s12+$0x0], $0xffff  }
.Ltmp0:
0x5a: {  	s0 =	sand.u32 $0x70, s0;
	v35 =	vor.u32 v9, v16;
	v19 =	vmovc v23;
	v25 =	vand.u32 $0xF, v33;
	v30 =	vand.u32 $0xF, v30;
	[tilespmem:v32+s15+$0x0] =	vst.idx.msk $0xffff, v37;
	(pc) =	sbr.rel @p0 .LBB2_3-.Ltmp0, $4  }
0x5b: {  	v25 =	vor.u32 s0, v25;
	v33 =	vor.u32 s0, v30;
	v36 =	vor.u32 v10, v19;
	[tilespmem:v43+s15+$0x0] =	vst.idx.msk $0xffff, v41;
	v37 =	vld.idx.msk [tilespmem:v38+s12+$0x0], $0xffff  }
0x5c: {  	v44 =	vor.u32 v1, v25;
	v32 =	vshll.u32 v33, $0x7;
	v43 =	vor.u32 v1, v33;
	[tilespmem:v49+s15+$0x0] =	vst.idx.msk $0xffff, v48  }
0x5d: {  	v23 =	vmov v45;
	v30 =	vshll.u32 v25, $0x7;
	v40 =	vor.u32 v6, v33;
	v38 =	vld.idx.msk [tilespmem:v51+s12+$0x0], $0xffff;
	[tilespmem:v47+s15+$0x0] =	vst.idx.msk $0xffff, v42  }
0x5e: {  	v41 =	vor.u32 v5, v30;
	v42 =	vor.u32 v5, v21;
	v39 =	vld.idx.msk [tilespmem:v39+s12+$0x0], $0xffff;
	[tilespmem:v50+s15+$0x0] =	vst.idx.msk $0xffff, v46  }
0x5f: {  	_ =	sdelay $0x3  }
0x60: {  	v43 =	vld.idx.msk [tilespmem:v43+s12+$0x0], $0xffff;
	v45 =	vor.u32 v0, v32  }
0x61: {  	v44 =	vld.idx.msk [tilespmem:v44+s12+$0x0], $0xffff;
	v46 =	vor.u32 v0, v30;
	v47 =	vor.u32 v2, v33  }
0x62: {  	v48 =	vor.u32 v2, v25;
	_ =	sdelay $0x2  }
0x63: {  	[tilespmem:v45+s15+$0x0] =	vst.idx.msk $0xffff, v43  }
0x64: {  	v63 =	vor.u32 v3, v32;
	[tilespmem:v46+s15+$0x0] =	vst.idx.msk $0xffff, v44;
	v43 =	vld.idx.msk [tilespmem:v47+s12+$0x0], $0xffff  }
0x65: {  	v53 =	vor.u32 v3, v30;
	v54 =	vor.u32 v4, v33;
	v52 =	vld.idx.msk [tilespmem:v48+s12+$0x0], $0xffff  }
0x66: {  	v55 =	vor.u32 v4, v25;
	_ =	sdelay $0x2  }
0x67: {  	[tilespmem:v63+s15+$0x0] =	vst.idx.msk $0xffff, v43  }
0x68: {  	v56 =	vor.u32 v6, v22;
	v57 =	vor.u32 v5, v32;
	[tilespmem:v53+s15+$0x0] =	vst.idx.msk $0xffff, v52;
	v44 =	vld.idx.msk [tilespmem:v54+s12+$0x0], $0xffff  }
0x69: {  	v46 =	vld.idx.msk [tilespmem:v55+s12+$0x0], $0xffff  }
0x6a: {  	v58 =	vor.u32 v6, v25  }
0x6b: {  	[tilespmem:v42+s15+$0x0] =	vst.idx.msk $0xffff, v38  }
0x6c: {  	[tilespmem:v27+s15+$0x0] =	vst.idx.msk $0xffff, v39;
	v26 =	vld.idx.msk [tilespmem:v26+s12+$0x0], $0xffff;
	v27 =	vor.u32 v7, v21  }
0x6d: {  	v60 =	vor.u32 v7, v20;
	v61 =	vor.u32 v8, v23;
	v59 =	vld.idx.msk [tilespmem:v56+s12+$0x0], $0xffff;
	[tilespmem:v57+s15+$0x0] =	vst.idx.msk $0xffff, v44  }
0x6e: {  	v62 =	vor.u32 v8, v22;
	v63 =	vor.u32 v7, v32;
	[tilespmem:v41+s15+$0x0] =	vst.idx.msk $0xffff, v46;
	v40 =	vld.idx.msk [tilespmem:v40+s12+$0x0], $0xffff  }
0x6f: {  	v49 =	vor.u32 v7, v30;
	v50 =	vor.u32 v8, v33;
	v48 =	vld.idx.msk [tilespmem:v58+s12+$0x0], $0xffff  }
0x70: {  	[tilespmem:v28+s15+$0x0] =	vst.idx.msk $0xffff, v37;
	v28 =	vor.u32 v8, v25  }
0x71: {  	v31 =	vld.idx.msk [tilespmem:v31+s12+$0x0], $0xffff;
	[tilespmem:v27+s15+$0x0] =	vst.idx.msk $0xffff, v26  }
0x72: {  	v27 =	vor.u32 v9, v21;
	[tilespmem:v60+s15+$0x0] =	vst.idx.msk $0xffff, v59;
	v26 =	vld.idx.msk [tilespmem:v61+s12+$0x0], $0xffff  }
0x73: {  	v51 =	vld.idx.msk [tilespmem:v62+s12+$0x0], $0xffff;
	v52 =	vor.u32 v9, v20;
	v53 =	vor.u32 v10, v23;
	[tilespmem:v63+s15+$0x0] =	vst.idx.msk $0xffff, v40  }
0x74: {  	v54 =	vor.u32 v10, v22;
	v55 =	vor.u32 v9, v32;
	[tilespmem:v49+s15+$0x0] =	vst.idx.msk $0xffff, v48;
	v41 =	vld.idx.msk [tilespmem:v50+s12+$0x0], $0xffff  }
0x75: {  	[tilespmem:v35+s15+$0x0] =	vst.idx.msk $0xffff, v34;
	v56 =	vor.u32 v9, v30;
	v57 =	vor.u32 v10, v33;
	v28 =	vld.idx.msk [tilespmem:v28+s12+$0x0], $0xffff  }
0x76: {  	v36 =	vld.idx.msk [tilespmem:v36+s12+$0x0], $0xffff;
	[tilespmem:v24+s15+$0x0] =	vst.idx.msk $0xffff, v31;
	v24 =	vor.u32 v10, v25;
	v58 =	vor.u32 v11, v17  }
0x77: {  	v29 =	vld.idx.msk [tilespmem:v29+s12+$0x0], $0xffff;
	v31 =	vor.u32 v12, v19;
	v59 =	vor.u32 v11, v16;
	[tilespmem:v27+s15+$0x0] =	vst.idx.msk $0xffff, v26  }
0x78: {  	v60 =	vor.u32 v11, v21;
	v26 =	vor.u32 v12, v18;
	v27 =	vld.idx.msk [tilespmem:v53+s12+$0x0], $0xffff;
	[tilespmem:v52+s15+$0x0] =	vst.idx.msk $0xffff, v51  }
0x79: {  	v61 =	vor.u32 v12, v23;
	v62 =	vor.u32 v11, v20;
	v38 =	vld.idx.msk [tilespmem:v54+s12+$0x0], $0xffff;
	[tilespmem:v55+s15+$0x0] =	vst.idx.msk $0xffff, v41  }
0x7a: {  	v45 =	vor.u32 v11, v32;
	v63 =	vor.u32 v12, v22;
	[tilespmem:v56+s15+$0x0] =	vst.idx.msk $0xffff, v28;
	v35 =	vld.idx.msk [tilespmem:v57+s12+$0x0], $0xffff  }
0x7b: {  	v46 =	vor.u32 v11, v30;
	[tilespmem:v58+s15+$0x0] =	vst.idx.msk $0xffff, v36;
	v28 =	vor.u32 v12, v33;
	v24 =	vld.idx.msk [tilespmem:v24+s12+$0x0], $0xffff  }
0x7c: {  	v47 =	vor.u32 v13, v17;
	[tilespmem:v59+s15+$0x0] =	vst.idx.msk $0xffff, v29;
	v29 =	vor.u32 v12, v25;
	v31 =	vld.idx.msk [tilespmem:v31+s12+$0x0], $0xffff  }
0x7d: {  	v19 =	vor.u32 v14, v19;
	v26 =	vld.idx.msk [tilespmem:v26+s12+$0x0], $0xffff;
	[tilespmem:v60+s15+$0x0] =	vst.idx.msk $0xffff, v27;
	v48 =	vor.u32 v13, v16  }
0x7e: {  	v18 =	vor.u32 v14, v18;
	v27 =	vld.idx.msk [tilespmem:v61+s12+$0x0], $0xffff;
	[tilespmem:v62+s15+$0x0] =	vst.idx.msk $0xffff, v38;
	v49 =	vor.u32 v13, v21  }
0x7f: {  	v23 =	vor.u32 v14, v23;
	v50 =	vor.u32 v13, v20;
	v51 =	vld.idx.msk [tilespmem:v63+s12+$0x0], $0xffff;
	[tilespmem:v45+s15+$0x0] =	vst.idx.msk $0xffff, v35  }
0x80: {  	v52 =	vor.u32 v13, v32;
	v22 =	vor.u32 v14, v22;
	[tilespmem:v46+s15+$0x0] =	vst.idx.msk $0xffff, v24;
	v28 =	vld.idx.msk [tilespmem:v28+s12+$0x0], $0xffff  }
0x81: {  	[tilespmem:v47+s15+$0x0] =	vst.idx.msk $0xffff, v31;
	v31 =	vor.u32 v14, v33;
	v24 =	vor.u32 v13, v30;
	v29 =	vld.idx.msk [tilespmem:v29+s12+$0x0], $0xffff  }
0x82: {  	v25 =	vor.u32 v14, v25;
	v17 =	vor.u32 v15, v17;
	[tilespmem:v48+s15+$0x0] =	vst.idx.msk $0xffff, v26;
	v19 =	vld.idx.msk [tilespmem:v19+s12+$0x0], $0xffff  }
0x83: {  	v16 =	vor.u32 v15, v16;
	[tilespmem:v49+s15+$0x0] =	vst.idx.msk $0xffff, v27;
	v18 =	vld.idx.msk [tilespmem:v18+s12+$0x0], $0xffff  }
0x84: {  	v21 =	vor.u32 v15, v21;
	v23 =	vld.idx.msk [tilespmem:v23+s12+$0x0], $0xffff;
	[tilespmem:v50+s15+$0x0] =	vst.idx.msk $0xffff, v51  }
0x85: {  	v20 =	vor.u32 v15, v20;
	v22 =	vld.idx.msk [tilespmem:v22+s12+$0x0], $0xffff;
	[tilespmem:v52+s15+$0x0] =	vst.idx.msk $0xffff, v28  }
0x86: {  	v26 =	vor.u32 v15, v32;
	[tilespmem:v24+s15+$0x0] =	vst.idx.msk $0xffff, v29;
	v27 =	vld.idx.msk [tilespmem:v31+s12+$0x0], $0xffff  }
0x87: {  	s0 =	sshrl.u32 s30, $0x3;
	[tilespmem:v17+s15+$0x0] =	vst.idx.msk $0xffff, v19;
	v17 =	vor.u32 v15, v30;
	v19 =	vld.idx.msk [tilespmem:v25+s12+$0x0], $0xffff  }
0x88: {  	s3 =	sshll.u32 s29, $0xA;
	s0 =	smul.u32 $0xFA000, s0;
	[tilespmem:v16+s15+$0x0] =	vst.idx.msk $0xffff, v18  }
0x89: {  	s3 =	sand.u32 $0x1C00, s3;
	[tilespmem:v21+s15+$0x0] =	vst.idx.msk $0xffff, v23  }
0x8a: {  	s31 =	simm.s32 $0x1;
	s0 =	sor.u32 s3, s0;
	[tilespmem:v20+s15+$0x0] =	vst.idx.msk $0xffff, v22  }
0x8b: {  	s30 =	simm.s32 $0x0;
	s0 =	sshrl.u32 s0, $0x3;
	v16 =	vadd.s32 s31, v0;
	[tilespmem:v26+s15+$0x0] =	vst.idx.msk $0xffff, v27  }
0x8c: {  	s3 =	sand.u32 $0x70, s30;
	s29 =	sadd.s32 s1, s0;
	v16 =	vand.u32 $0xF, v16;
	[tilespmem:v17+s15+$0x0] =	vst.idx.msk $0xffff, v19  }
0x8d: {  	v25 =	vor.u32 s3, v16;
	v17 =	vadd.s32 s30, v0;
	[hbm4b:s29+s12] =	stream.strided.scatter [tilespmem:s15], [sflag:$0x3], $0x4000, s16, s12, $0x38;
	[tilespmem:$0x10400] =	vst v63  }
0x8e: {  	v16 =	vand.u32 $0xF, v17;
	v17 =	vor.u32 v1, v25  }
0x8f: {  	v29 =	vor.u32 s3, v16;
	[tilespmem:s12], [sflag:$0x1] =	stream.indirect.gather [hbm4b:s6+s11], $0x80, s17, s11, $0xb8;
	[tilespmem:$0x10400] =	vst v63  }
0x90: {  	v16 =	vor.u32 v1, v29;
	_ =	swait.ge [sflag:s18], $0x4000  }
0x91: {  	[sflag:s18] =	ssyncset.done $0x0  }
0x92: {  	v30 =	vshll.u32 v25, $0x7;
	[sflag:s18] =	ssyncadd.s32 $0xFFFFC000  }
0x93: {  	v18 =	vor.u32 v0, v30;
	v17 =	vld.idx.msk [tilespmem:v17+s13+$0x0], $0xffff  }
0x94: {  	v19 =	vor.u32 v2, v25;
	v32 =	vshll.u32 v29, $0x7  }
0x95: {  	v20 =	vor.u32 v0, v32;
	v16 =	vld.idx.msk [tilespmem:v16+s13+$0x0], $0xffff  }
0x96: {  	v21 =	vor.u32 v2, v29;
	_ =	sdelay $0x1  }
0x97: {  	[tilespmem:v18+s19+$0x0] =	vst.idx.msk $0xffff, v17  }
0x98: {  	v22 =	vor.u32 v3, v30;
	v17 =	vld.idx.msk [tilespmem:v19+s13+$0x0], $0xffff  }
0x99: {  	s31 =	simm.s32 $0x3;
	[tilespmem:v20+s19+$0x0] =	vst.idx.msk $0xffff, v16;
	v16 =	vor.u32 v4, v25  }
0x9a: {  	s0 =	simm.s32 $0x2;
	v19 =	vadd.s32 s31, v0;
	v20 =	vld.idx.msk [tilespmem:v21+s13+$0x0], $0xffff;
	v21 =	vor.u32 v3, v32  }
0x9b: {  	v23 =	vor.u32 v4, v29;
	v18 =	vadd.s32 s0, v0;
	s0 =	sand.u32 $0x70, s0;
	v19 =	vand.u32 $0xF, v19  }
0x9c: {  	v18 =	vand.u32 $0xF, v18;
	v19 =	vor.u32 s0, v19  }
0x9d: {  	v18 =	vor.u32 s0, v18;
	v26 =	vor.u32 v1, v19;
	[tilespmem:v22+s19+$0x0] =	vst.idx.msk $0xffff, v17  }
0x9e: {  	v27 =	vor.u32 v5, v30;
	v24 =	vor.u32 v1, v18;
	v22 =	vld.idx.msk [tilespmem:v16+s13+$0x0], $0xffff  }
0x9f: {  	v28 =	vor.u32 v6, v25;
	[tilespmem:v21+s19+$0x0] =	vst.idx.msk $0xffff, v20  }
0xa0: {  	v20 =	vor.u32 v5, v32;
	v21 =	vld.idx.msk [tilespmem:v23+s13+$0x0], $0xffff  }
0xa1: {  	v60 =	vor.u32 v10, v25;
	v45 =	vor.u32 v12, v25;
	v17 =	vshll.u32 v19, $0x7  }
0xa2: {  	v16 =	vshll.u32 v18, $0x7;
	v53 =	vor.u32 v0, v17;
	v23 =	vor.u32 v6, v29;
	v26 =	vld.idx.msk [tilespmem:v26+s13+$0x0], $0xffff  }
0xa3: {  	v24 =	vld.idx.msk [tilespmem:v24+s13+$0x0], $0xffff;
	v31 =	vor.u32 v0, v16;
	[tilespmem:v27+s19+$0x0] =	vst.idx.msk $0xffff, v22;
	v22 =	vor.u32 v2, v19  }
0xa4: {  	v50 =	vor.u32 v10, v29;
	v54 =	vor.u32 v2, v18;
	v27 =	vld.idx.msk [tilespmem:v28+s13+$0x0], $0xffff;
	v28 =	vor.u32 v7, v30  }
0xa5: {  	v48 =	vor.u32 v9, v32;
	[tilespmem:v20+s19+$0x0] =	vst.idx.msk $0xffff, v21;
	v20 =	vor.u32 v8, v25  }
0xa6: {  	v59 =	vor.u32 v4, v18;
	v57 =	vor.u32 v3, v17;
	v52 =	vor.u32 v5, v17  }
0xa7: {  	v55 =	vor.u32 v3, v16;
	v21 =	vld.idx.msk [tilespmem:v23+s13+$0x0], $0xffff;
	v23 =	vor.u32 v7, v32;
	[tilespmem:v53+s19+$0x0] =	vst.idx.msk $0xffff, v26  }
0xa8: {  	s0 =	simm.s32 $0x4;
	v61 =	vor.u32 v5, v16;
	[tilespmem:v31+s19+$0x0] =	vst.idx.msk $0xffff, v24;
	v26 =	vor.u32 v8, v29;
	v56 =	vld.idx.msk [tilespmem:v22+s13+$0x0], $0xffff  }
0xa9: {  	s31 =	simm.s32 $0x5;
	v24 =	vld.idx.msk [tilespmem:v54+s13+$0x0], $0xffff;
	v22 =	vadd.s32 s0, v0;
	[tilespmem:v28+s19+$0x0] =	vst.idx.msk $0xffff, v27;
	v27 =	vor.u32 v4, v19  }
0xaa: {  	s0 =	sand.u32 $0x70, s0;
	v28 =	vor.u32 v9, v30;
	v22 =	vand.u32 $0xF, v22;
	v58 =	vld.idx.msk [tilespmem:v20+s13+$0x0], $0xffff;
	v20 =	vadd.s32 s31, v0  }
0xab: {  	v35 =	vor.u32 v9, v16;
	v22 =	vor.u32 s0, v22;
	v20 =	vand.u32 $0xF, v20  }
0xac: {  	v31 =	vor.u32 v6, v19;
	[tilespmem:v23+s19+$0x0] =	vst.idx.msk $0xffff, v21;
	v62 =	vor.u32 v1, v22;
	v23 =	vor.u32 s0, v20  }
0xad: {  	v53 =	vor.u32 v6, v18;
	v63 =	vld.idx.msk [tilespmem:v26+s13+$0x0], $0xffff;
	v49 =	vor.u32 v1, v23;
	[tilespmem:v57+s19+$0x0] =	vst.idx.msk $0xffff, v56  }
0xae: {  	v54 =	vor.u32 v11, v30;
	[tilespmem:v55+s19+$0x0] =	vst.idx.msk $0xffff, v24;
	v24 =	vor.u32 v15, v32;
	v51 =	vld.idx.msk [tilespmem:v27+s13+$0x0], $0xffff  }
0xaf: {  	v37 =	vld.idx.msk [tilespmem:v59+s13+$0x0], $0xffff;
	v59 =	vor.u32 v11, v32;
	v20 =	vshll.u32 v22, $0x7;
	[tilespmem:v28+s19+$0x0] =	vst.idx.msk $0xffff, v58  }
0xb0: {  	v21 =	vshll.u32 v23, $0x7;
	v26 =	vor.u32 v6, v23;
	v55 =	vor.u32 v0, v20;
	v38 =	vld.idx.msk [tilespmem:v60+s13+$0x0], $0xffff  }
0xb1: {  	v57 =	vor.u32 v2, v22;
	v27 =	vor.u32 v5, v20;
	v56 =	vor.u32 v0, v21;
	v40 =	vld.idx.msk [tilespmem:v62+s13+$0x0], $0xffff  }
0xb2: {  	v42 =	vor.u32 v5, v21;
	v28 =	vor.u32 v15, v30;
	[tilespmem:v48+s19+$0x0] =	vst.idx.msk $0xffff, v63;
	v43 =	vld.idx.msk [tilespmem:v49+s13+$0x0], $0xffff  }
0xb3: {  	v30 =	vor.u32 v13, v30;
	v60 =	vor.u32 v2, v23;
	v58 =	vld.idx.msk [tilespmem:v50+s13+$0x0], $0xffff;
	[tilespmem:v52+s19+$0x0] =	vst.idx.msk $0xffff, v51  }
0xb4: {  	[tilespmem:v61+s19+$0x0] =	vst.idx.msk $0xffff, v37;
	v61 =	vor.u32 v7, v17;
	v63 =	vor.u32 v12, v29;
	v62 =	vld.idx.msk [tilespmem:v31+s13+$0x0], $0xffff  }
0xb5: {  	v36 =	vld.idx.msk [tilespmem:v53+s13+$0x0], $0xffff;
	v53 =	vor.u32 v8, v19;
	v52 =	vor.u32 v7, v16;
	[tilespmem:v54+s19+$0x0] =	vst.idx.msk $0xffff, v38  }
0xb6: {  	v50 =	vor.u32 v4, v22;
	v49 =	vor.u32 v9, v17;
	[tilespmem:v55+s19+$0x0] =	vst.idx.msk $0xffff, v40;
	v44 =	vld.idx.msk [tilespmem:v45+s13+$0x0], $0xffff  }
0xb7: {  	v54 =	vor.u32 v8, v18;
	v41 =	vld.idx.msk [tilespmem:v57+s13+$0x0], $0xffff;
	[tilespmem:v56+s19+$0x0] =	vst.idx.msk $0xffff, v43;
	v56 =	vor.u32 v3, v20  }
0xb8: {  	[tilespmem:v59+s19+$0x0] =	vst.idx.msk $0xffff, v58;
	v58 =	vor.u32 v14, v25;
	v59 =	vor.u32 v3, v21;
	v57 =	vld.idx.msk [tilespmem:v60+s13+$0x0], $0xffff  }
0xb9: {  	s0 =	simm.s32 $0x6;
	v31 =	vor.u32 v14, v29;
	v55 =	vor.u32 v13, v32;
	v60 =	vld.idx.msk [tilespmem:v63+s13+$0x0], $0xffff;
	[tilespmem:v61+s19+$0x0] =	vst.idx.msk $0xffff, v62  }
0xba: {  	s31 =	simm.s32 $0x7;
	v25 =	vadd.s32 s0, v0;
	[tilespmem:v52+s19+$0x0] =	vst.idx.msk $0xffff, v36;
	v61 =	vor.u32 v4, v23;
	v62 =	vld.idx.msk [tilespmem:v53+s13+$0x0], $0xffff  }
0xbb: {  	v29 =	vor.u32 v10, v18;
	s0 =	sand.u32 $0x70, s0;
	v25 =	vand.u32 $0xF, v25;
	v63 =	vadd.s32 s31, v0;
	[tilespmem:v30+s19+$0x0] =	vst.idx.msk $0xffff, v44  }
0xbc: {  	v25 =	vor.u32 s0, v25;
	v36 =	vor.u32 v10, v19;
	v33 =	vand.u32 $0xF, v63;
	v34 =	vld.idx.msk [tilespmem:v54+s13+$0x0], $0xffff;
	[tilespmem:v56+s19+$0x0] =	vst.idx.msk $0xffff, v41  }
0xbd: {  	v33 =	vor.u32 s0, v33;
	v44 =	vor.u32 v1, v25;
	v37 =	vld.idx.msk [tilespmem:v58+s13+$0x0], $0xffff;
	[tilespmem:v59+s19+$0x0] =	vst.idx.msk $0xffff, v57  }
0xbe: {  	v43 =	vor.u32 v1, v33;
	v32 =	vshll.u32 v33, $0x7;
	v30 =	vshll.u32 v25, $0x7;
	[tilespmem:v55+s19+$0x0] =	vst.idx.msk $0xffff, v60;
	v39 =	vld.idx.msk [tilespmem:v50+s13+$0x0], $0xffff  }
0xbf: {  	s30 =	simm.s32 $0x8;
	v40 =	vor.u32 v6, v33;
	v41 =	vor.u32 v5, v30;
	v38 =	vld.idx.msk [tilespmem:v61+s13+$0x0], $0xffff;
	[tilespmem:v49+s19+$0x0] =	vst.idx.msk $0xffff, v62  }
.LBB2_5:
0xc0: {  	v45 =	vmovc v33;
	v33 =	vmovc v17;
	v17 =	vmov v21;
	v21 =	vmov v32;
	v32 =	vmov v16  }
0xc1: {  	p0 =	slt.u32 s30, $0x7E;
	v31 =	vld.idx.msk [tilespmem:v31+s13+$0x0], $0xffff;
	v16 =	vmovc v20;
	v20 =	vmovc v30;
	v30 =	vmov v26;
	v26 =	vmov v40;
	v40 =	vmov v27;
	s0 =	smov.u32 s30;
	s30 =	sadd.s32 $0x2, s30  }
0xc2: {  	v46 =	vor.u32 v6, v22;
	v27 =	vmov v41;
	v47 =	vor.u32 v15, v32;
	v36 =	vld.idx.msk [tilespmem:v36+s13+$0x0], $0xffff  }
0xc3: {  	v48 =	vor.u32 v12, v19;
	v41 =	vld.idx.msk [tilespmem:v44+s13+$0x0], $0xffff;
	v44 =	vor.u32 v11, v33;
	[tilespmem:v28+s19+$0x0] =	vst.idx.msk $0xffff, v37  }
0xc4: {  	v49 =	vor.u32 v0, v21;
	v37 =	vor.u32 v0, v20;
	v43 =	vld.idx.msk [tilespmem:v43+s13+$0x0], $0xffff;
	[tilespmem:v35+s19+$0x0] =	vst.idx.msk $0xffff, v34  }
0xc5: {  	v28 =	vor.u32 v15, v33;
	v34 =	vor.u32 v2, v25;
	[tilespmem:v42+s19+$0x0] =	vst.idx.msk $0xffff, v38;
	v29 =	vld.idx.msk [tilespmem:v29+s13+$0x0], $0xffff  }
0xc6: {  	v35 =	vor.u32 v2, v45;
	v38 =	vor.u32 v11, v32;
	[tilespmem:v40+s19+$0x0] =	vst.idx.msk $0xffff, v39;
	v30 =	vld.idx.msk [tilespmem:v30+s13+$0x0], $0xffff  }
0xc7: {  	v42 =	vor.u32 v12, v18;
	v40 =	vor.u32 v7, v17;
	v39 =	vld.idx.msk [tilespmem:v46+s13+$0x0], $0xffff;
	[tilespmem:v24+s19+$0x0] =	vst.idx.msk $0xffff, v31  }
0xc8: {  	v50 =	vor.u32 v8, v23;
	v46 =	vor.u32 v7, v16;
	v24 =	vmov v47;
	[tilespmem:v44+s19+$0x0] =	vst.idx.msk $0xffff, v36  }
0xc9: {  	v31 =	vor.u32 v14, v18;
	v36 =	vor.u32 v8, v22;
	[tilespmem:v37+s19+$0x0] =	vst.idx.msk $0xffff, v41;
	v37 =	vld.idx.msk [tilespmem:v48+s13+$0x0], $0xffff  }
0xca: {  	v47 =	vor.u32 v13, v32;
	v32 =	vor.u32 v13, v33;
	v41 =	vld.idx.msk [tilespmem:v34+s13+$0x0], $0xffff;
	[tilespmem:v49+s19+$0x0] =	vst.idx.msk $0xffff, v43  }
0xcb: {  	v43 =	vor.u32 v3, v20;
	v48 =	vld.idx.msk [tilespmem:v35+s13+$0x0], $0xffff;
	[tilespmem:v38+s19+$0x0] =	vst.idx.msk $0xffff, v29;
	v38 =	vor.u32 v14, v19  }
0xcc: {  	v49 =	vor.u32 v3, v21;
	v29 =	vor.u32 v10, v22;
	[tilespmem:v40+s19+$0x0] =	vst.idx.msk $0xffff, v30;
	v42 =	vld.idx.msk [tilespmem:v42+s13+$0x0], $0xffff  }
0xcd: {  	s3 =	sadd.s32 $0x1, s0;
	v51 =	vor.u32 v4, v45;
	[tilespmem:v46+s19+$0x0] =	vst.idx.msk $0xffff, v39;
	v46 =	vld.idx.msk [tilespmem:v50+s13+$0x0], $0xffff;
	v50 =	vor.u32 v9, v17  }
0xce: {  	v33 =	vadd.s32 s0, v0;
	v18 =	vmovc v22;
	v22 =	vmovc v25;
	v30 =	vadd.s32 s3, v0;
	v39 =	vor.u32 v4, v25;
	v34 =	vld.idx.msk [tilespmem:v36+s13+$0x0], $0xffff  }
.Ltmp1:
0xcf: {  	s0 =	sand.u32 $0x70, s0;
	v35 =	vor.u32 v9, v16;
	v19 =	vmovc v23;
	v25 =	vand.u32 $0xF, v33;
	v30 =	vand.u32 $0xF, v30;
	[tilespmem:v32+s19+$0x0] =	vst.idx.msk $0xffff, v37;
	(pc) =	sbr.rel @p0 .LBB2_5-.Ltmp1, $4  }
0xd0: {  	v25 =	vor.u32 s0, v25;
	v33 =	vor.u32 s0, v30;
	v36 =	vor.u32 v10, v19;
	[tilespmem:v43+s19+$0x0] =	vst.idx.msk $0xffff, v41;
	v37 =	vld.idx.msk [tilespmem:v38+s13+$0x0], $0xffff  }
0xd1: {  	v44 =	vor.u32 v1, v25;
	v32 =	vshll.u32 v33, $0x7;
	v43 =	vor.u32 v1, v33;
	[tilespmem:v49+s19+$0x0] =	vst.idx.msk $0xffff, v48  }
0xd2: {  	v23 =	vmov v45;
	v30 =	vshll.u32 v25, $0x7;
	v40 =	vor.u32 v6, v33;
	v38 =	vld.idx.msk [tilespmem:v51+s13+$0x0], $0xffff;
	[tilespmem:v47+s19+$0x0] =	vst.idx.msk $0xffff, v42  }
0xd3: {  	v41 =	vor.u32 v5, v30;
	v42 =	vor.u32 v5, v21;
	v39 =	vld.idx.msk [tilespmem:v39+s13+$0x0], $0xffff;
	[tilespmem:v50+s19+$0x0] =	vst.idx.msk $0xffff, v46  }
0xd4: {  	_ =	sdelay $0x3  }
0xd5: {  	v43 =	vld.idx.msk [tilespmem:v43+s13+$0x0], $0xffff;
	v45 =	vor.u32 v0, v32  }
0xd6: {  	v44 =	vld.idx.msk [tilespmem:v44+s13+$0x0], $0xffff;
	v46 =	vor.u32 v0, v30;
	v47 =	vor.u32 v2, v33  }
0xd7: {  	v48 =	vor.u32 v2, v25;
	_ =	sdelay $0x2  }
0xd8: {  	[tilespmem:v45+s19+$0x0] =	vst.idx.msk $0xffff, v43  }
0xd9: {  	v63 =	vor.u32 v3, v32;
	[tilespmem:v46+s19+$0x0] =	vst.idx.msk $0xffff, v44;
	v43 =	vld.idx.msk [tilespmem:v47+s13+$0x0], $0xffff  }
0xda: {  	v53 =	vor.u32 v3, v30;
	v54 =	vor.u32 v4, v33;
	v52 =	vld.idx.msk [tilespmem:v48+s13+$0x0], $0xffff  }
0xdb: {  	v55 =	vor.u32 v4, v25;
	_ =	sdelay $0x2  }
0xdc: {  	[tilespmem:v63+s19+$0x0] =	vst.idx.msk $0xffff, v43  }
0xdd: {  	v56 =	vor.u32 v6, v22;
	v57 =	vor.u32 v5, v32;
	[tilespmem:v53+s19+$0x0] =	vst.idx.msk $0xffff, v52;
	v44 =	vld.idx.msk [tilespmem:v54+s13+$0x0], $0xffff  }
0xde: {  	v46 =	vld.idx.msk [tilespmem:v55+s13+$0x0], $0xffff  }
0xdf: {  	v58 =	vor.u32 v6, v25  }
0xe0: {  	[tilespmem:v42+s19+$0x0] =	vst.idx.msk $0xffff, v38  }
0xe1: {  	[tilespmem:v27+s19+$0x0] =	vst.idx.msk $0xffff, v39;
	v26 =	vld.idx.msk [tilespmem:v26+s13+$0x0], $0xffff;
	v27 =	vor.u32 v7, v21  }
0xe2: {  	v60 =	vor.u32 v7, v20;
	v61 =	vor.u32 v8, v23;
	v59 =	vld.idx.msk [tilespmem:v56+s13+$0x0], $0xffff;
	[tilespmem:v57+s19+$0x0] =	vst.idx.msk $0xffff, v44  }
0xe3: {  	v62 =	vor.u32 v8, v22;
	v63 =	vor.u32 v7, v32;
	[tilespmem:v41+s19+$0x0] =	vst.idx.msk $0xffff, v46;
	v40 =	vld.idx.msk [tilespmem:v40+s13+$0x0], $0xffff  }
0xe4: {  	v49 =	vor.u32 v7, v30;
	v50 =	vor.u32 v8, v33;
	v48 =	vld.idx.msk [tilespmem:v58+s13+$0x0], $0xffff  }
0xe5: {  	[tilespmem:v28+s19+$0x0] =	vst.idx.msk $0xffff, v37;
	v28 =	vor.u32 v8, v25  }
0xe6: {  	v31 =	vld.idx.msk [tilespmem:v31+s13+$0x0], $0xffff;
	[tilespmem:v27+s19+$0x0] =	vst.idx.msk $0xffff, v26  }
0xe7: {  	v27 =	vor.u32 v9, v21;
	[tilespmem:v60+s19+$0x0] =	vst.idx.msk $0xffff, v59;
	v26 =	vld.idx.msk [tilespmem:v61+s13+$0x0], $0xffff  }
0xe8: {  	v51 =	vld.idx.msk [tilespmem:v62+s13+$0x0], $0xffff;
	v52 =	vor.u32 v9, v20;
	v53 =	vor.u32 v10, v23;
	[tilespmem:v63+s19+$0x0] =	vst.idx.msk $0xffff, v40  }
0xe9: {  	v54 =	vor.u32 v10, v22;
	v55 =	vor.u32 v9, v32;
	[tilespmem:v49+s19+$0x0] =	vst.idx.msk $0xffff, v48;
	v41 =	vld.idx.msk [tilespmem:v50+s13+$0x0], $0xffff  }
0xea: {  	[tilespmem:v35+s19+$0x0] =	vst.idx.msk $0xffff, v34;
	v56 =	vor.u32 v9, v30;
	v57 =	vor.u32 v10, v33;
	v28 =	vld.idx.msk [tilespmem:v28+s13+$0x0], $0xffff  }
0xeb: {  	v36 =	vld.idx.msk [tilespmem:v36+s13+$0x0], $0xffff;
	[tilespmem:v24+s19+$0x0] =	vst.idx.msk $0xffff, v31;
	v24 =	vor.u32 v10, v25;
	v58 =	vor.u32 v11, v17  }
0xec: {  	v29 =	vld.idx.msk [tilespmem:v29+s13+$0x0], $0xffff;
	v31 =	vor.u32 v12, v19;
	v59 =	vor.u32 v11, v16;
	[tilespmem:v27+s19+$0x0] =	vst.idx.msk $0xffff, v26  }
0xed: {  	v60 =	vor.u32 v11, v21;
	v26 =	vor.u32 v12, v18;
	v27 =	vld.idx.msk [tilespmem:v53+s13+$0x0], $0xffff;
	[tilespmem:v52+s19+$0x0] =	vst.idx.msk $0xffff, v51  }
0xee: {  	v61 =	vor.u32 v12, v23;
	v62 =	vor.u32 v11, v20;
	v38 =	vld.idx.msk [tilespmem:v54+s13+$0x0], $0xffff;
	[tilespmem:v55+s19+$0x0] =	vst.idx.msk $0xffff, v41  }
0xef: {  	v45 =	vor.u32 v11, v32;
	v63 =	vor.u32 v12, v22;
	[tilespmem:v56+s19+$0x0] =	vst.idx.msk $0xffff, v28;
	v35 =	vld.idx.msk [tilespmem:v57+s13+$0x0], $0xffff  }
0xf0: {  	v46 =	vor.u32 v11, v30;
	[tilespmem:v58+s19+$0x0] =	vst.idx.msk $0xffff, v36;
	v28 =	vor.u32 v12, v33;
	v24 =	vld.idx.msk [tilespmem:v24+s13+$0x0], $0xffff  }
0xf1: {  	v47 =	vor.u32 v13, v17;
	[tilespmem:v59+s19+$0x0] =	vst.idx.msk $0xffff, v29;
	v29 =	vor.u32 v12, v25;
	v31 =	vld.idx.msk [tilespmem:v31+s13+$0x0], $0xffff  }
0xf2: {  	v19 =	vor.u32 v14, v19;
	v26 =	vld.idx.msk [tilespmem:v26+s13+$0x0], $0xffff;
	[tilespmem:v60+s19+$0x0] =	vst.idx.msk $0xffff, v27;
	v48 =	vor.u32 v13, v16  }
0xf3: {  	v18 =	vor.u32 v14, v18;
	v27 =	vld.idx.msk [tilespmem:v61+s13+$0x0], $0xffff;
	[tilespmem:v62+s19+$0x0] =	vst.idx.msk $0xffff, v38;
	v49 =	vor.u32 v13, v21  }
0xf4: {  	v23 =	vor.u32 v14, v23;
	v50 =	vor.u32 v13, v20;
	v51 =	vld.idx.msk [tilespmem:v63+s13+$0x0], $0xffff;
	[tilespmem:v45+s19+$0x0] =	vst.idx.msk $0xffff, v35  }
0xf5: {  	v52 =	vor.u32 v13, v32;
	v22 =	vor.u32 v14, v22;
	[tilespmem:v46+s19+$0x0] =	vst.idx.msk $0xffff, v24;
	v28 =	vld.idx.msk [tilespmem:v28+s13+$0x0], $0xffff  }
0xf6: {  	[tilespmem:v47+s19+$0x0] =	vst.idx.msk $0xffff, v31;
	v31 =	vor.u32 v14, v33;
	v24 =	vor.u32 v13, v30;
	v29 =	vld.idx.msk [tilespmem:v29+s13+$0x0], $0xffff  }
0xf7: {  	v25 =	vor.u32 v14, v25;
	v17 =	vor.u32 v15, v17;
	[tilespmem:v48+s19+$0x0] =	vst.idx.msk $0xffff, v26;
	v19 =	vld.idx.msk [tilespmem:v19+s13+$0x0], $0xffff  }
0xf8: {  	v16 =	vor.u32 v15, v16;
	[tilespmem:v49+s19+$0x0] =	vst.idx.msk $0xffff, v27;
	v18 =	vld.idx.msk [tilespmem:v18+s13+$0x0], $0xffff  }
0xf9: {  	v21 =	vor.u32 v15, v21;
	v23 =	vld.idx.msk [tilespmem:v23+s13+$0x0], $0xffff;
	[tilespmem:v50+s19+$0x0] =	vst.idx.msk $0xffff, v51  }
0xfa: {  	v20 =	vor.u32 v15, v20;
	v22 =	vld.idx.msk [tilespmem:v22+s13+$0x0], $0xffff;
	[tilespmem:v52+s19+$0x0] =	vst.idx.msk $0xffff, v28  }
0xfb: {  	v26 =	vor.u32 v15, v32;
	[tilespmem:v24+s19+$0x0] =	vst.idx.msk $0xffff, v29;
	v27 =	vld.idx.msk [tilespmem:v31+s13+$0x0], $0xffff  }
0xfc: {  	[tilespmem:v17+s19+$0x0] =	vst.idx.msk $0xffff, v19;
	v17 =	vor.u32 v15, v30;
	v19 =	vld.idx.msk [tilespmem:v25+s13+$0x0], $0xffff  }
0xfd: {  	[tilespmem:v16+s19+$0x0] =	vst.idx.msk $0xffff, v18  }
0xfe: {  	[tilespmem:v21+s19+$0x0] =	vst.idx.msk $0xffff, v23  }
0xff: {  	[tilespmem:v20+s19+$0x0] =	vst.idx.msk $0xffff, v22  }
0x100: {  	[tilespmem:v26+s19+$0x0] =	vst.idx.msk $0xffff, v27  }
0x101: {  	s0 =	sadd.s32 $0x4000, s29;
	s31 =	simm.s32 $0x1;
	s3 =	simm.s32 $0x0;
	[tilespmem:v17+s19+$0x0] =	vst.idx.msk $0xffff, v19  }
0x102: {  	[hbm4b:s0+s12] =	stream.strided.scatter [tilespmem:s19], [sflag:$0x4], $0x4000, s16, s12, $0x38;
	[tilespmem:$0x10400] =	vst v63  }
0x103: {  	v16 =	vadd.s32 s31, v0;
	s31 =	sand.u32 $0x70, s3  }
0x104: {  	v16 =	vand.u32 $0xF, v16;
	[tilespmem:s13], [sflag:$0x2] =	stream.indirect.gather [hbm4b:s6+s11], $0x80, s20, s11, $0xb8;
	[tilespmem:$0x10400] =	vst v63  }
0x105: {  	v25 =	vor.u32 s31, v16;
	v17 =	vadd.s32 s3, v0;
	_ =	swait.ge [sflag:s14], $0x4000  }
0x106: {  	v16 =	vand.u32 $0xF, v17;
	v17 =	vor.u32 v1, v25;
	[sflag:s14] =	ssyncset.done $0x0  }
0x107: {  	v29 =	vor.u32 s31, v16;
	[sflag:s14] =	ssyncadd.s32 $0xFFFFC000  }
0x108: {  	v16 =	vor.u32 v1, v29;
	_ =	swait.ge [sflag:s21], $0x4000  }
0x109: {  	[sflag:s21] =	ssyncset.done $0x0  }
0x10a: {  	v30 =	vshll.u32 v25, $0x7;
	[sflag:s21] =	ssyncadd.s32 $0xFFFFC000  }
0x10b: {  	v18 =	vor.u32 v0, v30;
	v17 =	vld.idx.msk [tilespmem:v17+s12+$0x0], $0xffff  }
0x10c: {  	v19 =	vor.u32 v2, v25;
	v32 =	vshll.u32 v29, $0x7  }
0x10d: {  	v20 =	vor.u32 v0, v32;
	v16 =	vld.idx.msk [tilespmem:v16+s12+$0x0], $0xffff  }
0x10e: {  	v21 =	vor.u32 v2, v29;
	_ =	sdelay $0x1  }
0x10f: {  	[tilespmem:v18+s15+$0x0] =	vst.idx.msk $0xffff, v17  }
0x110: {  	v22 =	vor.u32 v3, v30;
	v17 =	vld.idx.msk [tilespmem:v19+s12+$0x0], $0xffff  }
0x111: {  	s31 =	simm.s32 $0x3;
	[tilespmem:v20+s15+$0x0] =	vst.idx.msk $0xffff, v16;
	v16 =	vor.u32 v4, v25  }
0x112: {  	s0 =	simm.s32 $0x2;
	v20 =	vld.idx.msk [tilespmem:v21+s12+$0x0], $0xffff;
	v21 =	vor.u32 v3, v32;
	v19 =	vadd.s32 s31, v0  }
0x113: {  	v23 =	vor.u32 v4, v29;
	v18 =	vadd.s32 s0, v0;
	s0 =	sand.u32 $0x70, s0;
	v19 =	vand.u32 $0xF, v19  }
0x114: {  	v18 =	vand.u32 $0xF, v18;
	v19 =	vor.u32 s0, v19  }
0x115: {  	v18 =	vor.u32 s0, v18;
	v26 =	vor.u32 v1, v19;
	[tilespmem:v22+s15+$0x0] =	vst.idx.msk $0xffff, v17  }
0x116: {  	v27 =	vor.u32 v5, v30;
	v24 =	vor.u32 v1, v18;
	v22 =	vld.idx.msk [tilespmem:v16+s12+$0x0], $0xffff  }
0x117: {  	v28 =	vor.u32 v6, v25;
	[tilespmem:v21+s15+$0x0] =	vst.idx.msk $0xffff, v20  }
0x118: {  	v20 =	vor.u32 v5, v32;
	v21 =	vld.idx.msk [tilespmem:v23+s12+$0x0], $0xffff  }
0x119: {  	v60 =	vor.u32 v10, v25;
	v45 =	vor.u32 v12, v25;
	v17 =	vshll.u32 v19, $0x7  }
0x11a: {  	v16 =	vshll.u32 v18, $0x7;
	v23 =	vor.u32 v6, v29;
	v53 =	vor.u32 v0, v17;
	v26 =	vld.idx.msk [tilespmem:v26+s12+$0x0], $0xffff  }
0x11b: {  	v24 =	vld.idx.msk [tilespmem:v24+s12+$0x0], $0xffff;
	v31 =	vor.u32 v0, v16;
	[tilespmem:v27+s15+$0x0] =	vst.idx.msk $0xffff, v22;
	v22 =	vor.u32 v2, v19  }
0x11c: {  	v50 =	vor.u32 v10, v29;
	v54 =	vor.u32 v2, v18;
	v27 =	vld.idx.msk [tilespmem:v28+s12+$0x0], $0xffff;
	v28 =	vor.u32 v7, v30  }
0x11d: {  	v48 =	vor.u32 v9, v32;
	[tilespmem:v20+s15+$0x0] =	vst.idx.msk $0xffff, v21;
	v20 =	vor.u32 v8, v25  }
0x11e: {  	v59 =	vor.u32 v4, v18;
	v57 =	vor.u32 v3, v17;
	v52 =	vor.u32 v5, v17  }
0x11f: {  	v55 =	vor.u32 v3, v16;
	v21 =	vld.idx.msk [tilespmem:v23+s12+$0x0], $0xffff;
	v23 =	vor.u32 v7, v32;
	[tilespmem:v53+s15+$0x0] =	vst.idx.msk $0xffff, v26  }
0x120: {  	s0 =	simm.s32 $0x4;
	v61 =	vor.u32 v5, v16;
	[tilespmem:v31+s15+$0x0] =	vst.idx.msk $0xffff, v24;
	v26 =	vor.u32 v8, v29;
	v56 =	vld.idx.msk [tilespmem:v22+s12+$0x0], $0xffff  }
0x121: {  	s31 =	simm.s32 $0x5;
	v24 =	vld.idx.msk [tilespmem:v54+s12+$0x0], $0xffff;
	v22 =	vadd.s32 s0, v0;
	[tilespmem:v28+s15+$0x0] =	vst.idx.msk $0xffff, v27;
	v27 =	vor.u32 v4, v19  }
0x122: {  	s0 =	sand.u32 $0x70, s0;
	v28 =	vor.u32 v9, v30;
	v22 =	vand.u32 $0xF, v22;
	v58 =	vld.idx.msk [tilespmem:v20+s12+$0x0], $0xffff;
	v20 =	vadd.s32 s31, v0  }
0x123: {  	v35 =	vor.u32 v9, v16;
	v22 =	vor.u32 s0, v22;
	v20 =	vand.u32 $0xF, v20  }
0x124: {  	v31 =	vor.u32 v6, v19;
	[tilespmem:v23+s15+$0x0] =	vst.idx.msk $0xffff, v21;
	v62 =	vor.u32 v1, v22;
	v23 =	vor.u32 s0, v20  }
0x125: {  	v53 =	vor.u32 v6, v18;
	v63 =	vld.idx.msk [tilespmem:v26+s12+$0x0], $0xffff;
	v49 =	vor.u32 v1, v23;
	[tilespmem:v57+s15+$0x0] =	vst.idx.msk $0xffff, v56  }
0x126: {  	v54 =	vor.u32 v11, v30;
	[tilespmem:v55+s15+$0x0] =	vst.idx.msk $0xffff, v24;
	v24 =	vor.u32 v15, v32;
	v51 =	vld.idx.msk [tilespmem:v27+s12+$0x0], $0xffff  }
0x127: {  	v37 =	vld.idx.msk [tilespmem:v59+s12+$0x0], $0xffff;
	v59 =	vor.u32 v11, v32;
	v20 =	vshll.u32 v22, $0x7;
	[tilespmem:v28+s15+$0x0] =	vst.idx.msk $0xffff, v58  }
0x128: {  	v21 =	vshll.u32 v23, $0x7;
	v26 =	vor.u32 v6, v23;
	v55 =	vor.u32 v0, v20;
	v38 =	vld.idx.msk [tilespmem:v60+s12+$0x0], $0xffff  }
0x129: {  	v57 =	vor.u32 v2, v22;
	v27 =	vor.u32 v5, v20;
	v56 =	vor.u32 v0, v21;
	v40 =	vld.idx.msk [tilespmem:v62+s12+$0x0], $0xffff  }
0x12a: {  	v42 =	vor.u32 v5, v21;
	[tilespmem:v48+s15+$0x0] =	vst.idx.msk $0xffff, v63;
	v28 =	vor.u32 v15, v30;
	v43 =	vld.idx.msk [tilespmem:v49+s12+$0x0], $0xffff  }
0x12b: {  	v63 =	vor.u32 v12, v29;
	v58 =	vld.idx.msk [tilespmem:v50+s12+$0x0], $0xffff;
	v60 =	vor.u32 v2, v23;
	[tilespmem:v52+s15+$0x0] =	vst.idx.msk $0xffff, v51  }
0x12c: {  	v30 =	vor.u32 v13, v30;
	[tilespmem:v61+s15+$0x0] =	vst.idx.msk $0xffff, v37;
	v61 =	vor.u32 v7, v17;
	v62 =	vld.idx.msk [tilespmem:v31+s12+$0x0], $0xffff  }
0x12d: {  	v36 =	vld.idx.msk [tilespmem:v53+s12+$0x0], $0xffff;
	v53 =	vor.u32 v8, v19;
	v52 =	vor.u32 v7, v16;
	[tilespmem:v54+s15+$0x0] =	vst.idx.msk $0xffff, v38  }
0x12e: {  	v50 =	vor.u32 v4, v22;
	v49 =	vor.u32 v9, v17;
	[tilespmem:v55+s15+$0x0] =	vst.idx.msk $0xffff, v40;
	v44 =	vld.idx.msk [tilespmem:v45+s12+$0x0], $0xffff  }
0x12f: {  	v54 =	vor.u32 v8, v18;
	v41 =	vld.idx.msk [tilespmem:v57+s12+$0x0], $0xffff;
	[tilespmem:v56+s15+$0x0] =	vst.idx.msk $0xffff, v43;
	v56 =	vor.u32 v3, v20  }
0x130: {  	[tilespmem:v59+s15+$0x0] =	vst.idx.msk $0xffff, v58;
	v58 =	vor.u32 v14, v25;
	v59 =	vor.u32 v3, v21;
	v57 =	vld.idx.msk [tilespmem:v60+s12+$0x0], $0xffff  }
0x131: {  	s0 =	simm.s32 $0x6;
	v31 =	vor.u32 v14, v29;
	v55 =	vor.u32 v13, v32;
	v60 =	vld.idx.msk [tilespmem:v63+s12+$0x0], $0xffff;
	[tilespmem:v61+s15+$0x0] =	vst.idx.msk $0xffff, v62  }
0x132: {  	s31 =	simm.s32 $0x7;
	v25 =	vadd.s32 s0, v0;
	[tilespmem:v52+s15+$0x0] =	vst.idx.msk $0xffff, v36;
	v61 =	vor.u32 v4, v23;
	v62 =	vld.idx.msk [tilespmem:v53+s12+$0x0], $0xffff  }
0x133: {  	v29 =	vor.u32 v10, v18;
	s0 =	sand.u32 $0x70, s0;
	v25 =	vand.u32 $0xF, v25;
	v63 =	vadd.s32 s31, v0;
	[tilespmem:v30+s15+$0x0] =	vst.idx.msk $0xffff, v44  }
0x134: {  	v25 =	vor.u32 s0, v25;
	v36 =	vor.u32 v10, v19;
	v33 =	vand.u32 $0xF, v63;
	v34 =	vld.idx.msk [tilespmem:v54+s12+$0x0], $0xffff;
	[tilespmem:v56+s15+$0x0] =	vst.idx.msk $0xffff, v41  }
0x135: {  	v33 =	vor.u32 s0, v33;
	v44 =	vor.u32 v1, v25;
	v37 =	vld.idx.msk [tilespmem:v58+s12+$0x0], $0xffff;
	[tilespmem:v59+s15+$0x0] =	vst.idx.msk $0xffff, v57  }
0x136: {  	v43 =	vor.u32 v1, v33;
	v32 =	vshll.u32 v33, $0x7;
	v30 =	vshll.u32 v25, $0x7;
	[tilespmem:v55+s15+$0x0] =	vst.idx.msk $0xffff, v60;
	v39 =	vld.idx.msk [tilespmem:v50+s12+$0x0], $0xffff  }
0x137: {  	s30 =	simm.s32 $0x8;
	v40 =	vor.u32 v6, v33;
	v41 =	vor.u32 v5, v30;
	v38 =	vld.idx.msk [tilespmem:v61+s12+$0x0], $0xffff;
	[tilespmem:v49+s15+$0x0] =	vst.idx.msk $0xffff, v62  }
.LBB2_7:
0x138: {  	v45 =	vmovc v33;
	v33 =	vmovc v17;
	v17 =	vmov v21;
	v21 =	vmov v32;
	v32 =	vmov v16  }
0x139: {  	p0 =	slt.u32 s30, $0x7E;
	v31 =	vld.idx.msk [tilespmem:v31+s12+$0x0], $0xffff;
	v16 =	vmovc v20;
	v20 =	vmovc v30;
	v30 =	vmov v26;
	v26 =	vmov v40;
	v40 =	vmov v27;
	s0 =	smov.u32 s30;
	s30 =	sadd.s32 $0x2, s30  }
0x13a: {  	v46 =	vor.u32 v6, v22;
	v27 =	vmov v41;
	v47 =	vor.u32 v15, v32;
	v36 =	vld.idx.msk [tilespmem:v36+s12+$0x0], $0xffff  }
0x13b: {  	v48 =	vor.u32 v12, v19;
	v41 =	vld.idx.msk [tilespmem:v44+s12+$0x0], $0xffff;
	v44 =	vor.u32 v11, v33;
	[tilespmem:v28+s15+$0x0] =	vst.idx.msk $0xffff, v37  }
0x13c: {  	v49 =	vor.u32 v0, v21;
	v37 =	vor.u32 v0, v20;
	v43 =	vld.idx.msk [tilespmem:v43+s12+$0x0], $0xffff;
	[tilespmem:v35+s15+$0x0] =	vst.idx.msk $0xffff, v34  }
0x13d: {  	v28 =	vor.u32 v15, v33;
	v34 =	vor.u32 v2, v25;
	[tilespmem:v42+s15+$0x0] =	vst.idx.msk $0xffff, v38;
	v29 =	vld.idx.msk [tilespmem:v29+s12+$0x0], $0xffff  }
0x13e: {  	v35 =	vor.u32 v2, v45;
	v38 =	vor.u32 v11, v32;
	[tilespmem:v40+s15+$0x0] =	vst.idx.msk $0xffff, v39;
	v30 =	vld.idx.msk [tilespmem:v30+s12+$0x0], $0xffff  }
0x13f: {  	v42 =	vor.u32 v12, v18;
	v40 =	vor.u32 v7, v17;
	v39 =	vld.idx.msk [tilespmem:v46+s12+$0x0], $0xffff;
	[tilespmem:v24+s15+$0x0] =	vst.idx.msk $0xffff, v31  }
0x140: {  	v50 =	vor.u32 v8, v23;
	v46 =	vor.u32 v7, v16;
	v24 =	vmov v47;
	[tilespmem:v44+s15+$0x0] =	vst.idx.msk $0xffff, v36  }
0x141: {  	v31 =	vor.u32 v14, v18;
	v36 =	vor.u32 v8, v22;
	[tilespmem:v37+s15+$0x0] =	vst.idx.msk $0xffff, v41;
	v37 =	vld.idx.msk [tilespmem:v48+s12+$0x0], $0xffff  }
0x142: {  	v47 =	vor.u32 v13, v32;
	v32 =	vor.u32 v13, v33;
	v41 =	vld.idx.msk [tilespmem:v34+s12+$0x0], $0xffff;
	[tilespmem:v49+s15+$0x0] =	vst.idx.msk $0xffff, v43  }
0x143: {  	v43 =	vor.u32 v3, v20;
	v48 =	vld.idx.msk [tilespmem:v35+s12+$0x0], $0xffff;
	[tilespmem:v38+s15+$0x0] =	vst.idx.msk $0xffff, v29;
	v38 =	vor.u32 v14, v19  }
0x144: {  	v49 =	vor.u32 v3, v21;
	v29 =	vor.u32 v10, v22;
	[tilespmem:v40+s15+$0x0] =	vst.idx.msk $0xffff, v30;
	v42 =	vld.idx.msk [tilespmem:v42+s12+$0x0], $0xffff  }
0x145: {  	s3 =	sadd.s32 $0x1, s0;
	v51 =	vor.u32 v4, v45;
	[tilespmem:v46+s15+$0x0] =	vst.idx.msk $0xffff, v39;
	v46 =	vld.idx.msk [tilespmem:v50+s12+$0x0], $0xffff;
	v50 =	vor.u32 v9, v17  }
0x146: {  	v33 =	vadd.s32 s0, v0;
	v18 =	vmovc v22;
	v22 =	vmovc v25;
	v30 =	vadd.s32 s3, v0;
	v39 =	vor.u32 v4, v25;
	v34 =	vld.idx.msk [tilespmem:v36+s12+$0x0], $0xffff  }
.Ltmp2:
0x147: {  	s0 =	sand.u32 $0x70, s0;
	v35 =	vor.u32 v9, v16;
	v19 =	vmovc v23;
	v25 =	vand.u32 $0xF, v33;
	v30 =	vand.u32 $0xF, v30;
	[tilespmem:v32+s15+$0x0] =	vst.idx.msk $0xffff, v37;
	(pc) =	sbr.rel @p0 .LBB2_7-.Ltmp2, $4  }
0x148: {  	v25 =	vor.u32 s0, v25;
	v33 =	vor.u32 s0, v30;
	v36 =	vor.u32 v10, v19;
	[tilespmem:v43+s15+$0x0] =	vst.idx.msk $0xffff, v41;
	v37 =	vld.idx.msk [tilespmem:v38+s12+$0x0], $0xffff  }
0x149: {  	v44 =	vor.u32 v1, v25;
	v32 =	vshll.u32 v33, $0x7;
	v43 =	vor.u32 v1, v33;
	[tilespmem:v49+s15+$0x0] =	vst.idx.msk $0xffff, v48  }
0x14a: {  	v23 =	vmov v45;
	v30 =	vshll.u32 v25, $0x7;
	v40 =	vor.u32 v6, v33;
	v38 =	vld.idx.msk [tilespmem:v51+s12+$0x0], $0xffff;
	[tilespmem:v47+s15+$0x0] =	vst.idx.msk $0xffff, v42  }
0x14b: {  	v41 =	vor.u32 v5, v30;
	v42 =	vor.u32 v5, v21;
	v39 =	vld.idx.msk [tilespmem:v39+s12+$0x0], $0xffff;
	[tilespmem:v50+s15+$0x0] =	vst.idx.msk $0xffff, v46  }
0x14c: {  	_ =	sdelay $0x3  }
0x14d: {  	v43 =	vld.idx.msk [tilespmem:v43+s12+$0x0], $0xffff;
	v45 =	vor.u32 v0, v32  }
0x14e: {  	v44 =	vld.idx.msk [tilespmem:v44+s12+$0x0], $0xffff;
	v46 =	vor.u32 v0, v30;
	v47 =	vor.u32 v2, v33  }
0x14f: {  	v48 =	vor.u32 v2, v25;
	_ =	sdelay $0x2  }
0x150: {  	[tilespmem:v45+s15+$0x0] =	vst.idx.msk $0xffff, v43  }
0x151: {  	v63 =	vor.u32 v3, v32;
	[tilespmem:v46+s15+$0x0] =	vst.idx.msk $0xffff, v44;
	v43 =	vld.idx.msk [tilespmem:v47+s12+$0x0], $0xffff  }
0x152: {  	v53 =	vor.u32 v3, v30;
	v54 =	vor.u32 v4, v33;
	v52 =	vld.idx.msk [tilespmem:v48+s12+$0x0], $0xffff  }
0x153: {  	v55 =	vor.u32 v4, v25;
	_ =	sdelay $0x2  }
0x154: {  	[tilespmem:v63+s15+$0x0] =	vst.idx.msk $0xffff, v43  }
0x155: {  	v56 =	vor.u32 v6, v22;
	v57 =	vor.u32 v5, v32;
	[tilespmem:v53+s15+$0x0] =	vst.idx.msk $0xffff, v52;
	v44 =	vld.idx.msk [tilespmem:v54+s12+$0x0], $0xffff  }
0x156: {  	v46 =	vld.idx.msk [tilespmem:v55+s12+$0x0], $0xffff  }
0x157: {  	v58 =	vor.u32 v6, v25  }
0x158: {  	[tilespmem:v42+s15+$0x0] =	vst.idx.msk $0xffff, v38  }
0x159: {  	[tilespmem:v27+s15+$0x0] =	vst.idx.msk $0xffff, v39;
	v26 =	vld.idx.msk [tilespmem:v26+s12+$0x0], $0xffff;
	v27 =	vor.u32 v7, v21  }
0x15a: {  	v60 =	vor.u32 v7, v20;
	v61 =	vor.u32 v8, v23;
	v59 =	vld.idx.msk [tilespmem:v56+s12+$0x0], $0xffff;
	[tilespmem:v57+s15+$0x0] =	vst.idx.msk $0xffff, v44  }
0x15b: {  	v62 =	vor.u32 v8, v22;
	v63 =	vor.u32 v7, v32;
	[tilespmem:v41+s15+$0x0] =	vst.idx.msk $0xffff, v46;
	v40 =	vld.idx.msk [tilespmem:v40+s12+$0x0], $0xffff  }
0x15c: {  	v49 =	vor.u32 v7, v30;
	v50 =	vor.u32 v8, v33;
	v48 =	vld.idx.msk [tilespmem:v58+s12+$0x0], $0xffff  }
0x15d: {  	[tilespmem:v28+s15+$0x0] =	vst.idx.msk $0xffff, v37;
	v28 =	vor.u32 v8, v25  }
0x15e: {  	v31 =	vld.idx.msk [tilespmem:v31+s12+$0x0], $0xffff;
	[tilespmem:v27+s15+$0x0] =	vst.idx.msk $0xffff, v26  }
0x15f: {  	v27 =	vor.u32 v9, v21;
	[tilespmem:v60+s15+$0x0] =	vst.idx.msk $0xffff, v59;
	v26 =	vld.idx.msk [tilespmem:v61+s12+$0x0], $0xffff  }
0x160: {  	v51 =	vld.idx.msk [tilespmem:v62+s12+$0x0], $0xffff;
	v52 =	vor.u32 v9, v20;
	v53 =	vor.u32 v10, v23;
	[tilespmem:v63+s15+$0x0] =	vst.idx.msk $0xffff, v40  }
0x161: {  	v54 =	vor.u32 v10, v22;
	v55 =	vor.u32 v9, v32;
	[tilespmem:v49+s15+$0x0] =	vst.idx.msk $0xffff, v48;
	v41 =	vld.idx.msk [tilespmem:v50+s12+$0x0], $0xffff  }
0x162: {  	[tilespmem:v35+s15+$0x0] =	vst.idx.msk $0xffff, v34;
	v56 =	vor.u32 v9, v30;
	v57 =	vor.u32 v10, v33;
	v28 =	vld.idx.msk [tilespmem:v28+s12+$0x0], $0xffff  }
0x163: {  	v36 =	vld.idx.msk [tilespmem:v36+s12+$0x0], $0xffff;
	[tilespmem:v24+s15+$0x0] =	vst.idx.msk $0xffff, v31;
	v24 =	vor.u32 v10, v25;
	v58 =	vor.u32 v11, v17  }
0x164: {  	v29 =	vld.idx.msk [tilespmem:v29+s12+$0x0], $0xffff;
	v31 =	vor.u32 v12, v19;
	v59 =	vor.u32 v11, v16;
	[tilespmem:v27+s15+$0x0] =	vst.idx.msk $0xffff, v26  }
0x165: {  	v60 =	vor.u32 v11, v21;
	v26 =	vor.u32 v12, v18;
	v27 =	vld.idx.msk [tilespmem:v53+s12+$0x0], $0xffff;
	[tilespmem:v52+s15+$0x0] =	vst.idx.msk $0xffff, v51  }
0x166: {  	v61 =	vor.u32 v12, v23;
	v62 =	vor.u32 v11, v20;
	v38 =	vld.idx.msk [tilespmem:v54+s12+$0x0], $0xffff;
	[tilespmem:v55+s15+$0x0] =	vst.idx.msk $0xffff, v41  }
0x167: {  	v45 =	vor.u32 v11, v32;
	v63 =	vor.u32 v12, v22;
	[tilespmem:v56+s15+$0x0] =	vst.idx.msk $0xffff, v28;
	v35 =	vld.idx.msk [tilespmem:v57+s12+$0x0], $0xffff  }
0x168: {  	v46 =	vor.u32 v11, v30;
	[tilespmem:v58+s15+$0x0] =	vst.idx.msk $0xffff, v36;
	v28 =	vor.u32 v12, v33;
	v24 =	vld.idx.msk [tilespmem:v24+s12+$0x0], $0xffff  }
0x169: {  	v47 =	vor.u32 v13, v17;
	[tilespmem:v59+s15+$0x0] =	vst.idx.msk $0xffff, v29;
	v29 =	vor.u32 v12, v25;
	v31 =	vld.idx.msk [tilespmem:v31+s12+$0x0], $0xffff  }
0x16a: {  	v19 =	vor.u32 v14, v19;
	v26 =	vld.idx.msk [tilespmem:v26+s12+$0x0], $0xffff;
	[tilespmem:v60+s15+$0x0] =	vst.idx.msk $0xffff, v27;
	v48 =	vor.u32 v13, v16  }
0x16b: {  	v18 =	vor.u32 v14, v18;
	v27 =	vld.idx.msk [tilespmem:v61+s12+$0x0], $0xffff;
	[tilespmem:v62+s15+$0x0] =	vst.idx.msk $0xffff, v38;
	v49 =	vor.u32 v13, v21  }
0x16c: {  	v23 =	vor.u32 v14, v23;
	v50 =	vor.u32 v13, v20;
	v51 =	vld.idx.msk [tilespmem:v63+s12+$0x0], $0xffff;
	[tilespmem:v45+s15+$0x0] =	vst.idx.msk $0xffff, v35  }
0x16d: {  	v52 =	vor.u32 v13, v32;
	v22 =	vor.u32 v14, v22;
	[tilespmem:v46+s15+$0x0] =	vst.idx.msk $0xffff, v24;
	v28 =	vld.idx.msk [tilespmem:v28+s12+$0x0], $0xffff  }
0x16e: {  	[tilespmem:v47+s15+$0x0] =	vst.idx.msk $0xffff, v31;
	v31 =	vor.u32 v14, v33;
	v24 =	vor.u32 v13, v30;
	v29 =	vld.idx.msk [tilespmem:v29+s12+$0x0], $0xffff  }
0x16f: {  	v25 =	vor.u32 v14, v25;
	v17 =	vor.u32 v15, v17;
	[tilespmem:v48+s15+$0x0] =	vst.idx.msk $0xffff, v26;
	v19 =	vld.idx.msk [tilespmem:v19+s12+$0x0], $0xffff  }
0x170: {  	v16 =	vor.u32 v15, v16;
	[tilespmem:v49+s15+$0x0] =	vst.idx.msk $0xffff, v27;
	v18 =	vld.idx.msk [tilespmem:v18+s12+$0x0], $0xffff  }
0x171: {  	v21 =	vor.u32 v15, v21;
	v23 =	vld.idx.msk [tilespmem:v23+s12+$0x0], $0xffff;
	[tilespmem:v50+s15+$0x0] =	vst.idx.msk $0xffff, v51  }
0x172: {  	v20 =	vor.u32 v15, v20;
	v22 =	vld.idx.msk [tilespmem:v22+s12+$0x0], $0xffff;
	[tilespmem:v52+s15+$0x0] =	vst.idx.msk $0xffff, v28  }
0x173: {  	v26 =	vor.u32 v15, v32;
	[tilespmem:v24+s15+$0x0] =	vst.idx.msk $0xffff, v29;
	v27 =	vld.idx.msk [tilespmem:v31+s12+$0x0], $0xffff  }
0x174: {  	[tilespmem:v17+s15+$0x0] =	vst.idx.msk $0xffff, v19;
	v17 =	vor.u32 v15, v30;
	v19 =	vld.idx.msk [tilespmem:v25+s12+$0x0], $0xffff  }
0x175: {  	[tilespmem:v16+s15+$0x0] =	vst.idx.msk $0xffff, v18  }
0x176: {  	[tilespmem:v21+s15+$0x0] =	vst.idx.msk $0xffff, v23  }
0x177: {  	[tilespmem:v20+s15+$0x0] =	vst.idx.msk $0xffff, v22  }
0x178: {  	[tilespmem:v26+s15+$0x0] =	vst.idx.msk $0xffff, v27  }
0x179: {  	s0 =	sadd.s32 $0x8000, s29;
	s31 =	simm.s32 $0x1;
	s3 =	simm.s32 $0x0;
	[tilespmem:v17+s15+$0x0] =	vst.idx.msk $0xffff, v19  }
0x17a: {  	[hbm4b:s0+s12] =	stream.strided.scatter [tilespmem:s15], [sflag:$0x3], $0x4000, s16, s12, $0x38;
	[tilespmem:$0x10400] =	vst v63  }
0x17b: {  	v16 =	vadd.s32 s31, v0;
	s31 =	sand.u32 $0x70, s3  }
0x17c: {  	v16 =	vand.u32 $0xF, v16;
	[tilespmem:s12], [sflag:$0x1] =	stream.indirect.gather [hbm4b:s6+s11], $0x80, s22, s11, $0xb8;
	[tilespmem:$0x10400] =	vst v63  }
0x17d: {  	v25 =	vor.u32 s31, v16;
	v17 =	vadd.s32 s3, v0;
	_ =	swait.ge [sflag:s18], $0x4000  }
0x17e: {  	v16 =	vand.u32 $0xF, v17;
	v17 =	vor.u32 v1, v25;
	[sflag:s18] =	ssyncset.done $0x0  }
0x17f: {  	v29 =	vor.u32 s31, v16;
	[sflag:s18] =	ssyncadd.s32 $0xFFFFC000  }
0x180: {  	v16 =	vor.u32 v1, v29;
	_ =	swait.ge [sflag:s23], $0x4000  }
0x181: {  	[sflag:s23] =	ssyncset.done $0x0  }
0x182: {  	v30 =	vshll.u32 v25, $0x7;
	[sflag:s23] =	ssyncadd.s32 $0xFFFFC000  }
0x183: {  	v18 =	vor.u32 v0, v30;
	v17 =	vld.idx.msk [tilespmem:v17+s13+$0x0], $0xffff  }
0x184: {  	v19 =	vor.u32 v2, v25;
	v32 =	vshll.u32 v29, $0x7  }
0x185: {  	v20 =	vor.u32 v0, v32;
	v16 =	vld.idx.msk [tilespmem:v16+s13+$0x0], $0xffff  }
0x186: {  	v21 =	vor.u32 v2, v29;
	_ =	sdelay $0x1  }
0x187: {  	[tilespmem:v18+s19+$0x0] =	vst.idx.msk $0xffff, v17  }
0x188: {  	v22 =	vor.u32 v3, v30;
	v17 =	vld.idx.msk [tilespmem:v19+s13+$0x0], $0xffff  }
0x189: {  	s31 =	simm.s32 $0x3;
	[tilespmem:v20+s19+$0x0] =	vst.idx.msk $0xffff, v16;
	v16 =	vor.u32 v4, v25  }
0x18a: {  	s0 =	simm.s32 $0x2;
	v20 =	vld.idx.msk [tilespmem:v21+s13+$0x0], $0xffff;
	v21 =	vor.u32 v3, v32;
	v19 =	vadd.s32 s31, v0  }
0x18b: {  	v23 =	vor.u32 v4, v29;
	v18 =	vadd.s32 s0, v0;
	s0 =	sand.u32 $0x70, s0;
	v19 =	vand.u32 $0xF, v19  }
0x18c: {  	v18 =	vand.u32 $0xF, v18;
	v19 =	vor.u32 s0, v19  }
0x18d: {  	v18 =	vor.u32 s0, v18;
	v26 =	vor.u32 v1, v19;
	[tilespmem:v22+s19+$0x0] =	vst.idx.msk $0xffff, v17  }
0x18e: {  	v27 =	vor.u32 v5, v30;
	v24 =	vor.u32 v1, v18;
	v22 =	vld.idx.msk [tilespmem:v16+s13+$0x0], $0xffff  }
0x18f: {  	v28 =	vor.u32 v6, v25;
	[tilespmem:v21+s19+$0x0] =	vst.idx.msk $0xffff, v20  }
0x190: {  	v20 =	vor.u32 v5, v32;
	v21 =	vld.idx.msk [tilespmem:v23+s13+$0x0], $0xffff  }
0x191: {  	v60 =	vor.u32 v10, v25;
	v45 =	vor.u32 v12, v25;
	v17 =	vshll.u32 v19, $0x7  }
0x192: {  	v16 =	vshll.u32 v18, $0x7;
	v23 =	vor.u32 v6, v29;
	v53 =	vor.u32 v0, v17;
	v26 =	vld.idx.msk [tilespmem:v26+s13+$0x0], $0xffff  }
0x193: {  	v24 =	vld.idx.msk [tilespmem:v24+s13+$0x0], $0xffff;
	v31 =	vor.u32 v0, v16;
	[tilespmem:v27+s19+$0x0] =	vst.idx.msk $0xffff, v22;
	v22 =	vor.u32 v2, v19  }
0x194: {  	v50 =	vor.u32 v10, v29;
	v54 =	vor.u32 v2, v18;
	v27 =	vld.idx.msk [tilespmem:v28+s13+$0x0], $0xffff;
	v28 =	vor.u32 v7, v30  }
0x195: {  	v48 =	vor.u32 v9, v32;
	[tilespmem:v20+s19+$0x0] =	vst.idx.msk $0xffff, v21;
	v20 =	vor.u32 v8, v25  }
0x196: {  	v59 =	vor.u32 v4, v18;
	v57 =	vor.u32 v3, v17;
	v52 =	vor.u32 v5, v17  }
0x197: {  	v55 =	vor.u32 v3, v16;
	v21 =	vld.idx.msk [tilespmem:v23+s13+$0x0], $0xffff;
	v23 =	vor.u32 v7, v32;
	[tilespmem:v53+s19+$0x0] =	vst.idx.msk $0xffff, v26  }
0x198: {  	s0 =	simm.s32 $0x4;
	v61 =	vor.u32 v5, v16;
	[tilespmem:v31+s19+$0x0] =	vst.idx.msk $0xffff, v24;
	v26 =	vor.u32 v8, v29;
	v56 =	vld.idx.msk [tilespmem:v22+s13+$0x0], $0xffff  }
0x199: {  	s31 =	simm.s32 $0x5;
	v24 =	vld.idx.msk [tilespmem:v54+s13+$0x0], $0xffff;
	v22 =	vadd.s32 s0, v0;
	[tilespmem:v28+s19+$0x0] =	vst.idx.msk $0xffff, v27;
	v27 =	vor.u32 v4, v19  }
0x19a: {  	s0 =	sand.u32 $0x70, s0;
	v28 =	vor.u32 v9, v30;
	v22 =	vand.u32 $0xF, v22;
	v58 =	vld.idx.msk [tilespmem:v20+s13+$0x0], $0xffff;
	v20 =	vadd.s32 s31, v0  }
0x19b: {  	v35 =	vor.u32 v9, v16;
	v22 =	vor.u32 s0, v22;
	v20 =	vand.u32 $0xF, v20  }
0x19c: {  	v31 =	vor.u32 v6, v19;
	[tilespmem:v23+s19+$0x0] =	vst.idx.msk $0xffff, v21;
	v62 =	vor.u32 v1, v22;
	v23 =	vor.u32 s0, v20  }
0x19d: {  	v53 =	vor.u32 v6, v18;
	v63 =	vld.idx.msk [tilespmem:v26+s13+$0x0], $0xffff;
	v49 =	vor.u32 v1, v23;
	[tilespmem:v57+s19+$0x0] =	vst.idx.msk $0xffff, v56  }
0x19e: {  	v54 =	vor.u32 v11, v30;
	[tilespmem:v55+s19+$0x0] =	vst.idx.msk $0xffff, v24;
	v24 =	vor.u32 v15, v32;
	v51 =	vld.idx.msk [tilespmem:v27+s13+$0x0], $0xffff  }
0x19f: {  	v37 =	vld.idx.msk [tilespmem:v59+s13+$0x0], $0xffff;
	v59 =	vor.u32 v11, v32;
	v20 =	vshll.u32 v22, $0x7;
	[tilespmem:v28+s19+$0x0] =	vst.idx.msk $0xffff, v58  }
0x1a0: {  	v21 =	vshll.u32 v23, $0x7;
	v26 =	vor.u32 v6, v23;
	v55 =	vor.u32 v0, v20;
	v38 =	vld.idx.msk [tilespmem:v60+s13+$0x0], $0xffff  }
0x1a1: {  	v57 =	vor.u32 v2, v22;
	v27 =	vor.u32 v5, v20;
	v56 =	vor.u32 v0, v21;
	v40 =	vld.idx.msk [tilespmem:v62+s13+$0x0], $0xffff  }
0x1a2: {  	v42 =	vor.u32 v5, v21;
	[tilespmem:v48+s19+$0x0] =	vst.idx.msk $0xffff, v63;
	v28 =	vor.u32 v15, v30;
	v43 =	vld.idx.msk [tilespmem:v49+s13+$0x0], $0xffff  }
0x1a3: {  	v63 =	vor.u32 v12, v29;
	v58 =	vld.idx.msk [tilespmem:v50+s13+$0x0], $0xffff;
	v60 =	vor.u32 v2, v23;
	[tilespmem:v52+s19+$0x0] =	vst.idx.msk $0xffff, v51  }
0x1a4: {  	v30 =	vor.u32 v13, v30;
	[tilespmem:v61+s19+$0x0] =	vst.idx.msk $0xffff, v37;
	v61 =	vor.u32 v7, v17;
	v62 =	vld.idx.msk [tilespmem:v31+s13+$0x0], $0xffff  }
0x1a5: {  	v36 =	vld.idx.msk [tilespmem:v53+s13+$0x0], $0xffff;
	v53 =	vor.u32 v8, v19;
	v52 =	vor.u32 v7, v16;
	[tilespmem:v54+s19+$0x0] =	vst.idx.msk $0xffff, v38  }
0x1a6: {  	v50 =	vor.u32 v4, v22;
	v49 =	vor.u32 v9, v17;
	[tilespmem:v55+s19+$0x0] =	vst.idx.msk $0xffff, v40;
	v44 =	vld.idx.msk [tilespmem:v45+s13+$0x0], $0xffff  }
0x1a7: {  	v54 =	vor.u32 v8, v18;
	v41 =	vld.idx.msk [tilespmem:v57+s13+$0x0], $0xffff;
	[tilespmem:v56+s19+$0x0] =	vst.idx.msk $0xffff, v43;
	v56 =	vor.u32 v3, v20  }
0x1a8: {  	[tilespmem:v59+s19+$0x0] =	vst.idx.msk $0xffff, v58;
	v58 =	vor.u32 v14, v25;
	v59 =	vor.u32 v3, v21;
	v57 =	vld.idx.msk [tilespmem:v60+s13+$0x0], $0xffff  }
0x1a9: {  	s0 =	simm.s32 $0x6;
	v31 =	vor.u32 v14, v29;
	v55 =	vor.u32 v13, v32;
	v60 =	vld.idx.msk [tilespmem:v63+s13+$0x0], $0xffff;
	[tilespmem:v61+s19+$0x0] =	vst.idx.msk $0xffff, v62  }
0x1aa: {  	s31 =	simm.s32 $0x7;
	v25 =	vadd.s32 s0, v0;
	[tilespmem:v52+s19+$0x0] =	vst.idx.msk $0xffff, v36;
	v61 =	vor.u32 v4, v23;
	v62 =	vld.idx.msk [tilespmem:v53+s13+$0x0], $0xffff  }
0x1ab: {  	v29 =	vor.u32 v10, v18;
	s0 =	sand.u32 $0x70, s0;
	v25 =	vand.u32 $0xF, v25;
	v63 =	vadd.s32 s31, v0;
	[tilespmem:v30+s19+$0x0] =	vst.idx.msk $0xffff, v44  }
0x1ac: {  	v25 =	vor.u32 s0, v25;
	v36 =	vor.u32 v10, v19;
	v33 =	vand.u32 $0xF, v63;
	v34 =	vld.idx.msk [tilespmem:v54+s13+$0x0], $0xffff;
	[tilespmem:v56+s19+$0x0] =	vst.idx.msk $0xffff, v41  }
0x1ad: {  	v33 =	vor.u32 s0, v33;
	v44 =	vor.u32 v1, v25;
	v37 =	vld.idx.msk [tilespmem:v58+s13+$0x0], $0xffff;
	[tilespmem:v59+s19+$0x0] =	vst.idx.msk $0xffff, v57  }
0x1ae: {  	v43 =	vor.u32 v1, v33;
	v32 =	vshll.u32 v33, $0x7;
	v30 =	vshll.u32 v25, $0x7;
	[tilespmem:v55+s19+$0x0] =	vst.idx.msk $0xffff, v60;
	v39 =	vld.idx.msk [tilespmem:v50+s13+$0x0], $0xffff  }
0x1af: {  	s30 =	simm.s32 $0x8;
	v40 =	vor.u32 v6, v33;
	v41 =	vor.u32 v5, v30;
	v38 =	vld.idx.msk [tilespmem:v61+s13+$0x0], $0xffff;
	[tilespmem:v49+s19+$0x0] =	vst.idx.msk $0xffff, v62  }
.LBB2_9:
0x1b0: {  	v45 =	vmovc v33;
	v33 =	vmovc v17;
	v17 =	vmov v21;
	v21 =	vmov v32;
	v32 =	vmov v16  }
0x1b1: {  	p0 =	slt.u32 s30, $0x7E;
	v31 =	vld.idx.msk [tilespmem:v31+s13+$0x0], $0xffff;
	v16 =	vmovc v20;
	v20 =	vmovc v30;
	v30 =	vmov v26;
	v26 =	vmov v40;
	v40 =	vmov v27;
	s0 =	smov.u32 s30;
	s30 =	sadd.s32 $0x2, s30  }
0x1b2: {  	v46 =	vor.u32 v6, v22;
	v27 =	vmov v41;
	v47 =	vor.u32 v15, v32;
	v36 =	vld.idx.msk [tilespmem:v36+s13+$0x0], $0xffff  }
0x1b3: {  	v48 =	vor.u32 v12, v19;
	v41 =	vld.idx.msk [tilespmem:v44+s13+$0x0], $0xffff;
	v44 =	vor.u32 v11, v33;
	[tilespmem:v28+s19+$0x0] =	vst.idx.msk $0xffff, v37  }
0x1b4: {  	v49 =	vor.u32 v0, v21;
	v37 =	vor.u32 v0, v20;
	v43 =	vld.idx.msk [tilespmem:v43+s13+$0x0], $0xffff;
	[tilespmem:v35+s19+$0x0] =	vst.idx.msk $0xffff, v34  }
0x1b5: {  	v28 =	vor.u32 v15, v33;
	v34 =	vor.u32 v2, v25;
	[tilespmem:v42+s19+$0x0] =	vst.idx.msk $0xffff, v38;
	v29 =	vld.idx.msk [tilespmem:v29+s13+$0x0], $0xffff  }
0x1b6: {  	v35 =	vor.u32 v2, v45;
	v38 =	vor.u32 v11, v32;
	[tilespmem:v40+s19+$0x0] =	vst.idx.msk $0xffff, v39;
	v30 =	vld.idx.msk [tilespmem:v30+s13+$0x0], $0xffff  }
0x1b7: {  	v42 =	vor.u32 v12, v18;
	v40 =	vor.u32 v7, v17;
	v39 =	vld.idx.msk [tilespmem:v46+s13+$0x0], $0xffff;
	[tilespmem:v24+s19+$0x0] =	vst.idx.msk $0xffff, v31  }
0x1b8: {  	v50 =	vor.u32 v8, v23;
	v46 =	vor.u32 v7, v16;
	v24 =	vmov v47;
	[tilespmem:v44+s19+$0x0] =	vst.idx.msk $0xffff, v36  }
0x1b9: {  	v31 =	vor.u32 v14, v18;
	v36 =	vor.u32 v8, v22;
	[tilespmem:v37+s19+$0x0] =	vst.idx.msk $0xffff, v41;
	v37 =	vld.idx.msk [tilespmem:v48+s13+$0x0], $0xffff  }
0x1ba: {  	v47 =	vor.u32 v13, v32;
	v32 =	vor.u32 v13, v33;
	v41 =	vld.idx.msk [tilespmem:v34+s13+$0x0], $0xffff;
	[tilespmem:v49+s19+$0x0] =	vst.idx.msk $0xffff, v43  }
0x1bb: {  	v43 =	vor.u32 v3, v20;
	v48 =	vld.idx.msk [tilespmem:v35+s13+$0x0], $0xffff;
	[tilespmem:v38+s19+$0x0] =	vst.idx.msk $0xffff, v29;
	v38 =	vor.u32 v14, v19  }
0x1bc: {  	v49 =	vor.u32 v3, v21;
	v29 =	vor.u32 v10, v22;
	[tilespmem:v40+s19+$0x0] =	vst.idx.msk $0xffff, v30;
	v42 =	vld.idx.msk [tilespmem:v42+s13+$0x0], $0xffff  }
0x1bd: {  	s3 =	sadd.s32 $0x1, s0;
	v51 =	vor.u32 v4, v45;
	[tilespmem:v46+s19+$0x0] =	vst.idx.msk $0xffff, v39;
	v46 =	vld.idx.msk [tilespmem:v50+s13+$0x0], $0xffff;
	v50 =	vor.u32 v9, v17  }
0x1be: {  	v33 =	vadd.s32 s0, v0;
	v18 =	vmovc v22;
	v22 =	vmovc v25;
	v30 =	vadd.s32 s3, v0;
	v39 =	vor.u32 v4, v25;
	v34 =	vld.idx.msk [tilespmem:v36+s13+$0x0], $0xffff  }
.Ltmp3:
0x1bf: {  	s0 =	sand.u32 $0x70, s0;
	v35 =	vor.u32 v9, v16;
	v19 =	vmovc v23;
	v25 =	vand.u32 $0xF, v33;
	v30 =	vand.u32 $0xF, v30;
	[tilespmem:v32+s19+$0x0] =	vst.idx.msk $0xffff, v37;
	(pc) =	sbr.rel @p0 .LBB2_9-.Ltmp3, $4  }
0x1c0: {  	v25 =	vor.u32 s0, v25;
	v33 =	vor.u32 s0, v30;
	v36 =	vor.u32 v10, v19;
	[tilespmem:v43+s19+$0x0] =	vst.idx.msk $0xffff, v41;
	v37 =	vld.idx.msk [tilespmem:v38+s13+$0x0], $0xffff  }
0x1c1: {  	v44 =	vor.u32 v1, v25;
	v32 =	vshll.u32 v33, $0x7;
	v43 =	vor.u32 v1, v33;
	[tilespmem:v49+s19+$0x0] =	vst.idx.msk $0xffff, v48  }
0x1c2: {  	v23 =	vmov v45;
	v30 =	vshll.u32 v25, $0x7;
	v40 =	vor.u32 v6, v33;
	v38 =	vld.idx.msk [tilespmem:v51+s13+$0x0], $0xffff;
	[tilespmem:v47+s19+$0x0] =	vst.idx.msk $0xffff, v42  }
0x1c3: {  	v41 =	vor.u32 v5, v30;
	v42 =	vor.u32 v5, v21;
	v39 =	vld.idx.msk [tilespmem:v39+s13+$0x0], $0xffff;
	[tilespmem:v50+s19+$0x0] =	vst.idx.msk $0xffff, v46  }
0x1c4: {  	_ =	sdelay $0x3  }
0x1c5: {  	v43 =	vld.idx.msk [tilespmem:v43+s13+$0x0], $0xffff;
	v45 =	vor.u32 v0, v32  }
0x1c6: {  	v44 =	vld.idx.msk [tilespmem:v44+s13+$0x0], $0xffff;
	v46 =	vor.u32 v0, v30;
	v47 =	vor.u32 v2, v33  }
0x1c7: {  	v48 =	vor.u32 v2, v25;
	_ =	sdelay $0x2  }
0x1c8: {  	[tilespmem:v45+s19+$0x0] =	vst.idx.msk $0xffff, v43  }
0x1c9: {  	v63 =	vor.u32 v3, v32;
	[tilespmem:v46+s19+$0x0] =	vst.idx.msk $0xffff, v44;
	v43 =	vld.idx.msk [tilespmem:v47+s13+$0x0], $0xffff  }
0x1ca: {  	v53 =	vor.u32 v3, v30;
	v54 =	vor.u32 v4, v33;
	v52 =	vld.idx.msk [tilespmem:v48+s13+$0x0], $0xffff  }
0x1cb: {  	v55 =	vor.u32 v4, v25;
	_ =	sdelay $0x2  }
0x1cc: {  	[tilespmem:v63+s19+$0x0] =	vst.idx.msk $0xffff, v43  }
0x1cd: {  	v56 =	vor.u32 v6, v22;
	v57 =	vor.u32 v5, v32;
	[tilespmem:v53+s19+$0x0] =	vst.idx.msk $0xffff, v52;
	v44 =	vld.idx.msk [tilespmem:v54+s13+$0x0], $0xffff  }
0x1ce: {  	v46 =	vld.idx.msk [tilespmem:v55+s13+$0x0], $0xffff  }
0x1cf: {  	v58 =	vor.u32 v6, v25  }
0x1d0: {  	[tilespmem:v42+s19+$0x0] =	vst.idx.msk $0xffff, v38  }
0x1d1: {  	[tilespmem:v27+s19+$0x0] =	vst.idx.msk $0xffff, v39;
	v26 =	vld.idx.msk [tilespmem:v26+s13+$0x0], $0xffff;
	v27 =	vor.u32 v7, v21  }
0x1d2: {  	v60 =	vor.u32 v7, v20;
	v61 =	vor.u32 v8, v23;
	v59 =	vld.idx.msk [tilespmem:v56+s13+$0x0], $0xffff;
	[tilespmem:v57+s19+$0x0] =	vst.idx.msk $0xffff, v44  }
0x1d3: {  	v62 =	vor.u32 v8, v22;
	v63 =	vor.u32 v7, v32;
	[tilespmem:v41+s19+$0x0] =	vst.idx.msk $0xffff, v46;
	v40 =	vld.idx.msk [tilespmem:v40+s13+$0x0], $0xffff  }
0x1d4: {  	v49 =	vor.u32 v7, v30;
	v50 =	vor.u32 v8, v33;
	v48 =	vld.idx.msk [tilespmem:v58+s13+$0x0], $0xffff  }
0x1d5: {  	[tilespmem:v28+s19+$0x0] =	vst.idx.msk $0xffff, v37;
	v28 =	vor.u32 v8, v25  }
0x1d6: {  	v31 =	vld.idx.msk [tilespmem:v31+s13+$0x0], $0xffff;
	[tilespmem:v27+s19+$0x0] =	vst.idx.msk $0xffff, v26  }
0x1d7: {  	v27 =	vor.u32 v9, v21;
	[tilespmem:v60+s19+$0x0] =	vst.idx.msk $0xffff, v59;
	v26 =	vld.idx.msk [tilespmem:v61+s13+$0x0], $0xffff  }
0x1d8: {  	v51 =	vld.idx.msk [tilespmem:v62+s13+$0x0], $0xffff;
	v52 =	vor.u32 v9, v20;
	v53 =	vor.u32 v10, v23;
	[tilespmem:v63+s19+$0x0] =	vst.idx.msk $0xffff, v40  }
0x1d9: {  	v54 =	vor.u32 v10, v22;
	v55 =	vor.u32 v9, v32;
	[tilespmem:v49+s19+$0x0] =	vst.idx.msk $0xffff, v48;
	v41 =	vld.idx.msk [tilespmem:v50+s13+$0x0], $0xffff  }
0x1da: {  	[tilespmem:v35+s19+$0x0] =	vst.idx.msk $0xffff, v34;
	v56 =	vor.u32 v9, v30;
	v57 =	vor.u32 v10, v33;
	v28 =	vld.idx.msk [tilespmem:v28+s13+$0x0], $0xffff  }
0x1db: {  	v36 =	vld.idx.msk [tilespmem:v36+s13+$0x0], $0xffff;
	[tilespmem:v24+s19+$0x0] =	vst.idx.msk $0xffff, v31;
	v24 =	vor.u32 v10, v25;
	v58 =	vor.u32 v11, v17  }
0x1dc: {  	v29 =	vld.idx.msk [tilespmem:v29+s13+$0x0], $0xffff;
	v31 =	vor.u32 v12, v19;
	v59 =	vor.u32 v11, v16;
	[tilespmem:v27+s19+$0x0] =	vst.idx.msk $0xffff, v26  }
0x1dd: {  	v60 =	vor.u32 v11, v21;
	v26 =	vor.u32 v12, v18;
	v27 =	vld.idx.msk [tilespmem:v53+s13+$0x0], $0xffff;
	[tilespmem:v52+s19+$0x0] =	vst.idx.msk $0xffff, v51  }
0x1de: {  	v61 =	vor.u32 v12, v23;
	v62 =	vor.u32 v11, v20;
	v38 =	vld.idx.msk [tilespmem:v54+s13+$0x0], $0xffff;
	[tilespmem:v55+s19+$0x0] =	vst.idx.msk $0xffff, v41  }
0x1df: {  	v45 =	vor.u32 v11, v32;
	v63 =	vor.u32 v12, v22;
	[tilespmem:v56+s19+$0x0] =	vst.idx.msk $0xffff, v28;
	v35 =	vld.idx.msk [tilespmem:v57+s13+$0x0], $0xffff  }
0x1e0: {  	v46 =	vor.u32 v11, v30;
	[tilespmem:v58+s19+$0x0] =	vst.idx.msk $0xffff, v36;
	v28 =	vor.u32 v12, v33;
	v24 =	vld.idx.msk [tilespmem:v24+s13+$0x0], $0xffff  }
0x1e1: {  	v47 =	vor.u32 v13, v17;
	[tilespmem:v59+s19+$0x0] =	vst.idx.msk $0xffff, v29;
	v29 =	vor.u32 v12, v25;
	v31 =	vld.idx.msk [tilespmem:v31+s13+$0x0], $0xffff  }
0x1e2: {  	v19 =	vor.u32 v14, v19;
	v26 =	vld.idx.msk [tilespmem:v26+s13+$0x0], $0xffff;
	[tilespmem:v60+s19+$0x0] =	vst.idx.msk $0xffff, v27;
	v48 =	vor.u32 v13, v16  }
0x1e3: {  	v18 =	vor.u32 v14, v18;
	v27 =	vld.idx.msk [tilespmem:v61+s13+$0x0], $0xffff;
	[tilespmem:v62+s19+$0x0] =	vst.idx.msk $0xffff, v38;
	v49 =	vor.u32 v13, v21  }
0x1e4: {  	v23 =	vor.u32 v14, v23;
	v50 =	vor.u32 v13, v20;
	v51 =	vld.idx.msk [tilespmem:v63+s13+$0x0], $0xffff;
	[tilespmem:v45+s19+$0x0] =	vst.idx.msk $0xffff, v35  }
0x1e5: {  	v52 =	vor.u32 v13, v32;
	v22 =	vor.u32 v14, v22;
	[tilespmem:v46+s19+$0x0] =	vst.idx.msk $0xffff, v24;
	v28 =	vld.idx.msk [tilespmem:v28+s13+$0x0], $0xffff  }
0x1e6: {  	[tilespmem:v47+s19+$0x0] =	vst.idx.msk $0xffff, v31;
	v31 =	vor.u32 v14, v33;
	v24 =	vor.u32 v13, v30;
	v29 =	vld.idx.msk [tilespmem:v29+s13+$0x0], $0xffff  }
0x1e7: {  	v25 =	vor.u32 v14, v25;
	v17 =	vor.u32 v15, v17;
	[tilespmem:v48+s19+$0x0] =	vst.idx.msk $0xffff, v26;
	v19 =	vld.idx.msk [tilespmem:v19+s13+$0x0], $0xffff  }
0x1e8: {  	v16 =	vor.u32 v15, v16;
	[tilespmem:v49+s19+$0x0] =	vst.idx.msk $0xffff, v27;
	v18 =	vld.idx.msk [tilespmem:v18+s13+$0x0], $0xffff  }
0x1e9: {  	v21 =	vor.u32 v15, v21;
	v23 =	vld.idx.msk [tilespmem:v23+s13+$0x0], $0xffff;
	[tilespmem:v50+s19+$0x0] =	vst.idx.msk $0xffff, v51  }
0x1ea: {  	v20 =	vor.u32 v15, v20;
	v22 =	vld.idx.msk [tilespmem:v22+s13+$0x0], $0xffff;
	[tilespmem:v52+s19+$0x0] =	vst.idx.msk $0xffff, v28  }
0x1eb: {  	v26 =	vor.u32 v15, v32;
	[tilespmem:v24+s19+$0x0] =	vst.idx.msk $0xffff, v29;
	v27 =	vld.idx.msk [tilespmem:v31+s13+$0x0], $0xffff  }
0x1ec: {  	[tilespmem:v17+s19+$0x0] =	vst.idx.msk $0xffff, v19;
	v17 =	vor.u32 v15, v30;
	v19 =	vld.idx.msk [tilespmem:v25+s13+$0x0], $0xffff  }
0x1ed: {  	[tilespmem:v16+s19+$0x0] =	vst.idx.msk $0xffff, v18  }
0x1ee: {  	[tilespmem:v21+s19+$0x0] =	vst.idx.msk $0xffff, v23  }
0x1ef: {  	[tilespmem:v20+s19+$0x0] =	vst.idx.msk $0xffff, v22  }
0x1f0: {  	[tilespmem:v26+s19+$0x0] =	vst.idx.msk $0xffff, v27  }
0x1f1: {  	s0 =	sadd.s32 $0xC000, s29;
	s31 =	simm.s32 $0x1;
	s3 =	simm.s32 $0x0;
	[tilespmem:v17+s19+$0x0] =	vst.idx.msk $0xffff, v19  }
0x1f2: {  	[hbm4b:s0+s12] =	stream.strided.scatter [tilespmem:s19], [sflag:$0x4], $0x4000, s16, s12, $0x38;
	[tilespmem:$0x10400] =	vst v63  }
0x1f3: {  	v16 =	vadd.s32 s31, v0;
	s31 =	sand.u32 $0x70, s3  }
0x1f4: {  	v16 =	vand.u32 $0xF, v16;
	[tilespmem:s13], [sflag:$0x2] =	stream.indirect.gather [hbm4b:s6+s11], $0x80, s24, s11, $0xb8;
	[tilespmem:$0x10400] =	vst v63  }
0x1f5: {  	v25 =	vor.u32 s31, v16;
	v17 =	vadd.s32 s3, v0;
	_ =	swait.ge [sflag:s14], $0x4000  }
0x1f6: {  	v16 =	vand.u32 $0xF, v17;
	v17 =	vor.u32 v1, v25;
	[sflag:s14] =	ssyncset.done $0x0  }
0x1f7: {  	v29 =	vor.u32 s31, v16;
	[sflag:s14] =	ssyncadd.s32 $0xFFFFC000  }
0x1f8: {  	v16 =	vor.u32 v1, v29;
	_ =	swait.ge [sflag:s21], $0x4000  }
0x1f9: {  	[sflag:s21] =	ssyncset.done $0x0  }
0x1fa: {  	v30 =	vshll.u32 v25, $0x7;
	[sflag:s21] =	ssyncadd.s32 $0xFFFFC000  }
0x1fb: {  	v18 =	vor.u32 v0, v30;
	v17 =	vld.idx.msk [tilespmem:v17+s12+$0x0], $0xffff  }
0x1fc: {  	v19 =	vor.u32 v2, v25;
	v32 =	vshll.u32 v29, $0x7  }
0x1fd: {  	v20 =	vor.u32 v0, v32;
	v16 =	vld.idx.msk [tilespmem:v16+s12+$0x0], $0xffff  }
0x1fe: {  	v21 =	vor.u32 v2, v29;
	_ =	sdelay $0x1  }
0x1ff: {  	[tilespmem:v18+s15+$0x0] =	vst.idx.msk $0xffff, v17  }
0x200: {  	v22 =	vor.u32 v3, v30;
	v17 =	vld.idx.msk [tilespmem:v19+s12+$0x0], $0xffff  }
0x201: {  	s31 =	simm.s32 $0x3;
	[tilespmem:v20+s15+$0x0] =	vst.idx.msk $0xffff, v16;
	v16 =	vor.u32 v4, v25  }
0x202: {  	s0 =	simm.s32 $0x2;
	v20 =	vld.idx.msk [tilespmem:v21+s12+$0x0], $0xffff;
	v21 =	vor.u32 v3, v32;
	v19 =	vadd.s32 s31, v0  }
0x203: {  	v23 =	vor.u32 v4, v29;
	v18 =	vadd.s32 s0, v0;
	s0 =	sand.u32 $0x70, s0;
	v19 =	vand.u32 $0xF, v19  }
0x204: {  	v18 =	vand.u32 $0xF, v18;
	v19 =	vor.u32 s0, v19  }
0x205: {  	v18 =	vor.u32 s0, v18;
	v26 =	vor.u32 v1, v19;
	[tilespmem:v22+s15+$0x0] =	vst.idx.msk $0xffff, v17  }
0x206: {  	v27 =	vor.u32 v5, v30;
	v24 =	vor.u32 v1, v18;
	v22 =	vld.idx.msk [tilespmem:v16+s12+$0x0], $0xffff  }
0x207: {  	v28 =	vor.u32 v6, v25;
	[tilespmem:v21+s15+$0x0] =	vst.idx.msk $0xffff, v20  }
0x208: {  	v20 =	vor.u32 v5, v32;
	v21 =	vld.idx.msk [tilespmem:v23+s12+$0x0], $0xffff  }
0x209: {  	v60 =	vor.u32 v10, v25;
	v45 =	vor.u32 v12, v25;
	v17 =	vshll.u32 v19, $0x7  }
0x20a: {  	v16 =	vshll.u32 v18, $0x7;
	v23 =	vor.u32 v6, v29;
	v53 =	vor.u32 v0, v17;
	v26 =	vld.idx.msk [tilespmem:v26+s12+$0x0], $0xffff  }
0x20b: {  	v24 =	vld.idx.msk [tilespmem:v24+s12+$0x0], $0xffff;
	v31 =	vor.u32 v0, v16;
	[tilespmem:v27+s15+$0x0] =	vst.idx.msk $0xffff, v22;
	v22 =	vor.u32 v2, v19  }
0x20c: {  	v50 =	vor.u32 v10, v29;
	v54 =	vor.u32 v2, v18;
	v27 =	vld.idx.msk [tilespmem:v28+s12+$0x0], $0xffff;
	v28 =	vor.u32 v7, v30  }
0x20d: {  	v48 =	vor.u32 v9, v32;
	[tilespmem:v20+s15+$0x0] =	vst.idx.msk $0xffff, v21;
	v20 =	vor.u32 v8, v25  }
0x20e: {  	v59 =	vor.u32 v4, v18;
	v57 =	vor.u32 v3, v17;
	v52 =	vor.u32 v5, v17  }
0x20f: {  	v55 =	vor.u32 v3, v16;
	v21 =	vld.idx.msk [tilespmem:v23+s12+$0x0], $0xffff;
	v23 =	vor.u32 v7, v32;
	[tilespmem:v53+s15+$0x0] =	vst.idx.msk $0xffff, v26  }
0x210: {  	s0 =	simm.s32 $0x4;
	v61 =	vor.u32 v5, v16;
	[tilespmem:v31+s15+$0x0] =	vst.idx.msk $0xffff, v24;
	v26 =	vor.u32 v8, v29;
	v56 =	vld.idx.msk [tilespmem:v22+s12+$0x0], $0xffff  }
0x211: {  	s31 =	simm.s32 $0x5;
	v24 =	vld.idx.msk [tilespmem:v54+s12+$0x0], $0xffff;
	v22 =	vadd.s32 s0, v0;
	[tilespmem:v28+s15+$0x0] =	vst.idx.msk $0xffff, v27;
	v27 =	vor.u32 v4, v19  }
0x212: {  	s0 =	sand.u32 $0x70, s0;
	v28 =	vor.u32 v9, v30;
	v22 =	vand.u32 $0xF, v22;
	v58 =	vld.idx.msk [tilespmem:v20+s12+$0x0], $0xffff;
	v20 =	vadd.s32 s31, v0  }
0x213: {  	v35 =	vor.u32 v9, v16;
	v22 =	vor.u32 s0, v22;
	v20 =	vand.u32 $0xF, v20  }
0x214: {  	v31 =	vor.u32 v6, v19;
	[tilespmem:v23+s15+$0x0] =	vst.idx.msk $0xffff, v21;
	v62 =	vor.u32 v1, v22;
	v23 =	vor.u32 s0, v20  }
0x215: {  	v53 =	vor.u32 v6, v18;
	v63 =	vld.idx.msk [tilespmem:v26+s12+$0x0], $0xffff;
	v49 =	vor.u32 v1, v23;
	[tilespmem:v57+s15+$0x0] =	vst.idx.msk $0xffff, v56  }
0x216: {  	v54 =	vor.u32 v11, v30;
	[tilespmem:v55+s15+$0x0] =	vst.idx.msk $0xffff, v24;
	v24 =	vor.u32 v15, v32;
	v51 =	vld.idx.msk [tilespmem:v27+s12+$0x0], $0xffff  }
0x217: {  	v37 =	vld.idx.msk [tilespmem:v59+s12+$0x0], $0xffff;
	v59 =	vor.u32 v11, v32;
	v20 =	vshll.u32 v22, $0x7;
	[tilespmem:v28+s15+$0x0] =	vst.idx.msk $0xffff, v58  }
0x218: {  	v21 =	vshll.u32 v23, $0x7;
	v26 =	vor.u32 v6, v23;
	v55 =	vor.u32 v0, v20;
	v38 =	vld.idx.msk [tilespmem:v60+s12+$0x0], $0xffff  }
0x219: {  	v57 =	vor.u32 v2, v22;
	v27 =	vor.u32 v5, v20;
	v56 =	vor.u32 v0, v21;
	v40 =	vld.idx.msk [tilespmem:v62+s12+$0x0], $0xffff  }
0x21a: {  	v42 =	vor.u32 v5, v21;
	[tilespmem:v48+s15+$0x0] =	vst.idx.msk $0xffff, v63;
	v28 =	vor.u32 v15, v30;
	v43 =	vld.idx.msk [tilespmem:v49+s12+$0x0], $0xffff  }
0x21b: {  	v63 =	vor.u32 v12, v29;
	v58 =	vld.idx.msk [tilespmem:v50+s12+$0x0], $0xffff;
	v60 =	vor.u32 v2, v23;
	[tilespmem:v52+s15+$0x0] =	vst.idx.msk $0xffff, v51  }
0x21c: {  	v30 =	vor.u32 v13, v30;
	[tilespmem:v61+s15+$0x0] =	vst.idx.msk $0xffff, v37;
	v61 =	vor.u32 v7, v17;
	v62 =	vld.idx.msk [tilespmem:v31+s12+$0x0], $0xffff  }
0x21d: {  	v36 =	vld.idx.msk [tilespmem:v53+s12+$0x0], $0xffff;
	v53 =	vor.u32 v8, v19;
	v52 =	vor.u32 v7, v16;
	[tilespmem:v54+s15+$0x0] =	vst.idx.msk $0xffff, v38  }
0x21e: {  	v50 =	vor.u32 v4, v22;
	v49 =	vor.u32 v9, v17;
	[tilespmem:v55+s15+$0x0] =	vst.idx.msk $0xffff, v40;
	v44 =	vld.idx.msk [tilespmem:v45+s12+$0x0], $0xffff  }
0x21f: {  	v54 =	vor.u32 v8, v18;
	v41 =	vld.idx.msk [tilespmem:v57+s12+$0x0], $0xffff;
	[tilespmem:v56+s15+$0x0] =	vst.idx.msk $0xffff, v43;
	v56 =	vor.u32 v3, v20  }
0x220: {  	[tilespmem:v59+s15+$0x0] =	vst.idx.msk $0xffff, v58;
	v58 =	vor.u32 v14, v25;
	v59 =	vor.u32 v3, v21;
	v57 =	vld.idx.msk [tilespmem:v60+s12+$0x0], $0xffff  }
0x221: {  	s0 =	simm.s32 $0x6;
	v31 =	vor.u32 v14, v29;
	v55 =	vor.u32 v13, v32;
	v60 =	vld.idx.msk [tilespmem:v63+s12+$0x0], $0xffff;
	[tilespmem:v61+s15+$0x0] =	vst.idx.msk $0xffff, v62  }
0x222: {  	s31 =	simm.s32 $0x7;
	v25 =	vadd.s32 s0, v0;
	[tilespmem:v52+s15+$0x0] =	vst.idx.msk $0xffff, v36;
	v61 =	vor.u32 v4, v23;
	v62 =	vld.idx.msk [tilespmem:v53+s12+$0x0], $0xffff  }
0x223: {  	v29 =	vor.u32 v10, v18;
	s0 =	sand.u32 $0x70, s0;
	v25 =	vand.u32 $0xF, v25;
	v63 =	vadd.s32 s31, v0;
	[tilespmem:v30+s15+$0x0] =	vst.idx.msk $0xffff, v44  }
0x224: {  	v25 =	vor.u32 s0, v25;
	v36 =	vor.u32 v10, v19;
	v33 =	vand.u32 $0xF, v63;
	v34 =	vld.idx.msk [tilespmem:v54+s12+$0x0], $0xffff;
	[tilespmem:v56+s15+$0x0] =	vst.idx.msk $0xffff, v41  }
0x225: {  	v33 =	vor.u32 s0, v33;
	v44 =	vor.u32 v1, v25;
	v37 =	vld.idx.msk [tilespmem:v58+s12+$0x0], $0xffff;
	[tilespmem:v59+s15+$0x0] =	vst.idx.msk $0xffff, v57  }
0x226: {  	v43 =	vor.u32 v1, v33;
	v32 =	vshll.u32 v33, $0x7;
	v30 =	vshll.u32 v25, $0x7;
	[tilespmem:v55+s15+$0x0] =	vst.idx.msk $0xffff, v60;
	v39 =	vld.idx.msk [tilespmem:v50+s12+$0x0], $0xffff  }
0x227: {  	s30 =	simm.s32 $0x8;
	v40 =	vor.u32 v6, v33;
	v41 =	vor.u32 v5, v30;
	v38 =	vld.idx.msk [tilespmem:v61+s12+$0x0], $0xffff;
	[tilespmem:v49+s15+$0x0] =	vst.idx.msk $0xffff, v62  }
.LBB2_11:
0x228: {  	v45 =	vmovc v33;
	v33 =	vmovc v17;
	v17 =	vmov v21;
	v21 =	vmov v32;
	v32 =	vmov v16  }
0x229: {  	p0 =	slt.u32 s30, $0x7E;
	v31 =	vld.idx.msk [tilespmem:v31+s12+$0x0], $0xffff;
	v16 =	vmovc v20;
	v20 =	vmovc v30;
	v30 =	vmov v26;
	v26 =	vmov v40;
	v40 =	vmov v27;
	s0 =	smov.u32 s30;
	s30 =	sadd.s32 $0x2, s30  }
0x22a: {  	v46 =	vor.u32 v6, v22;
	v27 =	vmov v41;
	v47 =	vor.u32 v15, v32;
	v36 =	vld.idx.msk [tilespmem:v36+s12+$0x0], $0xffff  }
0x22b: {  	v48 =	vor.u32 v12, v19;
	v41 =	vld.idx.msk [tilespmem:v44+s12+$0x0], $0xffff;
	v44 =	vor.u32 v11, v33;
	[tilespmem:v28+s15+$0x0] =	vst.idx.msk $0xffff, v37  }
0x22c: {  	v49 =	vor.u32 v0, v21;
	v37 =	vor.u32 v0, v20;
	v43 =	vld.idx.msk [tilespmem:v43+s12+$0x0], $0xffff;
	[tilespmem:v35+s15+$0x0] =	vst.idx.msk $0xffff, v34  }
0x22d: {  	v28 =	vor.u32 v15, v33;
	v34 =	vor.u32 v2, v25;
	[tilespmem:v42+s15+$0x0] =	vst.idx.msk $0xffff, v38;
	v29 =	vld.idx.msk [tilespmem:v29+s12+$0x0], $0xffff  }
0x22e: {  	v35 =	vor.u32 v2, v45;
	v38 =	vor.u32 v11, v32;
	[tilespmem:v40+s15+$0x0] =	vst.idx.msk $0xffff, v39;
	v30 =	vld.idx.msk [tilespmem:v30+s12+$0x0], $0xffff  }
0x22f: {  	v42 =	vor.u32 v12, v18;
	v40 =	vor.u32 v7, v17;
	v39 =	vld.idx.msk [tilespmem:v46+s12+$0x0], $0xffff;
	[tilespmem:v24+s15+$0x0] =	vst.idx.msk $0xffff, v31  }
0x230: {  	v50 =	vor.u32 v8, v23;
	v46 =	vor.u32 v7, v16;
	v24 =	vmov v47;
	[tilespmem:v44+s15+$0x0] =	vst.idx.msk $0xffff, v36  }
0x231: {  	v31 =	vor.u32 v14, v18;
	v36 =	vor.u32 v8, v22;
	[tilespmem:v37+s15+$0x0] =	vst.idx.msk $0xffff, v41;
	v37 =	vld.idx.msk [tilespmem:v48+s12+$0x0], $0xffff  }
0x232: {  	v47 =	vor.u32 v13, v32;
	v32 =	vor.u32 v13, v33;
	v41 =	vld.idx.msk [tilespmem:v34+s12+$0x0], $0xffff;
	[tilespmem:v49+s15+$0x0] =	vst.idx.msk $0xffff, v43  }
0x233: {  	v43 =	vor.u32 v3, v20;
	v48 =	vld.idx.msk [tilespmem:v35+s12+$0x0], $0xffff;
	[tilespmem:v38+s15+$0x0] =	vst.idx.msk $0xffff, v29;
	v38 =	vor.u32 v14, v19  }
0x234: {  	v49 =	vor.u32 v3, v21;
	v29 =	vor.u32 v10, v22;
	[tilespmem:v40+s15+$0x0] =	vst.idx.msk $0xffff, v30;
	v42 =	vld.idx.msk [tilespmem:v42+s12+$0x0], $0xffff  }
0x235: {  	s3 =	sadd.s32 $0x1, s0;
	v51 =	vor.u32 v4, v45;
	[tilespmem:v46+s15+$0x0] =	vst.idx.msk $0xffff, v39;
	v46 =	vld.idx.msk [tilespmem:v50+s12+$0x0], $0xffff;
	v50 =	vor.u32 v9, v17  }
0x236: {  	v33 =	vadd.s32 s0, v0;
	v18 =	vmovc v22;
	v22 =	vmovc v25;
	v30 =	vadd.s32 s3, v0;
	v39 =	vor.u32 v4, v25;
	v34 =	vld.idx.msk [tilespmem:v36+s12+$0x0], $0xffff  }
.Ltmp4:
0x237: {  	s0 =	sand.u32 $0x70, s0;
	v35 =	vor.u32 v9, v16;
	v19 =	vmovc v23;
	v25 =	vand.u32 $0xF, v33;
	v30 =	vand.u32 $0xF, v30;
	[tilespmem:v32+s15+$0x0] =	vst.idx.msk $0xffff, v37;
	(pc) =	sbr.rel @p0 .LBB2_11-.Ltmp4, $4  }
0x238: {  	v25 =	vor.u32 s0, v25;
	v33 =	vor.u32 s0, v30;
	v36 =	vor.u32 v10, v19;
	[tilespmem:v43+s15+$0x0] =	vst.idx.msk $0xffff, v41;
	v37 =	vld.idx.msk [tilespmem:v38+s12+$0x0], $0xffff  }
0x239: {  	v44 =	vor.u32 v1, v25;
	v32 =	vshll.u32 v33, $0x7;
	v43 =	vor.u32 v1, v33;
	[tilespmem:v49+s15+$0x0] =	vst.idx.msk $0xffff, v48  }
0x23a: {  	v23 =	vmov v45;
	v30 =	vshll.u32 v25, $0x7;
	v40 =	vor.u32 v6, v33;
	v38 =	vld.idx.msk [tilespmem:v51+s12+$0x0], $0xffff;
	[tilespmem:v47+s15+$0x0] =	vst.idx.msk $0xffff, v42  }
0x23b: {  	v41 =	vor.u32 v5, v30;
	v42 =	vor.u32 v5, v21;
	v39 =	vld.idx.msk [tilespmem:v39+s12+$0x0], $0xffff;
	[tilespmem:v50+s15+$0x0] =	vst.idx.msk $0xffff, v46  }
0x23c: {  	_ =	sdelay $0x3  }
0x23d: {  	v43 =	vld.idx.msk [tilespmem:v43+s12+$0x0], $0xffff;
	v45 =	vor.u32 v0, v32  }
0x23e: {  	v44 =	vld.idx.msk [tilespmem:v44+s12+$0x0], $0xffff;
	v46 =	vor.u32 v0, v30;
	v47 =	vor.u32 v2, v33  }
0x23f: {  	v48 =	vor.u32 v2, v25;
	_ =	sdelay $0x2  }
0x240: {  	[tilespmem:v45+s15+$0x0] =	vst.idx.msk $0xffff, v43  }
0x241: {  	v63 =	vor.u32 v3, v32;
	[tilespmem:v46+s15+$0x0] =	vst.idx.msk $0xffff, v44;
	v43 =	vld.idx.msk [tilespmem:v47+s12+$0x0], $0xffff  }
0x242: {  	v53 =	vor.u32 v3, v30;
	v54 =	vor.u32 v4, v33;
	v52 =	vld.idx.msk [tilespmem:v48+s12+$0x0], $0xffff  }
0x243: {  	v55 =	vor.u32 v4, v25;
	_ =	sdelay $0x2  }
0x244: {  	[tilespmem:v63+s15+$0x0] =	vst.idx.msk $0xffff, v43  }
0x245: {  	v56 =	vor.u32 v6, v22;
	v57 =	vor.u32 v5, v32;
	[tilespmem:v53+s15+$0x0] =	vst.idx.msk $0xffff, v52;
	v44 =	vld.idx.msk [tilespmem:v54+s12+$0x0], $0xffff  }
0x246: {  	v46 =	vld.idx.msk [tilespmem:v55+s12+$0x0], $0xffff  }
0x247: {  	v58 =	vor.u32 v6, v25  }
0x248: {  	[tilespmem:v42+s15+$0x0] =	vst.idx.msk $0xffff, v38  }
0x249: {  	[tilespmem:v27+s15+$0x0] =	vst.idx.msk $0xffff, v39;
	v26 =	vld.idx.msk [tilespmem:v26+s12+$0x0], $0xffff;
	v27 =	vor.u32 v7, v21  }
0x24a: {  	v60 =	vor.u32 v7, v20;
	v61 =	vor.u32 v8, v23;
	v59 =	vld.idx.msk [tilespmem:v56+s12+$0x0], $0xffff;
	[tilespmem:v57+s15+$0x0] =	vst.idx.msk $0xffff, v44  }
0x24b: {  	v62 =	vor.u32 v8, v22;
	v63 =	vor.u32 v7, v32;
	[tilespmem:v41+s15+$0x0] =	vst.idx.msk $0xffff, v46;
	v40 =	vld.idx.msk [tilespmem:v40+s12+$0x0], $0xffff  }
0x24c: {  	v49 =	vor.u32 v7, v30;
	v50 =	vor.u32 v8, v33;
	v48 =	vld.idx.msk [tilespmem:v58+s12+$0x0], $0xffff  }
0x24d: {  	[tilespmem:v28+s15+$0x0] =	vst.idx.msk $0xffff, v37;
	v28 =	vor.u32 v8, v25  }
0x24e: {  	v31 =	vld.idx.msk [tilespmem:v31+s12+$0x0], $0xffff;
	[tilespmem:v27+s15+$0x0] =	vst.idx.msk $0xffff, v26  }
0x24f: {  	v27 =	vor.u32 v9, v21;
	[tilespmem:v60+s15+$0x0] =	vst.idx.msk $0xffff, v59;
	v26 =	vld.idx.msk [tilespmem:v61+s12+$0x0], $0xffff  }
0x250: {  	v51 =	vld.idx.msk [tilespmem:v62+s12+$0x0], $0xffff;
	v52 =	vor.u32 v9, v20;
	v53 =	vor.u32 v10, v23;
	[tilespmem:v63+s15+$0x0] =	vst.idx.msk $0xffff, v40  }
0x251: {  	v54 =	vor.u32 v10, v22;
	v55 =	vor.u32 v9, v32;
	[tilespmem:v49+s15+$0x0] =	vst.idx.msk $0xffff, v48;
	v41 =	vld.idx.msk [tilespmem:v50+s12+$0x0], $0xffff  }
0x252: {  	[tilespmem:v35+s15+$0x0] =	vst.idx.msk $0xffff, v34;
	v56 =	vor.u32 v9, v30;
	v57 =	vor.u32 v10, v33;
	v28 =	vld.idx.msk [tilespmem:v28+s12+$0x0], $0xffff  }
0x253: {  	v36 =	vld.idx.msk [tilespmem:v36+s12+$0x0], $0xffff;
	[tilespmem:v24+s15+$0x0] =	vst.idx.msk $0xffff, v31;
	v24 =	vor.u32 v10, v25;
	v58 =	vor.u32 v11, v17  }
0x254: {  	v29 =	vld.idx.msk [tilespmem:v29+s12+$0x0], $0xffff;
	v31 =	vor.u32 v12, v19;
	v59 =	vor.u32 v11, v16;
	[tilespmem:v27+s15+$0x0] =	vst.idx.msk $0xffff, v26  }
0x255: {  	v60 =	vor.u32 v11, v21;
	v26 =	vor.u32 v12, v18;
	v27 =	vld.idx.msk [tilespmem:v53+s12+$0x0], $0xffff;
	[tilespmem:v52+s15+$0x0] =	vst.idx.msk $0xffff, v51  }
0x256: {  	v61 =	vor.u32 v12, v23;
	v62 =	vor.u32 v11, v20;
	v38 =	vld.idx.msk [tilespmem:v54+s12+$0x0], $0xffff;
	[tilespmem:v55+s15+$0x0] =	vst.idx.msk $0xffff, v41  }
0x257: {  	v45 =	vor.u32 v11, v32;
	v63 =	vor.u32 v12, v22;
	[tilespmem:v56+s15+$0x0] =	vst.idx.msk $0xffff, v28;
	v35 =	vld.idx.msk [tilespmem:v57+s12+$0x0], $0xffff  }
0x258: {  	v46 =	vor.u32 v11, v30;
	[tilespmem:v58+s15+$0x0] =	vst.idx.msk $0xffff, v36;
	v28 =	vor.u32 v12, v33;
	v24 =	vld.idx.msk [tilespmem:v24+s12+$0x0], $0xffff  }
0x259: {  	v47 =	vor.u32 v13, v17;
	[tilespmem:v59+s15+$0x0] =	vst.idx.msk $0xffff, v29;
	v29 =	vor.u32 v12, v25;
	v31 =	vld.idx.msk [tilespmem:v31+s12+$0x0], $0xffff  }
0x25a: {  	v19 =	vor.u32 v14, v19;
	v26 =	vld.idx.msk [tilespmem:v26+s12+$0x0], $0xffff;
	[tilespmem:v60+s15+$0x0] =	vst.idx.msk $0xffff, v27;
	v48 =	vor.u32 v13, v16  }
0x25b: {  	v18 =	vor.u32 v14, v18;
	v27 =	vld.idx.msk [tilespmem:v61+s12+$0x0], $0xffff;
	[tilespmem:v62+s15+$0x0] =	vst.idx.msk $0xffff, v38;
	v49 =	vor.u32 v13, v21  }
0x25c: {  	v23 =	vor.u32 v14, v23;
	v50 =	vor.u32 v13, v20;
	v51 =	vld.idx.msk [tilespmem:v63+s12+$0x0], $0xffff;
	[tilespmem:v45+s15+$0x0] =	vst.idx.msk $0xffff, v35  }
0x25d: {  	v52 =	vor.u32 v13, v32;
	v22 =	vor.u32 v14, v22;
	[tilespmem:v46+s15+$0x0] =	vst.idx.msk $0xffff, v24;
	v28 =	vld.idx.msk [tilespmem:v28+s12+$0x0], $0xffff  }
0x25e: {  	[tilespmem:v47+s15+$0x0] =	vst.idx.msk $0xffff, v31;
	v31 =	vor.u32 v14, v33;
	v24 =	vor.u32 v13, v30;
	v29 =	vld.idx.msk [tilespmem:v29+s12+$0x0], $0xffff  }
0x25f: {  	v25 =	vor.u32 v14, v25;
	v17 =	vor.u32 v15, v17;
	[tilespmem:v48+s15+$0x0] =	vst.idx.msk $0xffff, v26;
	v19 =	vld.idx.msk [tilespmem:v19+s12+$0x0], $0xffff  }
0x260: {  	v16 =	vor.u32 v15, v16;
	[tilespmem:v49+s15+$0x0] =	vst.idx.msk $0xffff, v27;
	v18 =	vld.idx.msk [tilespmem:v18+s12+$0x0], $0xffff  }
0x261: {  	v21 =	vor.u32 v15, v21;
	v23 =	vld.idx.msk [tilespmem:v23+s12+$0x0], $0xffff;
	[tilespmem:v50+s15+$0x0] =	vst.idx.msk $0xffff, v51  }
0x262: {  	v20 =	vor.u32 v15, v20;
	v22 =	vld.idx.msk [tilespmem:v22+s12+$0x0], $0xffff;
	[tilespmem:v52+s15+$0x0] =	vst.idx.msk $0xffff, v28  }
0x263: {  	v26 =	vor.u32 v15, v32;
	[tilespmem:v24+s15+$0x0] =	vst.idx.msk $0xffff, v29;
	v27 =	vld.idx.msk [tilespmem:v31+s12+$0x0], $0xffff  }
0x264: {  	[tilespmem:v17+s15+$0x0] =	vst.idx.msk $0xffff, v19;
	v17 =	vor.u32 v15, v30;
	v19 =	vld.idx.msk [tilespmem:v25+s12+$0x0], $0xffff  }
0x265: {  	[tilespmem:v16+s15+$0x0] =	vst.idx.msk $0xffff, v18  }
0x266: {  	[tilespmem:v21+s15+$0x0] =	vst.idx.msk $0xffff, v23  }
0x267: {  	[tilespmem:v20+s15+$0x0] =	vst.idx.msk $0xffff, v22  }
0x268: {  	[tilespmem:v26+s15+$0x0] =	vst.idx.msk $0xffff, v27  }
0x269: {  	s0 =	sadd.s32 $0x10000, s29;
	s31 =	simm.s32 $0x1;
	s3 =	simm.s32 $0x0;
	[tilespmem:v17+s15+$0x0] =	vst.idx.msk $0xffff, v19  }
0x26a: {  	[hbm4b:s0+s12] =	stream.strided.scatter [tilespmem:s15], [sflag:$0x3], $0x4000, s16, s12, $0x38;
	[tilespmem:$0x10400] =	vst v63  }
0x26b: {  	v16 =	vadd.s32 s31, v0;
	s31 =	sand.u32 $0x70, s3  }
0x26c: {  	v16 =	vand.u32 $0xF, v16;
	[tilespmem:s12], [sflag:$0x1] =	stream.indirect.gather [hbm4b:s6+s11], $0x80, s25, s11, $0xb8;
	[tilespmem:$0x10400] =	vst v63  }
0x26d: {  	v25 =	vor.u32 s31, v16;
	v17 =	vadd.s32 s3, v0;
	_ =	swait.ge [sflag:s18], $0x4000  }
0x26e: {  	v16 =	vand.u32 $0xF, v17;
	v17 =	vor.u32 v1, v25;
	[sflag:s18] =	ssyncset.done $0x0  }
0x26f: {  	v29 =	vor.u32 s31, v16;
	[sflag:s18] =	ssyncadd.s32 $0xFFFFC000  }
0x270: {  	v16 =	vor.u32 v1, v29;
	_ =	swait.ge [sflag:s23], $0x4000  }
0x271: {  	[sflag:s23] =	ssyncset.done $0x0  }
0x272: {  	v30 =	vshll.u32 v25, $0x7;
	[sflag:s23] =	ssyncadd.s32 $0xFFFFC000  }
0x273: {  	v18 =	vor.u32 v0, v30;
	v17 =	vld.idx.msk [tilespmem:v17+s13+$0x0], $0xffff  }
0x274: {  	v19 =	vor.u32 v2, v25;
	v32 =	vshll.u32 v29, $0x7  }
0x275: {  	v20 =	vor.u32 v0, v32;
	v16 =	vld.idx.msk [tilespmem:v16+s13+$0x0], $0xffff  }
0x276: {  	v21 =	vor.u32 v2, v29;
	_ =	sdelay $0x1  }
0x277: {  	[tilespmem:v18+s19+$0x0] =	vst.idx.msk $0xffff, v17  }
0x278: {  	v22 =	vor.u32 v3, v30;
	v17 =	vld.idx.msk [tilespmem:v19+s13+$0x0], $0xffff  }
0x279: {  	s31 =	simm.s32 $0x3;
	[tilespmem:v20+s19+$0x0] =	vst.idx.msk $0xffff, v16;
	v16 =	vor.u32 v4, v25  }
0x27a: {  	s0 =	simm.s32 $0x2;
	v20 =	vld.idx.msk [tilespmem:v21+s13+$0x0], $0xffff;
	v21 =	vor.u32 v3, v32;
	v19 =	vadd.s32 s31, v0  }
0x27b: {  	v23 =	vor.u32 v4, v29;
	v18 =	vadd.s32 s0, v0;
	s0 =	sand.u32 $0x70, s0;
	v19 =	vand.u32 $0xF, v19  }
0x27c: {  	v18 =	vand.u32 $0xF, v18;
	v19 =	vor.u32 s0, v19  }
0x27d: {  	v18 =	vor.u32 s0, v18;
	v26 =	vor.u32 v1, v19;
	[tilespmem:v22+s19+$0x0] =	vst.idx.msk $0xffff, v17  }
0x27e: {  	v27 =	vor.u32 v5, v30;
	v24 =	vor.u32 v1, v18;
	v22 =	vld.idx.msk [tilespmem:v16+s13+$0x0], $0xffff  }
0x27f: {  	v28 =	vor.u32 v6, v25;
	[tilespmem:v21+s19+$0x0] =	vst.idx.msk $0xffff, v20  }
0x280: {  	v20 =	vor.u32 v5, v32;
	v21 =	vld.idx.msk [tilespmem:v23+s13+$0x0], $0xffff  }
0x281: {  	v60 =	vor.u32 v10, v25;
	v45 =	vor.u32 v12, v25;
	v17 =	vshll.u32 v19, $0x7  }
0x282: {  	v16 =	vshll.u32 v18, $0x7;
	v23 =	vor.u32 v6, v29;
	v53 =	vor.u32 v0, v17;
	v26 =	vld.idx.msk [tilespmem:v26+s13+$0x0], $0xffff  }
0x283: {  	v24 =	vld.idx.msk [tilespmem:v24+s13+$0x0], $0xffff;
	v31 =	vor.u32 v0, v16;
	[tilespmem:v27+s19+$0x0] =	vst.idx.msk $0xffff, v22;
	v22 =	vor.u32 v2, v19  }
0x284: {  	v50 =	vor.u32 v10, v29;
	v54 =	vor.u32 v2, v18;
	v27 =	vld.idx.msk [tilespmem:v28+s13+$0x0], $0xffff;
	v28 =	vor.u32 v7, v30  }
0x285: {  	v48 =	vor.u32 v9, v32;
	[tilespmem:v20+s19+$0x0] =	vst.idx.msk $0xffff, v21;
	v20 =	vor.u32 v8, v25  }
0x286: {  	v59 =	vor.u32 v4, v18;
	v57 =	vor.u32 v3, v17;
	v52 =	vor.u32 v5, v17  }
0x287: {  	v55 =	vor.u32 v3, v16;
	v21 =	vld.idx.msk [tilespmem:v23+s13+$0x0], $0xffff;
	v23 =	vor.u32 v7, v32;
	[tilespmem:v53+s19+$0x0] =	vst.idx.msk $0xffff, v26  }
0x288: {  	s0 =	simm.s32 $0x4;
	v61 =	vor.u32 v5, v16;
	[tilespmem:v31+s19+$0x0] =	vst.idx.msk $0xffff, v24;
	v26 =	vor.u32 v8, v29;
	v56 =	vld.idx.msk [tilespmem:v22+s13+$0x0], $0xffff  }
0x289: {  	s31 =	simm.s32 $0x5;
	v24 =	vld.idx.msk [tilespmem:v54+s13+$0x0], $0xffff;
	v22 =	vadd.s32 s0, v0;
	[tilespmem:v28+s19+$0x0] =	vst.idx.msk $0xffff, v27;
	v27 =	vor.u32 v4, v19  }
0x28a: {  	s0 =	sand.u32 $0x70, s0;
	v28 =	vor.u32 v9, v30;
	v22 =	vand.u32 $0xF, v22;
	v58 =	vld.idx.msk [tilespmem:v20+s13+$0x0], $0xffff;
	v20 =	vadd.s32 s31, v0  }
0x28b: {  	v35 =	vor.u32 v9, v16;
	v22 =	vor.u32 s0, v22;
	v20 =	vand.u32 $0xF, v20  }
0x28c: {  	v31 =	vor.u32 v6, v19;
	[tilespmem:v23+s19+$0x0] =	vst.idx.msk $0xffff, v21;
	v62 =	vor.u32 v1, v22;
	v23 =	vor.u32 s0, v20  }
0x28d: {  	v53 =	vor.u32 v6, v18;
	v63 =	vld.idx.msk [tilespmem:v26+s13+$0x0], $0xffff;
	v49 =	vor.u32 v1, v23;
	[tilespmem:v57+s19+$0x0] =	vst.idx.msk $0xffff, v56  }
0x28e: {  	v54 =	vor.u32 v11, v30;
	[tilespmem:v55+s19+$0x0] =	vst.idx.msk $0xffff, v24;
	v24 =	vor.u32 v15, v32;
	v51 =	vld.idx.msk [tilespmem:v27+s13+$0x0], $0xffff  }
0x28f: {  	v37 =	vld.idx.msk [tilespmem:v59+s13+$0x0], $0xffff;
	v59 =	vor.u32 v11, v32;
	v20 =	vshll.u32 v22, $0x7;
	[tilespmem:v28+s19+$0x0] =	vst.idx.msk $0xffff, v58  }
0x290: {  	v21 =	vshll.u32 v23, $0x7;
	v26 =	vor.u32 v6, v23;
	v55 =	vor.u32 v0, v20;
	v38 =	vld.idx.msk [tilespmem:v60+s13+$0x0], $0xffff  }
0x291: {  	v57 =	vor.u32 v2, v22;
	v27 =	vor.u32 v5, v20;
	v56 =	vor.u32 v0, v21;
	v40 =	vld.idx.msk [tilespmem:v62+s13+$0x0], $0xffff  }
0x292: {  	v42 =	vor.u32 v5, v21;
	[tilespmem:v48+s19+$0x0] =	vst.idx.msk $0xffff, v63;
	v28 =	vor.u32 v15, v30;
	v43 =	vld.idx.msk [tilespmem:v49+s13+$0x0], $0xffff  }
0x293: {  	v63 =	vor.u32 v12, v29;
	v58 =	vld.idx.msk [tilespmem:v50+s13+$0x0], $0xffff;
	v60 =	vor.u32 v2, v23;
	[tilespmem:v52+s19+$0x0] =	vst.idx.msk $0xffff, v51  }
0x294: {  	v30 =	vor.u32 v13, v30;
	[tilespmem:v61+s19+$0x0] =	vst.idx.msk $0xffff, v37;
	v61 =	vor.u32 v7, v17;
	v62 =	vld.idx.msk [tilespmem:v31+s13+$0x0], $0xffff  }
0x295: {  	v36 =	vld.idx.msk [tilespmem:v53+s13+$0x0], $0xffff;
	v53 =	vor.u32 v8, v19;
	v52 =	vor.u32 v7, v16;
	[tilespmem:v54+s19+$0x0] =	vst.idx.msk $0xffff, v38  }
0x296: {  	v50 =	vor.u32 v4, v22;
	v49 =	vor.u32 v9, v17;
	[tilespmem:v55+s19+$0x0] =	vst.idx.msk $0xffff, v40;
	v44 =	vld.idx.msk [tilespmem:v45+s13+$0x0], $0xffff  }
0x297: {  	v54 =	vor.u32 v8, v18;
	v41 =	vld.idx.msk [tilespmem:v57+s13+$0x0], $0xffff;
	[tilespmem:v56+s19+$0x0] =	vst.idx.msk $0xffff, v43;
	v56 =	vor.u32 v3, v20  }
0x298: {  	[tilespmem:v59+s19+$0x0] =	vst.idx.msk $0xffff, v58;
	v58 =	vor.u32 v14, v25;
	v59 =	vor.u32 v3, v21;
	v57 =	vld.idx.msk [tilespmem:v60+s13+$0x0], $0xffff  }
0x299: {  	s0 =	simm.s32 $0x6;
	v31 =	vor.u32 v14, v29;
	v55 =	vor.u32 v13, v32;
	v60 =	vld.idx.msk [tilespmem:v63+s13+$0x0], $0xffff;
	[tilespmem:v61+s19+$0x0] =	vst.idx.msk $0xffff, v62  }
0x29a: {  	s31 =	simm.s32 $0x7;
	v25 =	vadd.s32 s0, v0;
	[tilespmem:v52+s19+$0x0] =	vst.idx.msk $0xffff, v36;
	v61 =	vor.u32 v4, v23;
	v62 =	vld.idx.msk [tilespmem:v53+s13+$0x0], $0xffff  }
0x29b: {  	v29 =	vor.u32 v10, v18;
	s0 =	sand.u32 $0x70, s0;
	v25 =	vand.u32 $0xF, v25;
	v63 =	vadd.s32 s31, v0;
	[tilespmem:v30+s19+$0x0] =	vst.idx.msk $0xffff, v44  }
0x29c: {  	v25 =	vor.u32 s0, v25;
	v36 =	vor.u32 v10, v19;
	v33 =	vand.u32 $0xF, v63;
	v34 =	vld.idx.msk [tilespmem:v54+s13+$0x0], $0xffff;
	[tilespmem:v56+s19+$0x0] =	vst.idx.msk $0xffff, v41  }
0x29d: {  	v33 =	vor.u32 s0, v33;
	v44 =	vor.u32 v1, v25;
	v37 =	vld.idx.msk [tilespmem:v58+s13+$0x0], $0xffff;
	[tilespmem:v59+s19+$0x0] =	vst.idx.msk $0xffff, v57  }
0x29e: {  	v43 =	vor.u32 v1, v33;
	v32 =	vshll.u32 v33, $0x7;
	v30 =	vshll.u32 v25, $0x7;
	[tilespmem:v55+s19+$0x0] =	vst.idx.msk $0xffff, v60;
	v39 =	vld.idx.msk [tilespmem:v50+s13+$0x0], $0xffff  }
0x29f: {  	s30 =	simm.s32 $0x8;
	v40 =	vor.u32 v6, v33;
	v41 =	vor.u32 v5, v30;
	v38 =	vld.idx.msk [tilespmem:v61+s13+$0x0], $0xffff;
	[tilespmem:v49+s19+$0x0] =	vst.idx.msk $0xffff, v62  }
.LBB2_13:
0x2a0: {  	v45 =	vmovc v33;
	v33 =	vmovc v17;
	v17 =	vmov v21;
	v21 =	vmov v32;
	v32 =	vmov v16  }
0x2a1: {  	p0 =	slt.u32 s30, $0x7E;
	v31 =	vld.idx.msk [tilespmem:v31+s13+$0x0], $0xffff;
	v16 =	vmovc v20;
	v20 =	vmovc v30;
	v30 =	vmov v26;
	v26 =	vmov v40;
	v40 =	vmov v27;
	s0 =	smov.u32 s30;
	s30 =	sadd.s32 $0x2, s30  }
0x2a2: {  	v46 =	vor.u32 v6, v22;
	v27 =	vmov v41;
	v47 =	vor.u32 v15, v32;
	v36 =	vld.idx.msk [tilespmem:v36+s13+$0x0], $0xffff  }
0x2a3: {  	v48 =	vor.u32 v12, v19;
	v41 =	vld.idx.msk [tilespmem:v44+s13+$0x0], $0xffff;
	v44 =	vor.u32 v11, v33;
	[tilespmem:v28+s19+$0x0] =	vst.idx.msk $0xffff, v37  }
0x2a4: {  	v49 =	vor.u32 v0, v21;
	v37 =	vor.u32 v0, v20;
	v43 =	vld.idx.msk [tilespmem:v43+s13+$0x0], $0xffff;
	[tilespmem:v35+s19+$0x0] =	vst.idx.msk $0xffff, v34  }
0x2a5: {  	v28 =	vor.u32 v15, v33;
	v34 =	vor.u32 v2, v25;
	[tilespmem:v42+s19+$0x0] =	vst.idx.msk $0xffff, v38;
	v29 =	vld.idx.msk [tilespmem:v29+s13+$0x0], $0xffff  }
0x2a6: {  	v35 =	vor.u32 v2, v45;
	v38 =	vor.u32 v11, v32;
	[tilespmem:v40+s19+$0x0] =	vst.idx.msk $0xffff, v39;
	v30 =	vld.idx.msk [tilespmem:v30+s13+$0x0], $0xffff  }
0x2a7: {  	v42 =	vor.u32 v12, v18;
	v40 =	vor.u32 v7, v17;
	v39 =	vld.idx.msk [tilespmem:v46+s13+$0x0], $0xffff;
	[tilespmem:v24+s19+$0x0] =	vst.idx.msk $0xffff, v31  }
0x2a8: {  	v50 =	vor.u32 v8, v23;
	v46 =	vor.u32 v7, v16;
	v24 =	vmov v47;
	[tilespmem:v44+s19+$0x0] =	vst.idx.msk $0xffff, v36  }
0x2a9: {  	v31 =	vor.u32 v14, v18;
	v36 =	vor.u32 v8, v22;
	[tilespmem:v37+s19+$0x0] =	vst.idx.msk $0xffff, v41;
	v37 =	vld.idx.msk [tilespmem:v48+s13+$0x0], $0xffff  }
0x2aa: {  	v47 =	vor.u32 v13, v32;
	v32 =	vor.u32 v13, v33;
	v41 =	vld.idx.msk [tilespmem:v34+s13+$0x0], $0xffff;
	[tilespmem:v49+s19+$0x0] =	vst.idx.msk $0xffff, v43  }
0x2ab: {  	v43 =	vor.u32 v3, v20;
	v48 =	vld.idx.msk [tilespmem:v35+s13+$0x0], $0xffff;
	[tilespmem:v38+s19+$0x0] =	vst.idx.msk $0xffff, v29;
	v38 =	vor.u32 v14, v19  }
0x2ac: {  	v49 =	vor.u32 v3, v21;
	v29 =	vor.u32 v10, v22;
	[tilespmem:v40+s19+$0x0] =	vst.idx.msk $0xffff, v30;
	v42 =	vld.idx.msk [tilespmem:v42+s13+$0x0], $0xffff  }
0x2ad: {  	s3 =	sadd.s32 $0x1, s0;
	v51 =	vor.u32 v4, v45;
	[tilespmem:v46+s19+$0x0] =	vst.idx.msk $0xffff, v39;
	v46 =	vld.idx.msk [tilespmem:v50+s13+$0x0], $0xffff;
	v50 =	vor.u32 v9, v17  }
0x2ae: {  	v33 =	vadd.s32 s0, v0;
	v18 =	vmovc v22;
	v22 =	vmovc v25;
	v30 =	vadd.s32 s3, v0;
	v39 =	vor.u32 v4, v25;
	v34 =	vld.idx.msk [tilespmem:v36+s13+$0x0], $0xffff  }
.Ltmp5:
0x2af: {  	s0 =	sand.u32 $0x70, s0;
	v35 =	vor.u32 v9, v16;
	v19 =	vmovc v23;
	v25 =	vand.u32 $0xF, v33;
	v30 =	vand.u32 $0xF, v30;
	[tilespmem:v32+s19+$0x0] =	vst.idx.msk $0xffff, v37;
	(pc) =	sbr.rel @p0 .LBB2_13-.Ltmp5, $4  }
0x2b0: {  	v25 =	vor.u32 s0, v25;
	v33 =	vor.u32 s0, v30;
	v36 =	vor.u32 v10, v19;
	[tilespmem:v43+s19+$0x0] =	vst.idx.msk $0xffff, v41;
	v37 =	vld.idx.msk [tilespmem:v38+s13+$0x0], $0xffff  }
0x2b1: {  	v44 =	vor.u32 v1, v25;
	v32 =	vshll.u32 v33, $0x7;
	v43 =	vor.u32 v1, v33;
	[tilespmem:v49+s19+$0x0] =	vst.idx.msk $0xffff, v48  }
0x2b2: {  	v23 =	vmov v45;
	v30 =	vshll.u32 v25, $0x7;
	v40 =	vor.u32 v6, v33;
	v38 =	vld.idx.msk [tilespmem:v51+s13+$0x0], $0xffff;
	[tilespmem:v47+s19+$0x0] =	vst.idx.msk $0xffff, v42  }
0x2b3: {  	v41 =	vor.u32 v5, v30;
	v42 =	vor.u32 v5, v21;
	v39 =	vld.idx.msk [tilespmem:v39+s13+$0x0], $0xffff;
	[tilespmem:v50+s19+$0x0] =	vst.idx.msk $0xffff, v46  }
0x2b4: {  	_ =	sdelay $0x3  }
0x2b5: {  	v43 =	vld.idx.msk [tilespmem:v43+s13+$0x0], $0xffff;
	v45 =	vor.u32 v0, v32  }
0x2b6: {  	v44 =	vld.idx.msk [tilespmem:v44+s13+$0x0], $0xffff;
	v46 =	vor.u32 v0, v30;
	v47 =	vor.u32 v2, v33  }
0x2b7: {  	v48 =	vor.u32 v2, v25;
	_ =	sdelay $0x2  }
0x2b8: {  	[tilespmem:v45+s19+$0x0] =	vst.idx.msk $0xffff, v43  }
0x2b9: {  	v63 =	vor.u32 v3, v32;
	[tilespmem:v46+s19+$0x0] =	vst.idx.msk $0xffff, v44;
	v43 =	vld.idx.msk [tilespmem:v47+s13+$0x0], $0xffff  }
0x2ba: {  	v53 =	vor.u32 v3, v30;
	v54 =	vor.u32 v4, v33;
	v52 =	vld.idx.msk [tilespmem:v48+s13+$0x0], $0xffff  }
0x2bb: {  	v55 =	vor.u32 v4, v25;
	_ =	sdelay $0x2  }
0x2bc: {  	[tilespmem:v63+s19+$0x0] =	vst.idx.msk $0xffff, v43  }
0x2bd: {  	v56 =	vor.u32 v6, v22;
	v57 =	vor.u32 v5, v32;
	[tilespmem:v53+s19+$0x0] =	vst.idx.msk $0xffff, v52;
	v44 =	vld.idx.msk [tilespmem:v54+s13+$0x0], $0xffff  }
0x2be: {  	v46 =	vld.idx.msk [tilespmem:v55+s13+$0x0], $0xffff  }
0x2bf: {  	v58 =	vor.u32 v6, v25  }
0x2c0: {  	[tilespmem:v42+s19+$0x0] =	vst.idx.msk $0xffff, v38  }
0x2c1: {  	[tilespmem:v27+s19+$0x0] =	vst.idx.msk $0xffff, v39;
	v26 =	vld.idx.msk [tilespmem:v26+s13+$0x0], $0xffff;
	v27 =	vor.u32 v7, v21  }
0x2c2: {  	v60 =	vor.u32 v7, v20;
	v61 =	vor.u32 v8, v23;
	v59 =	vld.idx.msk [tilespmem:v56+s13+$0x0], $0xffff;
	[tilespmem:v57+s19+$0x0] =	vst.idx.msk $0xffff, v44  }
0x2c3: {  	v62 =	vor.u32 v8, v22;
	v63 =	vor.u32 v7, v32;
	[tilespmem:v41+s19+$0x0] =	vst.idx.msk $0xffff, v46;
	v40 =	vld.idx.msk [tilespmem:v40+s13+$0x0], $0xffff  }
0x2c4: {  	v49 =	vor.u32 v7, v30;
	v50 =	vor.u32 v8, v33;
	v48 =	vld.idx.msk [tilespmem:v58+s13+$0x0], $0xffff  }
0x2c5: {  	[tilespmem:v28+s19+$0x0] =	vst.idx.msk $0xffff, v37;
	v28 =	vor.u32 v8, v25  }
0x2c6: {  	v31 =	vld.idx.msk [tilespmem:v31+s13+$0x0], $0xffff;
	[tilespmem:v27+s19+$0x0] =	vst.idx.msk $0xffff, v26  }
0x2c7: {  	v27 =	vor.u32 v9, v21;
	[tilespmem:v60+s19+$0x0] =	vst.idx.msk $0xffff, v59;
	v26 =	vld.idx.msk [tilespmem:v61+s13+$0x0], $0xffff  }
0x2c8: {  	v51 =	vld.idx.msk [tilespmem:v62+s13+$0x0], $0xffff;
	v52 =	vor.u32 v9, v20;
	v53 =	vor.u32 v10, v23;
	[tilespmem:v63+s19+$0x0] =	vst.idx.msk $0xffff, v40  }
0x2c9: {  	v54 =	vor.u32 v10, v22;
	v55 =	vor.u32 v9, v32;
	[tilespmem:v49+s19+$0x0] =	vst.idx.msk $0xffff, v48;
	v41 =	vld.idx.msk [tilespmem:v50+s13+$0x0], $0xffff  }
0x2ca: {  	[tilespmem:v35+s19+$0x0] =	vst.idx.msk $0xffff, v34;
	v56 =	vor.u32 v9, v30;
	v57 =	vor.u32 v10, v33;
	v28 =	vld.idx.msk [tilespmem:v28+s13+$0x0], $0xffff  }
0x2cb: {  	v36 =	vld.idx.msk [tilespmem:v36+s13+$0x0], $0xffff;
	[tilespmem:v24+s19+$0x0] =	vst.idx.msk $0xffff, v31;
	v24 =	vor.u32 v10, v25;
	v58 =	vor.u32 v11, v17  }
0x2cc: {  	v29 =	vld.idx.msk [tilespmem:v29+s13+$0x0], $0xffff;
	v31 =	vor.u32 v12, v19;
	v59 =	vor.u32 v11, v16;
	[tilespmem:v27+s19+$0x0] =	vst.idx.msk $0xffff, v26  }
0x2cd: {  	v60 =	vor.u32 v11, v21;
	v26 =	vor.u32 v12, v18;
	v27 =	vld.idx.msk [tilespmem:v53+s13+$0x0], $0xffff;
	[tilespmem:v52+s19+$0x0] =	vst.idx.msk $0xffff, v51  }
0x2ce: {  	v61 =	vor.u32 v12, v23;
	v62 =	vor.u32 v11, v20;
	v38 =	vld.idx.msk [tilespmem:v54+s13+$0x0], $0xffff;
	[tilespmem:v55+s19+$0x0] =	vst.idx.msk $0xffff, v41  }
0x2cf: {  	v45 =	vor.u32 v11, v32;
	v63 =	vor.u32 v12, v22;
	[tilespmem:v56+s19+$0x0] =	vst.idx.msk $0xffff, v28;
	v35 =	vld.idx.msk [tilespmem:v57+s13+$0x0], $0xffff  }
0x2d0: {  	v46 =	vor.u32 v11, v30;
	[tilespmem:v58+s19+$0x0] =	vst.idx.msk $0xffff, v36;
	v28 =	vor.u32 v12, v33;
	v24 =	vld.idx.msk [tilespmem:v24+s13+$0x0], $0xffff  }
0x2d1: {  	v47 =	vor.u32 v13, v17;
	[tilespmem:v59+s19+$0x0] =	vst.idx.msk $0xffff, v29;
	v29 =	vor.u32 v12, v25;
	v31 =	vld.idx.msk [tilespmem:v31+s13+$0x0], $0xffff  }
0x2d2: {  	v19 =	vor.u32 v14, v19;
	v26 =	vld.idx.msk [tilespmem:v26+s13+$0x0], $0xffff;
	[tilespmem:v60+s19+$0x0] =	vst.idx.msk $0xffff, v27;
	v48 =	vor.u32 v13, v16  }
0x2d3: {  	v18 =	vor.u32 v14, v18;
	v27 =	vld.idx.msk [tilespmem:v61+s13+$0x0], $0xffff;
	[tilespmem:v62+s19+$0x0] =	vst.idx.msk $0xffff, v38;
	v49 =	vor.u32 v13, v21  }
0x2d4: {  	v23 =	vor.u32 v14, v23;
	v50 =	vor.u32 v13, v20;
	v51 =	vld.idx.msk [tilespmem:v63+s13+$0x0], $0xffff;
	[tilespmem:v45+s19+$0x0] =	vst.idx.msk $0xffff, v35  }
0x2d5: {  	v52 =	vor.u32 v13, v32;
	v22 =	vor.u32 v14, v22;
	[tilespmem:v46+s19+$0x0] =	vst.idx.msk $0xffff, v24;
	v28 =	vld.idx.msk [tilespmem:v28+s13+$0x0], $0xffff  }
0x2d6: {  	[tilespmem:v47+s19+$0x0] =	vst.idx.msk $0xffff, v31;
	v31 =	vor.u32 v14, v33;
	v24 =	vor.u32 v13, v30;
	v29 =	vld.idx.msk [tilespmem:v29+s13+$0x0], $0xffff  }
0x2d7: {  	v25 =	vor.u32 v14, v25;
	v17 =	vor.u32 v15, v17;
	[tilespmem:v48+s19+$0x0] =	vst.idx.msk $0xffff, v26;
	v19 =	vld.idx.msk [tilespmem:v19+s13+$0x0], $0xffff  }
0x2d8: {  	v16 =	vor.u32 v15, v16;
	[tilespmem:v49+s19+$0x0] =	vst.idx.msk $0xffff, v27;
	v18 =	vld.idx.msk [tilespmem:v18+s13+$0x0], $0xffff  }
0x2d9: {  	v21 =	vor.u32 v15, v21;
	v23 =	vld.idx.msk [tilespmem:v23+s13+$0x0], $0xffff;
	[tilespmem:v50+s19+$0x0] =	vst.idx.msk $0xffff, v51  }
0x2da: {  	v20 =	vor.u32 v15, v20;
	v22 =	vld.idx.msk [tilespmem:v22+s13+$0x0], $0xffff;
	[tilespmem:v52+s19+$0x0] =	vst.idx.msk $0xffff, v28  }
0x2db: {  	v26 =	vor.u32 v15, v32;
	[tilespmem:v24+s19+$0x0] =	vst.idx.msk $0xffff, v29;
	v27 =	vld.idx.msk [tilespmem:v31+s13+$0x0], $0xffff  }
0x2dc: {  	[tilespmem:v17+s19+$0x0] =	vst.idx.msk $0xffff, v19;
	v17 =	vor.u32 v15, v30;
	v19 =	vld.idx.msk [tilespmem:v25+s13+$0x0], $0xffff  }
0x2dd: {  	[tilespmem:v16+s19+$0x0] =	vst.idx.msk $0xffff, v18  }
0x2de: {  	[tilespmem:v21+s19+$0x0] =	vst.idx.msk $0xffff, v23  }
0x2df: {  	[tilespmem:v20+s19+$0x0] =	vst.idx.msk $0xffff, v22  }
0x2e0: {  	[tilespmem:v26+s19+$0x0] =	vst.idx.msk $0xffff, v27  }
0x2e1: {  	s0 =	sadd.s32 $0x14000, s29;
	s31 =	simm.s32 $0x1;
	s3 =	simm.s32 $0x0;
	[tilespmem:v17+s19+$0x0] =	vst.idx.msk $0xffff, v19  }
0x2e2: {  	[hbm4b:s0+s12] =	stream.strided.scatter [tilespmem:s19], [sflag:$0x4], $0x4000, s16, s12, $0x38;
	[tilespmem:$0x10400] =	vst v63  }
0x2e3: {  	v16 =	vadd.s32 s31, v0;
	s31 =	sand.u32 $0x70, s3  }
0x2e4: {  	v16 =	vand.u32 $0xF, v16;
	[tilespmem:s13], [sflag:$0x2] =	stream.indirect.gather [hbm4b:s6+s11], $0x80, s26, s11, $0xb8;
	[tilespmem:$0x10400] =	vst v63  }
0x2e5: {  	v25 =	vor.u32 s31, v16;
	v17 =	vadd.s32 s3, v0;
	_ =	swait.ge [sflag:s14], $0x4000  }
0x2e6: {  	v16 =	vand.u32 $0xF, v17;
	v17 =	vor.u32 v1, v25;
	[sflag:s14] =	ssyncset.done $0x0  }
0x2e7: {  	v29 =	vor.u32 s31, v16;
	[sflag:s14] =	ssyncadd.s32 $0xFFFFC000  }
0x2e8: {  	v16 =	vor.u32 v1, v29;
	_ =	swait.ge [sflag:s21], $0x4000  }
0x2e9: {  	[sflag:s21] =	ssyncset.done $0x0  }
0x2ea: {  	v30 =	vshll.u32 v25, $0x7;
	[sflag:s21] =	ssyncadd.s32 $0xFFFFC000  }
0x2eb: {  	v18 =	vor.u32 v0, v30;
	v17 =	vld.idx.msk [tilespmem:v17+s12+$0x0], $0xffff  }
0x2ec: {  	v19 =	vor.u32 v2, v25;
	v32 =	vshll.u32 v29, $0x7  }
0x2ed: {  	v20 =	vor.u32 v0, v32;
	v16 =	vld.idx.msk [tilespmem:v16+s12+$0x0], $0xffff  }
0x2ee: {  	v21 =	vor.u32 v2, v29;
	_ =	sdelay $0x1  }
0x2ef: {  	[tilespmem:v18+s15+$0x0] =	vst.idx.msk $0xffff, v17  }
0x2f0: {  	v22 =	vor.u32 v3, v30;
	v17 =	vld.idx.msk [tilespmem:v19+s12+$0x0], $0xffff  }
0x2f1: {  	s31 =	simm.s32 $0x3;
	[tilespmem:v20+s15+$0x0] =	vst.idx.msk $0xffff, v16;
	v16 =	vor.u32 v4, v25  }
0x2f2: {  	s0 =	simm.s32 $0x2;
	v20 =	vld.idx.msk [tilespmem:v21+s12+$0x0], $0xffff;
	v21 =	vor.u32 v3, v32;
	v19 =	vadd.s32 s31, v0  }
0x2f3: {  	v23 =	vor.u32 v4, v29;
	v18 =	vadd.s32 s0, v0;
	s0 =	sand.u32 $0x70, s0;
	v19 =	vand.u32 $0xF, v19  }
0x2f4: {  	v18 =	vand.u32 $0xF, v18;
	v19 =	vor.u32 s0, v19  }
0x2f5: {  	v18 =	vor.u32 s0, v18;
	v26 =	vor.u32 v1, v19;
	[tilespmem:v22+s15+$0x0] =	vst.idx.msk $0xffff, v17  }
0x2f6: {  	v27 =	vor.u32 v5, v30;
	v24 =	vor.u32 v1, v18;
	v22 =	vld.idx.msk [tilespmem:v16+s12+$0x0], $0xffff  }
0x2f7: {  	v28 =	vor.u32 v6, v25;
	[tilespmem:v21+s15+$0x0] =	vst.idx.msk $0xffff, v20  }
0x2f8: {  	v20 =	vor.u32 v5, v32;
	v21 =	vld.idx.msk [tilespmem:v23+s12+$0x0], $0xffff  }
0x2f9: {  	v60 =	vor.u32 v10, v25;
	v45 =	vor.u32 v12, v25;
	v17 =	vshll.u32 v19, $0x7  }
0x2fa: {  	v16 =	vshll.u32 v18, $0x7;
	v23 =	vor.u32 v6, v29;
	v53 =	vor.u32 v0, v17;
	v26 =	vld.idx.msk [tilespmem:v26+s12+$0x0], $0xffff  }
0x2fb: {  	v24 =	vld.idx.msk [tilespmem:v24+s12+$0x0], $0xffff;
	v31 =	vor.u32 v0, v16;
	[tilespmem:v27+s15+$0x0] =	vst.idx.msk $0xffff, v22;
	v22 =	vor.u32 v2, v19  }
0x2fc: {  	v50 =	vor.u32 v10, v29;
	v54 =	vor.u32 v2, v18;
	v27 =	vld.idx.msk [tilespmem:v28+s12+$0x0], $0xffff;
	v28 =	vor.u32 v7, v30  }
0x2fd: {  	v48 =	vor.u32 v9, v32;
	[tilespmem:v20+s15+$0x0] =	vst.idx.msk $0xffff, v21;
	v20 =	vor.u32 v8, v25  }
0x2fe: {  	v59 =	vor.u32 v4, v18;
	v57 =	vor.u32 v3, v17;
	v52 =	vor.u32 v5, v17  }
0x2ff: {  	v55 =	vor.u32 v3, v16;
	v21 =	vld.idx.msk [tilespmem:v23+s12+$0x0], $0xffff;
	v23 =	vor.u32 v7, v32;
	[tilespmem:v53+s15+$0x0] =	vst.idx.msk $0xffff, v26  }
0x300: {  	s0 =	simm.s32 $0x4;
	v61 =	vor.u32 v5, v16;
	[tilespmem:v31+s15+$0x0] =	vst.idx.msk $0xffff, v24;
	v26 =	vor.u32 v8, v29;
	v56 =	vld.idx.msk [tilespmem:v22+s12+$0x0], $0xffff  }
0x301: {  	s31 =	simm.s32 $0x5;
	v24 =	vld.idx.msk [tilespmem:v54+s12+$0x0], $0xffff;
	v22 =	vadd.s32 s0, v0;
	[tilespmem:v28+s15+$0x0] =	vst.idx.msk $0xffff, v27;
	v27 =	vor.u32 v4, v19  }
0x302: {  	s0 =	sand.u32 $0x70, s0;
	v28 =	vor.u32 v9, v30;
	v22 =	vand.u32 $0xF, v22;
	v58 =	vld.idx.msk [tilespmem:v20+s12+$0x0], $0xffff;
	v20 =	vadd.s32 s31, v0  }
0x303: {  	v35 =	vor.u32 v9, v16;
	v22 =	vor.u32 s0, v22;
	v20 =	vand.u32 $0xF, v20  }
0x304: {  	v31 =	vor.u32 v6, v19;
	[tilespmem:v23+s15+$0x0] =	vst.idx.msk $0xffff, v21;
	v62 =	vor.u32 v1, v22;
	v23 =	vor.u32 s0, v20  }
0x305: {  	v53 =	vor.u32 v6, v18;
	v63 =	vld.idx.msk [tilespmem:v26+s12+$0x0], $0xffff;
	v49 =	vor.u32 v1, v23;
	[tilespmem:v57+s15+$0x0] =	vst.idx.msk $0xffff, v56  }
0x306: {  	v54 =	vor.u32 v11, v30;
	[tilespmem:v55+s15+$0x0] =	vst.idx.msk $0xffff, v24;
	v24 =	vor.u32 v15, v32;
	v51 =	vld.idx.msk [tilespmem:v27+s12+$0x0], $0xffff  }
0x307: {  	v37 =	vld.idx.msk [tilespmem:v59+s12+$0x0], $0xffff;
	v59 =	vor.u32 v11, v32;
	v20 =	vshll.u32 v22, $0x7;
	[tilespmem:v28+s15+$0x0] =	vst.idx.msk $0xffff, v58  }
0x308: {  	v21 =	vshll.u32 v23, $0x7;
	v26 =	vor.u32 v6, v23;
	v55 =	vor.u32 v0, v20;
	v38 =	vld.idx.msk [tilespmem:v60+s12+$0x0], $0xffff  }
0x309: {  	v57 =	vor.u32 v2, v22;
	v27 =	vor.u32 v5, v20;
	v56 =	vor.u32 v0, v21;
	v40 =	vld.idx.msk [tilespmem:v62+s12+$0x0], $0xffff  }
0x30a: {  	v42 =	vor.u32 v5, v21;
	[tilespmem:v48+s15+$0x0] =	vst.idx.msk $0xffff, v63;
	v28 =	vor.u32 v15, v30;
	v43 =	vld.idx.msk [tilespmem:v49+s12+$0x0], $0xffff  }
0x30b: {  	v63 =	vor.u32 v12, v29;
	v58 =	vld.idx.msk [tilespmem:v50+s12+$0x0], $0xffff;
	v60 =	vor.u32 v2, v23;
	[tilespmem:v52+s15+$0x0] =	vst.idx.msk $0xffff, v51  }
0x30c: {  	v30 =	vor.u32 v13, v30;
	[tilespmem:v61+s15+$0x0] =	vst.idx.msk $0xffff, v37;
	v61 =	vor.u32 v7, v17;
	v62 =	vld.idx.msk [tilespmem:v31+s12+$0x0], $0xffff  }
0x30d: {  	v36 =	vld.idx.msk [tilespmem:v53+s12+$0x0], $0xffff;
	v53 =	vor.u32 v8, v19;
	v52 =	vor.u32 v7, v16;
	[tilespmem:v54+s15+$0x0] =	vst.idx.msk $0xffff, v38  }
0x30e: {  	v50 =	vor.u32 v4, v22;
	v49 =	vor.u32 v9, v17;
	[tilespmem:v55+s15+$0x0] =	vst.idx.msk $0xffff, v40;
	v44 =	vld.idx.msk [tilespmem:v45+s12+$0x0], $0xffff  }
0x30f: {  	v54 =	vor.u32 v8, v18;
	v41 =	vld.idx.msk [tilespmem:v57+s12+$0x0], $0xffff;
	[tilespmem:v56+s15+$0x0] =	vst.idx.msk $0xffff, v43;
	v56 =	vor.u32 v3, v20  }
0x310: {  	[tilespmem:v59+s15+$0x0] =	vst.idx.msk $0xffff, v58;
	v58 =	vor.u32 v14, v25;
	v59 =	vor.u32 v3, v21;
	v57 =	vld.idx.msk [tilespmem:v60+s12+$0x0], $0xffff  }
0x311: {  	s0 =	simm.s32 $0x6;
	v31 =	vor.u32 v14, v29;
	v55 =	vor.u32 v13, v32;
	v60 =	vld.idx.msk [tilespmem:v63+s12+$0x0], $0xffff;
	[tilespmem:v61+s15+$0x0] =	vst.idx.msk $0xffff, v62  }
0x312: {  	s31 =	simm.s32 $0x7;
	v25 =	vadd.s32 s0, v0;
	[tilespmem:v52+s15+$0x0] =	vst.idx.msk $0xffff, v36;
	v61 =	vor.u32 v4, v23;
	v62 =	vld.idx.msk [tilespmem:v53+s12+$0x0], $0xffff  }
0x313: {  	v29 =	vor.u32 v10, v18;
	s0 =	sand.u32 $0x70, s0;
	v25 =	vand.u32 $0xF, v25;
	v63 =	vadd.s32 s31, v0;
	[tilespmem:v30+s15+$0x0] =	vst.idx.msk $0xffff, v44  }
0x314: {  	v25 =	vor.u32 s0, v25;
	v36 =	vor.u32 v10, v19;
	v33 =	vand.u32 $0xF, v63;
	v34 =	vld.idx.msk [tilespmem:v54+s12+$0x0], $0xffff;
	[tilespmem:v56+s15+$0x0] =	vst.idx.msk $0xffff, v41  }
0x315: {  	v33 =	vor.u32 s0, v33;
	v44 =	vor.u32 v1, v25;
	v37 =	vld.idx.msk [tilespmem:v58+s12+$0x0], $0xffff;
	[tilespmem:v59+s15+$0x0] =	vst.idx.msk $0xffff, v57  }
0x316: {  	v43 =	vor.u32 v1, v33;
	v32 =	vshll.u32 v33, $0x7;
	v30 =	vshll.u32 v25, $0x7;
	[tilespmem:v55+s15+$0x0] =	vst.idx.msk $0xffff, v60;
	v39 =	vld.idx.msk [tilespmem:v50+s12+$0x0], $0xffff  }
0x317: {  	s30 =	simm.s32 $0x8;
	v40 =	vor.u32 v6, v33;
	v41 =	vor.u32 v5, v30;
	v38 =	vld.idx.msk [tilespmem:v61+s12+$0x0], $0xffff;
	[tilespmem:v49+s15+$0x0] =	vst.idx.msk $0xffff, v62  }
.LBB2_15:
0x318: {  	v45 =	vmovc v33;
	v33 =	vmovc v17;
	v17 =	vmov v21;
	v21 =	vmov v32;
	v32 =	vmov v16  }
0x319: {  	p0 =	slt.u32 s30, $0x7E;
	v31 =	vld.idx.msk [tilespmem:v31+s12+$0x0], $0xffff;
	v16 =	vmovc v20;
	v20 =	vmovc v30;
	v30 =	vmov v26;
	v26 =	vmov v40;
	v40 =	vmov v27;
	s0 =	smov.u32 s30;
	s30 =	sadd.s32 $0x2, s30  }
0x31a: {  	v46 =	vor.u32 v6, v22;
	v27 =	vmov v41;
	v47 =	vor.u32 v15, v32;
	v36 =	vld.idx.msk [tilespmem:v36+s12+$0x0], $0xffff  }
0x31b: {  	v48 =	vor.u32 v12, v19;
	v41 =	vld.idx.msk [tilespmem:v44+s12+$0x0], $0xffff;
	v44 =	vor.u32 v11, v33;
	[tilespmem:v28+s15+$0x0] =	vst.idx.msk $0xffff, v37  }
0x31c: {  	v49 =	vor.u32 v0, v21;
	v37 =	vor.u32 v0, v20;
	v43 =	vld.idx.msk [tilespmem:v43+s12+$0x0], $0xffff;
	[tilespmem:v35+s15+$0x0] =	vst.idx.msk $0xffff, v34  }
0x31d: {  	v28 =	vor.u32 v15, v33;
	v34 =	vor.u32 v2, v25;
	[tilespmem:v42+s15+$0x0] =	vst.idx.msk $0xffff, v38;
	v29 =	vld.idx.msk [tilespmem:v29+s12+$0x0], $0xffff  }
0x31e: {  	v35 =	vor.u32 v2, v45;
	v38 =	vor.u32 v11, v32;
	[tilespmem:v40+s15+$0x0] =	vst.idx.msk $0xffff, v39;
	v30 =	vld.idx.msk [tilespmem:v30+s12+$0x0], $0xffff  }
0x31f: {  	v42 =	vor.u32 v12, v18;
	v40 =	vor.u32 v7, v17;
	v39 =	vld.idx.msk [tilespmem:v46+s12+$0x0], $0xffff;
	[tilespmem:v24+s15+$0x0] =	vst.idx.msk $0xffff, v31  }
0x320: {  	v50 =	vor.u32 v8, v23;
	v46 =	vor.u32 v7, v16;
	v24 =	vmov v47;
	[tilespmem:v44+s15+$0x0] =	vst.idx.msk $0xffff, v36  }
0x321: {  	v31 =	vor.u32 v14, v18;
	v36 =	vor.u32 v8, v22;
	[tilespmem:v37+s15+$0x0] =	vst.idx.msk $0xffff, v41;
	v37 =	vld.idx.msk [tilespmem:v48+s12+$0x0], $0xffff  }
0x322: {  	v47 =	vor.u32 v13, v32;
	v32 =	vor.u32 v13, v33;
	v41 =	vld.idx.msk [tilespmem:v34+s12+$0x0], $0xffff;
	[tilespmem:v49+s15+$0x0] =	vst.idx.msk $0xffff, v43  }
0x323: {  	v43 =	vor.u32 v3, v20;
	v48 =	vld.idx.msk [tilespmem:v35+s12+$0x0], $0xffff;
	[tilespmem:v38+s15+$0x0] =	vst.idx.msk $0xffff, v29;
	v38 =	vor.u32 v14, v19  }
0x324: {  	v49 =	vor.u32 v3, v21;
	v29 =	vor.u32 v10, v22;
	[tilespmem:v40+s15+$0x0] =	vst.idx.msk $0xffff, v30;
	v42 =	vld.idx.msk [tilespmem:v42+s12+$0x0], $0xffff  }
0x325: {  	s3 =	sadd.s32 $0x1, s0;
	v51 =	vor.u32 v4, v45;
	[tilespmem:v46+s15+$0x0] =	vst.idx.msk $0xffff, v39;
	v46 =	vld.idx.msk [tilespmem:v50+s12+$0x0], $0xffff;
	v50 =	vor.u32 v9, v17  }
0x326: {  	v33 =	vadd.s32 s0, v0;
	v18 =	vmovc v22;
	v22 =	vmovc v25;
	v30 =	vadd.s32 s3, v0;
	v39 =	vor.u32 v4, v25;
	v34 =	vld.idx.msk [tilespmem:v36+s12+$0x0], $0xffff  }
.Ltmp6:
0x327: {  	s0 =	sand.u32 $0x70, s0;
	v35 =	vor.u32 v9, v16;
	v19 =	vmovc v23;
	v25 =	vand.u32 $0xF, v33;
	v30 =	vand.u32 $0xF, v30;
	[tilespmem:v32+s15+$0x0] =	vst.idx.msk $0xffff, v37;
	(pc) =	sbr.rel @p0 .LBB2_15-.Ltmp6, $4  }
0x328: {  	v25 =	vor.u32 s0, v25;
	v33 =	vor.u32 s0, v30;
	v36 =	vor.u32 v10, v19;
	[tilespmem:v43+s15+$0x0] =	vst.idx.msk $0xffff, v41;
	v37 =	vld.idx.msk [tilespmem:v38+s12+$0x0], $0xffff  }
0x329: {  	v44 =	vor.u32 v1, v25;
	v32 =	vshll.u32 v33, $0x7;
	v43 =	vor.u32 v1, v33;
	[tilespmem:v49+s15+$0x0] =	vst.idx.msk $0xffff, v48  }
0x32a: {  	v23 =	vmov v45;
	v30 =	vshll.u32 v25, $0x7;
	v40 =	vor.u32 v6, v33;
	v38 =	vld.idx.msk [tilespmem:v51+s12+$0x0], $0xffff;
	[tilespmem:v47+s15+$0x0] =	vst.idx.msk $0xffff, v42  }
0x32b: {  	v41 =	vor.u32 v5, v30;
	v42 =	vor.u32 v5, v21;
	v39 =	vld.idx.msk [tilespmem:v39+s12+$0x0], $0xffff;
	[tilespmem:v50+s15+$0x0] =	vst.idx.msk $0xffff, v46  }
0x32c: {  	_ =	sdelay $0x3  }
0x32d: {  	v43 =	vld.idx.msk [tilespmem:v43+s12+$0x0], $0xffff;
	v45 =	vor.u32 v0, v32  }
0x32e: {  	v44 =	vld.idx.msk [tilespmem:v44+s12+$0x0], $0xffff;
	v46 =	vor.u32 v0, v30;
	v47 =	vor.u32 v2, v33  }
0x32f: {  	v48 =	vor.u32 v2, v25;
	_ =	sdelay $0x2  }
0x330: {  	[tilespmem:v45+s15+$0x0] =	vst.idx.msk $0xffff, v43  }
0x331: {  	v63 =	vor.u32 v3, v32;
	[tilespmem:v46+s15+$0x0] =	vst.idx.msk $0xffff, v44;
	v43 =	vld.idx.msk [tilespmem:v47+s12+$0x0], $0xffff  }
0x332: {  	v53 =	vor.u32 v3, v30;
	v54 =	vor.u32 v4, v33;
	v52 =	vld.idx.msk [tilespmem:v48+s12+$0x0], $0xffff  }
0x333: {  	v55 =	vor.u32 v4, v25;
	_ =	sdelay $0x2  }
0x334: {  	[tilespmem:v63+s15+$0x0] =	vst.idx.msk $0xffff, v43  }
0x335: {  	v56 =	vor.u32 v6, v22;
	v57 =	vor.u32 v5, v32;
	[tilespmem:v53+s15+$0x0] =	vst.idx.msk $0xffff, v52;
	v44 =	vld.idx.msk [tilespmem:v54+s12+$0x0], $0xffff  }
0x336: {  	v46 =	vld.idx.msk [tilespmem:v55+s12+$0x0], $0xffff  }
0x337: {  	v58 =	vor.u32 v6, v25  }
0x338: {  	[tilespmem:v42+s15+$0x0] =	vst.idx.msk $0xffff, v38  }
0x339: {  	[tilespmem:v27+s15+$0x0] =	vst.idx.msk $0xffff, v39;
	v26 =	vld.idx.msk [tilespmem:v26+s12+$0x0], $0xffff;
	v27 =	vor.u32 v7, v21  }
0x33a: {  	v60 =	vor.u32 v7, v20;
	v61 =	vor.u32 v8, v23;
	v59 =	vld.idx.msk [tilespmem:v56+s12+$0x0], $0xffff;
	[tilespmem:v57+s15+$0x0] =	vst.idx.msk $0xffff, v44  }
0x33b: {  	v62 =	vor.u32 v8, v22;
	v63 =	vor.u32 v7, v32;
	[tilespmem:v41+s15+$0x0] =	vst.idx.msk $0xffff, v46;
	v40 =	vld.idx.msk [tilespmem:v40+s12+$0x0], $0xffff  }
0x33c: {  	v49 =	vor.u32 v7, v30;
	v50 =	vor.u32 v8, v33;
	v48 =	vld.idx.msk [tilespmem:v58+s12+$0x0], $0xffff  }
0x33d: {  	[tilespmem:v28+s15+$0x0] =	vst.idx.msk $0xffff, v37;
	v28 =	vor.u32 v8, v25  }
0x33e: {  	v31 =	vld.idx.msk [tilespmem:v31+s12+$0x0], $0xffff;
	[tilespmem:v27+s15+$0x0] =	vst.idx.msk $0xffff, v26  }
0x33f: {  	v27 =	vor.u32 v9, v21;
	[tilespmem:v60+s15+$0x0] =	vst.idx.msk $0xffff, v59;
	v26 =	vld.idx.msk [tilespmem:v61+s12+$0x0], $0xffff  }
0x340: {  	v51 =	vld.idx.msk [tilespmem:v62+s12+$0x0], $0xffff;
	v52 =	vor.u32 v9, v20;
	v53 =	vor.u32 v10, v23;
	[tilespmem:v63+s15+$0x0] =	vst.idx.msk $0xffff, v40  }
0x341: {  	v54 =	vor.u32 v10, v22;
	v55 =	vor.u32 v9, v32;
	[tilespmem:v49+s15+$0x0] =	vst.idx.msk $0xffff, v48;
	v41 =	vld.idx.msk [tilespmem:v50+s12+$0x0], $0xffff  }
0x342: {  	[tilespmem:v35+s15+$0x0] =	vst.idx.msk $0xffff, v34;
	v56 =	vor.u32 v9, v30;
	v57 =	vor.u32 v10, v33;
	v28 =	vld.idx.msk [tilespmem:v28+s12+$0x0], $0xffff  }
0x343: {  	v36 =	vld.idx.msk [tilespmem:v36+s12+$0x0], $0xffff;
	[tilespmem:v24+s15+$0x0] =	vst.idx.msk $0xffff, v31;
	v24 =	vor.u32 v10, v25;
	v58 =	vor.u32 v11, v17  }
0x344: {  	v29 =	vld.idx.msk [tilespmem:v29+s12+$0x0], $0xffff;
	v31 =	vor.u32 v12, v19;
	v59 =	vor.u32 v11, v16;
	[tilespmem:v27+s15+$0x0] =	vst.idx.msk $0xffff, v26  }
0x345: {  	v60 =	vor.u32 v11, v21;
	v26 =	vor.u32 v12, v18;
	v27 =	vld.idx.msk [tilespmem:v53+s12+$0x0], $0xffff;
	[tilespmem:v52+s15+$0x0] =	vst.idx.msk $0xffff, v51  }
0x346: {  	v61 =	vor.u32 v12, v23;
	v62 =	vor.u32 v11, v20;
	v38 =	vld.idx.msk [tilespmem:v54+s12+$0x0], $0xffff;
	[tilespmem:v55+s15+$0x0] =	vst.idx.msk $0xffff, v41  }
0x347: {  	v45 =	vor.u32 v11, v32;
	v63 =	vor.u32 v12, v22;
	[tilespmem:v56+s15+$0x0] =	vst.idx.msk $0xffff, v28;
	v35 =	vld.idx.msk [tilespmem:v57+s12+$0x0], $0xffff  }
0x348: {  	v46 =	vor.u32 v11, v30;
	[tilespmem:v58+s15+$0x0] =	vst.idx.msk $0xffff, v36;
	v28 =	vor.u32 v12, v33;
	v24 =	vld.idx.msk [tilespmem:v24+s12+$0x0], $0xffff  }
0x349: {  	v47 =	vor.u32 v13, v17;
	[tilespmem:v59+s15+$0x0] =	vst.idx.msk $0xffff, v29;
	v29 =	vor.u32 v12, v25;
	v31 =	vld.idx.msk [tilespmem:v31+s12+$0x0], $0xffff  }
0x34a: {  	v19 =	vor.u32 v14, v19;
	v26 =	vld.idx.msk [tilespmem:v26+s12+$0x0], $0xffff;
	[tilespmem:v60+s15+$0x0] =	vst.idx.msk $0xffff, v27;
	v48 =	vor.u32 v13, v16  }
0x34b: {  	v18 =	vor.u32 v14, v18;
	v27 =	vld.idx.msk [tilespmem:v61+s12+$0x0], $0xffff;
	[tilespmem:v62+s15+$0x0] =	vst.idx.msk $0xffff, v38;
	v49 =	vor.u32 v13, v21  }
0x34c: {  	v23 =	vor.u32 v14, v23;
	v50 =	vor.u32 v13, v20;
	v51 =	vld.idx.msk [tilespmem:v63+s12+$0x0], $0xffff;
	[tilespmem:v45+s15+$0x0] =	vst.idx.msk $0xffff, v35  }
0x34d: {  	v52 =	vor.u32 v13, v32;
	v22 =	vor.u32 v14, v22;
	[tilespmem:v46+s15+$0x0] =	vst.idx.msk $0xffff, v24;
	v28 =	vld.idx.msk [tilespmem:v28+s12+$0x0], $0xffff  }
0x34e: {  	[tilespmem:v47+s15+$0x0] =	vst.idx.msk $0xffff, v31;
	v31 =	vor.u32 v14, v33;
	v24 =	vor.u32 v13, v30;
	v29 =	vld.idx.msk [tilespmem:v29+s12+$0x0], $0xffff  }
0x34f: {  	v25 =	vor.u32 v14, v25;
	v17 =	vor.u32 v15, v17;
	[tilespmem:v48+s15+$0x0] =	vst.idx.msk $0xffff, v26;
	v19 =	vld.idx.msk [tilespmem:v19+s12+$0x0], $0xffff  }
0x350: {  	v16 =	vor.u32 v15, v16;
	[tilespmem:v49+s15+$0x0] =	vst.idx.msk $0xffff, v27;
	v18 =	vld.idx.msk [tilespmem:v18+s12+$0x0], $0xffff  }
0x351: {  	v21 =	vor.u32 v15, v21;
	v23 =	vld.idx.msk [tilespmem:v23+s12+$0x0], $0xffff;
	[tilespmem:v50+s15+$0x0] =	vst.idx.msk $0xffff, v51  }
0x352: {  	v20 =	vor.u32 v15, v20;
	v22 =	vld.idx.msk [tilespmem:v22+s12+$0x0], $0xffff;
	[tilespmem:v52+s15+$0x0] =	vst.idx.msk $0xffff, v28  }
0x353: {  	v26 =	vor.u32 v15, v32;
	[tilespmem:v24+s15+$0x0] =	vst.idx.msk $0xffff, v29;
	v27 =	vld.idx.msk [tilespmem:v31+s12+$0x0], $0xffff  }
0x354: {  	[tilespmem:v17+s15+$0x0] =	vst.idx.msk $0xffff, v19;
	v17 =	vor.u32 v15, v30;
	v19 =	vld.idx.msk [tilespmem:v25+s12+$0x0], $0xffff  }
0x355: {  	[tilespmem:v16+s15+$0x0] =	vst.idx.msk $0xffff, v18  }
0x356: {  	[tilespmem:v21+s15+$0x0] =	vst.idx.msk $0xffff, v23  }
0x357: {  	[tilespmem:v20+s15+$0x0] =	vst.idx.msk $0xffff, v22  }
0x358: {  	s31 =	simm.s32 $0x1;
	s3 =	simm.s32 $0x0;
	[tilespmem:v26+s15+$0x0] =	vst.idx.msk $0xffff, v27  }
0x359: {  	s0 =	sadd.s32 $0x18000, s29;
	v16 =	vadd.s32 s31, v0;
	s31 =	sand.u32 $0x70, s3;
	[tilespmem:v17+s15+$0x0] =	vst.idx.msk $0xffff, v19  }
0x35a: {  	v16 =	vand.u32 $0xF, v16;
	[hbm4b:s0+s12] =	stream.strided.scatter [tilespmem:s15], [sflag:$0x3], $0x4000, s16, s12, $0x38;
	[tilespmem:$0x10400] =	vst v63  }
0x35b: {  	v25 =	vor.u32 s31, v16;
	v17 =	vadd.s32 s3, v0;
	_ =	swait.ge [sflag:s18], $0x4000  }
0x35c: {  	v16 =	vand.u32 $0xF, v17;
	v17 =	vor.u32 v1, v25;
	[sflag:s18] =	ssyncset.done $0x0  }
0x35d: {  	v29 =	vor.u32 s31, v16;
	[sflag:s18] =	ssyncadd.s32 $0xFFFFC000  }
0x35e: {  	v16 =	vor.u32 v1, v29;
	_ =	swait.ge [sflag:s23], $0x4000  }
0x35f: {  	[sflag:s23] =	ssyncset.done $0x0  }
0x360: {  	v30 =	vshll.u32 v25, $0x7;
	[sflag:s23] =	ssyncadd.s32 $0xFFFFC000  }
0x361: {  	v18 =	vor.u32 v0, v30;
	v17 =	vld.idx.msk [tilespmem:v17+s13+$0x0], $0xffff  }
0x362: {  	v19 =	vor.u32 v2, v25;
	v32 =	vshll.u32 v29, $0x7  }
0x363: {  	v20 =	vor.u32 v0, v32;
	v16 =	vld.idx.msk [tilespmem:v16+s13+$0x0], $0xffff  }
0x364: {  	v21 =	vor.u32 v2, v29;
	_ =	sdelay $0x1  }
0x365: {  	[tilespmem:v18+s19+$0x0] =	vst.idx.msk $0xffff, v17  }
0x366: {  	v22 =	vor.u32 v3, v30;
	v17 =	vld.idx.msk [tilespmem:v19+s13+$0x0], $0xffff  }
0x367: {  	s31 =	simm.s32 $0x3;
	[tilespmem:v20+s19+$0x0] =	vst.idx.msk $0xffff, v16;
	v16 =	vor.u32 v4, v25  }
0x368: {  	s0 =	simm.s32 $0x2;
	v20 =	vld.idx.msk [tilespmem:v21+s13+$0x0], $0xffff;
	v21 =	vor.u32 v3, v32;
	v19 =	vadd.s32 s31, v0  }
0x369: {  	v23 =	vor.u32 v4, v29;
	v18 =	vadd.s32 s0, v0;
	s0 =	sand.u32 $0x70, s0;
	v19 =	vand.u32 $0xF, v19  }
0x36a: {  	v18 =	vand.u32 $0xF, v18;
	v19 =	vor.u32 s0, v19  }
0x36b: {  	v18 =	vor.u32 s0, v18;
	v26 =	vor.u32 v1, v19;
	[tilespmem:v22+s19+$0x0] =	vst.idx.msk $0xffff, v17  }
0x36c: {  	v27 =	vor.u32 v5, v30;
	v24 =	vor.u32 v1, v18;
	v22 =	vld.idx.msk [tilespmem:v16+s13+$0x0], $0xffff  }
0x36d: {  	v28 =	vor.u32 v6, v25;
	[tilespmem:v21+s19+$0x0] =	vst.idx.msk $0xffff, v20  }
0x36e: {  	v20 =	vor.u32 v5, v32;
	v21 =	vld.idx.msk [tilespmem:v23+s13+$0x0], $0xffff  }
0x36f: {  	v60 =	vor.u32 v10, v25;
	v45 =	vor.u32 v12, v25;
	v17 =	vshll.u32 v19, $0x7  }
0x370: {  	v16 =	vshll.u32 v18, $0x7;
	v23 =	vor.u32 v6, v29;
	v53 =	vor.u32 v0, v17;
	v26 =	vld.idx.msk [tilespmem:v26+s13+$0x0], $0xffff  }
0x371: {  	v24 =	vld.idx.msk [tilespmem:v24+s13+$0x0], $0xffff;
	v31 =	vor.u32 v0, v16;
	[tilespmem:v27+s19+$0x0] =	vst.idx.msk $0xffff, v22;
	v22 =	vor.u32 v2, v19  }
0x372: {  	v50 =	vor.u32 v10, v29;
	v54 =	vor.u32 v2, v18;
	v27 =	vld.idx.msk [tilespmem:v28+s13+$0x0], $0xffff;
	v28 =	vor.u32 v7, v30  }
0x373: {  	v48 =	vor.u32 v9, v32;
	[tilespmem:v20+s19+$0x0] =	vst.idx.msk $0xffff, v21;
	v20 =	vor.u32 v8, v25  }
0x374: {  	v59 =	vor.u32 v4, v18;
	v57 =	vor.u32 v3, v17;
	v52 =	vor.u32 v5, v17  }
0x375: {  	v55 =	vor.u32 v3, v16;
	v21 =	vld.idx.msk [tilespmem:v23+s13+$0x0], $0xffff;
	v23 =	vor.u32 v7, v32;
	[tilespmem:v53+s19+$0x0] =	vst.idx.msk $0xffff, v26  }
0x376: {  	s0 =	simm.s32 $0x4;
	v61 =	vor.u32 v5, v16;
	[tilespmem:v31+s19+$0x0] =	vst.idx.msk $0xffff, v24;
	v26 =	vor.u32 v8, v29;
	v56 =	vld.idx.msk [tilespmem:v22+s13+$0x0], $0xffff  }
0x377: {  	s31 =	simm.s32 $0x5;
	v24 =	vld.idx.msk [tilespmem:v54+s13+$0x0], $0xffff;
	v22 =	vadd.s32 s0, v0;
	[tilespmem:v28+s19+$0x0] =	vst.idx.msk $0xffff, v27;
	v27 =	vor.u32 v4, v19  }
0x378: {  	s0 =	sand.u32 $0x70, s0;
	v28 =	vor.u32 v9, v30;
	v22 =	vand.u32 $0xF, v22;
	v58 =	vld.idx.msk [tilespmem:v20+s13+$0x0], $0xffff;
	v20 =	vadd.s32 s31, v0  }
0x379: {  	v35 =	vor.u32 v9, v16;
	v22 =	vor.u32 s0, v22;
	v20 =	vand.u32 $0xF, v20  }
0x37a: {  	v31 =	vor.u32 v6, v19;
	[tilespmem:v23+s19+$0x0] =	vst.idx.msk $0xffff, v21;
	v62 =	vor.u32 v1, v22;
	v23 =	vor.u32 s0, v20  }
0x37b: {  	v53 =	vor.u32 v6, v18;
	v63 =	vld.idx.msk [tilespmem:v26+s13+$0x0], $0xffff;
	v49 =	vor.u32 v1, v23;
	[tilespmem:v57+s19+$0x0] =	vst.idx.msk $0xffff, v56  }
0x37c: {  	v54 =	vor.u32 v11, v30;
	[tilespmem:v55+s19+$0x0] =	vst.idx.msk $0xffff, v24;
	v24 =	vor.u32 v15, v32;
	v51 =	vld.idx.msk [tilespmem:v27+s13+$0x0], $0xffff  }
0x37d: {  	v37 =	vld.idx.msk [tilespmem:v59+s13+$0x0], $0xffff;
	v59 =	vor.u32 v11, v32;
	v20 =	vshll.u32 v22, $0x7;
	[tilespmem:v28+s19+$0x0] =	vst.idx.msk $0xffff, v58  }
0x37e: {  	v21 =	vshll.u32 v23, $0x7;
	v26 =	vor.u32 v6, v23;
	v55 =	vor.u32 v0, v20;
	v38 =	vld.idx.msk [tilespmem:v60+s13+$0x0], $0xffff  }
0x37f: {  	v57 =	vor.u32 v2, v22;
	v27 =	vor.u32 v5, v20;
	v56 =	vor.u32 v0, v21;
	v40 =	vld.idx.msk [tilespmem:v62+s13+$0x0], $0xffff  }
0x380: {  	v42 =	vor.u32 v5, v21;
	[tilespmem:v48+s19+$0x0] =	vst.idx.msk $0xffff, v63;
	v28 =	vor.u32 v15, v30;
	v43 =	vld.idx.msk [tilespmem:v49+s13+$0x0], $0xffff  }
0x381: {  	v63 =	vor.u32 v12, v29;
	v58 =	vld.idx.msk [tilespmem:v50+s13+$0x0], $0xffff;
	v60 =	vor.u32 v2, v23;
	[tilespmem:v52+s19+$0x0] =	vst.idx.msk $0xffff, v51  }
0x382: {  	v30 =	vor.u32 v13, v30;
	[tilespmem:v61+s19+$0x0] =	vst.idx.msk $0xffff, v37;
	v61 =	vor.u32 v7, v17;
	v62 =	vld.idx.msk [tilespmem:v31+s13+$0x0], $0xffff  }
0x383: {  	v36 =	vld.idx.msk [tilespmem:v53+s13+$0x0], $0xffff;
	v53 =	vor.u32 v8, v19;
	v52 =	vor.u32 v7, v16;
	[tilespmem:v54+s19+$0x0] =	vst.idx.msk $0xffff, v38  }
0x384: {  	v50 =	vor.u32 v4, v22;
	v49 =	vor.u32 v9, v17;
	[tilespmem:v55+s19+$0x0] =	vst.idx.msk $0xffff, v40;
	v44 =	vld.idx.msk [tilespmem:v45+s13+$0x0], $0xffff  }
0x385: {  	v54 =	vor.u32 v8, v18;
	v41 =	vld.idx.msk [tilespmem:v57+s13+$0x0], $0xffff;
	[tilespmem:v56+s19+$0x0] =	vst.idx.msk $0xffff, v43;
	v56 =	vor.u32 v3, v20  }
0x386: {  	[tilespmem:v59+s19+$0x0] =	vst.idx.msk $0xffff, v58;
	v58 =	vor.u32 v14, v25;
	v59 =	vor.u32 v3, v21;
	v57 =	vld.idx.msk [tilespmem:v60+s13+$0x0], $0xffff  }
0x387: {  	s0 =	simm.s32 $0x6;
	v31 =	vor.u32 v14, v29;
	v55 =	vor.u32 v13, v32;
	v60 =	vld.idx.msk [tilespmem:v63+s13+$0x0], $0xffff;
	[tilespmem:v61+s19+$0x0] =	vst.idx.msk $0xffff, v62  }
0x388: {  	s31 =	simm.s32 $0x7;
	v25 =	vadd.s32 s0, v0;
	[tilespmem:v52+s19+$0x0] =	vst.idx.msk $0xffff, v36;
	v61 =	vor.u32 v4, v23;
	v62 =	vld.idx.msk [tilespmem:v53+s13+$0x0], $0xffff  }
0x389: {  	v29 =	vor.u32 v10, v18;
	s0 =	sand.u32 $0x70, s0;
	v25 =	vand.u32 $0xF, v25;
	v63 =	vadd.s32 s31, v0;
	[tilespmem:v30+s19+$0x0] =	vst.idx.msk $0xffff, v44  }
0x38a: {  	v25 =	vor.u32 s0, v25;
	v36 =	vor.u32 v10, v19;
	v33 =	vand.u32 $0xF, v63;
	v34 =	vld.idx.msk [tilespmem:v54+s13+$0x0], $0xffff;
	[tilespmem:v56+s19+$0x0] =	vst.idx.msk $0xffff, v41  }
0x38b: {  	v33 =	vor.u32 s0, v33;
	v44 =	vor.u32 v1, v25;
	v37 =	vld.idx.msk [tilespmem:v58+s13+$0x0], $0xffff;
	[tilespmem:v59+s19+$0x0] =	vst.idx.msk $0xffff, v57  }
0x38c: {  	v43 =	vor.u32 v1, v33;
	v32 =	vshll.u32 v33, $0x7;
	v30 =	vshll.u32 v25, $0x7;
	[tilespmem:v55+s19+$0x0] =	vst.idx.msk $0xffff, v60;
	v39 =	vld.idx.msk [tilespmem:v50+s13+$0x0], $0xffff  }
0x38d: {  	s30 =	simm.s32 $0x8;
	v40 =	vor.u32 v6, v33;
	v41 =	vor.u32 v5, v30;
	v38 =	vld.idx.msk [tilespmem:v61+s13+$0x0], $0xffff;
	[tilespmem:v49+s19+$0x0] =	vst.idx.msk $0xffff, v62  }
.LBB2_17:
0x38e: {  	v45 =	vmovc v33;
	v33 =	vmovc v17;
	v17 =	vmov v21;
	v21 =	vmov v32;
	v32 =	vmov v16  }
0x38f: {  	p0 =	slt.u32 s30, $0x7E;
	v31 =	vld.idx.msk [tilespmem:v31+s13+$0x0], $0xffff;
	v16 =	vmovc v20;
	v20 =	vmovc v30;
	v30 =	vmov v26;
	v26 =	vmov v40;
	v40 =	vmov v27;
	s0 =	smov.u32 s30;
	s30 =	sadd.s32 $0x2, s30  }
0x390: {  	v46 =	vor.u32 v6, v22;
	v27 =	vmov v41;
	v47 =	vor.u32 v15, v32;
	v36 =	vld.idx.msk [tilespmem:v36+s13+$0x0], $0xffff  }
0x391: {  	v48 =	vor.u32 v12, v19;
	v41 =	vld.idx.msk [tilespmem:v44+s13+$0x0], $0xffff;
	v44 =	vor.u32 v11, v33;
	[tilespmem:v28+s19+$0x0] =	vst.idx.msk $0xffff, v37  }
0x392: {  	v49 =	vor.u32 v0, v21;
	v37 =	vor.u32 v0, v20;
	v43 =	vld.idx.msk [tilespmem:v43+s13+$0x0], $0xffff;
	[tilespmem:v35+s19+$0x0] =	vst.idx.msk $0xffff, v34  }
0x393: {  	v28 =	vor.u32 v15, v33;
	v34 =	vor.u32 v2, v25;
	[tilespmem:v42+s19+$0x0] =	vst.idx.msk $0xffff, v38;
	v29 =	vld.idx.msk [tilespmem:v29+s13+$0x0], $0xffff  }
0x394: {  	v35 =	vor.u32 v2, v45;
	v38 =	vor.u32 v11, v32;
	[tilespmem:v40+s19+$0x0] =	vst.idx.msk $0xffff, v39;
	v30 =	vld.idx.msk [tilespmem:v30+s13+$0x0], $0xffff  }
0x395: {  	v42 =	vor.u32 v12, v18;
	v40 =	vor.u32 v7, v17;
	v39 =	vld.idx.msk [tilespmem:v46+s13+$0x0], $0xffff;
	[tilespmem:v24+s19+$0x0] =	vst.idx.msk $0xffff, v31  }
0x396: {  	v50 =	vor.u32 v8, v23;
	v46 =	vor.u32 v7, v16;
	v24 =	vmov v47;
	[tilespmem:v44+s19+$0x0] =	vst.idx.msk $0xffff, v36  }
0x397: {  	v31 =	vor.u32 v14, v18;
	v36 =	vor.u32 v8, v22;
	[tilespmem:v37+s19+$0x0] =	vst.idx.msk $0xffff, v41;
	v37 =	vld.idx.msk [tilespmem:v48+s13+$0x0], $0xffff  }
0x398: {  	v47 =	vor.u32 v13, v32;
	v32 =	vor.u32 v13, v33;
	v41 =	vld.idx.msk [tilespmem:v34+s13+$0x0], $0xffff;
	[tilespmem:v49+s19+$0x0] =	vst.idx.msk $0xffff, v43  }
0x399: {  	v43 =	vor.u32 v3, v20;
	v48 =	vld.idx.msk [tilespmem:v35+s13+$0x0], $0xffff;
	[tilespmem:v38+s19+$0x0] =	vst.idx.msk $0xffff, v29;
	v38 =	vor.u32 v14, v19  }
0x39a: {  	v49 =	vor.u32 v3, v21;
	v29 =	vor.u32 v10, v22;
	[tilespmem:v40+s19+$0x0] =	vst.idx.msk $0xffff, v30;
	v42 =	vld.idx.msk [tilespmem:v42+s13+$0x0], $0xffff  }
0x39b: {  	s3 =	sadd.s32 $0x1, s0;
	v51 =	vor.u32 v4, v45;
	[tilespmem:v46+s19+$0x0] =	vst.idx.msk $0xffff, v39;
	v46 =	vld.idx.msk [tilespmem:v50+s13+$0x0], $0xffff;
	v50 =	vor.u32 v9, v17  }
0x39c: {  	v33 =	vadd.s32 s0, v0;
	v18 =	vmovc v22;
	v22 =	vmovc v25;
	v30 =	vadd.s32 s3, v0;
	v39 =	vor.u32 v4, v25;
	v34 =	vld.idx.msk [tilespmem:v36+s13+$0x0], $0xffff  }
.Ltmp7:
0x39d: {  	s0 =	sand.u32 $0x70, s0;
	v35 =	vor.u32 v9, v16;
	v19 =	vmovc v23;
	v25 =	vand.u32 $0xF, v33;
	v30 =	vand.u32 $0xF, v30;
	[tilespmem:v32+s19+$0x0] =	vst.idx.msk $0xffff, v37;
	(pc) =	sbr.rel @p0 .LBB2_17-.Ltmp7, $4  }
0x39e: {  	v25 =	vor.u32 s0, v25;
	v33 =	vor.u32 s0, v30;
	v36 =	vor.u32 v10, v19;
	[tilespmem:v43+s19+$0x0] =	vst.idx.msk $0xffff, v41;
	v37 =	vld.idx.msk [tilespmem:v38+s13+$0x0], $0xffff  }
0x39f: {  	v44 =	vor.u32 v1, v25;
	v32 =	vshll.u32 v33, $0x7;
	v43 =	vor.u32 v1, v33;
	[tilespmem:v49+s19+$0x0] =	vst.idx.msk $0xffff, v48  }
0x3a0: {  	v23 =	vmov v45;
	v30 =	vshll.u32 v25, $0x7;
	v40 =	vor.u32 v6, v33;
	v38 =	vld.idx.msk [tilespmem:v51+s13+$0x0], $0xffff;
	[tilespmem:v47+s19+$0x0] =	vst.idx.msk $0xffff, v42  }
0x3a1: {  	v41 =	vor.u32 v5, v30;
	v42 =	vor.u32 v5, v21;
	v39 =	vld.idx.msk [tilespmem:v39+s13+$0x0], $0xffff;
	[tilespmem:v50+s19+$0x0] =	vst.idx.msk $0xffff, v46  }
0x3a2: {  	_ =	sdelay $0x3  }
0x3a3: {  	v43 =	vld.idx.msk [tilespmem:v43+s13+$0x0], $0xffff;
	v45 =	vor.u32 v0, v32  }
0x3a4: {  	v44 =	vld.idx.msk [tilespmem:v44+s13+$0x0], $0xffff;
	v46 =	vor.u32 v0, v30;
	v47 =	vor.u32 v2, v33  }
0x3a5: {  	v48 =	vor.u32 v2, v25;
	_ =	sdelay $0x2  }
0x3a6: {  	[tilespmem:v45+s19+$0x0] =	vst.idx.msk $0xffff, v43  }
0x3a7: {  	v57 =	vor.u32 v3, v32;
	[tilespmem:v46+s19+$0x0] =	vst.idx.msk $0xffff, v44;
	v43 =	vld.idx.msk [tilespmem:v47+s13+$0x0], $0xffff  }
0x3a8: {  	v59 =	vor.u32 v3, v30;
	v60 =	vor.u32 v4, v33;
	v58 =	vld.idx.msk [tilespmem:v48+s13+$0x0], $0xffff  }
0x3a9: {  	v61 =	vor.u32 v4, v25;
	_ =	sdelay $0x2  }
0x3aa: {  	[tilespmem:v57+s19+$0x0] =	vst.idx.msk $0xffff, v43  }
0x3ab: {  	v62 =	vor.u32 v6, v22;
	v63 =	vor.u32 v5, v32;
	[tilespmem:v59+s19+$0x0] =	vst.idx.msk $0xffff, v58;
	v44 =	vld.idx.msk [tilespmem:v60+s13+$0x0], $0xffff  }
0x3ac: {  	v46 =	vld.idx.msk [tilespmem:v61+s13+$0x0], $0xffff  }
0x3ad: {  	v49 =	vor.u32 v6, v25  }
0x3ae: {  	[tilespmem:v42+s19+$0x0] =	vst.idx.msk $0xffff, v38  }
0x3af: {  	v50 =	vor.u32 v7, v21;
	[tilespmem:v27+s19+$0x0] =	vst.idx.msk $0xffff, v39;
	v26 =	vld.idx.msk [tilespmem:v26+s13+$0x0], $0xffff  }
0x3b0: {  	v52 =	vor.u32 v7, v20;
	v53 =	vor.u32 v8, v23;
	v51 =	vld.idx.msk [tilespmem:v62+s13+$0x0], $0xffff;
	[tilespmem:v63+s19+$0x0] =	vst.idx.msk $0xffff, v44  }
0x3b1: {  	v54 =	vor.u32 v8, v22;
	v55 =	vor.u32 v7, v32;
	[tilespmem:v41+s19+$0x0] =	vst.idx.msk $0xffff, v46;
	v40 =	vld.idx.msk [tilespmem:v40+s13+$0x0], $0xffff  }
0x3b2: {  	v57 =	vor.u32 v7, v30;
	v58 =	vor.u32 v8, v33;
	v56 =	vld.idx.msk [tilespmem:v49+s13+$0x0], $0xffff  }
0x3b3: {  	[tilespmem:v35+s19+$0x0] =	vst.idx.msk $0xffff, v34;
	v59 =	vor.u32 v8, v25  }
0x3b4: {  	v31 =	vld.idx.msk [tilespmem:v31+s13+$0x0], $0xffff;
	[tilespmem:v50+s19+$0x0] =	vst.idx.msk $0xffff, v26  }
0x3b5: {  	[tilespmem:v52+s19+$0x0] =	vst.idx.msk $0xffff, v51;
	v26 =	vld.idx.msk [tilespmem:v53+s13+$0x0], $0xffff;
	v60 =	vor.u32 v9, v21  }
0x3b6: {  	v62 =	vor.u32 v9, v20;
	v61 =	vld.idx.msk [tilespmem:v54+s13+$0x0], $0xffff;
	v63 =	vor.u32 v10, v23;
	[tilespmem:v55+s19+$0x0] =	vst.idx.msk $0xffff, v40  }
0x3b7: {  	v48 =	vor.u32 v10, v22;
	v49 =	vor.u32 v9, v32;
	[tilespmem:v57+s19+$0x0] =	vst.idx.msk $0xffff, v56;
	v41 =	vld.idx.msk [tilespmem:v58+s13+$0x0], $0xffff  }
0x3b8: {  	[tilespmem:v28+s19+$0x0] =	vst.idx.msk $0xffff, v37;
	v50 =	vor.u32 v9, v30;
	v51 =	vor.u32 v10, v33;
	v28 =	vld.idx.msk [tilespmem:v59+s13+$0x0], $0xffff  }
0x3b9: {  	v36 =	vld.idx.msk [tilespmem:v36+s13+$0x0], $0xffff;
	[tilespmem:v24+s19+$0x0] =	vst.idx.msk $0xffff, v31;
	v52 =	vor.u32 v11, v17;
	v53 =	vor.u32 v10, v25  }
0x3ba: {  	v29 =	vld.idx.msk [tilespmem:v29+s13+$0x0], $0xffff;
	v54 =	vor.u32 v12, v19;
	[tilespmem:v60+s19+$0x0] =	vst.idx.msk $0xffff, v26;
	v55 =	vor.u32 v11, v16  }
0x3bb: {  	[tilespmem:v62+s19+$0x0] =	vst.idx.msk $0xffff, v61;
	v27 =	vld.idx.msk [tilespmem:v63+s13+$0x0], $0xffff;
	v56 =	vor.u32 v12, v18;
	v57 =	vor.u32 v11, v21  }
0x3bc: {  	v38 =	vld.idx.msk [tilespmem:v48+s13+$0x0], $0xffff;
	v58 =	vor.u32 v12, v23;
	v59 =	vor.u32 v11, v20;
	[tilespmem:v49+s19+$0x0] =	vst.idx.msk $0xffff, v41  }
0x3bd: {  	v60 =	vor.u32 v12, v22;
	v61 =	vor.u32 v11, v32;
	[tilespmem:v50+s19+$0x0] =	vst.idx.msk $0xffff, v28;
	v35 =	vld.idx.msk [tilespmem:v51+s13+$0x0], $0xffff  }
0x3be: {  	[tilespmem:v52+s19+$0x0] =	vst.idx.msk $0xffff, v36;
	v62 =	vor.u32 v12, v33;
	v63 =	vor.u32 v11, v30;
	v24 =	vld.idx.msk [tilespmem:v53+s13+$0x0], $0xffff  }
0x3bf: {  	v45 =	vor.u32 v13, v17;
	v31 =	vld.idx.msk [tilespmem:v54+s13+$0x0], $0xffff;
	v46 =	vor.u32 v12, v25;
	[tilespmem:v55+s19+$0x0] =	vst.idx.msk $0xffff, v29  }
0x3c0: {  	v47 =	vor.u32 v13, v16;
	v48 =	vor.u32 v14, v19;
	[tilespmem:v57+s19+$0x0] =	vst.idx.msk $0xffff, v27;
	v26 =	vld.idx.msk [tilespmem:v56+s13+$0x0], $0xffff  }
0x3c1: {  	v49 =	vor.u32 v14, v18;
	v27 =	vld.idx.msk [tilespmem:v58+s13+$0x0], $0xffff;
	v50 =	vor.u32 v13, v21;
	[tilespmem:v59+s19+$0x0] =	vst.idx.msk $0xffff, v38  }
0x3c2: {  	v52 =	vor.u32 v14, v23;
	v51 =	vor.u32 v13, v20;
	v53 =	vld.idx.msk [tilespmem:v60+s13+$0x0], $0xffff;
	[tilespmem:v61+s19+$0x0] =	vst.idx.msk $0xffff, v35  }
0x3c3: {  	v54 =	vor.u32 v14, v22;
	v55 =	vor.u32 v13, v32;
	[tilespmem:v63+s19+$0x0] =	vst.idx.msk $0xffff, v24;
	v28 =	vld.idx.msk [tilespmem:v62+s13+$0x0], $0xffff  }
0x3c4: {  	[tilespmem:v45+s19+$0x0] =	vst.idx.msk $0xffff, v31;
	v57 =	vor.u32 v14, v33;
	v56 =	vor.u32 v13, v30;
	v29 =	vld.idx.msk [tilespmem:v46+s13+$0x0], $0xffff  }
0x3c5: {  	v17 =	vor.u32 v15, v17;
	v19 =	vld.idx.msk [tilespmem:v48+s13+$0x0], $0xffff;
	v58 =	vor.u32 v14, v25;
	[tilespmem:v47+s19+$0x0] =	vst.idx.msk $0xffff, v26  }
0x3c6: {  	v16 =	vor.u32 v15, v16;
	[tilespmem:v50+s19+$0x0] =	vst.idx.msk $0xffff, v27;
	v18 =	vld.idx.msk [tilespmem:v49+s13+$0x0], $0xffff  }
0x3c7: {  	v59 =	vor.u32 v15, v21;
	v23 =	vld.idx.msk [tilespmem:v52+s13+$0x0], $0xffff;
	[tilespmem:v51+s19+$0x0] =	vst.idx.msk $0xffff, v53  }
0x3c8: {  	v60 =	vor.u32 v15, v20;
	v22 =	vld.idx.msk [tilespmem:v54+s13+$0x0], $0xffff;
	[tilespmem:v55+s19+$0x0] =	vst.idx.msk $0xffff, v28  }
0x3c9: {  	v61 =	vor.u32 v15, v32;
	[tilespmem:v56+s19+$0x0] =	vst.idx.msk $0xffff, v29;
	v62 =	vld.idx.msk [tilespmem:v57+s13+$0x0], $0xffff  }
0x3ca: {  	[tilespmem:v17+s19+$0x0] =	vst.idx.msk $0xffff, v19;
	v17 =	vor.u32 v15, v30;
	v63 =	vld.idx.msk [tilespmem:v58+s13+$0x0], $0xffff  }
0x3cb: {  	[tilespmem:v16+s19+$0x0] =	vst.idx.msk $0xffff, v18  }
0x3cc: {  	[tilespmem:v59+s19+$0x0] =	vst.idx.msk $0xffff, v23  }
0x3cd: {  	[tilespmem:v60+s19+$0x0] =	vst.idx.msk $0xffff, v22  }
0x3ce: {  	[tilespmem:v61+s19+$0x0] =	vst.idx.msk $0xffff, v62  }
0x3cf: {  	s0 =	sadd.s32 $0x1C000, s29;
	s28 =	sadd.s32 $0x1, s28;
	[tilespmem:v17+s19+$0x0] =	vst.idx.msk $0xffff, v63  }
0x3d0: {  	[hbm4b:s0+s12] =	stream.strided.scatter [tilespmem:s19], [sflag:$0x4], $0x3400, s16, s12, $0x38;
	[tilespmem:$0x10400] =	vst v63  }
0x3d1: {  	p0 =	sne.s32 s28, s7;
	_ =	swait.ge [sflag:s21], $0x4000  }
.Ltmp8:
0x3d2: {  	[sflag:s21] =	ssyncset.done $0x0;
	(pc) =	sbr.rel @p0 .LBB2_2-.Ltmp8, $4  }
0x3d3: {  	[sflag:s21] =	ssyncadd.s32 $0xFFFFC000  }
0x3d4: {  	_ =	swait.ge [sflag:s23], $0x3400  }
0x3d5: {  	[sflag:s23] =	ssyncset.done $0x0  }
0x3d6: {  	[sflag:s23] =	ssyncadd.s32 $0xFFFFCC00  }
0x3d7: {  	s2 =	sadd.s32 $0x1, s2  }
0x3d8: {  	p0 =	sne.s32 s2, s9  }
.Ltmp9:
0x3d9: {  	_ = 	snop;
	(pc) =	sbr.rel @p0 .LBB2_1-.Ltmp9, $1  }
0x3da: {  	_ =	sdelay $0x3  }
0x3db: {  	_ =	sfence.sel $0x180000  }
0x3dc: {  	[bflag:$0x0] =	sbarrier.arrive $0xFFFF  }
0x3dd: {  	_ =	strace $0x90000047  }
0x3de: {  	s0 =	stileid.u32;
	[bflag:$0x2] =	sbarrier.arrive $0xFFFF  }
0x3df: {  	p0 =	sne.s32 s0, $0x0;
	s0 =	rddreg [dreg:$0x2]  }
0x3e0: {  	s0 =	sadd.s32 @!p0 $0x100000, s0  }
0x3e1: {  	[sflag:s0] =	ssyncadd.tile.s32 @!p0 $0x1;
	_ =	shalt  }
.Lfunc_end2:
_tile_overlayer_lowered:
.L_overlay_start_2:
0x3e2: {  	(tag) =	ssettag $0x2  }
0x3e3: {  	s0 =	rddreg [dreg:$0x0];
	s2 =	stileid.u32  }
0x3e4: {  	s1 =	rddreg [dreg:$0x1];
	p0 =	sne.s32 s2, $0x0  }
0x3e5: {  	s3 =	rddreg [dreg:$0x2];
	[bflag:$0x3] =	sbarrier.arrive $0xFFFF;
	s2 =	simm.s32 @!p0 $0x1C05  }
0x3e6: {  	[timem:s3], [sflag:s2] =	dma.local @!p0 [hbm:s0], s1  }
0x3e7: {  	s0 =	simm.s32 @!p0 $0x5  }
0x3e8: {  	_ =	swait.ge @!p0 [sflag:s0], s1  }
0x3e9: {  	s1 =	ssub.s32 @!p0 $0x0, s1;
	[sflag:s0] =	ssyncset.done @!p0 $0x0  }
0x3ea: {  	[sflag:s0] =	ssyncadd.s32 @!p0 s1  }
0x3eb: {  	[bflag:$0x3] =	sbarrier.arrive $0xFFFF  }
0x3ec: {  	_ =	shalt  }

</sc_bundles>
